<compile_context>
chip_gen: v7x
topology: tpu7x:2x2x1
jax: 0.10.2.dev20260603
libtpu: 0.0.44.dev20260713+nightly
codegen_flags: <defaults>
</compile_context>

<pallas_src>
import functools
import jax
import jax.numpy as jnp
from jax import lax
from jax.experimental import pallas as pl
from jax.experimental.pallas import tpu as pltpu
from jax.experimental.pallas import tpu_sc as plsc

_N = 512
_L = 16
_NCHUNK = _N // _L
_INF = float("inf")
_IBIG = 2**31 - 1


def _take(x, perm):
    dnums = lax.GatherDimensionNumbers(
        offset_dims=(), collapsed_slice_dims=(0,), start_index_map=(0,))
    return lax.gather(x, perm[:, None], dnums, (1,),
                      mode=lax.GatherScatterMode.PROMISE_IN_BOUNDS)


def _prim_body(comb_hbm, out_hbm, comb_sh, bestw, bestlin, bestsrc, rowbuf, acc):
    c = lax.axis_index("c")
    s = lax.axis_index("s")

    @pl.when(s == 0)
    def _work():
        pltpu.sync_copy(comb_hbm.at[c], comb_sh)

        pltpu.sync_copy(comb_sh.at[0, pl.ds(0, _N)], bestw)
        for k in range(_NCHUNK):
            ids = lax.iota(jnp.int32, _L) + jnp.int32(_L * k)
            bestlin[pl.ds(_L * k, _L)] = ids
            bestsrc[pl.ds(_L * k, _L)] = jnp.zeros((_L,), jnp.int32)
        w0 = bestw[pl.ds(0, _L)]
        bestw[pl.ds(0, _L)] = jnp.where(
            lax.iota(jnp.int32, _L) == 0, _INF, w0)
        acc[...] = jnp.zeros((_L,), jnp.float32)

        def _round(i, carry):
            mw = bestw[pl.ds(0, _L)]
            ml = bestlin[pl.ds(0, _L)]
            mv = lax.iota(jnp.int32, _L)
            ms = bestsrc[pl.ds(0, _L)]
            for k in range(1, _NCHUNK):
                w = bestw[pl.ds(_L * k, _L)]
                l = bestlin[pl.ds(_L * k, _L)]
                sv = bestsrc[pl.ds(_L * k, _L)]
                idv = lax.iota(jnp.int32, _L) + jnp.int32(_L * k)
                b = (w < mw) | ((w == mw) & (l < ml))
                mw = jnp.where(b, w, mw)
                ml = jnp.where(b, l, ml)
                mv = jnp.where(b, idv, mv)
                ms = jnp.where(b, sv, ms)
            lane = lax.iota(jnp.int32, _L)
            for sh in (8, 4, 2, 1):
                perm = lane ^ jnp.int32(sh)
                w2 = _take(mw, perm)
                l2 = _take(ml, perm)
                v2 = _take(mv, perm)
                s2 = _take(ms, perm)
                b = (w2 < mw) | ((w2 == mw) & (l2 < ml))
                mw = jnp.where(b, w2, mw)
                ml = jnp.where(b, l2, ml)
                mv = jnp.where(b, v2, mv)
                ms = jnp.where(b, s2, ms)
            vstar = mv[0]

            pltpu.sync_copy(comb_sh.at[vstar], rowbuf)

            base_v = jnp.int32(_N) + (ms & jnp.int32(-_L))
            dchunk = rowbuf[pl.ds(base_v[0], _L)]
            acc[...] += jnp.where(
                lane == (ms & jnp.int32(_L - 1)), dchunk, jnp.float32(0.0))

            for k in range(_NCHUNK):
                ids = lax.iota(jnp.int32, _L) + jnp.int32(_L * k)
                w = bestw[pl.ds(_L * k, _L)]
                l = bestlin[pl.ds(_L * k, _L)]
                sv = bestsrc[pl.ds(_L * k, _L)]
                cw = rowbuf[pl.ds(_L * k, _L)]
                a = jnp.minimum(ids, mv)
                bx = jnp.maximum(ids, mv)
                cl = a * jnp.int32(_N) - ((a * (a - 1)) >> 1) + (bx - a)
                upd = ((cw < w) | ((cw == w) & (cl < l))) & (w < _INF)
                w2 = jnp.where(upd, cw, w)
                l2 = jnp.where(upd, cl, l)
                s2 = jnp.where(upd, mv, sv)
                w2 = jnp.where(ids == mv, _INF, w2)
                bestw[pl.ds(_L * k, _L)] = w2
                bestlin[pl.ds(_L * k, _L)] = l2
                bestsrc[pl.ds(_L * k, _L)] = s2
            return carry

        lax.fori_loop(0, _N - 1, _round, jnp.int32(0))
        pltpu.sync_copy(acc, out_hbm.at[c])


@jax.jit
def _toposig_loss(comb):
    mesh = plsc.VectorSubcoreMesh(core_axis_name="c", subcore_axis_name="s")
    run = functools.partial(
        pl.kernel,
        mesh=mesh,
        out_type=jax.ShapeDtypeStruct((2, _L), jnp.float32),
        scratch_types=[
            pltpu.VMEM_SHARED((_N, 2 * _N), jnp.float32),
            pltpu.VMEM((_N,), jnp.float32),
            pltpu.VMEM((_N,), jnp.int32),
            pltpu.VMEM((_N,), jnp.int32),
            pltpu.VMEM((2 * _N,), jnp.float32),
            pltpu.VMEM((_L,), jnp.float32),
        ],
    )(_prim_body)
    return run(comb)


def kernel(distances1, distances2):
    d1 = distances1.astype(jnp.float32)
    d2 = distances2.astype(jnp.float32)
    i = jnp.arange(_N, dtype=jnp.int32)[:, None]
    j = jnp.arange(_N, dtype=jnp.int32)[None, :]
    upper = j > i
    s1 = jnp.where(upper, d1, d1.T)
    s1 = jnp.where(i == j, _INF, s1)
    s2 = jnp.where(upper, d2, d2.T)
    s2 = jnp.where(i == j, _INF, s2)
    diff = d1 - d2
    dsq = jnp.where(upper, diff, diff.T) ** 2
    comb = jnp.stack([
        jnp.concatenate([s1, dsq], axis=1),
        jnp.concatenate([s2, dsq], axis=1),
    ])
    out = _toposig_loss(comb)
    return out.sum()

# --- scband reference (transcript-rebuilt; emitter-appended) ---
"""Pipeline reference for scband-loss-38319698215391 (READ-ONLY COPY).

The authoritative reference and input builder live on the scoring server;
editing this copy changes nothing except your own understanding.
"""

import jax, jax.numpy as jnp
import numpy as np

N = 512

class UnionFind:
    def __init__(self, n_vertices):
        self._parent = np.arange(n_vertices)
    def find(self, u):
        while self._parent[u] != u:
            self._parent[u] = self._parent[self._parent[u]]
            u = self._parent[u]
        return int(u)
    def merge(self, u, v):
        ru, rv = self.find(u), self.find(v)
        if ru != rv:
            self._parent[ru] = rv


def _persistence_pairs(matrix):
    # Faithful port of PersistentHomologyCalculation.__call__ (runs on detached numpy, as in torch)
    n_vertices = matrix.shape[0]
    uf = UnionFind(n_vertices)
    triu_indices = np.triu_indices_from(matrix)
    edge_weights = matrix[triu_indices]
    edge_indices = np.argsort(edge_weights, kind='stable')
    persistence_pairs = []
    for edge_index in edge_indices:
        u = int(triu_indices[0][edge_index])
        v = int(triu_indices[1][edge_index])
        younger_component = uf.find(u)
        older_component = uf.find(v)
        if younger_component == older_component:
            continue
        elif younger_component > older_component:
            uf.merge(v, u)
        else:
            uf.merge(u, v)
        if u < v:
            persistence_pairs.append((u, v))
        else:
            persistence_pairs.append((v, u))
    return np.array(persistence_pairs, dtype=np.int64)


def _persistence_pairs_traced(matrix):
    n_vertices = matrix.shape[0]
    iu_np, ju_np = np.triu_indices(n_vertices)
    iu = jnp.asarray(iu_np)
    ju = jnp.asarray(ju_np)
    edge_weights = matrix[iu, ju]
    edge_indices = jnp.argsort(edge_weights, stable=True)

    def _find(parent, u):
        return jax.lax.while_loop(lambda s: parent[s] != s, lambda s: parent[s], u)

    def _body(i, carry):
        parent, pairs, count = carry
        e = edge_indices[i]
        u = iu[e]
        v = ju[e]
        younger_component = _find(parent, u)
        older_component = _find(parent, v)
        merged = younger_component != older_component
        root_from = jnp.where(younger_component > older_component,
                              older_component, younger_component)
        root_to = jnp.where(younger_component > older_component,
                            younger_component, older_component)
        parent = parent.at[root_from].set(
            jnp.where(merged, root_to, parent[root_from]))
        pair = jnp.stack([jnp.minimum(u, v), jnp.maximum(u, v)])
        pairs = pairs.at[count].set(jnp.where(merged, pair, pairs[count]))
        count = count + merged.astype(count.dtype)
        return parent, pairs, count

    parent0 = jnp.arange(n_vertices)
    pairs0 = jnp.zeros((n_vertices - 1, 2), dtype=parent0.dtype)
    count0 = jnp.zeros((), dtype=parent0.dtype)
    _, pairs, _ = jax.lax.fori_loop(
        0, edge_indices.shape[0], _body, (parent0, pairs0, count0))
    return pairs


def _select_distances(distance_matrix, pairs0):
    return distance_matrix[pairs0[:, 0], pairs0[:, 1]]


def _sig_error(sig1, sig2):
    return ((sig1 - sig2) ** 2).sum(axis=-1)


def setup_inputs(seed: int = 0) -> dict:
    key = jax.random.key(seed)
    k1, k2 = jax.random.split(key)
    distances1 = jax.random.uniform(k1, (N, N), dtype=jnp.float32)
    distances2 = jax.random.uniform(k2, (N, N), dtype=jnp.float32)
    return {"distances1": distances1, "distances2": distances2}


def reference(distances1, distances2):
    p1 = _persistence_pairs_traced(distances1)
    p2 = _persistence_pairs_traced(distances2)
    # match_edges == 'symmetric'
    sig1 = _select_distances(distances1, p1)
    sig2 = _select_distances(distances2, p2)
    sig1_2 = _select_distances(distances2, p1)
    sig2_1 = _select_distances(distances1, p2)
    distance1_2 = _sig_error(sig1, sig1_2)
    distance2_1 = _sig_error(sig2, sig2_1)
    distance = distance1_2 + distance2_1
    return distance

if __name__ == "__main__":
    import jax
    _d = setup_inputs()
    print(jax.jit(kernel)(*tuple(_d.values())))

</pallas_src>

<mosaic_0001>
#map = affine_map<(d0, d1) -> (0, 0, 0)>
#map1 = affine_map<(d0, d1) -> (0, 0)>
module attributes {stable_mosaic.version = 14 : i64} {
  func.func @_prim_body(%arg0: i32, %arg1: i32, %arg2: memref<2x512x1024xf32, #tpu.memory_space<hbm>>, %arg3: memref<2x16xf32, #tpu.memory_space<hbm>>, %arg4: memref<512x1024xf32, #tpu.memory_space<vmem_shared>>, %arg5: memref<512xf32, #tpu.memory_space<vmem>>, %arg6: memref<512xi32, #tpu.memory_space<vmem>>, %arg7: memref<512xi32, #tpu.memory_space<vmem>>, %arg8: memref<1024xf32, #tpu.memory_space<vmem>>, %arg9: memref<16xf32, #tpu.memory_space<vmem>>) attributes {dimension_semantics = [#tpu.dimension_semantics<core_parallel>, #tpu.dimension_semantics<subcore_parallel>], iteration_bounds = array<i64: 2, 16>, scalar_prefetch = 0 : i64, scratch_operands = 6 : i64, tpu.core_type = #tpu.core_type<sc_vector_subcore>, window_params = [{transform_indices = #map}, {transform_indices = #map1}]} {
    %eq3A = arith.constant 0 : i32
    %eq3A_0 = arith.cmpi eq, %arg1, %eq3A : i32
    %convert_element_type3A = arith.extui %eq3A_0 : i1 to i32
    %cond3A = arith.constant 0 : i32
    %cond3A_1 = arith.cmpi ne, %convert_element_type3A, %cond3A : i32
    scf.if %cond3A_1 {
      "tpu.region"() ({
        %run_scoped3A_468 = tpu.sem_alloc : memref<!tpu.dma_semaphore, #tpu.memory_space<semaphore_mem>>
        %dma_start3A = arith.constant 0 : i32
        %dma_start3A_469 = arith.constant 0 : i32
        %dma_start3A_470 = tpu.memref_slice %arg2[%arg0, %dma_start3A, %dma_start3A_469] : memref<2x512x1024xf32, #tpu.memory_space<hbm>> -> memref<1x512x1024xf32, #tpu.memory_space<hbm>>
        %dma_start3A_471 = tpu.memref_squeeze %dma_start3A_470 : memref<1x512x1024xf32, #tpu.memory_space<hbm>> -> memref<512x1024xf32, #tpu.memory_space<hbm>>
        tpu.enqueue_dma source(%dma_start3A_471 : memref<512x1024xf32, #tpu.memory_space<hbm>>) target(%arg4 : memref<512x1024xf32, #tpu.memory_space<vmem_shared>>) target_semaphore(%run_scoped3A_468 : memref<!tpu.dma_semaphore, #tpu.memory_space<semaphore_mem>>)
        %dma_wait3A = arith.constant 0 : i32
        %dma_wait3A_472 = arith.constant 0 : i32
        %dma_wait3A_473 = tpu.memref_slice %arg2[%arg0, %dma_wait3A, %dma_wait3A_472] : memref<2x512x1024xf32, #tpu.memory_space<hbm>> -> memref<1x512x1024xf32, #tpu.memory_space<hbm>>
        %dma_wait3A_474 = tpu.memref_squeeze %dma_wait3A_473 : memref<1x512x1024xf32, #tpu.memory_space<hbm>> -> memref<512x1024xf32, #tpu.memory_space<hbm>>
        tpu.wait_dma2 semaphore(%run_scoped3A_468 : memref<!tpu.dma_semaphore, #tpu.memory_space<semaphore_mem>>) src(%dma_wait3A_474 : memref<512x1024xf32, #tpu.memory_space<hbm>>) dst(%arg4 : memref<512x1024xf32, #tpu.memory_space<vmem_shared>>)
        tpu.yield
      }) : () -> ()
      %run_scoped3A = arith.constant 0 : i32
      "tpu.region"() ({
        %run_scoped3A_468 = tpu.sem_alloc : memref<!tpu.dma_semaphore, #tpu.memory_space<semaphore_mem>>
        %dma_start3A = arith.constant 0 : i32
        %dma_start3A_469 = tpu.memref_slice %arg4[%run_scoped3A, %dma_start3A] : memref<512x1024xf32, #tpu.memory_space<vmem_shared>> -> memref<1x512xf32, #tpu.memory_space<vmem_shared>>
        %dma_start3A_470 = tpu.memref_squeeze %dma_start3A_469 : memref<1x512xf32, #tpu.memory_space<vmem_shared>> -> memref<512xf32, #tpu.memory_space<vmem_shared>>
        %dma_start3A_471 = arith.constant 0 : i32
        %dma_start3A_472 = tpu.memref_slice %arg4[%run_scoped3A, %dma_start3A_471] : memref<512x1024xf32, #tpu.memory_space<vmem_shared>> -> memref<1x512xf32, #tpu.memory_space<vmem_shared>>
        %dma_start3A_473 = tpu.memref_squeeze %dma_start3A_472 : memref<1x512xf32, #tpu.memory_space<vmem_shared>> -> memref<512xf32, #tpu.memory_space<vmem_shared>>
        tpu.enqueue_dma source(%dma_start3A_473 : memref<512xf32, #tpu.memory_space<vmem_shared>>) target(%arg5 : memref<512xf32, #tpu.memory_space<vmem>>) target_semaphore(%run_scoped3A_468 : memref<!tpu.dma_semaphore, #tpu.memory_space<semaphore_mem>>)
        %dma_wait3A = arith.constant 0 : i32
        %dma_wait3A_474 = tpu.memref_slice %arg4[%run_scoped3A, %dma_wait3A] : memref<512x1024xf32, #tpu.memory_space<vmem_shared>> -> memref<1x512xf32, #tpu.memory_space<vmem_shared>>
        %dma_wait3A_475 = tpu.memref_squeeze %dma_wait3A_474 : memref<1x512xf32, #tpu.memory_space<vmem_shared>> -> memref<512xf32, #tpu.memory_space<vmem_shared>>
        %dma_wait3A_476 = arith.constant 0 : i32
        %dma_wait3A_477 = tpu.memref_slice %arg4[%run_scoped3A, %dma_wait3A_476] : memref<512x1024xf32, #tpu.memory_space<vmem_shared>> -> memref<1x512xf32, #tpu.memory_space<vmem_shared>>
        %dma_wait3A_478 = tpu.memref_squeeze %dma_wait3A_477 : memref<1x512xf32, #tpu.memory_space<vmem_shared>> -> memref<512xf32, #tpu.memory_space<vmem_shared>>
        tpu.wait_dma2 semaphore(%run_scoped3A_468 : memref<!tpu.dma_semaphore, #tpu.memory_space<semaphore_mem>>) src(%dma_wait3A_478 : memref<512xf32, #tpu.memory_space<vmem_shared>>) dst(%arg5 : memref<512xf32, #tpu.memory_space<vmem>>)
        tpu.yield
      }) : () -> ()
      %iota3A = tpu.iota {dimensions = array<i32: 0>} : vector<16xi32>
      %add3A = arith.constant 0 : i32
      %add3A_2 = vector.broadcast %add3A : i32 to vector<16xi32>
      %add3A_3 = arith.addi %iota3A, %add3A_2 : vector<16xi32>
      %swap3A = arith.constant 0 : index
      %swap3A_4 = tpu.vector_load %arg6[%swap3A] {strides = array<i32>} : memref<512xi32, #tpu.memory_space<vmem>>, vector<16xi32>,
      %swap3A_5 = vector.shape_cast %swap3A_4 : vector<16xi32> to vector<16xi32>
      %swap3A_6 = vector.shape_cast %add3A_3 : vector<16xi32> to vector<16xi32>
      tpu.vector_store %arg6[%swap3A], %swap3A_6 {strides = array<i32>} : memref<512xi32, #tpu.memory_space<vmem>>, vector<16xi32>,
      %broadcast_in_dim3A = arith.constant 0 : i32
      %broadcast_in_dim3A_7 = vector.broadcast %broadcast_in_dim3A : i32 to vector<16xi32>
      %swap3A_8 = arith.constant 0 : index
      %swap3A_9 = tpu.vector_load %arg7[%swap3A_8] {strides = array<i32>} : memref<512xi32, #tpu.memory_space<vmem>>, vector<16xi32>,
      %swap3A_10 = vector.shape_cast %swap3A_9 : vector<16xi32> to vector<16xi32>
      %swap3A_11 = vector.shape_cast %broadcast_in_dim3A_7 : vector<16xi32> to vector<16xi32>
      tpu.vector_store %arg7[%swap3A_8], %swap3A_11 {strides = array<i32>} : memref<512xi32, #tpu.memory_space<vmem>>, vector<16xi32>,
      %iota3A_12 = tpu.iota {dimensions = array<i32: 0>} : vector<16xi32>
      %add3A_13 = arith.constant 16 : i32
      %add3A_14 = vector.broadcast %add3A_13 : i32 to vector<16xi32>
      %add3A_15 = arith.addi %iota3A_12, %add3A_14 : vector<16xi32>
      %swap3A_16 = arith.constant 16 : index
      %swap3A_17 = tpu.vector_load %arg6[%swap3A_16] {strides = array<i32>} : memref<512xi32, #tpu.memory_space<vmem>>, vector<16xi32>,
      %swap3A_18 = vector.shape_cast %swap3A_17 : vector<16xi32> to vector<16xi32>
      %swap3A_19 = vector.shape_cast %add3A_15 : vector<16xi32> to vector<16xi32>
      tpu.vector_store %arg6[%swap3A_16], %swap3A_19 {strides = array<i32>} : memref<512xi32, #tpu.memory_space<vmem>>, vector<16xi32>,
      %broadcast_in_dim3A_20 = arith.constant 0 : i32
      %broadcast_in_dim3A_21 = vector.broadcast %broadcast_in_dim3A_20 : i32 to vector<16xi32>
      %swap3A_22 = arith.constant 16 : index
      %swap3A_23 = tpu.vector_load %arg7[%swap3A_22] {strides = array<i32>} : memref<512xi32, #tpu.memory_space<vmem>>, vector<16xi32>,
      %swap3A_24 = vector.shape_cast %swap3A_23 : vector<16xi32> to vector<16xi32>
      %swap3A_25 = vector.shape_cast %broadcast_in_dim3A_21 : vector<16xi32> to vector<16xi32>
      tpu.vector_store %arg7[%swap3A_22], %swap3A_25 {strides = array<i32>} : memref<512xi32, #tpu.memory_space<vmem>>, vector<16xi32>,
      %iota3A_26 = tpu.iota {dimensions = array<i32: 0>} : vector<16xi32>
      %add3A_27 = arith.constant 32 : i32
      %add3A_28 = vector.broadcast %add3A_27 : i32 to vector<16xi32>
      %add3A_29 = arith.addi %iota3A_26, %add3A_28 : vector<16xi32>
      %swap3A_30 = arith.constant 32 : index
      %swap3A_31 = tpu.vector_load %arg6[%swap3A_30] {strides = array<i32>} : memref<512xi32, #tpu.memory_space<vmem>>, vector<16xi32>,
      %swap3A_32 = vector.shape_cast %swap3A_31 : vector<16xi32> to vector<16xi32>
      %swap3A_33 = vector.shape_cast %add3A_29 : vector<16xi32> to vector<16xi32>
      tpu.vector_store %arg6[%swap3A_30], %swap3A_33 {strides = array<i32>} : memref<512xi32, #tpu.memory_space<vmem>>, vector<16xi32>,
      %broadcast_in_dim3A_34 = arith.constant 0 : i32
      %broadcast_in_dim3A_35 = vector.broadcast %broadcast_in_dim3A_34 : i32 to vector<16xi32>
      %swap3A_36 = arith.constant 32 : index
      %swap3A_37 = tpu.vector_load %arg7[%swap3A_36] {strides = array<i32>} : memref<512xi32, #tpu.memory_space<vmem>>, vector<16xi32>,
      %swap3A_38 = vector.shape_cast %swap3A_37 : vector<16xi32> to vector<16xi32>
      %swap3A_39 = vector.shape_cast %broadcast_in_dim3A_35 : vector<16xi32> to vector<16xi32>
      tpu.vector_store %arg7[%swap3A_36], %swap3A_39 {strides = array<i32>} : memref<512xi32, #tpu.memory_space<vmem>>, vector<16xi32>,
      %iota3A_40 = tpu.iota {dimensions = array<i32: 0>} : vector<16xi32>
      %add3A_41 = arith.constant 48 : i32
      %add3A_42 = vector.broadcast %add3A_41 : i32 to vector<16xi32>
      %add3A_43 = arith.addi %iota3A_40, %add3A_42 : vector<16xi32>
      %swap3A_44 = arith.constant 48 : index
      %swap3A_45 = tpu.vector_load %arg6[%swap3A_44] {strides = array<i32>} : memref<512xi32, #tpu.memory_space<vmem>>, vector<16xi32>,
      %swap3A_46 = vector.shape_cast %swap3A_45 : vector<16xi32> to vector<16xi32>
      %swap3A_47 = vector.shape_cast %add3A_43 : vector<16xi32> to vector<16xi32>
      tpu.vector_store %arg6[%swap3A_44], %swap3A_47 {strides = array<i32>} : memref<512xi32, #tpu.memory_space<vmem>>, vector<16xi32>,
      %broadcast_in_dim3A_48 = arith.constant 0 : i32
      %broadcast_in_dim3A_49 = vector.broadcast %broadcast_in_dim3A_48 : i32 to vector<16xi32>
      %swap3A_50 = arith.constant 48 : index
      %swap3A_51 = tpu.vector_load %arg7[%swap3A_50] {strides = array<i32>} : memref<512xi32, #tpu.memory_space<vmem>>, vector<16xi32>,
      %swap3A_52 = vector.shape_cast %swap3A_51 : vector<16xi32> to vector<16xi32>
      %swap3A_53 = vector.shape_cast %broadcast_in_dim3A_49 : vector<16xi32> to vector<16xi32>
      tpu.vector_store %arg7[%swap3A_50], %swap3A_53 {strides = array<i32>} : memref<512xi32, #tpu.memory_space<vmem>>, vector<16xi32>,
      %iota3A_54 = tpu.iota {dimensions = array<i32: 0>} : vector<16xi32>
      %add3A_55 = arith.constant 64 : i32
      %add3A_56 = vector.broadcast %add3A_55 : i32 to vector<16xi32>
      %add3A_57 = arith.addi %iota3A_54, %add3A_56 : vector<16xi32>
      %swap3A_58 = arith.constant 64 : index
      %swap3A_59 = tpu.vector_load %arg6[%swap3A_58] {strides = array<i32>} : memref<512xi32, #tpu.memory_space<vmem>>, vector<16xi32>,
      %swap3A_60 = vector.shape_cast %swap3A_59 : vector<16xi32> to vector<16xi32>
      %swap3A_61 = vector.shape_cast %add3A_57 : vector<16xi32> to vector<16xi32>
      tpu.vector_store %arg6[%swap3A_58], %swap3A_61 {strides = array<i32>} : memref<512xi32, #tpu.memory_space<vmem>>, vector<16xi32>,
      %broadcast_in_dim3A_62 = arith.constant 0 : i32
      %broadcast_in_dim3A_63 = vector.broadcast %broadcast_in_dim3A_62 : i32 to vector<16xi32>
      %swap3A_64 = arith.constant 64 : index
      %swap3A_65 = tpu.vector_load %arg7[%swap3A_64] {strides = array<i32>} : memref<512xi32, #tpu.memory_space<vmem>>, vector<16xi32>,
      %swap3A_66 = vector.shape_cast %swap3A_65 : vector<16xi32> to vector<16xi32>
      %swap3A_67 = vector.shape_cast %broadcast_in_dim3A_63 : vector<16xi32> to vector<16xi32>
      tpu.vector_store %arg7[%swap3A_64], %swap3A_67 {strides = array<i32>} : memref<512xi32, #tpu.memory_space<vmem>>, vector<16xi32>,
      %iota3A_68 = tpu.iota {dimensions = array<i32: 0>} : vector<16xi32>
      %add3A_69 = arith.constant 80 : i32
      %add3A_70 = vector.broadcast %add3A_69 : i32 to vector<16xi32>
      %add3A_71 = arith.addi %iota3A_68, %add3A_70 : vector<16xi32>
      %swap3A_72 = arith.constant 80 : index
      %swap3A_73 = tpu.vector_load %arg6[%swap3A_72] {strides = array<i32>} : memref<512xi32, #tpu.memory_space<vmem>>, vector<16xi32>,
      %swap3A_74 = vector.shape_cast %swap3A_73 : vector<16xi32> to vector<16xi32>
      %swap3A_75 = vector.shape_cast %add3A_71 : vector<16xi32> to vector<16xi32>
      tpu.vector_store %arg6[%swap3A_72], %swap3A_75 {strides = array<i32>} : memref<512xi32, #tpu.memory_space<vmem>>, vector<16xi32>,
      %broadcast_in_dim3A_76 = arith.constant 0 : i32
      %broadcast_in_dim3A_77 = vector.broadcast %broadcast_in_dim3A_76 : i32 to vector<16xi32>
      %swap3A_78 = arith.constant 80 : index
      %swap3A_79 = tpu.vector_load %arg7[%swap3A_78] {strides = array<i32>} : memref<512xi32, #tpu.memory_space<vmem>>, vector<16xi32>,
      %swap3A_80 = vector.shape_cast %swap3A_79 : vector<16xi32> to vector<16xi32>
      %swap3A_81 = vector.shape_cast %broadcast_in_dim3A_77 : vector<16xi32> to vector<16xi32>
      tpu.vector_store %arg7[%swap3A_78], %swap3A_81 {strides = array<i32>} : memref<512xi32, #tpu.memory_space<vmem>>, vector<16xi32>,
      %iota3A_82 = tpu.iota {dimensions = array<i32: 0>} : vector<16xi32>
      %add3A_83 = arith.constant 96 : i32
      %add3A_84 = vector.broadcast %add3A_83 : i32 to vector<16xi32>
      %add3A_85 = arith.addi %iota3A_82, %add3A_84 : vector<16xi32>
      %swap3A_86 = arith.constant 96 : index
      %swap3A_87 = tpu.vector_load %arg6[%swap3A_86] {strides = array<i32>} : memref<512xi32, #tpu.memory_space<vmem>>, vector<16xi32>,
      %swap3A_88 = vector.shape_cast %swap3A_87 : vector<16xi32> to vector<16xi32>
      %swap3A_89 = vector.shape_cast %add3A_85 : vector<16xi32> to vector<16xi32>
      tpu.vector_store %arg6[%swap3A_86], %swap3A_89 {strides = array<i32>} : memref<512xi32, #tpu.memory_space<vmem>>, vector<16xi32>,
      %broadcast_in_dim3A_90 = arith.constant 0 : i32
      %broadcast_in_dim3A_91 = vector.broadcast %broadcast_in_dim3A_90 : i32 to vector<16xi32>
      %swap3A_92 = arith.constant 96 : index
      %swap3A_93 = tpu.vector_load %arg7[%swap3A_92] {strides = array<i32>} : memref<512xi32, #tpu.memory_space<vmem>>, vector<16xi32>,
      %swap3A_94 = vector.shape_cast %swap3A_93 : vector<16xi32> to vector<16xi32>
      %swap3A_95 = vector.shape_cast %broadcast_in_dim3A_91 : vector<16xi32> to vector<16xi32>
      tpu.vector_store %arg7[%swap3A_92], %swap3A_95 {strides = array<i32>} : memref<512xi32, #tpu.memory_space<vmem>>, vector<16xi32>,
      %iota3A_96 = tpu.iota {dimensions = array<i32: 0>} : vector<16xi32>
      %add3A_97 = arith.constant 112 : i32
      %add3A_98 = vector.broadcast %add3A_97 : i32 to vector<16xi32>
      %add3A_99 = arith.addi %iota3A_96, %add3A_98 : vector<16xi32>
      %swap3A_100 = arith.constant 112 : index
      %swap3A_101 = tpu.vector_load %arg6[%swap3A_100] {strides = array<i32>} : memref<512xi32, #tpu.memory_space<vmem>>, vector<16xi32>,
      %swap3A_102 = vector.shape_cast %swap3A_101 : vector<16xi32> to vector<16xi32>
      %swap3A_103 = vector.shape_cast %add3A_99 : vector<16xi32> to vector<16xi32>
      tpu.vector_store %arg6[%swap3A_100], %swap3A_103 {strides = array<i32>} : memref<512xi32, #tpu.memory_space<vmem>>, vector<16xi32>,
      %broadcast_in_dim3A_104 = arith.constant 0 : i32
      %broadcast_in_dim3A_105 = vector.broadcast %broadcast_in_dim3A_104 : i32 to vector<16xi32>
      %swap3A_106 = arith.constant 112 : index
      %swap3A_107 = tpu.vector_load %arg7[%swap3A_106] {strides = array<i32>} : memref<512xi32, #tpu.memory_space<vmem>>, vector<16xi32>,
      %swap3A_108 = vector.shape_cast %swap3A_107 : vector<16xi32> to vector<16xi32>
      %swap3A_109 = vector.shape_cast %broadcast_in_dim3A_105 : vector<16xi32> to vector<16xi32>
      tpu.vector_store %arg7[%swap3A_106], %swap3A_109 {strides = array<i32>} : memref<512xi32, #tpu.memory_space<vmem>>, vector<16xi32>,
      %iota3A_110 = tpu.iota {dimensions = array<i32: 0>} : vector<16xi32>
      %add3A_111 = arith.constant 128 : i32
      %add3A_112 = vector.broadcast %add3A_111 : i32 to vector<16xi32>
      %add3A_113 = arith.addi %iota3A_110, %add3A_112 : vector<16xi32>
      %swap3A_114 = arith.constant 128 : index
      %swap3A_115 = tpu.vector_load %arg6[%swap3A_114] {strides = array<i32>} : memref<512xi32, #tpu.memory_space<vmem>>, vector<16xi32>,
      %swap3A_116 = vector.shape_cast %swap3A_115 : vector<16xi32> to vector<16xi32>
      %swap3A_117 = vector.shape_cast %add3A_113 : vector<16xi32> to vector<16xi32>
      tpu.vector_store %arg6[%swap3A_114], %swap3A_117 {strides = array<i32>} : memref<512xi32, #tpu.memory_space<vmem>>, vector<16xi32>,
      %broadcast_in_dim3A_118 = arith.constant 0 : i32
      %broadcast_in_dim3A_119 = vector.broadcast %broadcast_in_dim3A_118 : i32 to vector<16xi32>
      %swap3A_120 = arith.constant 128 : index
      %swap3A_121 = tpu.vector_load %arg7[%swap3A_120] {strides = array<i32>} : memref<512xi32, #tpu.memory_space<vmem>>, vector<16xi32>,
      %swap3A_122 = vector.shape_cast %swap3A_121 : vector<16xi32> to vector<16xi32>
      %swap3A_123 = vector.shape_cast %broadcast_in_dim3A_119 : vector<16xi32> to vector<16xi32>
      tpu.vector_store %arg7[%swap3A_120], %swap3A_123 {strides = array<i32>} : memref<512xi32, #tpu.memory_space<vmem>>, vector<16xi32>,
      %iota3A_124 = tpu.iota {dimensions = array<i32: 0>} : vector<16xi32>
      %add3A_125 = arith.constant 144 : i32
      %add3A_126 = vector.broadcast %add3A_125 : i32 to vector<16xi32>
      %add3A_127 = arith.addi %iota3A_124, %add3A_126 : vector<16xi32>
      %swap3A_128 = arith.constant 144 : index
      %swap3A_129 = tpu.vector_load %arg6[%swap3A_128] {strides = array<i32>} : memref<512xi32, #tpu.memory_space<vmem>>, vector<16xi32>,
      %swap3A_130 = vector.shape_cast %swap3A_129 : vector<16xi32> to vector<16xi32>
      %swap3A_131 = vector.shape_cast %add3A_127 : vector<16xi32> to vector<16xi32>
      tpu.vector_store %arg6[%swap3A_128], %swap3A_131 {strides = array<i32>} : memref<512xi32, #tpu.memory_space<vmem>>, vector<16xi32>,
      %broadcast_in_dim3A_132 = arith.constant 0 : i32
      %broadcast_in_dim3A_133 = vector.broadcast %broadcast_in_dim3A_132 : i32 to vector<16xi32>
      %swap3A_134 = arith.constant 144 : index
      %swap3A_135 = tpu.vector_load %arg7[%swap3A_134] {strides = array<i32>} : memref<512xi32, #tpu.memory_space<vmem>>, vector<16xi32>,
      %swap3A_136 = vector.shape_cast %swap3A_135 : vector<16xi32> to vector<16xi32>
      %swap3A_137 = vector.shape_cast %broadcast_in_dim3A_133 : vector<16xi32> to vector<16xi32>
      tpu.vector_store %arg7[%swap3A_134], %swap3A_137 {strides = array<i32>} : memref<512xi32, #tpu.memory_space<vmem>>, vector<16xi32>,
      %iota3A_138 = tpu.iota {dimensions = array<i32: 0>} : vector<16xi32>
      %add3A_139 = arith.constant 160 : i32
      %add3A_140 = vector.broadcast %add3A_139 : i32 to vector<16xi32>
      %add3A_141 = arith.addi %iota3A_138, %add3A_140 : vector<16xi32>
      %swap3A_142 = arith.constant 160 : index
      %swap3A_143 = tpu.vector_load %arg6[%swap3A_142] {strides = array<i32>} : memref<512xi32, #tpu.memory_space<vmem>>, vector<16xi32>,
      %swap3A_144 = vector.shape_cast %swap3A_143 : vector<16xi32> to vector<16xi32>
      %swap3A_145 = vector.shape_cast %add3A_141 : vector<16xi32> to vector<16xi32>
      tpu.vector_store %arg6[%swap3A_142], %swap3A_145 {strides = array<i32>} : memref<512xi32, #tpu.memory_space<vmem>>, vector<16xi32>,
      %broadcast_in_dim3A_146 = arith.constant 0 : i32
      %broadcast_in_dim3A_147 = vector.broadcast %broadcast_in_dim3A_146 : i32 to vector<16xi32>
      %swap3A_148 = arith.constant 160 : index
      %swap3A_149 = tpu.vector_load %arg7[%swap3A_148] {strides = array<i32>} : memref<512xi32, #tpu.memory_space<vmem>>, vector<16xi32>,
      %swap3A_150 = vector.shape_cast %swap3A_149 : vector<16xi32> to vector<16xi32>
      %swap3A_151 = vector.shape_cast %broadcast_in_dim3A_147 : vector<16xi32> to vector<16xi32>
      tpu.vector_store %arg7[%swap3A_148], %swap3A_151 {strides = array<i32>} : memref<512xi32, #tpu.memory_space<vmem>>, vector<16xi32>,
      %iota3A_152 = tpu.iota {dimensions = array<i32: 0>} : vector<16xi32>
      %add3A_153 = arith.constant 176 : i32
      %add3A_154 = vector.broadcast %add3A_153 : i32 to vector<16xi32>
      %add3A_155 = arith.addi %iota3A_152, %add3A_154 : vector<16xi32>
      %swap3A_156 = arith.constant 176 : index
      %swap3A_157 = tpu.vector_load %arg6[%swap3A_156] {strides = array<i32>} : memref<512xi32, #tpu.memory_space<vmem>>, vector<16xi32>,
      %swap3A_158 = vector.shape_cast %swap3A_157 : vector<16xi32> to vector<16xi32>
      %swap3A_159 = vector.shape_cast %add3A_155 : vector<16xi32> to vector<16xi32>
      tpu.vector_store %arg6[%swap3A_156], %swap3A_159 {strides = array<i32>} : memref<512xi32, #tpu.memory_space<vmem>>, vector<16xi32>,
      %broadcast_in_dim3A_160 = arith.constant 0 : i32
      %broadcast_in_dim3A_161 = vector.broadcast %broadcast_in_dim3A_160 : i32 to vector<16xi32>
      %swap3A_162 = arith.constant 176 : index
      %swap3A_163 = tpu.vector_load %arg7[%swap3A_162] {strides = array<i32>} : memref<512xi32, #tpu.memory_space<vmem>>, vector<16xi32>,
      %swap3A_164 = vector.shape_cast %swap3A_163 : vector<16xi32> to vector<16xi32>
      %swap3A_165 = vector.shape_cast %broadcast_in_dim3A_161 : vector<16xi32> to vector<16xi32>
      tpu.vector_store %arg7[%swap3A_162], %swap3A_165 {strides = array<i32>} : memref<512xi32, #tpu.memory_space<vmem>>, vector<16xi32>,
      %iota3A_166 = tpu.iota {dimensions = array<i32: 0>} : vector<16xi32>
      %add3A_167 = arith.constant 192 : i32
      %add3A_168 = vector.broadcast %add3A_167 : i32 to vector<16xi32>
      %add3A_169 = arith.addi %iota3A_166, %add3A_168 : vector<16xi32>
      %swap3A_170 = arith.constant 192 : index
      %swap3A_171 = tpu.vector_load %arg6[%swap3A_170] {strides = array<i32>} : memref<512xi32, #tpu.memory_space<vmem>>, vector<16xi32>,
      %swap3A_172 = vector.shape_cast %swap3A_171 : vector<16xi32> to vector<16xi32>
      %swap3A_173 = vector.shape_cast %add3A_169 : vector<16xi32> to vector<16xi32>
      tpu.vector_store %arg6[%swap3A_170], %swap3A_173 {strides = array<i32>} : memref<512xi32, #tpu.memory_space<vmem>>, vector<16xi32>,
      %broadcast_in_dim3A_174 = arith.constant 0 : i32
      %broadcast_in_dim3A_175 = vector.broadcast %broadcast_in_dim3A_174 : i32 to vector<16xi32>
      %swap3A_176 = arith.constant 192 : index
      %swap3A_177 = tpu.vector_load %arg7[%swap3A_176] {strides = array<i32>} : memref<512xi32, #tpu.memory_space<vmem>>, vector<16xi32>,
      %swap3A_178 = vector.shape_cast %swap3A_177 : vector<16xi32> to vector<16xi32>
      %swap3A_179 = vector.shape_cast %broadcast_in_dim3A_175 : vector<16xi32> to vector<16xi32>
      tpu.vector_store %arg7[%swap3A_176], %swap3A_179 {strides = array<i32>} : memref<512xi32, #tpu.memory_space<vmem>>, vector<16xi32>,
      %iota3A_180 = tpu.iota {dimensions = array<i32: 0>} : vector<16xi32>
      %add3A_181 = arith.constant 208 : i32
      %add3A_182 = vector.broadcast %add3A_181 : i32 to vector<16xi32>
      %add3A_183 = arith.addi %iota3A_180, %add3A_182 : vector<16xi32>
      %swap3A_184 = arith.constant 208 : index
      %swap3A_185 = tpu.vector_load %arg6[%swap3A_184] {strides = array<i32>} : memref<512xi32, #tpu.memory_space<vmem>>, vector<16xi32>,
      %swap3A_186 = vector.shape_cast %swap3A_185 : vector<16xi32> to vector<16xi32>
      %swap3A_187 = vector.shape_cast %add3A_183 : vector<16xi32> to vector<16xi32>
      tpu.vector_store %arg6[%swap3A_184], %swap3A_187 {strides = array<i32>} : memref<512xi32, #tpu.memory_space<vmem>>, vector<16xi32>,
      %broadcast_in_dim3A_188 = arith.constant 0 : i32
      %broadcast_in_dim3A_189 = vector.broadcast %broadcast_in_dim3A_188 : i32 to vector<16xi32>
      %swap3A_190 = arith.constant 208 : index
      %swap3A_191 = tpu.vector_load %arg7[%swap3A_190] {strides = array<i32>} : memref<512xi32, #tpu.memory_space<vmem>>, vector<16xi32>,
      %swap3A_192 = vector.shape_cast %swap3A_191 : vector<16xi32> to vector<16xi32>
      %swap3A_193 = vector.shape_cast %broadcast_in_dim3A_189 : vector<16xi32> to vector<16xi32>
      tpu.vector_store %arg7[%swap3A_190], %swap3A_193 {strides = array<i32>} : memref<512xi32, #tpu.memory_space<vmem>>, vector<16xi32>,
      %iota3A_194 = tpu.iota {dimensions = array<i32: 0>} : vector<16xi32>
      %add3A_195 = arith.constant 224 : i32
      %add3A_196 = vector.broadcast %add3A_195 : i32 to vector<16xi32>
      %add3A_197 = arith.addi %iota3A_194, %add3A_196 : vector<16xi32>
      %swap3A_198 = arith.constant 224 : index
      %swap3A_199 = tpu.vector_load %arg6[%swap3A_198] {strides = array<i32>} : memref<512xi32, #tpu.memory_space<vmem>>, vector<16xi32>,
      %swap3A_200 = vector.shape_cast %swap3A_199 : vector<16xi32> to vector<16xi32>
      %swap3A_201 = vector.shape_cast %add3A_197 : vector<16xi32> to vector<16xi32>
      tpu.vector_store %arg6[%swap3A_198], %swap3A_201 {strides = array<i32>} : memref<512xi32, #tpu.memory_space<vmem>>, vector<16xi32>,
      %broadcast_in_dim3A_202 = arith.constant 0 : i32
      %broadcast_in_dim3A_203 = vector.broadcast %broadcast_in_dim3A_202 : i32 to vector<16xi32>
      %swap3A_204 = arith.constant 224 : index
      %swap3A_205 = tpu.vector_load %arg7[%swap3A_204] {strides = array<i32>} : memref<512xi32, #tpu.memory_space<vmem>>, vector<16xi32>,
      %swap3A_206 = vector.shape_cast %swap3A_205 : vector<16xi32> to vector<16xi32>
      %swap3A_207 = vector.shape_cast %broadcast_in_dim3A_203 : vector<16xi32> to vector<16xi32>
      tpu.vector_store %arg7[%swap3A_204], %swap3A_207 {strides = array<i32>} : memref<512xi32, #tpu.memory_space<vmem>>, vector<16xi32>,
      %iota3A_208 = tpu.iota {dimensions = array<i32: 0>} : vector<16xi32>
      %add3A_209 = arith.constant 240 : i32
      %add3A_210 = vector.broadcast %add3A_209 : i32 to vector<16xi32>
      %add3A_211 = arith.addi %iota3A_208, %add3A_210 : vector<16xi32>
      %swap3A_212 = arith.constant 240 : index
      %swap3A_213 = tpu.vector_load %arg6[%swap3A_212] {strides = array<i32>} : memref<512xi32, #tpu.memory_space<vmem>>, vector<16xi32>,
      %swap3A_214 = vector.shape_cast %swap3A_213 : vector<16xi32> to vector<16xi32>
      %swap3A_215 = vector.shape_cast %add3A_211 : vector<16xi32> to vector<16xi32>
      tpu.vector_store %arg6[%swap3A_212], %swap3A_215 {strides = array<i32>} : memref<512xi32, #tpu.memory_space<vmem>>, vector<16xi32>,
      %broadcast_in_dim3A_216 = arith.constant 0 : i32
      %broadcast_in_dim3A_217 = vector.broadcast %broadcast_in_dim3A_216 : i32 to vector<16xi32>
      %swap3A_218 = arith.constant 240 : index
      %swap3A_219 = tpu.vector_load %arg7[%swap3A_218] {strides = array<i32>} : memref<512xi32, #tpu.memory_space<vmem>>, vector<16xi32>,
      %swap3A_220 = vector.shape_cast %swap3A_219 : vector<16xi32> to vector<16xi32>
      %swap3A_221 = vector.shape_cast %broadcast_in_dim3A_217 : vector<16xi32> to vector<16xi32>
      tpu.vector_store %arg7[%swap3A_218], %swap3A_221 {strides = array<i32>} : memref<512xi32, #tpu.memory_space<vmem>>, vector<16xi32>,
      %iota3A_222 = tpu.iota {dimensions = array<i32: 0>} : vector<16xi32>
      %add3A_223 = arith.constant 256 : i32
      %add3A_224 = vector.broadcast %add3A_223 : i32 to vector<16xi32>
      %add3A_225 = arith.addi %iota3A_222, %add3A_224 : vector<16xi32>
      %swap3A_226 = arith.constant 256 : index
      %swap3A_227 = tpu.vector_load %arg6[%swap3A_226] {strides = array<i32>} : memref<512xi32, #tpu.memory_space<vmem>>, vector<16xi32>,
      %swap3A_228 = vector.shape_cast %swap3A_227 : vector<16xi32> to vector<16xi32>
      %swap3A_229 = vector.shape_cast %add3A_225 : vector<16xi32> to vector<16xi32>
      tpu.vector_store %arg6[%swap3A_226], %swap3A_229 {strides = array<i32>} : memref<512xi32, #tpu.memory_space<vmem>>, vector<16xi32>,
      %broadcast_in_dim3A_230 = arith.constant 0 : i32
      %broadcast_in_dim3A_231 = vector.broadcast %broadcast_in_dim3A_230 : i32 to vector<16xi32>
      %swap3A_232 = arith.constant 256 : index
      %swap3A_233 = tpu.vector_load %arg7[%swap3A_232] {strides = array<i32>} : memref<512xi32, #tpu.memory_space<vmem>>, vector<16xi32>,
      %swap3A_234 = vector.shape_cast %swap3A_233 : vector<16xi32> to vector<16xi32>
      %swap3A_235 = vector.shape_cast %broadcast_in_dim3A_231 : vector<16xi32> to vector<16xi32>
      tpu.vector_store %arg7[%swap3A_232], %swap3A_235 {strides = array<i32>} : memref<512xi32, #tpu.memory_space<vmem>>, vector<16xi32>,
      %iota3A_236 = tpu.iota {dimensions = array<i32: 0>} : vector<16xi32>
      %add3A_237 = arith.constant 272 : i32
      %add3A_238 = vector.broadcast %add3A_237 : i32 to vector<16xi32>
      %add3A_239 = arith.addi %iota3A_236, %add3A_238 : vector<16xi32>
      %swap3A_240 = arith.constant 272 : index
      %swap3A_241 = tpu.vector_load %arg6[%swap3A_240] {strides = array<i32>} : memref<512xi32, #tpu.memory_space<vmem>>, vector<16xi32>,
      %swap3A_242 = vector.shape_cast %swap3A_241 : vector<16xi32> to vector<16xi32>
      %swap3A_243 = vector.shape_cast %add3A_239 : vector<16xi32> to vector<16xi32>
      tpu.vector_store %arg6[%swap3A_240], %swap3A_243 {strides = array<i32>} : memref<512xi32, #tpu.memory_space<vmem>>, vector<16xi32>,
      %broadcast_in_dim3A_244 = arith.constant 0 : i32
      %broadcast_in_dim3A_245 = vector.broadcast %broadcast_in_dim3A_244 : i32 to vector<16xi32>
      %swap3A_246 = arith.constant 272 : index
      %swap3A_247 = tpu.vector_load %arg7[%swap3A_246] {strides = array<i32>} : memref<512xi32, #tpu.memory_space<vmem>>, vector<16xi32>,
      %swap3A_248 = vector.shape_cast %swap3A_247 : vector<16xi32> to vector<16xi32>
      %swap3A_249 = vector.shape_cast %broadcast_in_dim3A_245 : vector<16xi32> to vector<16xi32>
      tpu.vector_store %arg7[%swap3A_246], %swap3A_249 {strides = array<i32>} : memref<512xi32, #tpu.memory_space<vmem>>, vector<16xi32>,
      %iota3A_250 = tpu.iota {dimensions = array<i32: 0>} : vector<16xi32>
      %add3A_251 = arith.constant 288 : i32
      %add3A_252 = vector.broadcast %add3A_251 : i32 to vector<16xi32>
      %add3A_253 = arith.addi %iota3A_250, %add3A_252 : vector<16xi32>
      %swap3A_254 = arith.constant 288 : index
      %swap3A_255 = tpu.vector_load %arg6[%swap3A_254] {strides = array<i32>} : memref<512xi32, #tpu.memory_space<vmem>>, vector<16xi32>,
      %swap3A_256 = vector.shape_cast %swap3A_255 : vector<16xi32> to vector<16xi32>
      %swap3A_257 = vector.shape_cast %add3A_253 : vector<16xi32> to vector<16xi32>
      tpu.vector_store %arg6[%swap3A_254], %swap3A_257 {strides = array<i32>} : memref<512xi32, #tpu.memory_space<vmem>>, vector<16xi32>,
      %broadcast_in_dim3A_258 = arith.constant 0 : i32
      %broadcast_in_dim3A_259 = vector.broadcast %broadcast_in_dim3A_258 : i32 to vector<16xi32>
      %swap3A_260 = arith.constant 288 : index
      %swap3A_261 = tpu.vector_load %arg7[%swap3A_260] {strides = array<i32>} : memref<512xi32, #tpu.memory_space<vmem>>, vector<16xi32>,
      %swap3A_262 = vector.shape_cast %swap3A_261 : vector<16xi32> to vector<16xi32>
      %swap3A_263 = vector.shape_cast %broadcast_in_dim3A_259 : vector<16xi32> to vector<16xi32>
      tpu.vector_store %arg7[%swap3A_260], %swap3A_263 {strides = array<i32>} : memref<512xi32, #tpu.memory_space<vmem>>, vector<16xi32>,
      %iota3A_264 = tpu.iota {dimensions = array<i32: 0>} : vector<16xi32>
      %add3A_265 = arith.constant 304 : i32
      %add3A_266 = vector.broadcast %add3A_265 : i32 to vector<16xi32>
      %add3A_267 = arith.addi %iota3A_264, %add3A_266 : vector<16xi32>
      %swap3A_268 = arith.constant 304 : index
      %swap3A_269 = tpu.vector_load %arg6[%swap3A_268] {strides = array<i32>} : memref<512xi32, #tpu.memory_space<vmem>>, vector<16xi32>,
      %swap3A_270 = vector.shape_cast %swap3A_269 : vector<16xi32> to vector<16xi32>
      %swap3A_271 = vector.shape_cast %add3A_267 : vector<16xi32> to vector<16xi32>
      tpu.vector_store %arg6[%swap3A_268], %swap3A_271 {strides = array<i32>} : memref<512xi32, #tpu.memory_space<vmem>>, vector<16xi32>,
      %broadcast_in_dim3A_272 = arith.constant 0 : i32
      %broadcast_in_dim3A_273 = vector.broadcast %broadcast_in_dim3A_272 : i32 to vector<16xi32>
      %swap3A_274 = arith.constant 304 : index
      %swap3A_275 = tpu.vector_load %arg7[%swap3A_274] {strides = array<i32>} : memref<512xi32, #tpu.memory_space<vmem>>, vector<16xi32>,
      %swap3A_276 = vector.shape_cast %swap3A_275 : vector<16xi32> to vector<16xi32>
      %swap3A_277 = vector.shape_cast %broadcast_in_dim3A_273 : vector<16xi32> to vector<16xi32>
      tpu.vector_store %arg7[%swap3A_274], %swap3A_277 {strides = array<i32>} : memref<512xi32, #tpu.memory_space<vmem>>, vector<16xi32>,
      %iota3A_278 = tpu.iota {dimensions = array<i32: 0>} : vector<16xi32>
      %add3A_279 = arith.constant 320 : i32
      %add3A_280 = vector.broadcast %add3A_279 : i32 to vector<16xi32>
      %add3A_281 = arith.addi %iota3A_278, %add3A_280 : vector<16xi32>
      %swap3A_282 = arith.constant 320 : index
      %swap3A_283 = tpu.vector_load %arg6[%swap3A_282] {strides = array<i32>} : memref<512xi32, #tpu.memory_space<vmem>>, vector<16xi32>,
      %swap3A_284 = vector.shape_cast %swap3A_283 : vector<16xi32> to vector<16xi32>
      %swap3A_285 = vector.shape_cast %add3A_281 : vector<16xi32> to vector<16xi32>
      tpu.vector_store %arg6[%swap3A_282], %swap3A_285 {strides = array<i32>} : memref<512xi32, #tpu.memory_space<vmem>>, vector<16xi32>,
      %broadcast_in_dim3A_286 = arith.constant 0 : i32
      %broadcast_in_dim3A_287 = vector.broadcast %broadcast_in_dim3A_286 : i32 to vector<16xi32>
      %swap3A_288 = arith.constant 320 : index
      %swap3A_289 = tpu.vector_load %arg7[%swap3A_288] {strides = array<i32>} : memref<512xi32, #tpu.memory_space<vmem>>, vector<16xi32>,
      %swap3A_290 = vector.shape_cast %swap3A_289 : vector<16xi32> to vector<16xi32>
      %swap3A_291 = vector.shape_cast %broadcast_in_dim3A_287 : vector<16xi32> to vector<16xi32>
      tpu.vector_store %arg7[%swap3A_288], %swap3A_291 {strides = array<i32>} : memref<512xi32, #tpu.memory_space<vmem>>, vector<16xi32>,
      %iota3A_292 = tpu.iota {dimensions = array<i32: 0>} : vector<16xi32>
      %add3A_293 = arith.constant 336 : i32
      %add3A_294 = vector.broadcast %add3A_293 : i32 to vector<16xi32>
      %add3A_295 = arith.addi %iota3A_292, %add3A_294 : vector<16xi32>
      %swap3A_296 = arith.constant 336 : index
      %swap3A_297 = tpu.vector_load %arg6[%swap3A_296] {strides = array<i32>} : memref<512xi32, #tpu.memory_space<vmem>>, vector<16xi32>,
      %swap3A_298 = vector.shape_cast %swap3A_297 : vector<16xi32> to vector<16xi32>
      %swap3A_299 = vector.shape_cast %add3A_295 : vector<16xi32> to vector<16xi32>
      tpu.vector_store %arg6[%swap3A_296], %swap3A_299 {strides = array<i32>} : memref<512xi32, #tpu.memory_space<vmem>>, vector<16xi32>,
      %broadcast_in_dim3A_300 = arith.constant 0 : i32
      %broadcast_in_dim3A_301 = vector.broadcast %broadcast_in_dim3A_300 : i32 to vector<16xi32>
      %swap3A_302 = arith.constant 336 : index
      %swap3A_303 = tpu.vector_load %arg7[%swap3A_302] {strides = array<i32>} : memref<512xi32, #tpu.memory_space<vmem>>, vector<16xi32>,
      %swap3A_304 = vector.shape_cast %swap3A_303 : vector<16xi32> to vector<16xi32>
      %swap3A_305 = vector.shape_cast %broadcast_in_dim3A_301 : vector<16xi32> to vector<16xi32>
      tpu.vector_store %arg7[%swap3A_302], %swap3A_305 {strides = array<i32>} : memref<512xi32, #tpu.memory_space<vmem>>, vector<16xi32>,
      %iota3A_306 = tpu.iota {dimensions = array<i32: 0>} : vector<16xi32>
      %add3A_307 = arith.constant 352 : i32
      %add3A_308 = vector.broadcast %add3A_307 : i32 to vector<16xi32>
      %add3A_309 = arith.addi %iota3A_306, %add3A_308 : vector<16xi32>
      %swap3A_310 = arith.constant 352 : index
      %swap3A_311 = tpu.vector_load %arg6[%swap3A_310] {strides = array<i32>} : memref<512xi32, #tpu.memory_space<vmem>>, vector<16xi32>,
      %swap3A_312 = vector.shape_cast %swap3A_311 : vector<16xi32> to vector<16xi32>
      %swap3A_313 = vector.shape_cast %add3A_309 : vector<16xi32> to vector<16xi32>
      tpu.vector_store %arg6[%swap3A_310], %swap3A_313 {strides = array<i32>} : memref<512xi32, #tpu.memory_space<vmem>>, vector<16xi32>,
      %broadcast_in_dim3A_314 = arith.constant 0 : i32
      %broadcast_in_dim3A_315 = vector.broadcast %broadcast_in_dim3A_314 : i32 to vector<16xi32>
      %swap3A_316 = arith.constant 352 : index
      %swap3A_317 = tpu.vector_load %arg7[%swap3A_316] {strides = array<i32>} : memref<512xi32, #tpu.memory_space<vmem>>, vector<16xi32>,
      %swap3A_318 = vector.shape_cast %swap3A_317 : vector<16xi32> to vector<16xi32>
      %swap3A_319 = vector.shape_cast %broadcast_in_dim3A_315 : vector<16xi32> to vector<16xi32>
      tpu.vector_store %arg7[%swap3A_316], %swap3A_319 {strides = array<i32>} : memref<512xi32, #tpu.memory_space<vmem>>, vector<16xi32>,
      %iota3A_320 = tpu.iota {dimensions = array<i32: 0>} : vector<16xi32>
      %add3A_321 = arith.constant 368 : i32
      %add3A_322 = vector.broadcast %add3A_321 : i32 to vector<16xi32>
      %add3A_323 = arith.addi %iota3A_320, %add3A_322 : vector<16xi32>
      %swap3A_324 = arith.constant 368 : index
      %swap3A_325 = tpu.vector_load %arg6[%swap3A_324] {strides = array<i32>} : memref<512xi32, #tpu.memory_space<vmem>>, vector<16xi32>,
      %swap3A_326 = vector.shape_cast %swap3A_325 : vector<16xi32> to vector<16xi32>
      %swap3A_327 = vector.shape_cast %add3A_323 : vector<16xi32> to vector<16xi32>
      tpu.vector_store %arg6[%swap3A_324], %swap3A_327 {strides = array<i32>} : memref<512xi32, #tpu.memory_space<vmem>>, vector<16xi32>,
      %broadcast_in_dim3A_328 = arith.constant 0 : i32
      %broadcast_in_dim3A_329 = vector.broadcast %broadcast_in_dim3A_328 : i32 to vector<16xi32>
      %swap3A_330 = arith.constant 368 : index
      %swap3A_331 = tpu.vector_load %arg7[%swap3A_330] {strides = array<i32>} : memref<512xi32, #tpu.memory_space<vmem>>, vector<16xi32>,
      %swap3A_332 = vector.shape_cast %swap3A_331 : vector<16xi32> to vector<16xi32>
      %swap3A_333 = vector.shape_cast %broadcast_in_dim3A_329 : vector<16xi32> to vector<16xi32>
      tpu.vector_store %arg7[%swap3A_330], %swap3A_333 {strides = array<i32>} : memref<512xi32, #tpu.memory_space<vmem>>, vector<16xi32>,
      %iota3A_334 = tpu.iota {dimensions = array<i32: 0>} : vector<16xi32>
      %add3A_335 = arith.constant 384 : i32
      %add3A_336 = vector.broadcast %add3A_335 : i32 to vector<16xi32>
      %add3A_337 = arith.addi %iota3A_334, %add3A_336 : vector<16xi32>
      %swap3A_338 = arith.constant 384 : index
      %swap3A_339 = tpu.vector_load %arg6[%swap3A_338] {strides = array<i32>} : memref<512xi32, #tpu.memory_space<vmem>>, vector<16xi32>,
      %swap3A_340 = vector.shape_cast %swap3A_339 : vector<16xi32> to vector<16xi32>
      %swap3A_341 = vector.shape_cast %add3A_337 : vector<16xi32> to vector<16xi32>
      tpu.vector_store %arg6[%swap3A_338], %swap3A_341 {strides = array<i32>} : memref<512xi32, #tpu.memory_space<vmem>>, vector<16xi32>,
      %broadcast_in_dim3A_342 = arith.constant 0 : i32
      %broadcast_in_dim3A_343 = vector.broadcast %broadcast_in_dim3A_342 : i32 to vector<16xi32>
      %swap3A_344 = arith.constant 384 : index
      %swap3A_345 = tpu.vector_load %arg7[%swap3A_344] {strides = array<i32>} : memref<512xi32, #tpu.memory_space<vmem>>, vector<16xi32>,
      %swap3A_346 = vector.shape_cast %swap3A_345 : vector<16xi32> to vector<16xi32>
      %swap3A_347 = vector.shape_cast %broadcast_in_dim3A_343 : vector<16xi32> to vector<16xi32>
      tpu.vector_store %arg7[%swap3A_344], %swap3A_347 {strides = array<i32>} : memref<512xi32, #tpu.memory_space<vmem>>, vector<16xi32>,
      %iota3A_348 = tpu.iota {dimensions = array<i32: 0>} : vector<16xi32>
      %add3A_349 = arith.constant 400 : i32
      %add3A_350 = vector.broadcast %add3A_349 : i32 to vector<16xi32>
      %add3A_351 = arith.addi %iota3A_348, %add3A_350 : vector<16xi32>
      %swap3A_352 = arith.constant 400 : index
      %swap3A_353 = tpu.vector_load %arg6[%swap3A_352] {strides = array<i32>} : memref<512xi32, #tpu.memory_space<vmem>>, vector<16xi32>,
      %swap3A_354 = vector.shape_cast %swap3A_353 : vector<16xi32> to vector<16xi32>
      %swap3A_355 = vector.shape_cast %add3A_351 : vector<16xi32> to vector<16xi32>
      tpu.vector_store %arg6[%swap3A_352], %swap3A_355 {strides = array<i32>} : memref<512xi32, #tpu.memory_space<vmem>>, vector<16xi32>,
      %broadcast_in_dim3A_356 = arith.constant 0 : i32
      %broadcast_in_dim3A_357 = vector.broadcast %broadcast_in_dim3A_356 : i32 to vector<16xi32>
      %swap3A_358 = arith.constant 400 : index
      %swap3A_359 = tpu.vector_load %arg7[%swap3A_358] {strides = array<i32>} : memref<512xi32, #tpu.memory_space<vmem>>, vector<16xi32>,
      %swap3A_360 = vector.shape_cast %swap3A_359 : vector<16xi32> to vector<16xi32>
      %swap3A_361 = vector.shape_cast %broadcast_in_dim3A_357 : vector<16xi32> to vector<16xi32>
      tpu.vector_store %arg7[%swap3A_358], %swap3A_361 {strides = array<i32>} : memref<512xi32, #tpu.memory_space<vmem>>, vector<16xi32>,
      %iota3A_362 = tpu.iota {dimensions = array<i32: 0>} : vector<16xi32>
      %add3A_363 = arith.constant 416 : i32
      %add3A_364 = vector.broadcast %add3A_363 : i32 to vector<16xi32>
      %add3A_365 = arith.addi %iota3A_362, %add3A_364 : vector<16xi32>
      %swap3A_366 = arith.constant 416 : index
      %swap3A_367 = tpu.vector_load %arg6[%swap3A_366] {strides = array<i32>} : memref<512xi32, #tpu.memory_space<vmem>>, vector<16xi32>,
      %swap3A_368 = vector.shape_cast %swap3A_367 : vector<16xi32> to vector<16xi32>
      %swap3A_369 = vector.shape_cast %add3A_365 : vector<16xi32> to vector<16xi32>
      tpu.vector_store %arg6[%swap3A_366], %swap3A_369 {strides = array<i32>} : memref<512xi32, #tpu.memory_space<vmem>>, vector<16xi32>,
      %broadcast_in_dim3A_370 = arith.constant 0 : i32
      %broadcast_in_dim3A_371 = vector.broadcast %broadcast_in_dim3A_370 : i32 to vector<16xi32>
      %swap3A_372 = arith.constant 416 : index
      %swap3A_373 = tpu.vector_load %arg7[%swap3A_372] {strides = array<i32>} : memref<512xi32, #tpu.memory_space<vmem>>, vector<16xi32>,
      %swap3A_374 = vector.shape_cast %swap3A_373 : vector<16xi32> to vector<16xi32>
      %swap3A_375 = vector.shape_cast %broadcast_in_dim3A_371 : vector<16xi32> to vector<16xi32>
      tpu.vector_store %arg7[%swap3A_372], %swap3A_375 {strides = array<i32>} : memref<512xi32, #tpu.memory_space<vmem>>, vector<16xi32>,
      %iota3A_376 = tpu.iota {dimensions = array<i32: 0>} : vector<16xi32>
      %add3A_377 = arith.constant 432 : i32
      %add3A_378 = vector.broadcast %add3A_377 : i32 to vector<16xi32>
      %add3A_379 = arith.addi %iota3A_376, %add3A_378 : vector<16xi32>
      %swap3A_380 = arith.constant 432 : index
      %swap3A_381 = tpu.vector_load %arg6[%swap3A_380] {strides = array<i32>} : memref<512xi32, #tpu.memory_space<vmem>>, vector<16xi32>,
      %swap3A_382 = vector.shape_cast %swap3A_381 : vector<16xi32> to vector<16xi32>
      %swap3A_383 = vector.shape_cast %add3A_379 : vector<16xi32> to vector<16xi32>
      tpu.vector_store %arg6[%swap3A_380], %swap3A_383 {strides = array<i32>} : memref<512xi32, #tpu.memory_space<vmem>>, vector<16xi32>,
      %broadcast_in_dim3A_384 = arith.constant 0 : i32
      %broadcast_in_dim3A_385 = vector.broadcast %broadcast_in_dim3A_384 : i32 to vector<16xi32>
      %swap3A_386 = arith.constant 432 : index
      %swap3A_387 = tpu.vector_load %arg7[%swap3A_386] {strides = array<i32>} : memref<512xi32, #tpu.memory_space<vmem>>, vector<16xi32>,
      %swap3A_388 = vector.shape_cast %swap3A_387 : vector<16xi32> to vector<16xi32>
      %swap3A_389 = vector.shape_cast %broadcast_in_dim3A_385 : vector<16xi32> to vector<16xi32>
      tpu.vector_store %arg7[%swap3A_386], %swap3A_389 {strides = array<i32>} : memref<512xi32, #tpu.memory_space<vmem>>, vector<16xi32>,
      %iota3A_390 = tpu.iota {dimensions = array<i32: 0>} : vector<16xi32>
      %add3A_391 = arith.constant 448 : i32
      %add3A_392 = vector.broadcast %add3A_391 : i32 to vector<16xi32>
      %add3A_393 = arith.addi %iota3A_390, %add3A_392 : vector<16xi32>
      %swap3A_394 = arith.constant 448 : index
      %swap3A_395 = tpu.vector_load %arg6[%swap3A_394] {strides = array<i32>} : memref<512xi32, #tpu.memory_space<vmem>>, vector<16xi32>,
      %swap3A_396 = vector.shape_cast %swap3A_395 : vector<16xi32> to vector<16xi32>
      %swap3A_397 = vector.shape_cast %add3A_393 : vector<16xi32> to vector<16xi32>
      tpu.vector_store %arg6[%swap3A_394], %swap3A_397 {strides = array<i32>} : memref<512xi32, #tpu.memory_space<vmem>>, vector<16xi32>,
      %broadcast_in_dim3A_398 = arith.constant 0 : i32
      %broadcast_in_dim3A_399 = vector.broadcast %broadcast_in_dim3A_398 : i32 to vector<16xi32>
      %swap3A_400 = arith.constant 448 : index
      %swap3A_401 = tpu.vector_load %arg7[%swap3A_400] {strides = array<i32>} : memref<512xi32, #tpu.memory_space<vmem>>, vector<16xi32>,
      %swap3A_402 = vector.shape_cast %swap3A_401 : vector<16xi32> to vector<16xi32>
      %swap3A_403 = vector.shape_cast %broadcast_in_dim3A_399 : vector<16xi32> to vector<16xi32>
      tpu.vector_store %arg7[%swap3A_400], %swap3A_403 {strides = array<i32>} : memref<512xi32, #tpu.memory_space<vmem>>, vector<16xi32>,
      %iota3A_404 = tpu.iota {dimensions = array<i32: 0>} : vector<16xi32>
      %add3A_405 = arith.constant 464 : i32
      %add3A_406 = vector.broadcast %add3A_405 : i32 to vector<16xi32>
      %add3A_407 = arith.addi %iota3A_404, %add3A_406 : vector<16xi32>
      %swap3A_408 = arith.constant 464 : index
      %swap3A_409 = tpu.vector_load %arg6[%swap3A_408] {strides = array<i32>} : memref<512xi32, #tpu.memory_space<vmem>>, vector<16xi32>,
      %swap3A_410 = vector.shape_cast %swap3A_409 : vector<16xi32> to vector<16xi32>
      %swap3A_411 = vector.shape_cast %add3A_407 : vector<16xi32> to vector<16xi32>
      tpu.vector_store %arg6[%swap3A_408], %swap3A_411 {strides = array<i32>} : memref<512xi32, #tpu.memory_space<vmem>>, vector<16xi32>,
      %broadcast_in_dim3A_412 = arith.constant 0 : i32
      %broadcast_in_dim3A_413 = vector.broadcast %broadcast_in_dim3A_412 : i32 to vector<16xi32>
      %swap3A_414 = arith.constant 464 : index
      %swap3A_415 = tpu.vector_load %arg7[%swap3A_414] {strides = array<i32>} : memref<512xi32, #tpu.memory_space<vmem>>, vector<16xi32>,
      %swap3A_416 = vector.shape_cast %swap3A_415 : vector<16xi32> to vector<16xi32>
      %swap3A_417 = vector.shape_cast %broadcast_in_dim3A_413 : vector<16xi32> to vector<16xi32>
      tpu.vector_store %arg7[%swap3A_414], %swap3A_417 {strides = array<i32>} : memref<512xi32, #tpu.memory_space<vmem>>, vector<16xi32>,
      %iota3A_418 = tpu.iota {dimensions = array<i32: 0>} : vector<16xi32>
      %add3A_419 = arith.constant 480 : i32
      %add3A_420 = vector.broadcast %add3A_419 : i32 to vector<16xi32>
      %add3A_421 = arith.addi %iota3A_418, %add3A_420 : vector<16xi32>
      %swap3A_422 = arith.constant 480 : index
      %swap3A_423 = tpu.vector_load %arg6[%swap3A_422] {strides = array<i32>} : memref<512xi32, #tpu.memory_space<vmem>>, vector<16xi32>,
      %swap3A_424 = vector.shape_cast %swap3A_423 : vector<16xi32> to vector<16xi32>
      %swap3A_425 = vector.shape_cast %add3A_421 : vector<16xi32> to vector<16xi32>
      tpu.vector_store %arg6[%swap3A_422], %swap3A_425 {strides = array<i32>} : memref<512xi32, #tpu.memory_space<vmem>>, vector<16xi32>,
      %broadcast_in_dim3A_426 = arith.constant 0 : i32
      %broadcast_in_dim3A_427 = vector.broadcast %broadcast_in_dim3A_426 : i32 to vector<16xi32>
      %swap3A_428 = arith.constant 480 : index
      %swap3A_429 = tpu.vector_load %arg7[%swap3A_428] {strides = array<i32>} : memref<512xi32, #tpu.memory_space<vmem>>, vector<16xi32>,
      %swap3A_430 = vector.shape_cast %swap3A_429 : vector<16xi32> to vector<16xi32>
      %swap3A_431 = vector.shape_cast %broadcast_in_dim3A_427 : vector<16xi32> to vector<16xi32>
      tpu.vector_store %arg7[%swap3A_428], %swap3A_431 {strides = array<i32>} : memref<512xi32, #tpu.memory_space<vmem>>, vector<16xi32>,
      %iota3A_432 = tpu.iota {dimensions = array<i32: 0>} : vector<16xi32>
      %add3A_433 = arith.constant 496 : i32
      %add3A_434 = vector.broadcast %add3A_433 : i32 to vector<16xi32>
      %add3A_435 = arith.addi %iota3A_432, %add3A_434 : vector<16xi32>
      %swap3A_436 = arith.constant 496 : index
      %swap3A_437 = tpu.vector_load %arg6[%swap3A_436] {strides = array<i32>} : memref<512xi32, #tpu.memory_space<vmem>>, vector<16xi32>,
      %swap3A_438 = vector.shape_cast %swap3A_437 : vector<16xi32> to vector<16xi32>
      %swap3A_439 = vector.shape_cast %add3A_435 : vector<16xi32> to vector<16xi32>
      tpu.vector_store %arg6[%swap3A_436], %swap3A_439 {strides = array<i32>} : memref<512xi32, #tpu.memory_space<vmem>>, vector<16xi32>,
      %broadcast_in_dim3A_440 = arith.constant 0 : i32
      %broadcast_in_dim3A_441 = vector.broadcast %broadcast_in_dim3A_440 : i32 to vector<16xi32>
      %swap3A_442 = arith.constant 496 : index
      %swap3A_443 = tpu.vector_load %arg7[%swap3A_442] {strides = array<i32>} : memref<512xi32, #tpu.memory_space<vmem>>, vector<16xi32>,
      %swap3A_444 = vector.shape_cast %swap3A_443 : vector<16xi32> to vector<16xi32>
      %swap3A_445 = vector.shape_cast %broadcast_in_dim3A_441 : vector<16xi32> to vector<16xi32>
      tpu.vector_store %arg7[%swap3A_442], %swap3A_445 {strides = array<i32>} : memref<512xi32, #tpu.memory_space<vmem>>, vector<16xi32>,
      %get3A = arith.constant 0 : index
      %get3A_446 = tpu.vector_load %arg5[%get3A] {strides = array<i32>} : memref<512xf32, #tpu.memory_space<vmem>>, vector<16xf32>,
      %get3A_447 = vector.shape_cast %get3A_446 : vector<16xf32> to vector<16xf32>
      %iota3A_448 = tpu.iota {dimensions = array<i32: 0>} : vector<16xi32>
      %eq3A_449 = arith.constant 0 : i32
      %eq3A_450 = vector.broadcast %eq3A_449 : i32 to vector<16xi32>
      %eq3A_451 = arith.cmpi eq, %iota3A_448, %eq3A_450 : vector<16xi32>
      %jit3A = arith.constant 0x7F800000 : f32
      %broadcast_in_dim3A_452 = vector.broadcast %jit3A : f32 to vector<16xf32>
      %select_n3A = arith.select %eq3A_451, %broadcast_in_dim3A_452, %get3A_447 : vector<16xi1>, vector<16xf32>
      %swap3A_453 = arith.constant 0 : index
      %swap3A_454 = tpu.vector_load %arg5[%swap3A_453] {strides = array<i32>} : memref<512xf32, #tpu.memory_space<vmem>>, vector<16xf32>,
      %swap3A_455 = vector.shape_cast %swap3A_454 : vector<16xf32> to vector<16xf32>
      %swap3A_456 = vector.shape_cast %select_n3A : vector<16xf32> to vector<16xf32>
      tpu.vector_store %arg5[%swap3A_453], %swap3A_456 {strides = array<i32>} : memref<512xf32, #tpu.memory_space<vmem>>, vector<16xf32>,
      %broadcast_in_dim3A_457 = arith.constant 0.000000e+00 : f32
      %broadcast_in_dim3A_458 = vector.broadcast %broadcast_in_dim3A_457 : f32 to vector<16xf32>
      %swap3A_459 = arith.constant 0 : index
      %swap3A_460 = tpu.vector_load %arg9[%swap3A_459] {strides = array<i32>} : memref<16xf32, #tpu.memory_space<vmem>>, vector<16xf32>,
      %swap3A_461 = vector.shape_cast %swap3A_460 : vector<16xf32> to vector<16xf32>
      %swap3A_462 = vector.shape_cast %broadcast_in_dim3A_458 : vector<16xf32> to vector<16xf32>
      tpu.vector_store %arg9[%swap3A_459], %swap3A_462 {strides = array<i32>} : memref<16xf32, #tpu.memory_space<vmem>>, vector<16xf32>,
      %scan3A = arith.constant 0 : i32
      %scan3A_463 = arith.constant 0 : i32
      %scan3A_464 = arith.constant 511 : i32
      %scan3A_465 = arith.addi %scan3A_463, %scan3A_464 : i32
      %scan3A_466 = arith.constant 1 : i32
      scf.for %scan3A_468 = %scan3A_463 to %scan3A_465 step %scan3A_466  : i32 {
        %get3A_469 = arith.constant 0 : index
        %get3A_470 = tpu.vector_load %arg5[%get3A_469] {strides = array<i32>} : memref<512xf32, #tpu.memory_space<vmem>>, vector<16xf32>,
        %get3A_471 = vector.shape_cast %get3A_470 : vector<16xf32> to vector<16xf32>
        %get3A_472 = arith.constant 0 : index
        %get3A_473 = tpu.vector_load %arg6[%get3A_472] {strides = array<i32>} : memref<512xi32, #tpu.memory_space<vmem>>, vector<16xi32>,
        %get3A_474 = vector.shape_cast %get3A_473 : vector<16xi32> to vector<16xi32>
        %iota3A_475 = tpu.iota {dimensions = array<i32: 0>} : vector<16xi32>
        %get3A_476 = arith.constant 0 : index
        %get3A_477 = tpu.vector_load %arg7[%get3A_476] {strides = array<i32>} : memref<512xi32, #tpu.memory_space<vmem>>, vector<16xi32>,
        %get3A_478 = vector.shape_cast %get3A_477 : vector<16xi32> to vector<16xi32>
        %get3A_479 = arith.constant 16 : index
        %get3A_480 = tpu.vector_load %arg5[%get3A_479] {strides = array<i32>} : memref<512xf32, #tpu.memory_space<vmem>>, vector<16xf32>,
        %get3A_481 = vector.shape_cast %get3A_480 : vector<16xf32> to vector<16xf32>
        %get3A_482 = arith.constant 16 : index
        %get3A_483 = tpu.vector_load %arg6[%get3A_482] {strides = array<i32>} : memref<512xi32, #tpu.memory_space<vmem>>, vector<16xi32>,
        %get3A_484 = vector.shape_cast %get3A_483 : vector<16xi32> to vector<16xi32>
        %get3A_485 = arith.constant 16 : index
        %get3A_486 = tpu.vector_load %arg7[%get3A_485] {strides = array<i32>} : memref<512xi32, #tpu.memory_space<vmem>>, vector<16xi32>,
        %get3A_487 = vector.shape_cast %get3A_486 : vector<16xi32> to vector<16xi32>
        %iota3A_488 = tpu.iota {dimensions = array<i32: 0>} : vector<16xi32>
        %add3A_489 = arith.constant 16 : i32
        %add3A_490 = vector.broadcast %add3A_489 : i32 to vector<16xi32>
        %add3A_491 = arith.addi %iota3A_488, %add3A_490 : vector<16xi32>
        %lt3A = arith.cmpf olt, %get3A_481, %get3A_471 : vector<16xf32>
        %eq3A_492 = arith.cmpf oeq, %get3A_481, %get3A_471 : vector<16xf32>
        %lt3A_493 = arith.cmpi slt, %get3A_484, %get3A_474 : vector<16xi32>
        %and3A = arith.andi %eq3A_492, %lt3A_493 : vector<16xi1>
        %or3A = arith.ori %lt3A, %and3A : vector<16xi1>
        %select_n3A_494 = arith.select %or3A, %get3A_481, %get3A_471 : vector<16xi1>, vector<16xf32>
        %select_n3A_495 = arith.select %or3A, %get3A_484, %get3A_474 : vector<16xi1>, vector<16xi32>
        %select_n3A_496 = arith.select %or3A, %add3A_491, %iota3A_475 : vector<16xi1>, vector<16xi32>
        %select_n3A_497 = arith.select %or3A, %get3A_487, %get3A_478 : vector<16xi1>, vector<16xi32>
        %get3A_498 = arith.constant 32 : index
        %get3A_499 = tpu.vector_load %arg5[%get3A_498] {strides = array<i32>} : memref<512xf32, #tpu.memory_space<vmem>>, vector<16xf32>,
        %get3A_500 = vector.shape_cast %get3A_499 : vector<16xf32> to vector<16xf32>
        %get3A_501 = arith.constant 32 : index
        %get3A_502 = tpu.vector_load %arg6[%get3A_501] {strides = array<i32>} : memref<512xi32, #tpu.memory_space<vmem>>, vector<16xi32>,
        %get3A_503 = vector.shape_cast %get3A_502 : vector<16xi32> to vector<16xi32>
        %get3A_504 = arith.constant 32 : index
        %get3A_505 = tpu.vector_load %arg7[%get3A_504] {strides = array<i32>} : memref<512xi32, #tpu.memory_space<vmem>>, vector<16xi32>,
        %get3A_506 = vector.shape_cast %get3A_505 : vector<16xi32> to vector<16xi32>
        %iota3A_507 = tpu.iota {dimensions = array<i32: 0>} : vector<16xi32>
        %add3A_508 = arith.constant 32 : i32
        %add3A_509 = vector.broadcast %add3A_508 : i32 to vector<16xi32>
        %add3A_510 = arith.addi %iota3A_507, %add3A_509 : vector<16xi32>
        %lt3A_511 = arith.cmpf olt, %get3A_500, %select_n3A_494 : vector<16xf32>
        %eq3A_512 = arith.cmpf oeq, %get3A_500, %select_n3A_494 : vector<16xf32>
        %lt3A_513 = arith.cmpi slt, %get3A_503, %select_n3A_495 : vector<16xi32>
        %and3A_514 = arith.andi %eq3A_512, %lt3A_513 : vector<16xi1>
        %or3A_515 = arith.ori %lt3A_511, %and3A_514 : vector<16xi1>
        %select_n3A_516 = arith.select %or3A_515, %get3A_500, %select_n3A_494 : vector<16xi1>, vector<16xf32>
        %select_n3A_517 = arith.select %or3A_515, %get3A_503, %select_n3A_495 : vector<16xi1>, vector<16xi32>
        %select_n3A_518 = arith.select %or3A_515, %add3A_510, %select_n3A_496 : vector<16xi1>, vector<16xi32>
        %select_n3A_519 = arith.select %or3A_515, %get3A_506, %select_n3A_497 : vector<16xi1>, vector<16xi32>
        %get3A_520 = arith.constant 48 : index
        %get3A_521 = tpu.vector_load %arg5[%get3A_520] {strides = array<i32>} : memref<512xf32, #tpu.memory_space<vmem>>, vector<16xf32>,
        %get3A_522 = vector.shape_cast %get3A_521 : vector<16xf32> to vector<16xf32>
        %get3A_523 = arith.constant 48 : index
        %get3A_524 = tpu.vector_load %arg6[%get3A_523] {strides = array<i32>} : memref<512xi32, #tpu.memory_space<vmem>>, vector<16xi32>,
        %get3A_525 = vector.shape_cast %get3A_524 : vector<16xi32> to vector<16xi32>
        %get3A_526 = arith.constant 48 : index
        %get3A_527 = tpu.vector_load %arg7[%get3A_526] {strides = array<i32>} : memref<512xi32, #tpu.memory_space<vmem>>, vector<16xi32>,
        %get3A_528 = vector.shape_cast %get3A_527 : vector<16xi32> to vector<16xi32>
        %iota3A_529 = tpu.iota {dimensions = array<i32: 0>} : vector<16xi32>
        %add3A_530 = arith.constant 48 : i32
        %add3A_531 = vector.broadcast %add3A_530 : i32 to vector<16xi32>
        %add3A_532 = arith.addi %iota3A_529, %add3A_531 : vector<16xi32>
        %lt3A_533 = arith.cmpf olt, %get3A_522, %select_n3A_516 : vector<16xf32>
        %eq3A_534 = arith.cmpf oeq, %get3A_522, %select_n3A_516 : vector<16xf32>
        %lt3A_535 = arith.cmpi slt, %get3A_525, %select_n3A_517 : vector<16xi32>
        %and3A_536 = arith.andi %eq3A_534, %lt3A_535 : vector<16xi1>
        %or3A_537 = arith.ori %lt3A_533, %and3A_536 : vector<16xi1>
        %select_n3A_538 = arith.select %or3A_537, %get3A_522, %select_n3A_516 : vector<16xi1>, vector<16xf32>
        %select_n3A_539 = arith.select %or3A_537, %get3A_525, %select_n3A_517 : vector<16xi1>, vector<16xi32>
        %select_n3A_540 = arith.select %or3A_537, %add3A_532, %select_n3A_518 : vector<16xi1>, vector<16xi32>
        %select_n3A_541 = arith.select %or3A_537, %get3A_528, %select_n3A_519 : vector<16xi1>, vector<16xi32>
        %get3A_542 = arith.constant 64 : index
        %get3A_543 = tpu.vector_load %arg5[%get3A_542] {strides = array<i32>} : memref<512xf32, #tpu.memory_space<vmem>>, vector<16xf32>,
        %get3A_544 = vector.shape_cast %get3A_543 : vector<16xf32> to vector<16xf32>
        %get3A_545 = arith.constant 64 : index
        %get3A_546 = tpu.vector_load %arg6[%get3A_545] {strides = array<i32>} : memref<512xi32, #tpu.memory_space<vmem>>, vector<16xi32>,
        %get3A_547 = vector.shape_cast %get3A_546 : vector<16xi32> to vector<16xi32>
        %get3A_548 = arith.constant 64 : index
        %get3A_549 = tpu.vector_load %arg7[%get3A_548] {strides = array<i32>} : memref<512xi32, #tpu.memory_space<vmem>>, vector<16xi32>,
        %get3A_550 = vector.shape_cast %get3A_549 : vector<16xi32> to vector<16xi32>
        %iota3A_551 = tpu.iota {dimensions = array<i32: 0>} : vector<16xi32>
        %add3A_552 = arith.constant 64 : i32
        %add3A_553 = vector.broadcast %add3A_552 : i32 to vector<16xi32>
        %add3A_554 = arith.addi %iota3A_551, %add3A_553 : vector<16xi32>
        %lt3A_555 = arith.cmpf olt, %get3A_544, %select_n3A_538 : vector<16xf32>
        %eq3A_556 = arith.cmpf oeq, %get3A_544, %select_n3A_538 : vector<16xf32>
        %lt3A_557 = arith.cmpi slt, %get3A_547, %select_n3A_539 : vector<16xi32>
        %and3A_558 = arith.andi %eq3A_556, %lt3A_557 : vector<16xi1>
        %or3A_559 = arith.ori %lt3A_555, %and3A_558 : vector<16xi1>
        %select_n3A_560 = arith.select %or3A_559, %get3A_544, %select_n3A_538 : vector<16xi1>, vector<16xf32>
        %select_n3A_561 = arith.select %or3A_559, %get3A_547, %select_n3A_539 : vector<16xi1>, vector<16xi32>
        %select_n3A_562 = arith.select %or3A_559, %add3A_554, %select_n3A_540 : vector<16xi1>, vector<16xi32>
        %select_n3A_563 = arith.select %or3A_559, %get3A_550, %select_n3A_541 : vector<16xi1>, vector<16xi32>
        %get3A_564 = arith.constant 80 : index
        %get3A_565 = tpu.vector_load %arg5[%get3A_564] {strides = array<i32>} : memref<512xf32, #tpu.memory_space<vmem>>, vector<16xf32>,
        %get3A_566 = vector.shape_cast %get3A_565 : vector<16xf32> to vector<16xf32>
        %get3A_567 = arith.constant 80 : index
        %get3A_568 = tpu.vector_load %arg6[%get3A_567] {strides = array<i32>} : memref<512xi32, #tpu.memory_space<vmem>>, vector<16xi32>,
        %get3A_569 = vector.shape_cast %get3A_568 : vector<16xi32> to vector<16xi32>
        %get3A_570 = arith.constant 80 : index
        %get3A_571 = tpu.vector_load %arg7[%get3A_570] {strides = array<i32>} : memref<512xi32, #tpu.memory_space<vmem>>, vector<16xi32>,
        %get3A_572 = vector.shape_cast %get3A_571 : vector<16xi32> to vector<16xi32>
        %iota3A_573 = tpu.iota {dimensions = array<i32: 0>} : vector<16xi32>
        %add3A_574 = arith.constant 80 : i32
        %add3A_575 = vector.broadcast %add3A_574 : i32 to vector<16xi32>
        %add3A_576 = arith.addi %iota3A_573, %add3A_575 : vector<16xi32>
        %lt3A_577 = arith.cmpf olt, %get3A_566, %select_n3A_560 : vector<16xf32>
        %eq3A_578 = arith.cmpf oeq, %get3A_566, %select_n3A_560 : vector<16xf32>
        %lt3A_579 = arith.cmpi slt, %get3A_569, %select_n3A_561 : vector<16xi32>
        %and3A_580 = arith.andi %eq3A_578, %lt3A_579 : vector<16xi1>
        %or3A_581 = arith.ori %lt3A_577, %and3A_580 : vector<16xi1>
        %select_n3A_582 = arith.select %or3A_581, %get3A_566, %select_n3A_560 : vector<16xi1>, vector<16xf32>
        %select_n3A_583 = arith.select %or3A_581, %get3A_569, %select_n3A_561 : vector<16xi1>, vector<16xi32>
        %select_n3A_584 = arith.select %or3A_581, %add3A_576, %select_n3A_562 : vector<16xi1>, vector<16xi32>
        %select_n3A_585 = arith.select %or3A_581, %get3A_572, %select_n3A_563 : vector<16xi1>, vector<16xi32>
        %get3A_586 = arith.constant 96 : index
        %get3A_587 = tpu.vector_load %arg5[%get3A_586] {strides = array<i32>} : memref<512xf32, #tpu.memory_space<vmem>>, vector<16xf32>,
        %get3A_588 = vector.shape_cast %get3A_587 : vector<16xf32> to vector<16xf32>
        %get3A_589 = arith.constant 96 : index
        %get3A_590 = tpu.vector_load %arg6[%get3A_589] {strides = array<i32>} : memref<512xi32, #tpu.memory_space<vmem>>, vector<16xi32>,
        %get3A_591 = vector.shape_cast %get3A_590 : vector<16xi32> to vector<16xi32>
        %get3A_592 = arith.constant 96 : index
        %get3A_593 = tpu.vector_load %arg7[%get3A_592] {strides = array<i32>} : memref<512xi32, #tpu.memory_space<vmem>>, vector<16xi32>,
        %get3A_594 = vector.shape_cast %get3A_593 : vector<16xi32> to vector<16xi32>
        %iota3A_595 = tpu.iota {dimensions = array<i32: 0>} : vector<16xi32>
        %add3A_596 = arith.constant 96 : i32
        %add3A_597 = vector.broadcast %add3A_596 : i32 to vector<16xi32>
        %add3A_598 = arith.addi %iota3A_595, %add3A_597 : vector<16xi32>
        %lt3A_599 = arith.cmpf olt, %get3A_588, %select_n3A_582 : vector<16xf32>
        %eq3A_600 = arith.cmpf oeq, %get3A_588, %select_n3A_582 : vector<16xf32>
        %lt3A_601 = arith.cmpi slt, %get3A_591, %select_n3A_583 : vector<16xi32>
        %and3A_602 = arith.andi %eq3A_600, %lt3A_601 : vector<16xi1>
        %or3A_603 = arith.ori %lt3A_599, %and3A_602 : vector<16xi1>
        %select_n3A_604 = arith.select %or3A_603, %get3A_588, %select_n3A_582 : vector<16xi1>, vector<16xf32>
        %select_n3A_605 = arith.select %or3A_603, %get3A_591, %select_n3A_583 : vector<16xi1>, vector<16xi32>
        %select_n3A_606 = arith.select %or3A_603, %add3A_598, %select_n3A_584 : vector<16xi1>, vector<16xi32>
        %select_n3A_607 = arith.select %or3A_603, %get3A_594, %select_n3A_585 : vector<16xi1>, vector<16xi32>
        %get3A_608 = arith.constant 112 : index
        %get3A_609 = tpu.vector_load %arg5[%get3A_608] {strides = array<i32>} : memref<512xf32, #tpu.memory_space<vmem>>, vector<16xf32>,
        %get3A_610 = vector.shape_cast %get3A_609 : vector<16xf32> to vector<16xf32>
        %get3A_611 = arith.constant 112 : index
        %get3A_612 = tpu.vector_load %arg6[%get3A_611] {strides = array<i32>} : memref<512xi32, #tpu.memory_space<vmem>>, vector<16xi32>,
        %get3A_613 = vector.shape_cast %get3A_612 : vector<16xi32> to vector<16xi32>
        %get3A_614 = arith.constant 112 : index
        %get3A_615 = tpu.vector_load %arg7[%get3A_614] {strides = array<i32>} : memref<512xi32, #tpu.memory_space<vmem>>, vector<16xi32>,
        %get3A_616 = vector.shape_cast %get3A_615 : vector<16xi32> to vector<16xi32>
        %iota3A_617 = tpu.iota {dimensions = array<i32: 0>} : vector<16xi32>
        %add3A_618 = arith.constant 112 : i32
        %add3A_619 = vector.broadcast %add3A_618 : i32 to vector<16xi32>
        %add3A_620 = arith.addi %iota3A_617, %add3A_619 : vector<16xi32>
        %lt3A_621 = arith.cmpf olt, %get3A_610, %select_n3A_604 : vector<16xf32>
        %eq3A_622 = arith.cmpf oeq, %get3A_610, %select_n3A_604 : vector<16xf32>
        %lt3A_623 = arith.cmpi slt, %get3A_613, %select_n3A_605 : vector<16xi32>
        %and3A_624 = arith.andi %eq3A_622, %lt3A_623 : vector<16xi1>
        %or3A_625 = arith.ori %lt3A_621, %and3A_624 : vector<16xi1>
        %select_n3A_626 = arith.select %or3A_625, %get3A_610, %select_n3A_604 : vector<16xi1>, vector<16xf32>
        %select_n3A_627 = arith.select %or3A_625, %get3A_613, %select_n3A_605 : vector<16xi1>, vector<16xi32>
        %select_n3A_628 = arith.select %or3A_625, %add3A_620, %select_n3A_606 : vector<16xi1>, vector<16xi32>
        %select_n3A_629 = arith.select %or3A_625, %get3A_616, %select_n3A_607 : vector<16xi1>, vector<16xi32>
        %get3A_630 = arith.constant 128 : index
        %get3A_631 = tpu.vector_load %arg5[%get3A_630] {strides = array<i32>} : memref<512xf32, #tpu.memory_space<vmem>>, vector<16xf32>,
        %get3A_632 = vector.shape_cast %get3A_631 : vector<16xf32> to vector<16xf32>
        %get3A_633 = arith.constant 128 : index
        %get3A_634 = tpu.vector_load %arg6[%get3A_633] {strides = array<i32>} : memref<512xi32, #tpu.memory_space<vmem>>, vector<16xi32>,
        %get3A_635 = vector.shape_cast %get3A_634 : vector<16xi32> to vector<16xi32>
        %get3A_636 = arith.constant 128 : index
        %get3A_637 = tpu.vector_load %arg7[%get3A_636] {strides = array<i32>} : memref<512xi32, #tpu.memory_space<vmem>>, vector<16xi32>,
        %get3A_638 = vector.shape_cast %get3A_637 : vector<16xi32> to vector<16xi32>
        %iota3A_639 = tpu.iota {dimensions = array<i32: 0>} : vector<16xi32>
        %add3A_640 = arith.constant 128 : i32
        %add3A_641 = vector.broadcast %add3A_640 : i32 to vector<16xi32>
        %add3A_642 = arith.addi %iota3A_639, %add3A_641 : vector<16xi32>
        %lt3A_643 = arith.cmpf olt, %get3A_632, %select_n3A_626 : vector<16xf32>
        %eq3A_644 = arith.cmpf oeq, %get3A_632, %select_n3A_626 : vector<16xf32>
        %lt3A_645 = arith.cmpi slt, %get3A_635, %select_n3A_627 : vector<16xi32>
        %and3A_646 = arith.andi %eq3A_644, %lt3A_645 : vector<16xi1>
        %or3A_647 = arith.ori %lt3A_643, %and3A_646 : vector<16xi1>
        %select_n3A_648 = arith.select %or3A_647, %get3A_632, %select_n3A_626 : vector<16xi1>, vector<16xf32>
        %select_n3A_649 = arith.select %or3A_647, %get3A_635, %select_n3A_627 : vector<16xi1>, vector<16xi32>
        %select_n3A_650 = arith.select %or3A_647, %add3A_642, %select_n3A_628 : vector<16xi1>, vector<16xi32>
        %select_n3A_651 = arith.select %or3A_647, %get3A_638, %select_n3A_629 : vector<16xi1>, vector<16xi32>
        %get3A_652 = arith.constant 144 : index
        %get3A_653 = tpu.vector_load %arg5[%get3A_652] {strides = array<i32>} : memref<512xf32, #tpu.memory_space<vmem>>, vector<16xf32>,
        %get3A_654 = vector.shape_cast %get3A_653 : vector<16xf32> to vector<16xf32>
        %get3A_655 = arith.constant 144 : index
        %get3A_656 = tpu.vector_load %arg6[%get3A_655] {strides = array<i32>} : memref<512xi32, #tpu.memory_space<vmem>>, vector<16xi32>,
        %get3A_657 = vector.shape_cast %get3A_656 : vector<16xi32> to vector<16xi32>
        %get3A_658 = arith.constant 144 : index
        %get3A_659 = tpu.vector_load %arg7[%get3A_658] {strides = array<i32>} : memref<512xi32, #tpu.memory_space<vmem>>, vector<16xi32>,
        %get3A_660 = vector.shape_cast %get3A_659 : vector<16xi32> to vector<16xi32>
        %iota3A_661 = tpu.iota {dimensions = array<i32: 0>} : vector<16xi32>
        %add3A_662 = arith.constant 144 : i32
        %add3A_663 = vector.broadcast %add3A_662 : i32 to vector<16xi32>
        %add3A_664 = arith.addi %iota3A_661, %add3A_663 : vector<16xi32>
        %lt3A_665 = arith.cmpf olt, %get3A_654, %select_n3A_648 : vector<16xf32>
        %eq3A_666 = arith.cmpf oeq, %get3A_654, %select_n3A_648 : vector<16xf32>
        %lt3A_667 = arith.cmpi slt, %get3A_657, %select_n3A_649 : vector<16xi32>
        %and3A_668 = arith.andi %eq3A_666, %lt3A_667 : vector<16xi1>
        %or3A_669 = arith.ori %lt3A_665, %and3A_668 : vector<16xi1>
        %select_n3A_670 = arith.select %or3A_669, %get3A_654, %select_n3A_648 : vector<16xi1>, vector<16xf32>
        %select_n3A_671 = arith.select %or3A_669, %get3A_657, %select_n3A_649 : vector<16xi1>, vector<16xi32>
        %select_n3A_672 = arith.select %or3A_669, %add3A_664, %select_n3A_650 : vector<16xi1>, vector<16xi32>
        %select_n3A_673 = arith.select %or3A_669, %get3A_660, %select_n3A_651 : vector<16xi1>, vector<16xi32>
        %get3A_674 = arith.constant 160 : index
        %get3A_675 = tpu.vector_load %arg5[%get3A_674] {strides = array<i32>} : memref<512xf32, #tpu.memory_space<vmem>>, vector<16xf32>,
        %get3A_676 = vector.shape_cast %get3A_675 : vector<16xf32> to vector<16xf32>
        %get3A_677 = arith.constant 160 : index
        %get3A_678 = tpu.vector_load %arg6[%get3A_677] {strides = array<i32>} : memref<512xi32, #tpu.memory_space<vmem>>, vector<16xi32>,
        %get3A_679 = vector.shape_cast %get3A_678 : vector<16xi32> to vector<16xi32>
        %get3A_680 = arith.constant 160 : index
        %get3A_681 = tpu.vector_load %arg7[%get3A_680] {strides = array<i32>} : memref<512xi32, #tpu.memory_space<vmem>>, vector<16xi32>,
        %get3A_682 = vector.shape_cast %get3A_681 : vector<16xi32> to vector<16xi32>
        %iota3A_683 = tpu.iota {dimensions = array<i32: 0>} : vector<16xi32>
        %add3A_684 = arith.constant 160 : i32
        %add3A_685 = vector.broadcast %add3A_684 : i32 to vector<16xi32>
        %add3A_686 = arith.addi %iota3A_683, %add3A_685 : vector<16xi32>
        %lt3A_687 = arith.cmpf olt, %get3A_676, %select_n3A_670 : vector<16xf32>
        %eq3A_688 = arith.cmpf oeq, %get3A_676, %select_n3A_670 : vector<16xf32>
        %lt3A_689 = arith.cmpi slt, %get3A_679, %select_n3A_671 : vector<16xi32>
        %and3A_690 = arith.andi %eq3A_688, %lt3A_689 : vector<16xi1>
        %or3A_691 = arith.ori %lt3A_687, %and3A_690 : vector<16xi1>
        %select_n3A_692 = arith.select %or3A_691, %get3A_676, %select_n3A_670 : vector<16xi1>, vector<16xf32>
        %select_n3A_693 = arith.select %or3A_691, %get3A_679, %select_n3A_671 : vector<16xi1>, vector<16xi32>
        %select_n3A_694 = arith.select %or3A_691, %add3A_686, %select_n3A_672 : vector<16xi1>, vector<16xi32>
        %select_n3A_695 = arith.select %or3A_691, %get3A_682, %select_n3A_673 : vector<16xi1>, vector<16xi32>
        %get3A_696 = arith.constant 176 : index
        %get3A_697 = tpu.vector_load %arg5[%get3A_696] {strides = array<i32>} : memref<512xf32, #tpu.memory_space<vmem>>, vector<16xf32>,
        %get3A_698 = vector.shape_cast %get3A_697 : vector<16xf32> to vector<16xf32>
        %get3A_699 = arith.constant 176 : index
        %get3A_700 = tpu.vector_load %arg6[%get3A_699] {strides = array<i32>} : memref<512xi32, #tpu.memory_space<vmem>>, vector<16xi32>,
        %get3A_701 = vector.shape_cast %get3A_700 : vector<16xi32> to vector<16xi32>
        %get3A_702 = arith.constant 176 : index
        %get3A_703 = tpu.vector_load %arg7[%get3A_702] {strides = array<i32>} : memref<512xi32, #tpu.memory_space<vmem>>, vector<16xi32>,
        %get3A_704 = vector.shape_cast %get3A_703 : vector<16xi32> to vector<16xi32>
        %iota3A_705 = tpu.iota {dimensions = array<i32: 0>} : vector<16xi32>
        %add3A_706 = arith.constant 176 : i32
        %add3A_707 = vector.broadcast %add3A_706 : i32 to vector<16xi32>
        %add3A_708 = arith.addi %iota3A_705, %add3A_707 : vector<16xi32>
        %lt3A_709 = arith.cmpf olt, %get3A_698, %select_n3A_692 : vector<16xf32>
        %eq3A_710 = arith.cmpf oeq, %get3A_698, %select_n3A_692 : vector<16xf32>
        %lt3A_711 = arith.cmpi slt, %get3A_701, %select_n3A_693 : vector<16xi32>
        %and3A_712 = arith.andi %eq3A_710, %lt3A_711 : vector<16xi1>
        %or3A_713 = arith.ori %lt3A_709, %and3A_712 : vector<16xi1>
        %select_n3A_714 = arith.select %or3A_713, %get3A_698, %select_n3A_692 : vector<16xi1>, vector<16xf32>
        %select_n3A_715 = arith.select %or3A_713, %get3A_701, %select_n3A_693 : vector<16xi1>, vector<16xi32>
        %select_n3A_716 = arith.select %or3A_713, %add3A_708, %select_n3A_694 : vector<16xi1>, vector<16xi32>
        %select_n3A_717 = arith.select %or3A_713, %get3A_704, %select_n3A_695 : vector<16xi1>, vector<16xi32>
        %get3A_718 = arith.constant 192 : index
        %get3A_719 = tpu.vector_load %arg5[%get3A_718] {strides = array<i32>} : memref<512xf32, #tpu.memory_space<vmem>>, vector<16xf32>,
        %get3A_720 = vector.shape_cast %get3A_719 : vector<16xf32> to vector<16xf32>
        %get3A_721 = arith.constant 192 : index
        %get3A_722 = tpu.vector_load %arg6[%get3A_721] {strides = array<i32>} : memref<512xi32, #tpu.memory_space<vmem>>, vector<16xi32>,
        %get3A_723 = vector.shape_cast %get3A_722 : vector<16xi32> to vector<16xi32>
        %get3A_724 = arith.constant 192 : index
        %get3A_725 = tpu.vector_load %arg7[%get3A_724] {strides = array<i32>} : memref<512xi32, #tpu.memory_space<vmem>>, vector<16xi32>,
        %get3A_726 = vector.shape_cast %get3A_725 : vector<16xi32> to vector<16xi32>
        %iota3A_727 = tpu.iota {dimensions = array<i32: 0>} : vector<16xi32>
        %add3A_728 = arith.constant 192 : i32
        %add3A_729 = vector.broadcast %add3A_728 : i32 to vector<16xi32>
        %add3A_730 = arith.addi %iota3A_727, %add3A_729 : vector<16xi32>
        %lt3A_731 = arith.cmpf olt, %get3A_720, %select_n3A_714 : vector<16xf32>
        %eq3A_732 = arith.cmpf oeq, %get3A_720, %select_n3A_714 : vector<16xf32>
        %lt3A_733 = arith.cmpi slt, %get3A_723, %select_n3A_715 : vector<16xi32>
        %and3A_734 = arith.andi %eq3A_732, %lt3A_733 : vector<16xi1>
        %or3A_735 = arith.ori %lt3A_731, %and3A_734 : vector<16xi1>
        %select_n3A_736 = arith.select %or3A_735, %get3A_720, %select_n3A_714 : vector<16xi1>, vector<16xf32>
        %select_n3A_737 = arith.select %or3A_735, %get3A_723, %select_n3A_715 : vector<16xi1>, vector<16xi32>
        %select_n3A_738 = arith.select %or3A_735, %add3A_730, %select_n3A_716 : vector<16xi1>, vector<16xi32>
        %select_n3A_739 = arith.select %or3A_735, %get3A_726, %select_n3A_717 : vector<16xi1>, vector<16xi32>
        %get3A_740 = arith.constant 208 : index
        %get3A_741 = tpu.vector_load %arg5[%get3A_740] {strides = array<i32>} : memref<512xf32, #tpu.memory_space<vmem>>, vector<16xf32>,
        %get3A_742 = vector.shape_cast %get3A_741 : vector<16xf32> to vector<16xf32>
        %get3A_743 = arith.constant 208 : index
        %get3A_744 = tpu.vector_load %arg6[%get3A_743] {strides = array<i32>} : memref<512xi32, #tpu.memory_space<vmem>>, vector<16xi32>,
        %get3A_745 = vector.shape_cast %get3A_744 : vector<16xi32> to vector<16xi32>
        %get3A_746 = arith.constant 208 : index
        %get3A_747 = tpu.vector_load %arg7[%get3A_746] {strides = array<i32>} : memref<512xi32, #tpu.memory_space<vmem>>, vector<16xi32>,
        %get3A_748 = vector.shape_cast %get3A_747 : vector<16xi32> to vector<16xi32>
        %iota3A_749 = tpu.iota {dimensions = array<i32: 0>} : vector<16xi32>
        %add3A_750 = arith.constant 208 : i32
        %add3A_751 = vector.broadcast %add3A_750 : i32 to vector<16xi32>
        %add3A_752 = arith.addi %iota3A_749, %add3A_751 : vector<16xi32>
        %lt3A_753 = arith.cmpf olt, %get3A_742, %select_n3A_736 : vector<16xf32>
        %eq3A_754 = arith.cmpf oeq, %get3A_742, %select_n3A_736 : vector<16xf32>
        %lt3A_755 = arith.cmpi slt, %get3A_745, %select_n3A_737 : vector<16xi32>
        %and3A_756 = arith.andi %eq3A_754, %lt3A_755 : vector<16xi1>
        %or3A_757 = arith.ori %lt3A_753, %and3A_756 : vector<16xi1>
        %select_n3A_758 = arith.select %or3A_757, %get3A_742, %select_n3A_736 : vector<16xi1>, vector<16xf32>
        %select_n3A_759 = arith.select %or3A_757, %get3A_745, %select_n3A_737 : vector<16xi1>, vector<16xi32>
        %select_n3A_760 = arith.select %or3A_757, %add3A_752, %select_n3A_738 : vector<16xi1>, vector<16xi32>
        %select_n3A_761 = arith.select %or3A_757, %get3A_748, %select_n3A_739 : vector<16xi1>, vector<16xi32>
        %get3A_762 = arith.constant 224 : index
        %get3A_763 = tpu.vector_load %arg5[%get3A_762] {strides = array<i32>} : memref<512xf32, #tpu.memory_space<vmem>>, vector<16xf32>,
        %get3A_764 = vector.shape_cast %get3A_763 : vector<16xf32> to vector<16xf32>
        %get3A_765 = arith.constant 224 : index
        %get3A_766 = tpu.vector_load %arg6[%get3A_765] {strides = array<i32>} : memref<512xi32, #tpu.memory_space<vmem>>, vector<16xi32>,
        %get3A_767 = vector.shape_cast %get3A_766 : vector<16xi32> to vector<16xi32>
        %get3A_768 = arith.constant 224 : index
        %get3A_769 = tpu.vector_load %arg7[%get3A_768] {strides = array<i32>} : memref<512xi32, #tpu.memory_space<vmem>>, vector<16xi32>,
        %get3A_770 = vector.shape_cast %get3A_769 : vector<16xi32> to vector<16xi32>
        %iota3A_771 = tpu.iota {dimensions = array<i32: 0>} : vector<16xi32>
        %add3A_772 = arith.constant 224 : i32
        %add3A_773 = vector.broadcast %add3A_772 : i32 to vector<16xi32>
        %add3A_774 = arith.addi %iota3A_771, %add3A_773 : vector<16xi32>
        %lt3A_775 = arith.cmpf olt, %get3A_764, %select_n3A_758 : vector<16xf32>
        %eq3A_776 = arith.cmpf oeq, %get3A_764, %select_n3A_758 : vector<16xf32>
        %lt3A_777 = arith.cmpi slt, %get3A_767, %select_n3A_759 : vector<16xi32>
        %and3A_778 = arith.andi %eq3A_776, %lt3A_777 : vector<16xi1>
        %or3A_779 = arith.ori %lt3A_775, %and3A_778 : vector<16xi1>
        %select_n3A_780 = arith.select %or3A_779, %get3A_764, %select_n3A_758 : vector<16xi1>, vector<16xf32>
        %select_n3A_781 = arith.select %or3A_779, %get3A_767, %select_n3A_759 : vector<16xi1>, vector<16xi32>
        %select_n3A_782 = arith.select %or3A_779, %add3A_774, %select_n3A_760 : vector<16xi1>, vector<16xi32>
        %select_n3A_783 = arith.select %or3A_779, %get3A_770, %select_n3A_761 : vector<16xi1>, vector<16xi32>
        %get3A_784 = arith.constant 240 : index
        %get3A_785 = tpu.vector_load %arg5[%get3A_784] {strides = array<i32>} : memref<512xf32, #tpu.memory_space<vmem>>, vector<16xf32>,
        %get3A_786 = vector.shape_cast %get3A_785 : vector<16xf32> to vector<16xf32>
        %get3A_787 = arith.constant 240 : index
        %get3A_788 = tpu.vector_load %arg6[%get3A_787] {strides = array<i32>} : memref<512xi32, #tpu.memory_space<vmem>>, vector<16xi32>,
        %get3A_789 = vector.shape_cast %get3A_788 : vector<16xi32> to vector<16xi32>
        %get3A_790 = arith.constant 240 : index
        %get3A_791 = tpu.vector_load %arg7[%get3A_790] {strides = array<i32>} : memref<512xi32, #tpu.memory_space<vmem>>, vector<16xi32>,
        %get3A_792 = vector.shape_cast %get3A_791 : vector<16xi32> to vector<16xi32>
        %iota3A_793 = tpu.iota {dimensions = array<i32: 0>} : vector<16xi32>
        %add3A_794 = arith.constant 240 : i32
        %add3A_795 = vector.broadcast %add3A_794 : i32 to vector<16xi32>
        %add3A_796 = arith.addi %iota3A_793, %add3A_795 : vector<16xi32>
        %lt3A_797 = arith.cmpf olt, %get3A_786, %select_n3A_780 : vector<16xf32>
        %eq3A_798 = arith.cmpf oeq, %get3A_786, %select_n3A_780 : vector<16xf32>
        %lt3A_799 = arith.cmpi slt, %get3A_789, %select_n3A_781 : vector<16xi32>
        %and3A_800 = arith.andi %eq3A_798, %lt3A_799 : vector<16xi1>
        %or3A_801 = arith.ori %lt3A_797, %and3A_800 : vector<16xi1>
        %select_n3A_802 = arith.select %or3A_801, %get3A_786, %select_n3A_780 : vector<16xi1>, vector<16xf32>
        %select_n3A_803 = arith.select %or3A_801, %get3A_789, %select_n3A_781 : vector<16xi1>, vector<16xi32>
        %select_n3A_804 = arith.select %or3A_801, %add3A_796, %select_n3A_782 : vector<16xi1>, vector<16xi32>
        %select_n3A_805 = arith.select %or3A_801, %get3A_792, %select_n3A_783 : vector<16xi1>, vector<16xi32>
        %get3A_806 = arith.constant 256 : index
        %get3A_807 = tpu.vector_load %arg5[%get3A_806] {strides = array<i32>} : memref<512xf32, #tpu.memory_space<vmem>>, vector<16xf32>,
        %get3A_808 = vector.shape_cast %get3A_807 : vector<16xf32> to vector<16xf32>
        %get3A_809 = arith.constant 256 : index
        %get3A_810 = tpu.vector_load %arg6[%get3A_809] {strides = array<i32>} : memref<512xi32, #tpu.memory_space<vmem>>, vector<16xi32>,
        %get3A_811 = vector.shape_cast %get3A_810 : vector<16xi32> to vector<16xi32>
        %get3A_812 = arith.constant 256 : index
        %get3A_813 = tpu.vector_load %arg7[%get3A_812] {strides = array<i32>} : memref<512xi32, #tpu.memory_space<vmem>>, vector<16xi32>,
        %get3A_814 = vector.shape_cast %get3A_813 : vector<16xi32> to vector<16xi32>
        %iota3A_815 = tpu.iota {dimensions = array<i32: 0>} : vector<16xi32>
        %add3A_816 = arith.constant 256 : i32
        %add3A_817 = vector.broadcast %add3A_816 : i32 to vector<16xi32>
        %add3A_818 = arith.addi %iota3A_815, %add3A_817 : vector<16xi32>
        %lt3A_819 = arith.cmpf olt, %get3A_808, %select_n3A_802 : vector<16xf32>
        %eq3A_820 = arith.cmpf oeq, %get3A_808, %select_n3A_802 : vector<16xf32>
        %lt3A_821 = arith.cmpi slt, %get3A_811, %select_n3A_803 : vector<16xi32>
        %and3A_822 = arith.andi %eq3A_820, %lt3A_821 : vector<16xi1>
        %or3A_823 = arith.ori %lt3A_819, %and3A_822 : vector<16xi1>
        %select_n3A_824 = arith.select %or3A_823, %get3A_808, %select_n3A_802 : vector<16xi1>, vector<16xf32>
        %select_n3A_825 = arith.select %or3A_823, %get3A_811, %select_n3A_803 : vector<16xi1>, vector<16xi32>
        %select_n3A_826 = arith.select %or3A_823, %add3A_818, %select_n3A_804 : vector<16xi1>, vector<16xi32>
        %select_n3A_827 = arith.select %or3A_823, %get3A_814, %select_n3A_805 : vector<16xi1>, vector<16xi32>
        %get3A_828 = arith.constant 272 : index
        %get3A_829 = tpu.vector_load %arg5[%get3A_828] {strides = array<i32>} : memref<512xf32, #tpu.memory_space<vmem>>, vector<16xf32>,
        %get3A_830 = vector.shape_cast %get3A_829 : vector<16xf32> to vector<16xf32>
        %get3A_831 = arith.constant 272 : index
        %get3A_832 = tpu.vector_load %arg6[%get3A_831] {strides = array<i32>} : memref<512xi32, #tpu.memory_space<vmem>>, vector<16xi32>,
        %get3A_833 = vector.shape_cast %get3A_832 : vector<16xi32> to vector<16xi32>
        %get3A_834 = arith.constant 272 : index
        %get3A_835 = tpu.vector_load %arg7[%get3A_834] {strides = array<i32>} : memref<512xi32, #tpu.memory_space<vmem>>, vector<16xi32>,
        %get3A_836 = vector.shape_cast %get3A_835 : vector<16xi32> to vector<16xi32>
        %iota3A_837 = tpu.iota {dimensions = array<i32: 0>} : vector<16xi32>
        %add3A_838 = arith.constant 272 : i32
        %add3A_839 = vector.broadcast %add3A_838 : i32 to vector<16xi32>
        %add3A_840 = arith.addi %iota3A_837, %add3A_839 : vector<16xi32>
        %lt3A_841 = arith.cmpf olt, %get3A_830, %select_n3A_824 : vector<16xf32>
        %eq3A_842 = arith.cmpf oeq, %get3A_830, %select_n3A_824 : vector<16xf32>
        %lt3A_843 = arith.cmpi slt, %get3A_833, %select_n3A_825 : vector<16xi32>
        %and3A_844 = arith.andi %eq3A_842, %lt3A_843 : vector<16xi1>
        %or3A_845 = arith.ori %lt3A_841, %and3A_844 : vector<16xi1>
        %select_n3A_846 = arith.select %or3A_845, %get3A_830, %select_n3A_824 : vector<16xi1>, vector<16xf32>
        %select_n3A_847 = arith.select %or3A_845, %get3A_833, %select_n3A_825 : vector<16xi1>, vector<16xi32>
        %select_n3A_848 = arith.select %or3A_845, %add3A_840, %select_n3A_826 : vector<16xi1>, vector<16xi32>
        %select_n3A_849 = arith.select %or3A_845, %get3A_836, %select_n3A_827 : vector<16xi1>, vector<16xi32>
        %get3A_850 = arith.constant 288 : index
        %get3A_851 = tpu.vector_load %arg5[%get3A_850] {strides = array<i32>} : memref<512xf32, #tpu.memory_space<vmem>>, vector<16xf32>,
        %get3A_852 = vector.shape_cast %get3A_851 : vector<16xf32> to vector<16xf32>
        %get3A_853 = arith.constant 288 : index
        %get3A_854 = tpu.vector_load %arg6[%get3A_853] {strides = array<i32>} : memref<512xi32, #tpu.memory_space<vmem>>, vector<16xi32>,
        %get3A_855 = vector.shape_cast %get3A_854 : vector<16xi32> to vector<16xi32>
        %get3A_856 = arith.constant 288 : index
        %get3A_857 = tpu.vector_load %arg7[%get3A_856] {strides = array<i32>} : memref<512xi32, #tpu.memory_space<vmem>>, vector<16xi32>,
        %get3A_858 = vector.shape_cast %get3A_857 : vector<16xi32> to vector<16xi32>
        %iota3A_859 = tpu.iota {dimensions = array<i32: 0>} : vector<16xi32>
        %add3A_860 = arith.constant 288 : i32
        %add3A_861 = vector.broadcast %add3A_860 : i32 to vector<16xi32>
        %add3A_862 = arith.addi %iota3A_859, %add3A_861 : vector<16xi32>
        %lt3A_863 = arith.cmpf olt, %get3A_852, %select_n3A_846 : vector<16xf32>
        %eq3A_864 = arith.cmpf oeq, %get3A_852, %select_n3A_846 : vector<16xf32>
        %lt3A_865 = arith.cmpi slt, %get3A_855, %select_n3A_847 : vector<16xi32>
        %and3A_866 = arith.andi %eq3A_864, %lt3A_865 : vector<16xi1>
        %or3A_867 = arith.ori %lt3A_863, %and3A_866 : vector<16xi1>
        %select_n3A_868 = arith.select %or3A_867, %get3A_852, %select_n3A_846 : vector<16xi1>, vector<16xf32>
        %select_n3A_869 = arith.select %or3A_867, %get3A_855, %select_n3A_847 : vector<16xi1>, vector<16xi32>
        %select_n3A_870 = arith.select %or3A_867, %add3A_862, %select_n3A_848 : vector<16xi1>, vector<16xi32>
        %select_n3A_871 = arith.select %or3A_867, %get3A_858, %select_n3A_849 : vector<16xi1>, vector<16xi32>
        %get3A_872 = arith.constant 304 : index
        %get3A_873 = tpu.vector_load %arg5[%get3A_872] {strides = array<i32>} : memref<512xf32, #tpu.memory_space<vmem>>, vector<16xf32>,
        %get3A_874 = vector.shape_cast %get3A_873 : vector<16xf32> to vector<16xf32>
        %get3A_875 = arith.constant 304 : index
        %get3A_876 = tpu.vector_load %arg6[%get3A_875] {strides = array<i32>} : memref<512xi32, #tpu.memory_space<vmem>>, vector<16xi32>,
        %get3A_877 = vector.shape_cast %get3A_876 : vector<16xi32> to vector<16xi32>
        %get3A_878 = arith.constant 304 : index
        %get3A_879 = tpu.vector_load %arg7[%get3A_878] {strides = array<i32>} : memref<512xi32, #tpu.memory_space<vmem>>, vector<16xi32>,
        %get3A_880 = vector.shape_cast %get3A_879 : vector<16xi32> to vector<16xi32>
        %iota3A_881 = tpu.iota {dimensions = array<i32: 0>} : vector<16xi32>
        %add3A_882 = arith.constant 304 : i32
        %add3A_883 = vector.broadcast %add3A_882 : i32 to vector<16xi32>
        %add3A_884 = arith.addi %iota3A_881, %add3A_883 : vector<16xi32>
        %lt3A_885 = arith.cmpf olt, %get3A_874, %select_n3A_868 : vector<16xf32>
        %eq3A_886 = arith.cmpf oeq, %get3A_874, %select_n3A_868 : vector<16xf32>
        %lt3A_887 = arith.cmpi slt, %get3A_877, %select_n3A_869 : vector<16xi32>
        %and3A_888 = arith.andi %eq3A_886, %lt3A_887 : vector<16xi1>
        %or3A_889 = arith.ori %lt3A_885, %and3A_888 : vector<16xi1>
        %select_n3A_890 = arith.select %or3A_889, %get3A_874, %select_n3A_868 : vector<16xi1>, vector<16xf32>
        %select_n3A_891 = arith.select %or3A_889, %get3A_877, %select_n3A_869 : vector<16xi1>, vector<16xi32>
        %select_n3A_892 = arith.select %or3A_889, %add3A_884, %select_n3A_870 : vector<16xi1>, vector<16xi32>
        %select_n3A_893 = arith.select %or3A_889, %get3A_880, %select_n3A_871 : vector<16xi1>, vector<16xi32>
        %get3A_894 = arith.constant 320 : index
        %get3A_895 = tpu.vector_load %arg5[%get3A_894] {strides = array<i32>} : memref<512xf32, #tpu.memory_space<vmem>>, vector<16xf32>,
        %get3A_896 = vector.shape_cast %get3A_895 : vector<16xf32> to vector<16xf32>
        %get3A_897 = arith.constant 320 : index
        %get3A_898 = tpu.vector_load %arg6[%get3A_897] {strides = array<i32>} : memref<512xi32, #tpu.memory_space<vmem>>, vector<16xi32>,
        %get3A_899 = vector.shape_cast %get3A_898 : vector<16xi32> to vector<16xi32>
        %get3A_900 = arith.constant 320 : index
        %get3A_901 = tpu.vector_load %arg7[%get3A_900] {strides = array<i32>} : memref<512xi32, #tpu.memory_space<vmem>>, vector<16xi32>,
        %get3A_902 = vector.shape_cast %get3A_901 : vector<16xi32> to vector<16xi32>
        %iota3A_903 = tpu.iota {dimensions = array<i32: 0>} : vector<16xi32>
        %add3A_904 = arith.constant 320 : i32
        %add3A_905 = vector.broadcast %add3A_904 : i32 to vector<16xi32>
        %add3A_906 = arith.addi %iota3A_903, %add3A_905 : vector<16xi32>
        %lt3A_907 = arith.cmpf olt, %get3A_896, %select_n3A_890 : vector<16xf32>
        %eq3A_908 = arith.cmpf oeq, %get3A_896, %select_n3A_890 : vector<16xf32>
        %lt3A_909 = arith.cmpi slt, %get3A_899, %select_n3A_891 : vector<16xi32>
        %and3A_910 = arith.andi %eq3A_908, %lt3A_909 : vector<16xi1>
        %or3A_911 = arith.ori %lt3A_907, %and3A_910 : vector<16xi1>
        %select_n3A_912 = arith.select %or3A_911, %get3A_896, %select_n3A_890 : vector<16xi1>, vector<16xf32>
        %select_n3A_913 = arith.select %or3A_911, %get3A_899, %select_n3A_891 : vector<16xi1>, vector<16xi32>
        %select_n3A_914 = arith.select %or3A_911, %add3A_906, %select_n3A_892 : vector<16xi1>, vector<16xi32>
        %select_n3A_915 = arith.select %or3A_911, %get3A_902, %select_n3A_893 : vector<16xi1>, vector<16xi32>
        %get3A_916 = arith.constant 336 : index
        %get3A_917 = tpu.vector_load %arg5[%get3A_916] {strides = array<i32>} : memref<512xf32, #tpu.memory_space<vmem>>, vector<16xf32>,
        %get3A_918 = vector.shape_cast %get3A_917 : vector<16xf32> to vector<16xf32>
        %get3A_919 = arith.constant 336 : index
        %get3A_920 = tpu.vector_load %arg6[%get3A_919] {strides = array<i32>} : memref<512xi32, #tpu.memory_space<vmem>>, vector<16xi32>,
        %get3A_921 = vector.shape_cast %get3A_920 : vector<16xi32> to vector<16xi32>
        %get3A_922 = arith.constant 336 : index
        %get3A_923 = tpu.vector_load %arg7[%get3A_922] {strides = array<i32>} : memref<512xi32, #tpu.memory_space<vmem>>, vector<16xi32>,
        %get3A_924 = vector.shape_cast %get3A_923 : vector<16xi32> to vector<16xi32>
        %iota3A_925 = tpu.iota {dimensions = array<i32: 0>} : vector<16xi32>
        %add3A_926 = arith.constant 336 : i32
        %add3A_927 = vector.broadcast %add3A_926 : i32 to vector<16xi32>
        %add3A_928 = arith.addi %iota3A_925, %add3A_927 : vector<16xi32>
        %lt3A_929 = arith.cmpf olt, %get3A_918, %select_n3A_912 : vector<16xf32>
        %eq3A_930 = arith.cmpf oeq, %get3A_918, %select_n3A_912 : vector<16xf32>
        %lt3A_931 = arith.cmpi slt, %get3A_921, %select_n3A_913 : vector<16xi32>
        %and3A_932 = arith.andi %eq3A_930, %lt3A_931 : vector<16xi1>
        %or3A_933 = arith.ori %lt3A_929, %and3A_932 : vector<16xi1>
        %select_n3A_934 = arith.select %or3A_933, %get3A_918, %select_n3A_912 : vector<16xi1>, vector<16xf32>
        %select_n3A_935 = arith.select %or3A_933, %get3A_921, %select_n3A_913 : vector<16xi1>, vector<16xi32>
        %select_n3A_936 = arith.select %or3A_933, %add3A_928, %select_n3A_914 : vector<16xi1>, vector<16xi32>
        %select_n3A_937 = arith.select %or3A_933, %get3A_924, %select_n3A_915 : vector<16xi1>, vector<16xi32>
        %get3A_938 = arith.constant 352 : index
        %get3A_939 = tpu.vector_load %arg5[%get3A_938] {strides = array<i32>} : memref<512xf32, #tpu.memory_space<vmem>>, vector<16xf32>,
        %get3A_940 = vector.shape_cast %get3A_939 : vector<16xf32> to vector<16xf32>
        %get3A_941 = arith.constant 352 : index
        %get3A_942 = tpu.vector_load %arg6[%get3A_941] {strides = array<i32>} : memref<512xi32, #tpu.memory_space<vmem>>, vector<16xi32>,
        %get3A_943 = vector.shape_cast %get3A_942 : vector<16xi32> to vector<16xi32>
        %get3A_944 = arith.constant 352 : index
        %get3A_945 = tpu.vector_load %arg7[%get3A_944] {strides = array<i32>} : memref<512xi32, #tpu.memory_space<vmem>>, vector<16xi32>,
        %get3A_946 = vector.shape_cast %get3A_945 : vector<16xi32> to vector<16xi32>
        %iota3A_947 = tpu.iota {dimensions = array<i32: 0>} : vector<16xi32>
        %add3A_948 = arith.constant 352 : i32
        %add3A_949 = vector.broadcast %add3A_948 : i32 to vector<16xi32>
        %add3A_950 = arith.addi %iota3A_947, %add3A_949 : vector<16xi32>
        %lt3A_951 = arith.cmpf olt, %get3A_940, %select_n3A_934 : vector<16xf32>
        %eq3A_952 = arith.cmpf oeq, %get3A_940, %select_n3A_934 : vector<16xf32>
        %lt3A_953 = arith.cmpi slt, %get3A_943, %select_n3A_935 : vector<16xi32>
        %and3A_954 = arith.andi %eq3A_952, %lt3A_953 : vector<16xi1>
        %or3A_955 = arith.ori %lt3A_951, %and3A_954 : vector<16xi1>
        %select_n3A_956 = arith.select %or3A_955, %get3A_940, %select_n3A_934 : vector<16xi1>, vector<16xf32>
        %select_n3A_957 = arith.select %or3A_955, %get3A_943, %select_n3A_935 : vector<16xi1>, vector<16xi32>
        %select_n3A_958 = arith.select %or3A_955, %add3A_950, %select_n3A_936 : vector<16xi1>, vector<16xi32>
        %select_n3A_959 = arith.select %or3A_955, %get3A_946, %select_n3A_937 : vector<16xi1>, vector<16xi32>
        %get3A_960 = arith.constant 368 : index
        %get3A_961 = tpu.vector_load %arg5[%get3A_960] {strides = array<i32>} : memref<512xf32, #tpu.memory_space<vmem>>, vector<16xf32>,
        %get3A_962 = vector.shape_cast %get3A_961 : vector<16xf32> to vector<16xf32>
        %get3A_963 = arith.constant 368 : index
        %get3A_964 = tpu.vector_load %arg6[%get3A_963] {strides = array<i32>} : memref<512xi32, #tpu.memory_space<vmem>>, vector<16xi32>,
        %get3A_965 = vector.shape_cast %get3A_964 : vector<16xi32> to vector<16xi32>
        %get3A_966 = arith.constant 368 : index
        %get3A_967 = tpu.vector_load %arg7[%get3A_966] {strides = array<i32>} : memref<512xi32, #tpu.memory_space<vmem>>, vector<16xi32>,
        %get3A_968 = vector.shape_cast %get3A_967 : vector<16xi32> to vector<16xi32>
        %iota3A_969 = tpu.iota {dimensions = array<i32: 0>} : vector<16xi32>
        %add3A_970 = arith.constant 368 : i32
        %add3A_971 = vector.broadcast %add3A_970 : i32 to vector<16xi32>
        %add3A_972 = arith.addi %iota3A_969, %add3A_971 : vector<16xi32>
        %lt3A_973 = arith.cmpf olt, %get3A_962, %select_n3A_956 : vector<16xf32>
        %eq3A_974 = arith.cmpf oeq, %get3A_962, %select_n3A_956 : vector<16xf32>
        %lt3A_975 = arith.cmpi slt, %get3A_965, %select_n3A_957 : vector<16xi32>
        %and3A_976 = arith.andi %eq3A_974, %lt3A_975 : vector<16xi1>
        %or3A_977 = arith.ori %lt3A_973, %and3A_976 : vector<16xi1>
        %select_n3A_978 = arith.select %or3A_977, %get3A_962, %select_n3A_956 : vector<16xi1>, vector<16xf32>
        %select_n3A_979 = arith.select %or3A_977, %get3A_965, %select_n3A_957 : vector<16xi1>, vector<16xi32>
        %select_n3A_980 = arith.select %or3A_977, %add3A_972, %select_n3A_958 : vector<16xi1>, vector<16xi32>
        %select_n3A_981 = arith.select %or3A_977, %get3A_968, %select_n3A_959 : vector<16xi1>, vector<16xi32>
        %get3A_982 = arith.constant 384 : index
        %get3A_983 = tpu.vector_load %arg5[%get3A_982] {strides = array<i32>} : memref<512xf32, #tpu.memory_space<vmem>>, vector<16xf32>,
        %get3A_984 = vector.shape_cast %get3A_983 : vector<16xf32> to vector<16xf32>
        %get3A_985 = arith.constant 384 : index
        %get3A_986 = tpu.vector_load %arg6[%get3A_985] {strides = array<i32>} : memref<512xi32, #tpu.memory_space<vmem>>, vector<16xi32>,
        %get3A_987 = vector.shape_cast %get3A_986 : vector<16xi32> to vector<16xi32>
        %get3A_988 = arith.constant 384 : index
        %get3A_989 = tpu.vector_load %arg7[%get3A_988] {strides = array<i32>} : memref<512xi32, #tpu.memory_space<vmem>>, vector<16xi32>,
        %get3A_990 = vector.shape_cast %get3A_989 : vector<16xi32> to vector<16xi32>
        %iota3A_991 = tpu.iota {dimensions = array<i32: 0>} : vector<16xi32>
        %add3A_992 = arith.constant 384 : i32
        %add3A_993 = vector.broadcast %add3A_992 : i32 to vector<16xi32>
        %add3A_994 = arith.addi %iota3A_991, %add3A_993 : vector<16xi32>
        %lt3A_995 = arith.cmpf olt, %get3A_984, %select_n3A_978 : vector<16xf32>
        %eq3A_996 = arith.cmpf oeq, %get3A_984, %select_n3A_978 : vector<16xf32>
        %lt3A_997 = arith.cmpi slt, %get3A_987, %select_n3A_979 : vector<16xi32>
        %and3A_998 = arith.andi %eq3A_996, %lt3A_997 : vector<16xi1>
        %or3A_999 = arith.ori %lt3A_995, %and3A_998 : vector<16xi1>
        %select_n3A_1000 = arith.select %or3A_999, %get3A_984, %select_n3A_978 : vector<16xi1>, vector<16xf32>
        %select_n3A_1001 = arith.select %or3A_999, %get3A_987, %select_n3A_979 : vector<16xi1>, vector<16xi32>
        %select_n3A_1002 = arith.select %or3A_999, %add3A_994, %select_n3A_980 : vector<16xi1>, vector<16xi32>
        %select_n3A_1003 = arith.select %or3A_999, %get3A_990, %select_n3A_981 : vector<16xi1>, vector<16xi32>
        %get3A_1004 = arith.constant 400 : index
        %get3A_1005 = tpu.vector_load %arg5[%get3A_1004] {strides = array<i32>} : memref<512xf32, #tpu.memory_space<vmem>>, vector<16xf32>,
        %get3A_1006 = vector.shape_cast %get3A_1005 : vector<16xf32> to vector<16xf32>
        %get3A_1007 = arith.constant 400 : index
        %get3A_1008 = tpu.vector_load %arg6[%get3A_1007] {strides = array<i32>} : memref<512xi32, #tpu.memory_space<vmem>>, vector<16xi32>,
        %get3A_1009 = vector.shape_cast %get3A_1008 : vector<16xi32> to vector<16xi32>
        %get3A_1010 = arith.constant 400 : index
        %get3A_1011 = tpu.vector_load %arg7[%get3A_1010] {strides = array<i32>} : memref<512xi32, #tpu.memory_space<vmem>>, vector<16xi32>,
        %get3A_1012 = vector.shape_cast %get3A_1011 : vector<16xi32> to vector<16xi32>
        %iota3A_1013 = tpu.iota {dimensions = array<i32: 0>} : vector<16xi32>
        %add3A_1014 = arith.constant 400 : i32
        %add3A_1015 = vector.broadcast %add3A_1014 : i32 to vector<16xi32>
        %add3A_1016 = arith.addi %iota3A_1013, %add3A_1015 : vector<16xi32>
        %lt3A_1017 = arith.cmpf olt, %get3A_1006, %select_n3A_1000 : vector<16xf32>
        %eq3A_1018 = arith.cmpf oeq, %get3A_1006, %select_n3A_1000 : vector<16xf32>
        %lt3A_1019 = arith.cmpi slt, %get3A_1009, %select_n3A_1001 : vector<16xi32>
        %and3A_1020 = arith.andi %eq3A_1018, %lt3A_1019 : vector<16xi1>
        %or3A_1021 = arith.ori %lt3A_1017, %and3A_1020 : vector<16xi1>
        %select_n3A_1022 = arith.select %or3A_1021, %get3A_1006, %select_n3A_1000 : vector<16xi1>, vector<16xf32>
        %select_n3A_1023 = arith.select %or3A_1021, %get3A_1009, %select_n3A_1001 : vector<16xi1>, vector<16xi32>
        %select_n3A_1024 = arith.select %or3A_1021, %add3A_1016, %select_n3A_1002 : vector<16xi1>, vector<16xi32>
        %select_n3A_1025 = arith.select %or3A_1021, %get3A_1012, %select_n3A_1003 : vector<16xi1>, vector<16xi32>
        %get3A_1026 = arith.constant 416 : index
        %get3A_1027 = tpu.vector_load %arg5[%get3A_1026] {strides = array<i32>} : memref<512xf32, #tpu.memory_space<vmem>>, vector<16xf32>,
        %get3A_1028 = vector.shape_cast %get3A_1027 : vector<16xf32> to vector<16xf32>
        %get3A_1029 = arith.constant 416 : index
        %get3A_1030 = tpu.vector_load %arg6[%get3A_1029] {strides = array<i32>} : memref<512xi32, #tpu.memory_space<vmem>>, vector<16xi32>,
        %get3A_1031 = vector.shape_cast %get3A_1030 : vector<16xi32> to vector<16xi32>
        %get3A_1032 = arith.constant 416 : index
        %get3A_1033 = tpu.vector_load %arg7[%get3A_1032] {strides = array<i32>} : memref<512xi32, #tpu.memory_space<vmem>>, vector<16xi32>,
        %get3A_1034 = vector.shape_cast %get3A_1033 : vector<16xi32> to vector<16xi32>
        %iota3A_1035 = tpu.iota {dimensions = array<i32: 0>} : vector<16xi32>
        %add3A_1036 = arith.constant 416 : i32
        %add3A_1037 = vector.broadcast %add3A_1036 : i32 to vector<16xi32>
        %add3A_1038 = arith.addi %iota3A_1035, %add3A_1037 : vector<16xi32>
        %lt3A_1039 = arith.cmpf olt, %get3A_1028, %select_n3A_1022 : vector<16xf32>
        %eq3A_1040 = arith.cmpf oeq, %get3A_1028, %select_n3A_1022 : vector<16xf32>
        %lt3A_1041 = arith.cmpi slt, %get3A_1031, %select_n3A_1023 : vector<16xi32>
        %and3A_1042 = arith.andi %eq3A_1040, %lt3A_1041 : vector<16xi1>
        %or3A_1043 = arith.ori %lt3A_1039, %and3A_1042 : vector<16xi1>
        %select_n3A_1044 = arith.select %or3A_1043, %get3A_1028, %select_n3A_1022 : vector<16xi1>, vector<16xf32>
        %select_n3A_1045 = arith.select %or3A_1043, %get3A_1031, %select_n3A_1023 : vector<16xi1>, vector<16xi32>
        %select_n3A_1046 = arith.select %or3A_1043, %add3A_1038, %select_n3A_1024 : vector<16xi1>, vector<16xi32>
        %select_n3A_1047 = arith.select %or3A_1043, %get3A_1034, %select_n3A_1025 : vector<16xi1>, vector<16xi32>
        %get3A_1048 = arith.constant 432 : index
        %get3A_1049 = tpu.vector_load %arg5[%get3A_1048] {strides = array<i32>} : memref<512xf32, #tpu.memory_space<vmem>>, vector<16xf32>,
        %get3A_1050 = vector.shape_cast %get3A_1049 : vector<16xf32> to vector<16xf32>
        %get3A_1051 = arith.constant 432 : index
        %get3A_1052 = tpu.vector_load %arg6[%get3A_1051] {strides = array<i32>} : memref<512xi32, #tpu.memory_space<vmem>>, vector<16xi32>,
        %get3A_1053 = vector.shape_cast %get3A_1052 : vector<16xi32> to vector<16xi32>
        %get3A_1054 = arith.constant 432 : index
        %get3A_1055 = tpu.vector_load %arg7[%get3A_1054] {strides = array<i32>} : memref<512xi32, #tpu.memory_space<vmem>>, vector<16xi32>,
        %get3A_1056 = vector.shape_cast %get3A_1055 : vector<16xi32> to vector<16xi32>
        %iota3A_1057 = tpu.iota {dimensions = array<i32: 0>} : vector<16xi32>
        %add3A_1058 = arith.constant 432 : i32
        %add3A_1059 = vector.broadcast %add3A_1058 : i32 to vector<16xi32>
        %add3A_1060 = arith.addi %iota3A_1057, %add3A_1059 : vector<16xi32>
        %lt3A_1061 = arith.cmpf olt, %get3A_1050, %select_n3A_1044 : vector<16xf32>
        %eq3A_1062 = arith.cmpf oeq, %get3A_1050, %select_n3A_1044 : vector<16xf32>
        %lt3A_1063 = arith.cmpi slt, %get3A_1053, %select_n3A_1045 : vector<16xi32>
        %and3A_1064 = arith.andi %eq3A_1062, %lt3A_1063 : vector<16xi1>
        %or3A_1065 = arith.ori %lt3A_1061, %and3A_1064 : vector<16xi1>
        %select_n3A_1066 = arith.select %or3A_1065, %get3A_1050, %select_n3A_1044 : vector<16xi1>, vector<16xf32>
        %select_n3A_1067 = arith.select %or3A_1065, %get3A_1053, %select_n3A_1045 : vector<16xi1>, vector<16xi32>
        %select_n3A_1068 = arith.select %or3A_1065, %add3A_1060, %select_n3A_1046 : vector<16xi1>, vector<16xi32>
        %select_n3A_1069 = arith.select %or3A_1065, %get3A_1056, %select_n3A_1047 : vector<16xi1>, vector<16xi32>
        %get3A_1070 = arith.constant 448 : index
        %get3A_1071 = tpu.vector_load %arg5[%get3A_1070] {strides = array<i32>} : memref<512xf32, #tpu.memory_space<vmem>>, vector<16xf32>,
        %get3A_1072 = vector.shape_cast %get3A_1071 : vector<16xf32> to vector<16xf32>
        %get3A_1073 = arith.constant 448 : index
        %get3A_1074 = tpu.vector_load %arg6[%get3A_1073] {strides = array<i32>} : memref<512xi32, #tpu.memory_space<vmem>>, vector<16xi32>,
        %get3A_1075 = vector.shape_cast %get3A_1074 : vector<16xi32> to vector<16xi32>
        %get3A_1076 = arith.constant 448 : index
        %get3A_1077 = tpu.vector_load %arg7[%get3A_1076] {strides = array<i32>} : memref<512xi32, #tpu.memory_space<vmem>>, vector<16xi32>,
        %get3A_1078 = vector.shape_cast %get3A_1077 : vector<16xi32> to vector<16xi32>
        %iota3A_1079 = tpu.iota {dimensions = array<i32: 0>} : vector<16xi32>
        %add3A_1080 = arith.constant 448 : i32
        %add3A_1081 = vector.broadcast %add3A_1080 : i32 to vector<16xi32>
        %add3A_1082 = arith.addi %iota3A_1079, %add3A_1081 : vector<16xi32>
        %lt3A_1083 = arith.cmpf olt, %get3A_1072, %select_n3A_1066 : vector<16xf32>
        %eq3A_1084 = arith.cmpf oeq, %get3A_1072, %select_n3A_1066 : vector<16xf32>
        %lt3A_1085 = arith.cmpi slt, %get3A_1075, %select_n3A_1067 : vector<16xi32>
        %and3A_1086 = arith.andi %eq3A_1084, %lt3A_1085 : vector<16xi1>
        %or3A_1087 = arith.ori %lt3A_1083, %and3A_1086 : vector<16xi1>
        %select_n3A_1088 = arith.select %or3A_1087, %get3A_1072, %select_n3A_1066 : vector<16xi1>, vector<16xf32>
        %select_n3A_1089 = arith.select %or3A_1087, %get3A_1075, %select_n3A_1067 : vector<16xi1>, vector<16xi32>
        %select_n3A_1090 = arith.select %or3A_1087, %add3A_1082, %select_n3A_1068 : vector<16xi1>, vector<16xi32>
        %select_n3A_1091 = arith.select %or3A_1087, %get3A_1078, %select_n3A_1069 : vector<16xi1>, vector<16xi32>
        %get3A_1092 = arith.constant 464 : index
        %get3A_1093 = tpu.vector_load %arg5[%get3A_1092] {strides = array<i32>} : memref<512xf32, #tpu.memory_space<vmem>>, vector<16xf32>,
        %get3A_1094 = vector.shape_cast %get3A_1093 : vector<16xf32> to vector<16xf32>
        %get3A_1095 = arith.constant 464 : index
        %get3A_1096 = tpu.vector_load %arg6[%get3A_1095] {strides = array<i32>} : memref<512xi32, #tpu.memory_space<vmem>>, vector<16xi32>,
        %get3A_1097 = vector.shape_cast %get3A_1096 : vector<16xi32> to vector<16xi32>
        %get3A_1098 = arith.constant 464 : index
        %get3A_1099 = tpu.vector_load %arg7[%get3A_1098] {strides = array<i32>} : memref<512xi32, #tpu.memory_space<vmem>>, vector<16xi32>,
        %get3A_1100 = vector.shape_cast %get3A_1099 : vector<16xi32> to vector<16xi32>
        %iota3A_1101 = tpu.iota {dimensions = array<i32: 0>} : vector<16xi32>
        %add3A_1102 = arith.constant 464 : i32
        %add3A_1103 = vector.broadcast %add3A_1102 : i32 to vector<16xi32>
        %add3A_1104 = arith.addi %iota3A_1101, %add3A_1103 : vector<16xi32>
        %lt3A_1105 = arith.cmpf olt, %get3A_1094, %select_n3A_1088 : vector<16xf32>
        %eq3A_1106 = arith.cmpf oeq, %get3A_1094, %select_n3A_1088 : vector<16xf32>
        %lt3A_1107 = arith.cmpi slt, %get3A_1097, %select_n3A_1089 : vector<16xi32>
        %and3A_1108 = arith.andi %eq3A_1106, %lt3A_1107 : vector<16xi1>
        %or3A_1109 = arith.ori %lt3A_1105, %and3A_1108 : vector<16xi1>
        %select_n3A_1110 = arith.select %or3A_1109, %get3A_1094, %select_n3A_1088 : vector<16xi1>, vector<16xf32>
        %select_n3A_1111 = arith.select %or3A_1109, %get3A_1097, %select_n3A_1089 : vector<16xi1>, vector<16xi32>
        %select_n3A_1112 = arith.select %or3A_1109, %add3A_1104, %select_n3A_1090 : vector<16xi1>, vector<16xi32>
        %select_n3A_1113 = arith.select %or3A_1109, %get3A_1100, %select_n3A_1091 : vector<16xi1>, vector<16xi32>
        %get3A_1114 = arith.constant 480 : index
        %get3A_1115 = tpu.vector_load %arg5[%get3A_1114] {strides = array<i32>} : memref<512xf32, #tpu.memory_space<vmem>>, vector<16xf32>,
        %get3A_1116 = vector.shape_cast %get3A_1115 : vector<16xf32> to vector<16xf32>
        %get3A_1117 = arith.constant 480 : index
        %get3A_1118 = tpu.vector_load %arg6[%get3A_1117] {strides = array<i32>} : memref<512xi32, #tpu.memory_space<vmem>>, vector<16xi32>,
        %get3A_1119 = vector.shape_cast %get3A_1118 : vector<16xi32> to vector<16xi32>
        %get3A_1120 = arith.constant 480 : index
        %get3A_1121 = tpu.vector_load %arg7[%get3A_1120] {strides = array<i32>} : memref<512xi32, #tpu.memory_space<vmem>>, vector<16xi32>,
        %get3A_1122 = vector.shape_cast %get3A_1121 : vector<16xi32> to vector<16xi32>
        %iota3A_1123 = tpu.iota {dimensions = array<i32: 0>} : vector<16xi32>
        %add3A_1124 = arith.constant 480 : i32
        %add3A_1125 = vector.broadcast %add3A_1124 : i32 to vector<16xi32>
        %add3A_1126 = arith.addi %iota3A_1123, %add3A_1125 : vector<16xi32>
        %lt3A_1127 = arith.cmpf olt, %get3A_1116, %select_n3A_1110 : vector<16xf32>
        %eq3A_1128 = arith.cmpf oeq, %get3A_1116, %select_n3A_1110 : vector<16xf32>
        %lt3A_1129 = arith.cmpi slt, %get3A_1119, %select_n3A_1111 : vector<16xi32>
        %and3A_1130 = arith.andi %eq3A_1128, %lt3A_1129 : vector<16xi1>
        %or3A_1131 = arith.ori %lt3A_1127, %and3A_1130 : vector<16xi1>
        %select_n3A_1132 = arith.select %or3A_1131, %get3A_1116, %select_n3A_1110 : vector<16xi1>, vector<16xf32>
        %select_n3A_1133 = arith.select %or3A_1131, %get3A_1119, %select_n3A_1111 : vector<16xi1>, vector<16xi32>
        %select_n3A_1134 = arith.select %or3A_1131, %add3A_1126, %select_n3A_1112 : vector<16xi1>, vector<16xi32>
        %select_n3A_1135 = arith.select %or3A_1131, %get3A_1122, %select_n3A_1113 : vector<16xi1>, vector<16xi32>
        %get3A_1136 = arith.constant 496 : index
        %get3A_1137 = tpu.vector_load %arg5[%get3A_1136] {strides = array<i32>} : memref<512xf32, #tpu.memory_space<vmem>>, vector<16xf32>,
        %get3A_1138 = vector.shape_cast %get3A_1137 : vector<16xf32> to vector<16xf32>
        %get3A_1139 = arith.constant 496 : index
        %get3A_1140 = tpu.vector_load %arg6[%get3A_1139] {strides = array<i32>} : memref<512xi32, #tpu.memory_space<vmem>>, vector<16xi32>,
        %get3A_1141 = vector.shape_cast %get3A_1140 : vector<16xi32> to vector<16xi32>
        %get3A_1142 = arith.constant 496 : index
        %get3A_1143 = tpu.vector_load %arg7[%get3A_1142] {strides = array<i32>} : memref<512xi32, #tpu.memory_space<vmem>>, vector<16xi32>,
        %get3A_1144 = vector.shape_cast %get3A_1143 : vector<16xi32> to vector<16xi32>
        %iota3A_1145 = tpu.iota {dimensions = array<i32: 0>} : vector<16xi32>
        %add3A_1146 = arith.constant 496 : i32
        %add3A_1147 = vector.broadcast %add3A_1146 : i32 to vector<16xi32>
        %add3A_1148 = arith.addi %iota3A_1145, %add3A_1147 : vector<16xi32>
        %lt3A_1149 = arith.cmpf olt, %get3A_1138, %select_n3A_1132 : vector<16xf32>
        %eq3A_1150 = arith.cmpf oeq, %get3A_1138, %select_n3A_1132 : vector<16xf32>
        %lt3A_1151 = arith.cmpi slt, %get3A_1141, %select_n3A_1133 : vector<16xi32>
        %and3A_1152 = arith.andi %eq3A_1150, %lt3A_1151 : vector<16xi1>
        %or3A_1153 = arith.ori %lt3A_1149, %and3A_1152 : vector<16xi1>
        %select_n3A_1154 = arith.select %or3A_1153, %get3A_1138, %select_n3A_1132 : vector<16xi1>, vector<16xf32>
        %select_n3A_1155 = arith.select %or3A_1153, %get3A_1141, %select_n3A_1133 : vector<16xi1>, vector<16xi32>
        %select_n3A_1156 = arith.select %or3A_1153, %add3A_1148, %select_n3A_1134 : vector<16xi1>, vector<16xi32>
        %select_n3A_1157 = arith.select %or3A_1153, %get3A_1144, %select_n3A_1135 : vector<16xi1>, vector<16xi32>
        %iota3A_1158 = tpu.iota {dimensions = array<i32: 0>} : vector<16xi32>
        %xor3A = arith.constant 8 : i32
        %xor3A_1159 = vector.broadcast %xor3A : i32 to vector<16xi32>
        %xor3A_1160 = arith.xori %iota3A_1158, %xor3A_1159 : vector<16xi32>
        %broadcast_in_dim3A_1161 = vector.shape_cast %xor3A_1160 : vector<16xi32> to vector<16x1xi32>
        %gather3A = vector.shape_cast %broadcast_in_dim3A_1161 : vector<16x1xi32> to vector<16xi32>
        %gather3A_1162 = tpu.dynamic_gather %select_n3A_1154[%gather3A] in [0] : vector<16xf32>, vector<16xi32> -> vector<16xf32>
        %broadcast_in_dim3A_1163 = vector.shape_cast %xor3A_1160 : vector<16xi32> to vector<16x1xi32>
        %gather3A_1164 = vector.shape_cast %broadcast_in_dim3A_1163 : vector<16x1xi32> to vector<16xi32>
        %gather3A_1165 = tpu.dynamic_gather %select_n3A_1155[%gather3A_1164] in [0] : vector<16xi32>, vector<16xi32> -> vector<16xi32>
        %broadcast_in_dim3A_1166 = vector.shape_cast %xor3A_1160 : vector<16xi32> to vector<16x1xi32>
        %gather3A_1167 = vector.shape_cast %broadcast_in_dim3A_1166 : vector<16x1xi32> to vector<16xi32>
        %gather3A_1168 = tpu.dynamic_gather %select_n3A_1156[%gather3A_1167] in [0] : vector<16xi32>, vector<16xi32> -> vector<16xi32>
        %broadcast_in_dim3A_1169 = vector.shape_cast %xor3A_1160 : vector<16xi32> to vector<16x1xi32>
        %gather3A_1170 = vector.shape_cast %broadcast_in_dim3A_1169 : vector<16x1xi32> to vector<16xi32>
        %gather3A_1171 = tpu.dynamic_gather %select_n3A_1157[%gather3A_1170] in [0] : vector<16xi32>, vector<16xi32> -> vector<16xi32>
        %lt3A_1172 = arith.cmpf olt, %gather3A_1162, %select_n3A_1154 : vector<16xf32>
        %eq3A_1173 = arith.cmpf oeq, %gather3A_1162, %select_n3A_1154 : vector<16xf32>
        %lt3A_1174 = arith.cmpi slt, %gather3A_1165, %select_n3A_1155 : vector<16xi32>
        %and3A_1175 = arith.andi %eq3A_1173, %lt3A_1174 : vector<16xi1>
        %or3A_1176 = arith.ori %lt3A_1172, %and3A_1175 : vector<16xi1>
        %select_n3A_1177 = arith.select %or3A_1176, %gather3A_1162, %select_n3A_1154 : vector<16xi1>, vector<16xf32>
        %select_n3A_1178 = arith.select %or3A_1176, %gather3A_1165, %select_n3A_1155 : vector<16xi1>, vector<16xi32>
        %select_n3A_1179 = arith.select %or3A_1176, %gather3A_1168, %select_n3A_1156 : vector<16xi1>, vector<16xi32>
        %select_n3A_1180 = arith.select %or3A_1176, %gather3A_1171, %select_n3A_1157 : vector<16xi1>, vector<16xi32>
        %xor3A_1181 = arith.constant 4 : i32
        %xor3A_1182 = vector.broadcast %xor3A_1181 : i32 to vector<16xi32>
        %xor3A_1183 = arith.xori %iota3A_1158, %xor3A_1182 : vector<16xi32>
        %broadcast_in_dim3A_1184 = vector.shape_cast %xor3A_1183 : vector<16xi32> to vector<16x1xi32>
        %gather3A_1185 = vector.shape_cast %broadcast_in_dim3A_1184 : vector<16x1xi32> to vector<16xi32>
        %gather3A_1186 = tpu.dynamic_gather %select_n3A_1177[%gather3A_1185] in [0] : vector<16xf32>, vector<16xi32> -> vector<16xf32>
        %broadcast_in_dim3A_1187 = vector.shape_cast %xor3A_1183 : vector<16xi32> to vector<16x1xi32>
        %gather3A_1188 = vector.shape_cast %broadcast_in_dim3A_1187 : vector<16x1xi32> to vector<16xi32>
        %gather3A_1189 = tpu.dynamic_gather %select_n3A_1178[%gather3A_1188] in [0] : vector<16xi32>, vector<16xi32> -> vector<16xi32>
        %broadcast_in_dim3A_1190 = vector.shape_cast %xor3A_1183 : vector<16xi32> to vector<16x1xi32>
        %gather3A_1191 = vector.shape_cast %broadcast_in_dim3A_1190 : vector<16x1xi32> to vector<16xi32>
        %gather3A_1192 = tpu.dynamic_gather %select_n3A_1179[%gather3A_1191] in [0] : vector<16xi32>, vector<16xi32> -> vector<16xi32>
        %broadcast_in_dim3A_1193 = vector.shape_cast %xor3A_1183 : vector<16xi32> to vector<16x1xi32>
        %gather3A_1194 = vector.shape_cast %broadcast_in_dim3A_1193 : vector<16x1xi32> to vector<16xi32>
        %gather3A_1195 = tpu.dynamic_gather %select_n3A_1180[%gather3A_1194] in [0] : vector<16xi32>, vector<16xi32> -> vector<16xi32>
        %lt3A_1196 = arith.cmpf olt, %gather3A_1186, %select_n3A_1177 : vector<16xf32>
        %eq3A_1197 = arith.cmpf oeq, %gather3A_1186, %select_n3A_1177 : vector<16xf32>
        %lt3A_1198 = arith.cmpi slt, %gather3A_1189, %select_n3A_1178 : vector<16xi32>
        %and3A_1199 = arith.andi %eq3A_1197, %lt3A_1198 : vector<16xi1>
        %or3A_1200 = arith.ori %lt3A_1196, %and3A_1199 : vector<16xi1>
        %select_n3A_1201 = arith.select %or3A_1200, %gather3A_1186, %select_n3A_1177 : vector<16xi1>, vector<16xf32>
        %select_n3A_1202 = arith.select %or3A_1200, %gather3A_1189, %select_n3A_1178 : vector<16xi1>, vector<16xi32>
        %select_n3A_1203 = arith.select %or3A_1200, %gather3A_1192, %select_n3A_1179 : vector<16xi1>, vector<16xi32>
        %select_n3A_1204 = arith.select %or3A_1200, %gather3A_1195, %select_n3A_1180 : vector<16xi1>, vector<16xi32>
        %xor3A_1205 = arith.constant 2 : i32
        %xor3A_1206 = vector.broadcast %xor3A_1205 : i32 to vector<16xi32>
        %xor3A_1207 = arith.xori %iota3A_1158, %xor3A_1206 : vector<16xi32>
        %broadcast_in_dim3A_1208 = vector.shape_cast %xor3A_1207 : vector<16xi32> to vector<16x1xi32>
        %gather3A_1209 = vector.shape_cast %broadcast_in_dim3A_1208 : vector<16x1xi32> to vector<16xi32>
        %gather3A_1210 = tpu.dynamic_gather %select_n3A_1201[%gather3A_1209] in [0] : vector<16xf32>, vector<16xi32> -> vector<16xf32>
        %broadcast_in_dim3A_1211 = vector.shape_cast %xor3A_1207 : vector<16xi32> to vector<16x1xi32>
        %gather3A_1212 = vector.shape_cast %broadcast_in_dim3A_1211 : vector<16x1xi32> to vector<16xi32>
        %gather3A_1213 = tpu.dynamic_gather %select_n3A_1202[%gather3A_1212] in [0] : vector<16xi32>, vector<16xi32> -> vector<16xi32>
        %broadcast_in_dim3A_1214 = vector.shape_cast %xor3A_1207 : vector<16xi32> to vector<16x1xi32>
        %gather3A_1215 = vector.shape_cast %broadcast_in_dim3A_1214 : vector<16x1xi32> to vector<16xi32>
        %gather3A_1216 = tpu.dynamic_gather %select_n3A_1203[%gather3A_1215] in [0] : vector<16xi32>, vector<16xi32> -> vector<16xi32>
        %broadcast_in_dim3A_1217 = vector.shape_cast %xor3A_1207 : vector<16xi32> to vector<16x1xi32>
        %gather3A_1218 = vector.shape_cast %broadcast_in_dim3A_1217 : vector<16x1xi32> to vector<16xi32>
        %gather3A_1219 = tpu.dynamic_gather %select_n3A_1204[%gather3A_1218] in [0] : vector<16xi32>, vector<16xi32> -> vector<16xi32>
        %lt3A_1220 = arith.cmpf olt, %gather3A_1210, %select_n3A_1201 : vector<16xf32>
        %eq3A_1221 = arith.cmpf oeq, %gather3A_1210, %select_n3A_1201 : vector<16xf32>
        %lt3A_1222 = arith.cmpi slt, %gather3A_1213, %select_n3A_1202 : vector<16xi32>
        %and3A_1223 = arith.andi %eq3A_1221, %lt3A_1222 : vector<16xi1>
        %or3A_1224 = arith.ori %lt3A_1220, %and3A_1223 : vector<16xi1>
        %select_n3A_1225 = arith.select %or3A_1224, %gather3A_1210, %select_n3A_1201 : vector<16xi1>, vector<16xf32>
        %select_n3A_1226 = arith.select %or3A_1224, %gather3A_1213, %select_n3A_1202 : vector<16xi1>, vector<16xi32>
        %select_n3A_1227 = arith.select %or3A_1224, %gather3A_1216, %select_n3A_1203 : vector<16xi1>, vector<16xi32>
        %select_n3A_1228 = arith.select %or3A_1224, %gather3A_1219, %select_n3A_1204 : vector<16xi1>, vector<16xi32>
        %xor3A_1229 = arith.constant 1 : i32
        %xor3A_1230 = vector.broadcast %xor3A_1229 : i32 to vector<16xi32>
        %xor3A_1231 = arith.xori %iota3A_1158, %xor3A_1230 : vector<16xi32>
        %broadcast_in_dim3A_1232 = vector.shape_cast %xor3A_1231 : vector<16xi32> to vector<16x1xi32>
        %gather3A_1233 = vector.shape_cast %broadcast_in_dim3A_1232 : vector<16x1xi32> to vector<16xi32>
        %gather3A_1234 = tpu.dynamic_gather %select_n3A_1225[%gather3A_1233] in [0] : vector<16xf32>, vector<16xi32> -> vector<16xf32>
        %broadcast_in_dim3A_1235 = vector.shape_cast %xor3A_1231 : vector<16xi32> to vector<16x1xi32>
        %gather3A_1236 = vector.shape_cast %broadcast_in_dim3A_1235 : vector<16x1xi32> to vector<16xi32>
        %gather3A_1237 = tpu.dynamic_gather %select_n3A_1226[%gather3A_1236] in [0] : vector<16xi32>, vector<16xi32> -> vector<16xi32>
        %broadcast_in_dim3A_1238 = vector.shape_cast %xor3A_1231 : vector<16xi32> to vector<16x1xi32>
        %gather3A_1239 = vector.shape_cast %broadcast_in_dim3A_1238 : vector<16x1xi32> to vector<16xi32>
        %gather3A_1240 = tpu.dynamic_gather %select_n3A_1227[%gather3A_1239] in [0] : vector<16xi32>, vector<16xi32> -> vector<16xi32>
        %broadcast_in_dim3A_1241 = vector.shape_cast %xor3A_1231 : vector<16xi32> to vector<16x1xi32>
        %gather3A_1242 = vector.shape_cast %broadcast_in_dim3A_1241 : vector<16x1xi32> to vector<16xi32>
        %gather3A_1243 = tpu.dynamic_gather %select_n3A_1228[%gather3A_1242] in [0] : vector<16xi32>, vector<16xi32> -> vector<16xi32>
        %lt3A_1244 = arith.cmpf olt, %gather3A_1234, %select_n3A_1225 : vector<16xf32>
        %eq3A_1245 = arith.cmpf oeq, %gather3A_1234, %select_n3A_1225 : vector<16xf32>
        %lt3A_1246 = arith.cmpi slt, %gather3A_1237, %select_n3A_1226 : vector<16xi32>
        %and3A_1247 = arith.andi %eq3A_1245, %lt3A_1246 : vector<16xi1>
        %or3A_1248 = arith.ori %lt3A_1244, %and3A_1247 : vector<16xi1>
        %select_n3A_1249 = arith.select %or3A_1248, %gather3A_1234, %select_n3A_1225 : vector<16xi1>, vector<16xf32>
        %select_n3A_1250 = arith.select %or3A_1248, %gather3A_1237, %select_n3A_1226 : vector<16xi1>, vector<16xi32>
        %select_n3A_1251 = arith.select %or3A_1248, %gather3A_1240, %select_n3A_1227 : vector<16xi1>, vector<16xi32>
        %select_n3A_1252 = arith.select %or3A_1248, %gather3A_1243, %select_n3A_1228 : vector<16xi1>, vector<16xi32>
        %slice3A = vector.extract_strided_slice %select_n3A_1251 {offsets = [0], sizes = [1], strides = [1]} : vector<16xi32> to vector<1xi32>
        %squeeze3A = vector.extract %slice3A[0] : i32 from vector<1xi32>
        "tpu.region"() ({
          %run_scoped3A_3162 = tpu.sem_alloc : memref<!tpu.dma_semaphore, #tpu.memory_space<semaphore_mem>>
          %dma_start3A = arith.constant 0 : i32
          %dma_start3A_3163 = tpu.memref_slice %arg4[%squeeze3A, %dma_start3A] : memref<512x1024xf32, #tpu.memory_space<vmem_shared>> -> memref<1x1024xf32, #tpu.memory_space<vmem_shared>>
          %dma_start3A_3164 = tpu.memref_squeeze %dma_start3A_3163 : memref<1x1024xf32, #tpu.memory_space<vmem_shared>> -> memref<1024xf32, #tpu.memory_space<vmem_shared>>
          %dma_start3A_3165 = arith.constant 0 : i32
          %dma_start3A_3166 = tpu.memref_slice %arg4[%squeeze3A, %dma_start3A_3165] : memref<512x1024xf32, #tpu.memory_space<vmem_shared>> -> memref<1x1024xf32, #tpu.memory_space<vmem_shared>>
          %dma_start3A_3167 = tpu.memref_squeeze %dma_start3A_3166 : memref<1x1024xf32, #tpu.memory_space<vmem_shared>> -> memref<1024xf32, #tpu.memory_space<vmem_shared>>
          tpu.enqueue_dma source(%dma_start3A_3167 : memref<1024xf32, #tpu.memory_space<vmem_shared>>) target(%arg8 : memref<1024xf32, #tpu.memory_space<vmem>>) target_semaphore(%run_scoped3A_3162 : memref<!tpu.dma_semaphore, #tpu.memory_space<semaphore_mem>>)
          %dma_wait3A = arith.constant 0 : i32
          %dma_wait3A_3168 = tpu.memref_slice %arg4[%squeeze3A, %dma_wait3A] : memref<512x1024xf32, #tpu.memory_space<vmem_shared>> -> memref<1x1024xf32, #tpu.memory_space<vmem_shared>>
          %dma_wait3A_3169 = tpu.memref_squeeze %dma_wait3A_3168 : memref<1x1024xf32, #tpu.memory_space<vmem_shared>> -> memref<1024xf32, #tpu.memory_space<vmem_shared>>
          %dma_wait3A_3170 = arith.constant 0 : i32
          %dma_wait3A_3171 = tpu.memref_slice %arg4[%squeeze3A, %dma_wait3A_3170] : memref<512x1024xf32, #tpu.memory_space<vmem_shared>> -> memref<1x1024xf32, #tpu.memory_space<vmem_shared>>
          %dma_wait3A_3172 = tpu.memref_squeeze %dma_wait3A_3171 : memref<1x1024xf32, #tpu.memory_space<vmem_shared>> -> memref<1024xf32, #tpu.memory_space<vmem_shared>>
          tpu.wait_dma2 semaphore(%run_scoped3A_3162 : memref<!tpu.dma_semaphore, #tpu.memory_space<semaphore_mem>>) src(%dma_wait3A_3172 : memref<1024xf32, #tpu.memory_space<vmem_shared>>) dst(%arg8 : memref<1024xf32, #tpu.memory_space<vmem>>)
          tpu.yield
        }) : () -> ()
        %and3A_1253 = arith.constant -16 : i32
        %and3A_1254 = vector.broadcast %and3A_1253 : i32 to vector<16xi32>
        %and3A_1255 = arith.andi %select_n3A_1252, %and3A_1254 : vector<16xi32>
        %add3A_1256 = arith.constant 512 : i32
        %add3A_1257 = vector.broadcast %add3A_1256 : i32 to vector<16xi32>
        %add3A_1258 = arith.addi %add3A_1257, %and3A_1255 : vector<16xi32>
        %slice3A_1259 = vector.extract_strided_slice %add3A_1258 {offsets = [0], sizes = [1], strides = [1]} : vector<16xi32> to vector<1xi32>
        %squeeze3A_1260 = vector.extract %slice3A_1259[0] : i32 from vector<1xi32>
        %get3A_1261 = arith.index_cast %squeeze3A_1260 : i32 to index
        %get3A_1262 = tpu.vector_load %arg8[%get3A_1261] {strides = array<i32>} : memref<1024xf32, #tpu.memory_space<vmem>>, vector<16xf32>,
        %get3A_1263 = vector.shape_cast %get3A_1262 : vector<16xf32> to vector<16xf32>
        %get3A_1264 = arith.constant 0 : index
        %get3A_1265 = tpu.vector_load %arg9[%get3A_1264] {strides = array<i32>} : memref<16xf32, #tpu.memory_space<vmem>>, vector<16xf32>,
        %get3A_1266 = vector.shape_cast %get3A_1265 : vector<16xf32> to vector<16xf32>
        %and3A_1267 = arith.constant 15 : i32
        %and3A_1268 = vector.broadcast %and3A_1267 : i32 to vector<16xi32>
        %and3A_1269 = arith.andi %select_n3A_1252, %and3A_1268 : vector<16xi32>
        %eq3A_1270 = arith.cmpi eq, %iota3A_1158, %and3A_1269 : vector<16xi32>
        %jit3A_1271 = arith.constant 0.000000e+00 : f32
        %broadcast_in_dim3A_1272 = vector.broadcast %jit3A_1271 : f32 to vector<16xf32>
        %select_n3A_1273 = arith.select %eq3A_1270, %get3A_1263, %broadcast_in_dim3A_1272 : vector<16xi1>, vector<16xf32>
        %add3A_1274 = arith.addf %get3A_1266, %select_n3A_1273 : vector<16xf32>
        %swap3A_1275 = arith.constant 0 : index
        %swap3A_1276 = tpu.vector_load %arg9[%swap3A_1275] {strides = array<i32>} : memref<16xf32, #tpu.memory_space<vmem>>, vector<16xf32>,
        %swap3A_1277 = vector.shape_cast %swap3A_1276 : vector<16xf32> to vector<16xf32>
        %swap3A_1278 = vector.shape_cast %add3A_1274 : vector<16xf32> to vector<16xf32>
        tpu.vector_store %arg9[%swap3A_1275], %swap3A_1278 {strides = array<i32>} : memref<16xf32, #tpu.memory_space<vmem>>, vector<16xf32>,
        %iota3A_1279 = tpu.iota {dimensions = array<i32: 0>} : vector<16xi32>
        %add3A_1280 = arith.constant 0 : i32
        %add3A_1281 = vector.broadcast %add3A_1280 : i32 to vector<16xi32>
        %add3A_1282 = arith.addi %iota3A_1279, %add3A_1281 : vector<16xi32>
        %get3A_1283 = arith.constant 0 : index
        %get3A_1284 = tpu.vector_load %arg5[%get3A_1283] {strides = array<i32>} : memref<512xf32, #tpu.memory_space<vmem>>, vector<16xf32>,
        %get3A_1285 = vector.shape_cast %get3A_1284 : vector<16xf32> to vector<16xf32>
        %get3A_1286 = arith.constant 0 : index
        %get3A_1287 = tpu.vector_load %arg6[%get3A_1286] {strides = array<i32>} : memref<512xi32, #tpu.memory_space<vmem>>, vector<16xi32>,
        %get3A_1288 = vector.shape_cast %get3A_1287 : vector<16xi32> to vector<16xi32>
        %get3A_1289 = arith.constant 0 : index
        %get3A_1290 = tpu.vector_load %arg7[%get3A_1289] {strides = array<i32>} : memref<512xi32, #tpu.memory_space<vmem>>, vector<16xi32>,
        %get3A_1291 = vector.shape_cast %get3A_1290 : vector<16xi32> to vector<16xi32>
        %get3A_1292 = arith.constant 0 : index
        %get3A_1293 = tpu.vector_load %arg8[%get3A_1292] {strides = array<i32>} : memref<1024xf32, #tpu.memory_space<vmem>>, vector<16xf32>,
        %get3A_1294 = vector.shape_cast %get3A_1293 : vector<16xf32> to vector<16xf32>
        %min3A = arith.minsi %add3A_1282, %select_n3A_1251 : vector<16xi32>
        %max3A = arith.maxsi %add3A_1282, %select_n3A_1251 : vector<16xi32>
        %mul3A = arith.constant 512 : i32
        %mul3A_1295 = vector.broadcast %mul3A : i32 to vector<16xi32>
        %mul3A_1296 = arith.muli %min3A, %mul3A_1295 : vector<16xi32>
        %sub3A = arith.constant 1 : i32
        %sub3A_1297 = vector.broadcast %sub3A : i32 to vector<16xi32>
        %sub3A_1298 = arith.subi %min3A, %sub3A_1297 : vector<16xi32>
        %mul3A_1299 = arith.muli %min3A, %sub3A_1298 : vector<16xi32>
        %shift_right_arithmetic3A = arith.constant 1 : i32
        %shift_right_arithmetic3A_1300 = vector.broadcast %shift_right_arithmetic3A : i32 to vector<16xi32>
        %shift_right_arithmetic3A_1301 = arith.shrsi %mul3A_1299, %shift_right_arithmetic3A_1300 : vector<16xi32>
        %sub3A_1302 = arith.subi %mul3A_1296, %shift_right_arithmetic3A_1301 : vector<16xi32>
        %sub3A_1303 = arith.subi %max3A, %min3A : vector<16xi32>
        %add3A_1304 = arith.addi %sub3A_1302, %sub3A_1303 : vector<16xi32>
        %lt3A_1305 = arith.cmpf olt, %get3A_1294, %get3A_1285 : vector<16xf32>
        %eq3A_1306 = arith.cmpf oeq, %get3A_1294, %get3A_1285 : vector<16xf32>
        %lt3A_1307 = arith.cmpi slt, %add3A_1304, %get3A_1288 : vector<16xi32>
        %and3A_1308 = arith.andi %eq3A_1306, %lt3A_1307 : vector<16xi1>
        %or3A_1309 = arith.ori %lt3A_1305, %and3A_1308 : vector<16xi1>
        %lt3A_1310 = arith.constant 0x7F800000 : f32
        %lt3A_1311 = vector.broadcast %lt3A_1310 : f32 to vector<16xf32>
        %lt3A_1312 = arith.cmpf olt, %get3A_1285, %lt3A_1311 : vector<16xf32>
        %and3A_1313 = arith.andi %or3A_1309, %lt3A_1312 : vector<16xi1>
        %select_n3A_1314 = arith.select %and3A_1313, %get3A_1294, %get3A_1285 : vector<16xi1>, vector<16xf32>
        %select_n3A_1315 = arith.select %and3A_1313, %add3A_1304, %get3A_1288 : vector<16xi1>, vector<16xi32>
        %select_n3A_1316 = arith.select %and3A_1313, %select_n3A_1251, %get3A_1291 : vector<16xi1>, vector<16xi32>
        %eq3A_1317 = arith.cmpi eq, %add3A_1282, %select_n3A_1251 : vector<16xi32>
        %jit3A_1318 = arith.constant 0x7F800000 : f32
        %broadcast_in_dim3A_1319 = vector.broadcast %jit3A_1318 : f32 to vector<16xf32>
        %select_n3A_1320 = arith.select %eq3A_1317, %broadcast_in_dim3A_1319, %select_n3A_1314 : vector<16xi1>, vector<16xf32>
        %swap3A_1321 = arith.constant 0 : index
        %swap3A_1322 = tpu.vector_load %arg5[%swap3A_1321] {strides = array<i32>} : memref<512xf32, #tpu.memory_space<vmem>>, vector<16xf32>,
        %swap3A_1323 = vector.shape_cast %swap3A_1322 : vector<16xf32> to vector<16xf32>
        %swap3A_1324 = vector.shape_cast %select_n3A_1320 : vector<16xf32> to vector<16xf32>
        tpu.vector_store %arg5[%swap3A_1321], %swap3A_1324 {strides = array<i32>} : memref<512xf32, #tpu.memory_space<vmem>>, vector<16xf32>,
        %swap3A_1325 = arith.constant 0 : index
        %swap3A_1326 = tpu.vector_load %arg6[%swap3A_1325] {strides = array<i32>} : memref<512xi32, #tpu.memory_space<vmem>>, vector<16xi32>,
        %swap3A_1327 = vector.shape_cast %swap3A_1326 : vector<16xi32> to vector<16xi32>
        %swap3A_1328 = vector.shape_cast %select_n3A_1315 : vector<16xi32> to vector<16xi32>
        tpu.vector_store %arg6[%swap3A_1325], %swap3A_1328 {strides = array<i32>} : memref<512xi32, #tpu.memory_space<vmem>>, vector<16xi32>,
        %swap3A_1329 = arith.constant 0 : index
        %swap3A_1330 = tpu.vector_load %arg7[%swap3A_1329] {strides = array<i32>} : memref<512xi32, #tpu.memory_space<vmem>>, vector<16xi32>,
        %swap3A_1331 = vector.shape_cast %swap3A_1330 : vector<16xi32> to vector<16xi32>
        %swap3A_1332 = vector.shape_cast %select_n3A_1316 : vector<16xi32> to vector<16xi32>
        tpu.vector_store %arg7[%swap3A_1329], %swap3A_1332 {strides = array<i32>} : memref<512xi32, #tpu.memory_space<vmem>>, vector<16xi32>,
        %iota3A_1333 = tpu.iota {dimensions = array<i32: 0>} : vector<16xi32>
        %add3A_1334 = arith.constant 16 : i32
        %add3A_1335 = vector.broadcast %add3A_1334 : i32 to vector<16xi32>
        %add3A_1336 = arith.addi %iota3A_1333, %add3A_1335 : vector<16xi32>
        %get3A_1337 = arith.constant 16 : index
        %get3A_1338 = tpu.vector_load %arg5[%get3A_1337] {strides = array<i32>} : memref<512xf32, #tpu.memory_space<vmem>>, vector<16xf32>,
        %get3A_1339 = vector.shape_cast %get3A_1338 : vector<16xf32> to vector<16xf32>
        %get3A_1340 = arith.constant 16 : index
        %get3A_1341 = tpu.vector_load %arg6[%get3A_1340] {strides = array<i32>} : memref<512xi32, #tpu.memory_space<vmem>>, vector<16xi32>,
        %get3A_1342 = vector.shape_cast %get3A_1341 : vector<16xi32> to vector<16xi32>
        %get3A_1343 = arith.constant 16 : index
        %get3A_1344 = tpu.vector_load %arg7[%get3A_1343] {strides = array<i32>} : memref<512xi32, #tpu.memory_space<vmem>>, vector<16xi32>,
        %get3A_1345 = vector.shape_cast %get3A_1344 : vector<16xi32> to vector<16xi32>
        %get3A_1346 = arith.constant 16 : index
        %get3A_1347 = tpu.vector_load %arg8[%get3A_1346] {strides = array<i32>} : memref<1024xf32, #tpu.memory_space<vmem>>, vector<16xf32>,
        %get3A_1348 = vector.shape_cast %get3A_1347 : vector<16xf32> to vector<16xf32>
        %min3A_1349 = arith.minsi %add3A_1336, %select_n3A_1251 : vector<16xi32>
        %max3A_1350 = arith.maxsi %add3A_1336, %select_n3A_1251 : vector<16xi32>
        %mul3A_1351 = arith.constant 512 : i32
        %mul3A_1352 = vector.broadcast %mul3A_1351 : i32 to vector<16xi32>
        %mul3A_1353 = arith.muli %min3A_1349, %mul3A_1352 : vector<16xi32>
        %sub3A_1354 = arith.constant 1 : i32
        %sub3A_1355 = vector.broadcast %sub3A_1354 : i32 to vector<16xi32>
        %sub3A_1356 = arith.subi %min3A_1349, %sub3A_1355 : vector<16xi32>
        %mul3A_1357 = arith.muli %min3A_1349, %sub3A_1356 : vector<16xi32>
        %shift_right_arithmetic3A_1358 = arith.constant 1 : i32
        %shift_right_arithmetic3A_1359 = vector.broadcast %shift_right_arithmetic3A_1358 : i32 to vector<16xi32>
        %shift_right_arithmetic3A_1360 = arith.shrsi %mul3A_1357, %shift_right_arithmetic3A_1359 : vector<16xi32>
        %sub3A_1361 = arith.subi %mul3A_1353, %shift_right_arithmetic3A_1360 : vector<16xi32>
        %sub3A_1362 = arith.subi %max3A_1350, %min3A_1349 : vector<16xi32>
        %add3A_1363 = arith.addi %sub3A_1361, %sub3A_1362 : vector<16xi32>
        %lt3A_1364 = arith.cmpf olt, %get3A_1348, %get3A_1339 : vector<16xf32>
        %eq3A_1365 = arith.cmpf oeq, %get3A_1348, %get3A_1339 : vector<16xf32>
        %lt3A_1366 = arith.cmpi slt, %add3A_1363, %get3A_1342 : vector<16xi32>
        %and3A_1367 = arith.andi %eq3A_1365, %lt3A_1366 : vector<16xi1>
        %or3A_1368 = arith.ori %lt3A_1364, %and3A_1367 : vector<16xi1>
        %lt3A_1369 = arith.constant 0x7F800000 : f32
        %lt3A_1370 = vector.broadcast %lt3A_1369 : f32 to vector<16xf32>
        %lt3A_1371 = arith.cmpf olt, %get3A_1339, %lt3A_1370 : vector<16xf32>
        %and3A_1372 = arith.andi %or3A_1368, %lt3A_1371 : vector<16xi1>
        %select_n3A_1373 = arith.select %and3A_1372, %get3A_1348, %get3A_1339 : vector<16xi1>, vector<16xf32>
        %select_n3A_1374 = arith.select %and3A_1372, %add3A_1363, %get3A_1342 : vector<16xi1>, vector<16xi32>
        %select_n3A_1375 = arith.select %and3A_1372, %select_n3A_1251, %get3A_1345 : vector<16xi1>, vector<16xi32>
        %eq3A_1376 = arith.cmpi eq, %add3A_1336, %select_n3A_1251 : vector<16xi32>
        %jit3A_1377 = arith.constant 0x7F800000 : f32
        %broadcast_in_dim3A_1378 = vector.broadcast %jit3A_1377 : f32 to vector<16xf32>
        %select_n3A_1379 = arith.select %eq3A_1376, %broadcast_in_dim3A_1378, %select_n3A_1373 : vector<16xi1>, vector<16xf32>
        %swap3A_1380 = arith.constant 16 : index
        %swap3A_1381 = tpu.vector_load %arg5[%swap3A_1380] {strides = array<i32>} : memref<512xf32, #tpu.memory_space<vmem>>, vector<16xf32>,
        %swap3A_1382 = vector.shape_cast %swap3A_1381 : vector<16xf32> to vector<16xf32>
        %swap3A_1383 = vector.shape_cast %select_n3A_1379 : vector<16xf32> to vector<16xf32>
        tpu.vector_store %arg5[%swap3A_1380], %swap3A_1383 {strides = array<i32>} : memref<512xf32, #tpu.memory_space<vmem>>, vector<16xf32>,
        %swap3A_1384 = arith.constant 16 : index
        %swap3A_1385 = tpu.vector_load %arg6[%swap3A_1384] {strides = array<i32>} : memref<512xi32, #tpu.memory_space<vmem>>, vector<16xi32>,
        %swap3A_1386 = vector.shape_cast %swap3A_1385 : vector<16xi32> to vector<16xi32>
        %swap3A_1387 = vector.shape_cast %select_n3A_1374 : vector<16xi32> to vector<16xi32>
        tpu.vector_store %arg6[%swap3A_1384], %swap3A_1387 {strides = array<i32>} : memref<512xi32, #tpu.memory_space<vmem>>, vector<16xi32>,
        %swap3A_1388 = arith.constant 16 : index
        %swap3A_1389 = tpu.vector_load %arg7[%swap3A_1388] {strides = array<i32>} : memref<512xi32, #tpu.memory_space<vmem>>, vector<16xi32>,
        %swap3A_1390 = vector.shape_cast %swap3A_1389 : vector<16xi32> to vector<16xi32>
        %swap3A_1391 = vector.shape_cast %select_n3A_1375 : vector<16xi32> to vector<16xi32>
        tpu.vector_store %arg7[%swap3A_1388], %swap3A_1391 {strides = array<i32>} : memref<512xi32, #tpu.memory_space<vmem>>, vector<16xi32>,
        %iota3A_1392 = tpu.iota {dimensions = array<i32: 0>} : vector<16xi32>
        %add3A_1393 = arith.constant 32 : i32
        %add3A_1394 = vector.broadcast %add3A_1393 : i32 to vector<16xi32>
        %add3A_1395 = arith.addi %iota3A_1392, %add3A_1394 : vector<16xi32>
        %get3A_1396 = arith.constant 32 : index
        %get3A_1397 = tpu.vector_load %arg5[%get3A_1396] {strides = array<i32>} : memref<512xf32, #tpu.memory_space<vmem>>, vector<16xf32>,
        %get3A_1398 = vector.shape_cast %get3A_1397 : vector<16xf32> to vector<16xf32>
        %get3A_1399 = arith.constant 32 : index
        %get3A_1400 = tpu.vector_load %arg6[%get3A_1399] {strides = array<i32>} : memref<512xi32, #tpu.memory_space<vmem>>, vector<16xi32>,
        %get3A_1401 = vector.shape_cast %get3A_1400 : vector<16xi32> to vector<16xi32>
        %get3A_1402 = arith.constant 32 : index
        %get3A_1403 = tpu.vector_load %arg7[%get3A_1402] {strides = array<i32>} : memref<512xi32, #tpu.memory_space<vmem>>, vector<16xi32>,
        %get3A_1404 = vector.shape_cast %get3A_1403 : vector<16xi32> to vector<16xi32>
        %get3A_1405 = arith.constant 32 : index
        %get3A_1406 = tpu.vector_load %arg8[%get3A_1405] {strides = array<i32>} : memref<1024xf32, #tpu.memory_space<vmem>>, vector<16xf32>,
        %get3A_1407 = vector.shape_cast %get3A_1406 : vector<16xf32> to vector<16xf32>
        %min3A_1408 = arith.minsi %add3A_1395, %select_n3A_1251 : vector<16xi32>
        %max3A_1409 = arith.maxsi %add3A_1395, %select_n3A_1251 : vector<16xi32>
        %mul3A_1410 = arith.constant 512 : i32
        %mul3A_1411 = vector.broadcast %mul3A_1410 : i32 to vector<16xi32>
        %mul3A_1412 = arith.muli %min3A_1408, %mul3A_1411 : vector<16xi32>
        %sub3A_1413 = arith.constant 1 : i32
        %sub3A_1414 = vector.broadcast %sub3A_1413 : i32 to vector<16xi32>
        %sub3A_1415 = arith.subi %min3A_1408, %sub3A_1414 : vector<16xi32>
        %mul3A_1416 = arith.muli %min3A_1408, %sub3A_1415 : vector<16xi32>
        %shift_right_arithmetic3A_1417 = arith.constant 1 : i32
        %shift_right_arithmetic3A_1418 = vector.broadcast %shift_right_arithmetic3A_1417 : i32 to vector<16xi32>
        %shift_right_arithmetic3A_1419 = arith.shrsi %mul3A_1416, %shift_right_arithmetic3A_1418 : vector<16xi32>
        %sub3A_1420 = arith.subi %mul3A_1412, %shift_right_arithmetic3A_1419 : vector<16xi32>
        %sub3A_1421 = arith.subi %max3A_1409, %min3A_1408 : vector<16xi32>
        %add3A_1422 = arith.addi %sub3A_1420, %sub3A_1421 : vector<16xi32>
        %lt3A_1423 = arith.cmpf olt, %get3A_1407, %get3A_1398 : vector<16xf32>
        %eq3A_1424 = arith.cmpf oeq, %get3A_1407, %get3A_1398 : vector<16xf32>
        %lt3A_1425 = arith.cmpi slt, %add3A_1422, %get3A_1401 : vector<16xi32>
        %and3A_1426 = arith.andi %eq3A_1424, %lt3A_1425 : vector<16xi1>
        %or3A_1427 = arith.ori %lt3A_1423, %and3A_1426 : vector<16xi1>
        %lt3A_1428 = arith.constant 0x7F800000 : f32
        %lt3A_1429 = vector.broadcast %lt3A_1428 : f32 to vector<16xf32>
        %lt3A_1430 = arith.cmpf olt, %get3A_1398, %lt3A_1429 : vector<16xf32>
        %and3A_1431 = arith.andi %or3A_1427, %lt3A_1430 : vector<16xi1>
        %select_n3A_1432 = arith.select %and3A_1431, %get3A_1407, %get3A_1398 : vector<16xi1>, vector<16xf32>
        %select_n3A_1433 = arith.select %and3A_1431, %add3A_1422, %get3A_1401 : vector<16xi1>, vector<16xi32>
        %select_n3A_1434 = arith.select %and3A_1431, %select_n3A_1251, %get3A_1404 : vector<16xi1>, vector<16xi32>
        %eq3A_1435 = arith.cmpi eq, %add3A_1395, %select_n3A_1251 : vector<16xi32>
        %jit3A_1436 = arith.constant 0x7F800000 : f32
        %broadcast_in_dim3A_1437 = vector.broadcast %jit3A_1436 : f32 to vector<16xf32>
        %select_n3A_1438 = arith.select %eq3A_1435, %broadcast_in_dim3A_1437, %select_n3A_1432 : vector<16xi1>, vector<16xf32>
        %swap3A_1439 = arith.constant 32 : index
        %swap3A_1440 = tpu.vector_load %arg5[%swap3A_1439] {strides = array<i32>} : memref<512xf32, #tpu.memory_space<vmem>>, vector<16xf32>,
        %swap3A_1441 = vector.shape_cast %swap3A_1440 : vector<16xf32> to vector<16xf32>
        %swap3A_1442 = vector.shape_cast %select_n3A_1438 : vector<16xf32> to vector<16xf32>
        tpu.vector_store %arg5[%swap3A_1439], %swap3A_1442 {strides = array<i32>} : memref<512xf32, #tpu.memory_space<vmem>>, vector<16xf32>,
        %swap3A_1443 = arith.constant 32 : index
        %swap3A_1444 = tpu.vector_load %arg6[%swap3A_1443] {strides = array<i32>} : memref<512xi32, #tpu.memory_space<vmem>>, vector<16xi32>,
        %swap3A_1445 = vector.shape_cast %swap3A_1444 : vector<16xi32> to vector<16xi32>
        %swap3A_1446 = vector.shape_cast %select_n3A_1433 : vector<16xi32> to vector<16xi32>
        tpu.vector_store %arg6[%swap3A_1443], %swap3A_1446 {strides = array<i32>} : memref<512xi32, #tpu.memory_space<vmem>>, vector<16xi32>,
        %swap3A_1447 = arith.constant 32 : index
        %swap3A_1448 = tpu.vector_load %arg7[%swap3A_1447] {strides = array<i32>} : memref<512xi32, #tpu.memory_space<vmem>>, vector<16xi32>,
        %swap3A_1449 = vector.shape_cast %swap3A_1448 : vector<16xi32> to vector<16xi32>
        %swap3A_1450 = vector.shape_cast %select_n3A_1434 : vector<16xi32> to vector<16xi32>
        tpu.vector_store %arg7[%swap3A_1447], %swap3A_1450 {strides = array<i32>} : memref<512xi32, #tpu.memory_space<vmem>>, vector<16xi32>,
        %iota3A_1451 = tpu.iota {dimensions = array<i32: 0>} : vector<16xi32>
        %add3A_1452 = arith.constant 48 : i32
        %add3A_1453 = vector.broadcast %add3A_1452 : i32 to vector<16xi32>
        %add3A_1454 = arith.addi %iota3A_1451, %add3A_1453 : vector<16xi32>
        %get3A_1455 = arith.constant 48 : index
        %get3A_1456 = tpu.vector_load %arg5[%get3A_1455] {strides = array<i32>} : memref<512xf32, #tpu.memory_space<vmem>>, vector<16xf32>,
        %get3A_1457 = vector.shape_cast %get3A_1456 : vector<16xf32> to vector<16xf32>
        %get3A_1458 = arith.constant 48 : index
        %get3A_1459 = tpu.vector_load %arg6[%get3A_1458] {strides = array<i32>} : memref<512xi32, #tpu.memory_space<vmem>>, vector<16xi32>,
        %get3A_1460 = vector.shape_cast %get3A_1459 : vector<16xi32> to vector<16xi32>
        %get3A_1461 = arith.constant 48 : index
        %get3A_1462 = tpu.vector_load %arg7[%get3A_1461] {strides = array<i32>} : memref<512xi32, #tpu.memory_space<vmem>>, vector<16xi32>,
        %get3A_1463 = vector.shape_cast %get3A_1462 : vector<16xi32> to vector<16xi32>
        %get3A_1464 = arith.constant 48 : index
        %get3A_1465 = tpu.vector_load %arg8[%get3A_1464] {strides = array<i32>} : memref<1024xf32, #tpu.memory_space<vmem>>, vector<16xf32>,
        %get3A_1466 = vector.shape_cast %get3A_1465 : vector<16xf32> to vector<16xf32>
        %min3A_1467 = arith.minsi %add3A_1454, %select_n3A_1251 : vector<16xi32>
        %max3A_1468 = arith.maxsi %add3A_1454, %select_n3A_1251 : vector<16xi32>
        %mul3A_1469 = arith.constant 512 : i32
        %mul3A_1470 = vector.broadcast %mul3A_1469 : i32 to vector<16xi32>
        %mul3A_1471 = arith.muli %min3A_1467, %mul3A_1470 : vector<16xi32>
        %sub3A_1472 = arith.constant 1 : i32
        %sub3A_1473 = vector.broadcast %sub3A_1472 : i32 to vector<16xi32>
        %sub3A_1474 = arith.subi %min3A_1467, %sub3A_1473 : vector<16xi32>
        %mul3A_1475 = arith.muli %min3A_1467, %sub3A_1474 : vector<16xi32>
        %shift_right_arithmetic3A_1476 = arith.constant 1 : i32
        %shift_right_arithmetic3A_1477 = vector.broadcast %shift_right_arithmetic3A_1476 : i32 to vector<16xi32>
        %shift_right_arithmetic3A_1478 = arith.shrsi %mul3A_1475, %shift_right_arithmetic3A_1477 : vector<16xi32>
        %sub3A_1479 = arith.subi %mul3A_1471, %shift_right_arithmetic3A_1478 : vector<16xi32>
        %sub3A_1480 = arith.subi %max3A_1468, %min3A_1467 : vector<16xi32>
        %add3A_1481 = arith.addi %sub3A_1479, %sub3A_1480 : vector<16xi32>
        %lt3A_1482 = arith.cmpf olt, %get3A_1466, %get3A_1457 : vector<16xf32>
        %eq3A_1483 = arith.cmpf oeq, %get3A_1466, %get3A_1457 : vector<16xf32>
        %lt3A_1484 = arith.cmpi slt, %add3A_1481, %get3A_1460 : vector<16xi32>
        %and3A_1485 = arith.andi %eq3A_1483, %lt3A_1484 : vector<16xi1>
        %or3A_1486 = arith.ori %lt3A_1482, %and3A_1485 : vector<16xi1>
        %lt3A_1487 = arith.constant 0x7F800000 : f32
        %lt3A_1488 = vector.broadcast %lt3A_1487 : f32 to vector<16xf32>
        %lt3A_1489 = arith.cmpf olt, %get3A_1457, %lt3A_1488 : vector<16xf32>
        %and3A_1490 = arith.andi %or3A_1486, %lt3A_1489 : vector<16xi1>
        %select_n3A_1491 = arith.select %and3A_1490, %get3A_1466, %get3A_1457 : vector<16xi1>, vector<16xf32>
        %select_n3A_1492 = arith.select %and3A_1490, %add3A_1481, %get3A_1460 : vector<16xi1>, vector<16xi32>
        %select_n3A_1493 = arith.select %and3A_1490, %select_n3A_1251, %get3A_1463 : vector<16xi1>, vector<16xi32>
        %eq3A_1494 = arith.cmpi eq, %add3A_1454, %select_n3A_1251 : vector<16xi32>
        %jit3A_1495 = arith.constant 0x7F800000 : f32
        %broadcast_in_dim3A_1496 = vector.broadcast %jit3A_1495 : f32 to vector<16xf32>
        %select_n3A_1497 = arith.select %eq3A_1494, %broadcast_in_dim3A_1496, %select_n3A_1491 : vector<16xi1>, vector<16xf32>
        %swap3A_1498 = arith.constant 48 : index
        %swap3A_1499 = tpu.vector_load %arg5[%swap3A_1498] {strides = array<i32>} : memref<512xf32, #tpu.memory_space<vmem>>, vector<16xf32>,
        %swap3A_1500 = vector.shape_cast %swap3A_1499 : vector<16xf32> to vector<16xf32>
        %swap3A_1501 = vector.shape_cast %select_n3A_1497 : vector<16xf32> to vector<16xf32>
        tpu.vector_store %arg5[%swap3A_1498], %swap3A_1501 {strides = array<i32>} : memref<512xf32, #tpu.memory_space<vmem>>, vector<16xf32>,
        %swap3A_1502 = arith.constant 48 : index
        %swap3A_1503 = tpu.vector_load %arg6[%swap3A_1502] {strides = array<i32>} : memref<512xi32, #tpu.memory_space<vmem>>, vector<16xi32>,
        %swap3A_1504 = vector.shape_cast %swap3A_1503 : vector<16xi32> to vector<16xi32>
        %swap3A_1505 = vector.shape_cast %select_n3A_1492 : vector<16xi32> to vector<16xi32>
        tpu.vector_store %arg6[%swap3A_1502], %swap3A_1505 {strides = array<i32>} : memref<512xi32, #tpu.memory_space<vmem>>, vector<16xi32>,
        %swap3A_1506 = arith.constant 48 : index
        %swap3A_1507 = tpu.vector_load %arg7[%swap3A_1506] {strides = array<i32>} : memref<512xi32, #tpu.memory_space<vmem>>, vector<16xi32>,
        %swap3A_1508 = vector.shape_cast %swap3A_1507 : vector<16xi32> to vector<16xi32>
        %swap3A_1509 = vector.shape_cast %select_n3A_1493 : vector<16xi32> to vector<16xi32>
        tpu.vector_store %arg7[%swap3A_1506], %swap3A_1509 {strides = array<i32>} : memref<512xi32, #tpu.memory_space<vmem>>, vector<16xi32>,
        %iota3A_1510 = tpu.iota {dimensions = array<i32: 0>} : vector<16xi32>
        %add3A_1511 = arith.constant 64 : i32
        %add3A_1512 = vector.broadcast %add3A_1511 : i32 to vector<16xi32>
        %add3A_1513 = arith.addi %iota3A_1510, %add3A_1512 : vector<16xi32>
        %get3A_1514 = arith.constant 64 : index
        %get3A_1515 = tpu.vector_load %arg5[%get3A_1514] {strides = array<i32>} : memref<512xf32, #tpu.memory_space<vmem>>, vector<16xf32>,
        %get3A_1516 = vector.shape_cast %get3A_1515 : vector<16xf32> to vector<16xf32>
        %get3A_1517 = arith.constant 64 : index
        %get3A_1518 = tpu.vector_load %arg6[%get3A_1517] {strides = array<i32>} : memref<512xi32, #tpu.memory_space<vmem>>, vector<16xi32>,
        %get3A_1519 = vector.shape_cast %get3A_1518 : vector<16xi32> to vector<16xi32>
        %get3A_1520 = arith.constant 64 : index
        %get3A_1521 = tpu.vector_load %arg7[%get3A_1520] {strides = array<i32>} : memref<512xi32, #tpu.memory_space<vmem>>, vector<16xi32>,
        %get3A_1522 = vector.shape_cast %get3A_1521 : vector<16xi32> to vector<16xi32>
        %get3A_1523 = arith.constant 64 : index
        %get3A_1524 = tpu.vector_load %arg8[%get3A_1523] {strides = array<i32>} : memref<1024xf32, #tpu.memory_space<vmem>>, vector<16xf32>,
        %get3A_1525 = vector.shape_cast %get3A_1524 : vector<16xf32> to vector<16xf32>
        %min3A_1526 = arith.minsi %add3A_1513, %select_n3A_1251 : vector<16xi32>
        %max3A_1527 = arith.maxsi %add3A_1513, %select_n3A_1251 : vector<16xi32>
        %mul3A_1528 = arith.constant 512 : i32
        %mul3A_1529 = vector.broadcast %mul3A_1528 : i32 to vector<16xi32>
        %mul3A_1530 = arith.muli %min3A_1526, %mul3A_1529 : vector<16xi32>
        %sub3A_1531 = arith.constant 1 : i32
        %sub3A_1532 = vector.broadcast %sub3A_1531 : i32 to vector<16xi32>
        %sub3A_1533 = arith.subi %min3A_1526, %sub3A_1532 : vector<16xi32>
        %mul3A_1534 = arith.muli %min3A_1526, %sub3A_1533 : vector<16xi32>
        %shift_right_arithmetic3A_1535 = arith.constant 1 : i32
        %shift_right_arithmetic3A_1536 = vector.broadcast %shift_right_arithmetic3A_1535 : i32 to vector<16xi32>
        %shift_right_arithmetic3A_1537 = arith.shrsi %mul3A_1534, %shift_right_arithmetic3A_1536 : vector<16xi32>
        %sub3A_1538 = arith.subi %mul3A_1530, %shift_right_arithmetic3A_1537 : vector<16xi32>
        %sub3A_1539 = arith.subi %max3A_1527, %min3A_1526 : vector<16xi32>
        %add3A_1540 = arith.addi %sub3A_1538, %sub3A_1539 : vector<16xi32>
        %lt3A_1541 = arith.cmpf olt, %get3A_1525, %get3A_1516 : vector<16xf32>
        %eq3A_1542 = arith.cmpf oeq, %get3A_1525, %get3A_1516 : vector<16xf32>
        %lt3A_1543 = arith.cmpi slt, %add3A_1540, %get3A_1519 : vector<16xi32>
        %and3A_1544 = arith.andi %eq3A_1542, %lt3A_1543 : vector<16xi1>
        %or3A_1545 = arith.ori %lt3A_1541, %and3A_1544 : vector<16xi1>
        %lt3A_1546 = arith.constant 0x7F800000 : f32
        %lt3A_1547 = vector.broadcast %lt3A_1546 : f32 to vector<16xf32>
        %lt3A_1548 = arith.cmpf olt, %get3A_1516, %lt3A_1547 : vector<16xf32>
        %and3A_1549 = arith.andi %or3A_1545, %lt3A_1548 : vector<16xi1>
        %select_n3A_1550 = arith.select %and3A_1549, %get3A_1525, %get3A_1516 : vector<16xi1>, vector<16xf32>
        %select_n3A_1551 = arith.select %and3A_1549, %add3A_1540, %get3A_1519 : vector<16xi1>, vector<16xi32>
        %select_n3A_1552 = arith.select %and3A_1549, %select_n3A_1251, %get3A_1522 : vector<16xi1>, vector<16xi32>
        %eq3A_1553 = arith.cmpi eq, %add3A_1513, %select_n3A_1251 : vector<16xi32>
        %jit3A_1554 = arith.constant 0x7F800000 : f32
        %broadcast_in_dim3A_1555 = vector.broadcast %jit3A_1554 : f32 to vector<16xf32>
        %select_n3A_1556 = arith.select %eq3A_1553, %broadcast_in_dim3A_1555, %select_n3A_1550 : vector<16xi1>, vector<16xf32>
        %swap3A_1557 = arith.constant 64 : index
        %swap3A_1558 = tpu.vector_load %arg5[%swap3A_1557] {strides = array<i32>} : memref<512xf32, #tpu.memory_space<vmem>>, vector<16xf32>,
        %swap3A_1559 = vector.shape_cast %swap3A_1558 : vector<16xf32> to vector<16xf32>
        %swap3A_1560 = vector.shape_cast %select_n3A_1556 : vector<16xf32> to vector<16xf32>
        tpu.vector_store %arg5[%swap3A_1557], %swap3A_1560 {strides = array<i32>} : memref<512xf32, #tpu.memory_space<vmem>>, vector<16xf32>,
        %swap3A_1561 = arith.constant 64 : index
        %swap3A_1562 = tpu.vector_load %arg6[%swap3A_1561] {strides = array<i32>} : memref<512xi32, #tpu.memory_space<vmem>>, vector<16xi32>,
        %swap3A_1563 = vector.shape_cast %swap3A_1562 : vector<16xi32> to vector<16xi32>
        %swap3A_1564 = vector.shape_cast %select_n3A_1551 : vector<16xi32> to vector<16xi32>
        tpu.vector_store %arg6[%swap3A_1561], %swap3A_1564 {strides = array<i32>} : memref<512xi32, #tpu.memory_space<vmem>>, vector<16xi32>,
        %swap3A_1565 = arith.constant 64 : index
        %swap3A_1566 = tpu.vector_load %arg7[%swap3A_1565] {strides = array<i32>} : memref<512xi32, #tpu.memory_space<vmem>>, vector<16xi32>,
        %swap3A_1567 = vector.shape_cast %swap3A_1566 : vector<16xi32> to vector<16xi32>
        %swap3A_1568 = vector.shape_cast %select_n3A_1552 : vector<16xi32> to vector<16xi32>
        tpu.vector_store %arg7[%swap3A_1565], %swap3A_1568 {strides = array<i32>} : memref<512xi32, #tpu.memory_space<vmem>>, vector<16xi32>,
        %iota3A_1569 = tpu.iota {dimensions = array<i32: 0>} : vector<16xi32>
        %add3A_1570 = arith.constant 80 : i32
        %add3A_1571 = vector.broadcast %add3A_1570 : i32 to vector<16xi32>
        %add3A_1572 = arith.addi %iota3A_1569, %add3A_1571 : vector<16xi32>
        %get3A_1573 = arith.constant 80 : index
        %get3A_1574 = tpu.vector_load %arg5[%get3A_1573] {strides = array<i32>} : memref<512xf32, #tpu.memory_space<vmem>>, vector<16xf32>,
        %get3A_1575 = vector.shape_cast %get3A_1574 : vector<16xf32> to vector<16xf32>
        %get3A_1576 = arith.constant 80 : index
        %get3A_1577 = tpu.vector_load %arg6[%get3A_1576] {strides = array<i32>} : memref<512xi32, #tpu.memory_space<vmem>>, vector<16xi32>,
        %get3A_1578 = vector.shape_cast %get3A_1577 : vector<16xi32> to vector<16xi32>
        %get3A_1579 = arith.constant 80 : index
        %get3A_1580 = tpu.vector_load %arg7[%get3A_1579] {strides = array<i32>} : memref<512xi32, #tpu.memory_space<vmem>>, vector<16xi32>,
        %get3A_1581 = vector.shape_cast %get3A_1580 : vector<16xi32> to vector<16xi32>
        %get3A_1582 = arith.constant 80 : index
        %get3A_1583 = tpu.vector_load %arg8[%get3A_1582] {strides = array<i32>} : memref<1024xf32, #tpu.memory_space<vmem>>, vector<16xf32>,
        %get3A_1584 = vector.shape_cast %get3A_1583 : vector<16xf32> to vector<16xf32>
        %min3A_1585 = arith.minsi %add3A_1572, %select_n3A_1251 : vector<16xi32>
        %max3A_1586 = arith.maxsi %add3A_1572, %select_n3A_1251 : vector<16xi32>
        %mul3A_1587 = arith.constant 512 : i32
        %mul3A_1588 = vector.broadcast %mul3A_1587 : i32 to vector<16xi32>
        %mul3A_1589 = arith.muli %min3A_1585, %mul3A_1588 : vector<16xi32>
        %sub3A_1590 = arith.constant 1 : i32
        %sub3A_1591 = vector.broadcast %sub3A_1590 : i32 to vector<16xi32>
        %sub3A_1592 = arith.subi %min3A_1585, %sub3A_1591 : vector<16xi32>
        %mul3A_1593 = arith.muli %min3A_1585, %sub3A_1592 : vector<16xi32>
        %shift_right_arithmetic3A_1594 = arith.constant 1 : i32
        %shift_right_arithmetic3A_1595 = vector.broadcast %shift_right_arithmetic3A_1594 : i32 to vector<16xi32>
        %shift_right_arithmetic3A_1596 = arith.shrsi %mul3A_1593, %shift_right_arithmetic3A_1595 : vector<16xi32>
        %sub3A_1597 = arith.subi %mul3A_1589, %shift_right_arithmetic3A_1596 : vector<16xi32>
        %sub3A_1598 = arith.subi %max3A_1586, %min3A_1585 : vector<16xi32>
        %add3A_1599 = arith.addi %sub3A_1597, %sub3A_1598 : vector<16xi32>
        %lt3A_1600 = arith.cmpf olt, %get3A_1584, %get3A_1575 : vector<16xf32>
        %eq3A_1601 = arith.cmpf oeq, %get3A_1584, %get3A_1575 : vector<16xf32>
        %lt3A_1602 = arith.cmpi slt, %add3A_1599, %get3A_1578 : vector<16xi32>
        %and3A_1603 = arith.andi %eq3A_1601, %lt3A_1602 : vector<16xi1>
        %or3A_1604 = arith.ori %lt3A_1600, %and3A_1603 : vector<16xi1>
        %lt3A_1605 = arith.constant 0x7F800000 : f32
        %lt3A_1606 = vector.broadcast %lt3A_1605 : f32 to vector<16xf32>
        %lt3A_1607 = arith.cmpf olt, %get3A_1575, %lt3A_1606 : vector<16xf32>
        %and3A_1608 = arith.andi %or3A_1604, %lt3A_1607 : vector<16xi1>
        %select_n3A_1609 = arith.select %and3A_1608, %get3A_1584, %get3A_1575 : vector<16xi1>, vector<16xf32>
        %select_n3A_1610 = arith.select %and3A_1608, %add3A_1599, %get3A_1578 : vector<16xi1>, vector<16xi32>
        %select_n3A_1611 = arith.select %and3A_1608, %select_n3A_1251, %get3A_1581 : vector<16xi1>, vector<16xi32>
        %eq3A_1612 = arith.cmpi eq, %add3A_1572, %select_n3A_1251 : vector<16xi32>
        %jit3A_1613 = arith.constant 0x7F800000 : f32
        %broadcast_in_dim3A_1614 = vector.broadcast %jit3A_1613 : f32 to vector<16xf32>
        %select_n3A_1615 = arith.select %eq3A_1612, %broadcast_in_dim3A_1614, %select_n3A_1609 : vector<16xi1>, vector<16xf32>
        %swap3A_1616 = arith.constant 80 : index
        %swap3A_1617 = tpu.vector_load %arg5[%swap3A_1616] {strides = array<i32>} : memref<512xf32, #tpu.memory_space<vmem>>, vector<16xf32>,
        %swap3A_1618 = vector.shape_cast %swap3A_1617 : vector<16xf32> to vector<16xf32>
        %swap3A_1619 = vector.shape_cast %select_n3A_1615 : vector<16xf32> to vector<16xf32>
        tpu.vector_store %arg5[%swap3A_1616], %swap3A_1619 {strides = array<i32>} : memref<512xf32, #tpu.memory_space<vmem>>, vector<16xf32>,
        %swap3A_1620 = arith.constant 80 : index
        %swap3A_1621 = tpu.vector_load %arg6[%swap3A_1620] {strides = array<i32>} : memref<512xi32, #tpu.memory_space<vmem>>, vector<16xi32>,
        %swap3A_1622 = vector.shape_cast %swap3A_1621 : vector<16xi32> to vector<16xi32>
        %swap3A_1623 = vector.shape_cast %select_n3A_1610 : vector<16xi32> to vector<16xi32>
        tpu.vector_store %arg6[%swap3A_1620], %swap3A_1623 {strides = array<i32>} : memref<512xi32, #tpu.memory_space<vmem>>, vector<16xi32>,
        %swap3A_1624 = arith.constant 80 : index
        %swap3A_1625 = tpu.vector_load %arg7[%swap3A_1624] {strides = array<i32>} : memref<512xi32, #tpu.memory_space<vmem>>, vector<16xi32>,
        %swap3A_1626 = vector.shape_cast %swap3A_1625 : vector<16xi32> to vector<16xi32>
        %swap3A_1627 = vector.shape_cast %select_n3A_1611 : vector<16xi32> to vector<16xi32>
        tpu.vector_store %arg7[%swap3A_1624], %swap3A_1627 {strides = array<i32>} : memref<512xi32, #tpu.memory_space<vmem>>, vector<16xi32>,
        %iota3A_1628 = tpu.iota {dimensions = array<i32: 0>} : vector<16xi32>
        %add3A_1629 = arith.constant 96 : i32
        %add3A_1630 = vector.broadcast %add3A_1629 : i32 to vector<16xi32>
        %add3A_1631 = arith.addi %iota3A_1628, %add3A_1630 : vector<16xi32>
        %get3A_1632 = arith.constant 96 : index
        %get3A_1633 = tpu.vector_load %arg5[%get3A_1632] {strides = array<i32>} : memref<512xf32, #tpu.memory_space<vmem>>, vector<16xf32>,
        %get3A_1634 = vector.shape_cast %get3A_1633 : vector<16xf32> to vector<16xf32>
        %get3A_1635 = arith.constant 96 : index
        %get3A_1636 = tpu.vector_load %arg6[%get3A_1635] {strides = array<i32>} : memref<512xi32, #tpu.memory_space<vmem>>, vector<16xi32>,
        %get3A_1637 = vector.shape_cast %get3A_1636 : vector<16xi32> to vector<16xi32>
        %get3A_1638 = arith.constant 96 : index
        %get3A_1639 = tpu.vector_load %arg7[%get3A_1638] {strides = array<i32>} : memref<512xi32, #tpu.memory_space<vmem>>, vector<16xi32>,
        %get3A_1640 = vector.shape_cast %get3A_1639 : vector<16xi32> to vector<16xi32>
        %get3A_1641 = arith.constant 96 : index
        %get3A_1642 = tpu.vector_load %arg8[%get3A_1641] {strides = array<i32>} : memref<1024xf32, #tpu.memory_space<vmem>>, vector<16xf32>,
        %get3A_1643 = vector.shape_cast %get3A_1642 : vector<16xf32> to vector<16xf32>
        %min3A_1644 = arith.minsi %add3A_1631, %select_n3A_1251 : vector<16xi32>
        %max3A_1645 = arith.maxsi %add3A_1631, %select_n3A_1251 : vector<16xi32>
        %mul3A_1646 = arith.constant 512 : i32
        %mul3A_1647 = vector.broadcast %mul3A_1646 : i32 to vector<16xi32>
        %mul3A_1648 = arith.muli %min3A_1644, %mul3A_1647 : vector<16xi32>
        %sub3A_1649 = arith.constant 1 : i32
        %sub3A_1650 = vector.broadcast %sub3A_1649 : i32 to vector<16xi32>
        %sub3A_1651 = arith.subi %min3A_1644, %sub3A_1650 : vector<16xi32>
        %mul3A_1652 = arith.muli %min3A_1644, %sub3A_1651 : vector<16xi32>
        %shift_right_arithmetic3A_1653 = arith.constant 1 : i32
        %shift_right_arithmetic3A_1654 = vector.broadcast %shift_right_arithmetic3A_1653 : i32 to vector<16xi32>
        %shift_right_arithmetic3A_1655 = arith.shrsi %mul3A_1652, %shift_right_arithmetic3A_1654 : vector<16xi32>
        %sub3A_1656 = arith.subi %mul3A_1648, %shift_right_arithmetic3A_1655 : vector<16xi32>
        %sub3A_1657 = arith.subi %max3A_1645, %min3A_1644 : vector<16xi32>
        %add3A_1658 = arith.addi %sub3A_1656, %sub3A_1657 : vector<16xi32>
        %lt3A_1659 = arith.cmpf olt, %get3A_1643, %get3A_1634 : vector<16xf32>
        %eq3A_1660 = arith.cmpf oeq, %get3A_1643, %get3A_1634 : vector<16xf32>
        %lt3A_1661 = arith.cmpi slt, %add3A_1658, %get3A_1637 : vector<16xi32>
        %and3A_1662 = arith.andi %eq3A_1660, %lt3A_1661 : vector<16xi1>
        %or3A_1663 = arith.ori %lt3A_1659, %and3A_1662 : vector<16xi1>
        %lt3A_1664 = arith.constant 0x7F800000 : f32
        %lt3A_1665 = vector.broadcast %lt3A_1664 : f32 to vector<16xf32>
        %lt3A_1666 = arith.cmpf olt, %get3A_1634, %lt3A_1665 : vector<16xf32>
        %and3A_1667 = arith.andi %or3A_1663, %lt3A_1666 : vector<16xi1>
        %select_n3A_1668 = arith.select %and3A_1667, %get3A_1643, %get3A_1634 : vector<16xi1>, vector<16xf32>
        %select_n3A_1669 = arith.select %and3A_1667, %add3A_1658, %get3A_1637 : vector<16xi1>, vector<16xi32>
        %select_n3A_1670 = arith.select %and3A_1667, %select_n3A_1251, %get3A_1640 : vector<16xi1>, vector<16xi32>
        %eq3A_1671 = arith.cmpi eq, %add3A_1631, %select_n3A_1251 : vector<16xi32>
        %jit3A_1672 = arith.constant 0x7F800000 : f32
        %broadcast_in_dim3A_1673 = vector.broadcast %jit3A_1672 : f32 to vector<16xf32>
        %select_n3A_1674 = arith.select %eq3A_1671, %broadcast_in_dim3A_1673, %select_n3A_1668 : vector<16xi1>, vector<16xf32>
        %swap3A_1675 = arith.constant 96 : index
        %swap3A_1676 = tpu.vector_load %arg5[%swap3A_1675] {strides = array<i32>} : memref<512xf32, #tpu.memory_space<vmem>>, vector<16xf32>,
        %swap3A_1677 = vector.shape_cast %swap3A_1676 : vector<16xf32> to vector<16xf32>
        %swap3A_1678 = vector.shape_cast %select_n3A_1674 : vector<16xf32> to vector<16xf32>
        tpu.vector_store %arg5[%swap3A_1675], %swap3A_1678 {strides = array<i32>} : memref<512xf32, #tpu.memory_space<vmem>>, vector<16xf32>,
        %swap3A_1679 = arith.constant 96 : index
        %swap3A_1680 = tpu.vector_load %arg6[%swap3A_1679] {strides = array<i32>} : memref<512xi32, #tpu.memory_space<vmem>>, vector<16xi32>,
        %swap3A_1681 = vector.shape_cast %swap3A_1680 : vector<16xi32> to vector<16xi32>
        %swap3A_1682 = vector.shape_cast %select_n3A_1669 : vector<16xi32> to vector<16xi32>
        tpu.vector_store %arg6[%swap3A_1679], %swap3A_1682 {strides = array<i32>} : memref<512xi32, #tpu.memory_space<vmem>>, vector<16xi32>,
        %swap3A_1683 = arith.constant 96 : index
        %swap3A_1684 = tpu.vector_load %arg7[%swap3A_1683] {strides = array<i32>} : memref<512xi32, #tpu.memory_space<vmem>>, vector<16xi32>,
        %swap3A_1685 = vector.shape_cast %swap3A_1684 : vector<16xi32> to vector<16xi32>
        %swap3A_1686 = vector.shape_cast %select_n3A_1670 : vector<16xi32> to vector<16xi32>
        tpu.vector_store %arg7[%swap3A_1683], %swap3A_1686 {strides = array<i32>} : memref<512xi32, #tpu.memory_space<vmem>>, vector<16xi32>,
        %iota3A_1687 = tpu.iota {dimensions = array<i32: 0>} : vector<16xi32>
        %add3A_1688 = arith.constant 112 : i32
        %add3A_1689 = vector.broadcast %add3A_1688 : i32 to vector<16xi32>
        %add3A_1690 = arith.addi %iota3A_1687, %add3A_1689 : vector<16xi32>
        %get3A_1691 = arith.constant 112 : index
        %get3A_1692 = tpu.vector_load %arg5[%get3A_1691] {strides = array<i32>} : memref<512xf32, #tpu.memory_space<vmem>>, vector<16xf32>,
        %get3A_1693 = vector.shape_cast %get3A_1692 : vector<16xf32> to vector<16xf32>
        %get3A_1694 = arith.constant 112 : index
        %get3A_1695 = tpu.vector_load %arg6[%get3A_1694] {strides = array<i32>} : memref<512xi32, #tpu.memory_space<vmem>>, vector<16xi32>,
        %get3A_1696 = vector.shape_cast %get3A_1695 : vector<16xi32> to vector<16xi32>
        %get3A_1697 = arith.constant 112 : index
        %get3A_1698 = tpu.vector_load %arg7[%get3A_1697] {strides = array<i32>} : memref<512xi32, #tpu.memory_space<vmem>>, vector<16xi32>,
        %get3A_1699 = vector.shape_cast %get3A_1698 : vector<16xi32> to vector<16xi32>
        %get3A_1700 = arith.constant 112 : index
        %get3A_1701 = tpu.vector_load %arg8[%get3A_1700] {strides = array<i32>} : memref<1024xf32, #tpu.memory_space<vmem>>, vector<16xf32>,
        %get3A_1702 = vector.shape_cast %get3A_1701 : vector<16xf32> to vector<16xf32>
        %min3A_1703 = arith.minsi %add3A_1690, %select_n3A_1251 : vector<16xi32>
        %max3A_1704 = arith.maxsi %add3A_1690, %select_n3A_1251 : vector<16xi32>
        %mul3A_1705 = arith.constant 512 : i32
        %mul3A_1706 = vector.broadcast %mul3A_1705 : i32 to vector<16xi32>
        %mul3A_1707 = arith.muli %min3A_1703, %mul3A_1706 : vector<16xi32>
        %sub3A_1708 = arith.constant 1 : i32
        %sub3A_1709 = vector.broadcast %sub3A_1708 : i32 to vector<16xi32>
        %sub3A_1710 = arith.subi %min3A_1703, %sub3A_1709 : vector<16xi32>
        %mul3A_1711 = arith.muli %min3A_1703, %sub3A_1710 : vector<16xi32>
        %shift_right_arithmetic3A_1712 = arith.constant 1 : i32
        %shift_right_arithmetic3A_1713 = vector.broadcast %shift_right_arithmetic3A_1712 : i32 to vector<16xi32>
        %shift_right_arithmetic3A_1714 = arith.shrsi %mul3A_1711, %shift_right_arithmetic3A_1713 : vector<16xi32>
        %sub3A_1715 = arith.subi %mul3A_1707, %shift_right_arithmetic3A_1714 : vector<16xi32>
        %sub3A_1716 = arith.subi %max3A_1704, %min3A_1703 : vector<16xi32>
        %add3A_1717 = arith.addi %sub3A_1715, %sub3A_1716 : vector<16xi32>
        %lt3A_1718 = arith.cmpf olt, %get3A_1702, %get3A_1693 : vector<16xf32>
        %eq3A_1719 = arith.cmpf oeq, %get3A_1702, %get3A_1693 : vector<16xf32>
        %lt3A_1720 = arith.cmpi slt, %add3A_1717, %get3A_1696 : vector<16xi32>
        %and3A_1721 = arith.andi %eq3A_1719, %lt3A_1720 : vector<16xi1>
        %or3A_1722 = arith.ori %lt3A_1718, %and3A_1721 : vector<16xi1>
        %lt3A_1723 = arith.constant 0x7F800000 : f32
        %lt3A_1724 = vector.broadcast %lt3A_1723 : f32 to vector<16xf32>
        %lt3A_1725 = arith.cmpf olt, %get3A_1693, %lt3A_1724 : vector<16xf32>
        %and3A_1726 = arith.andi %or3A_1722, %lt3A_1725 : vector<16xi1>
        %select_n3A_1727 = arith.select %and3A_1726, %get3A_1702, %get3A_1693 : vector<16xi1>, vector<16xf32>
        %select_n3A_1728 = arith.select %and3A_1726, %add3A_1717, %get3A_1696 : vector<16xi1>, vector<16xi32>
        %select_n3A_1729 = arith.select %and3A_1726, %select_n3A_1251, %get3A_1699 : vector<16xi1>, vector<16xi32>
        %eq3A_1730 = arith.cmpi eq, %add3A_1690, %select_n3A_1251 : vector<16xi32>
        %jit3A_1731 = arith.constant 0x7F800000 : f32
        %broadcast_in_dim3A_1732 = vector.broadcast %jit3A_1731 : f32 to vector<16xf32>
        %select_n3A_1733 = arith.select %eq3A_1730, %broadcast_in_dim3A_1732, %select_n3A_1727 : vector<16xi1>, vector<16xf32>
        %swap3A_1734 = arith.constant 112 : index
        %swap3A_1735 = tpu.vector_load %arg5[%swap3A_1734] {strides = array<i32>} : memref<512xf32, #tpu.memory_space<vmem>>, vector<16xf32>,
        %swap3A_1736 = vector.shape_cast %swap3A_1735 : vector<16xf32> to vector<16xf32>
        %swap3A_1737 = vector.shape_cast %select_n3A_1733 : vector<16xf32> to vector<16xf32>
        tpu.vector_store %arg5[%swap3A_1734], %swap3A_1737 {strides = array<i32>} : memref<512xf32, #tpu.memory_space<vmem>>, vector<16xf32>,
        %swap3A_1738 = arith.constant 112 : index
        %swap3A_1739 = tpu.vector_load %arg6[%swap3A_1738] {strides = array<i32>} : memref<512xi32, #tpu.memory_space<vmem>>, vector<16xi32>,
        %swap3A_1740 = vector.shape_cast %swap3A_1739 : vector<16xi32> to vector<16xi32>
        %swap3A_1741 = vector.shape_cast %select_n3A_1728 : vector<16xi32> to vector<16xi32>
        tpu.vector_store %arg6[%swap3A_1738], %swap3A_1741 {strides = array<i32>} : memref<512xi32, #tpu.memory_space<vmem>>, vector<16xi32>,
        %swap3A_1742 = arith.constant 112 : index
        %swap3A_1743 = tpu.vector_load %arg7[%swap3A_1742] {strides = array<i32>} : memref<512xi32, #tpu.memory_space<vmem>>, vector<16xi32>,
        %swap3A_1744 = vector.shape_cast %swap3A_1743 : vector<16xi32> to vector<16xi32>
        %swap3A_1745 = vector.shape_cast %select_n3A_1729 : vector<16xi32> to vector<16xi32>
        tpu.vector_store %arg7[%swap3A_1742], %swap3A_1745 {strides = array<i32>} : memref<512xi32, #tpu.memory_space<vmem>>, vector<16xi32>,
        %iota3A_1746 = tpu.iota {dimensions = array<i32: 0>} : vector<16xi32>
        %add3A_1747 = arith.constant 128 : i32
        %add3A_1748 = vector.broadcast %add3A_1747 : i32 to vector<16xi32>
        %add3A_1749 = arith.addi %iota3A_1746, %add3A_1748 : vector<16xi32>
        %get3A_1750 = arith.constant 128 : index
        %get3A_1751 = tpu.vector_load %arg5[%get3A_1750] {strides = array<i32>} : memref<512xf32, #tpu.memory_space<vmem>>, vector<16xf32>,
        %get3A_1752 = vector.shape_cast %get3A_1751 : vector<16xf32> to vector<16xf32>
        %get3A_1753 = arith.constant 128 : index
        %get3A_1754 = tpu.vector_load %arg6[%get3A_1753] {strides = array<i32>} : memref<512xi32, #tpu.memory_space<vmem>>, vector<16xi32>,
        %get3A_1755 = vector.shape_cast %get3A_1754 : vector<16xi32> to vector<16xi32>
        %get3A_1756 = arith.constant 128 : index
        %get3A_1757 = tpu.vector_load %arg7[%get3A_1756] {strides = array<i32>} : memref<512xi32, #tpu.memory_space<vmem>>, vector<16xi32>,
        %get3A_1758 = vector.shape_cast %get3A_1757 : vector<16xi32> to vector<16xi32>
        %get3A_1759 = arith.constant 128 : index
        %get3A_1760 = tpu.vector_load %arg8[%get3A_1759] {strides = array<i32>} : memref<1024xf32, #tpu.memory_space<vmem>>, vector<16xf32>,
        %get3A_1761 = vector.shape_cast %get3A_1760 : vector<16xf32> to vector<16xf32>
        %min3A_1762 = arith.minsi %add3A_1749, %select_n3A_1251 : vector<16xi32>
        %max3A_1763 = arith.maxsi %add3A_1749, %select_n3A_1251 : vector<16xi32>
        %mul3A_1764 = arith.constant 512 : i32
        %mul3A_1765 = vector.broadcast %mul3A_1764 : i32 to vector<16xi32>
        %mul3A_1766 = arith.muli %min3A_1762, %mul3A_1765 : vector<16xi32>
        %sub3A_1767 = arith.constant 1 : i32
        %sub3A_1768 = vector.broadcast %sub3A_1767 : i32 to vector<16xi32>
        %sub3A_1769 = arith.subi %min3A_1762, %sub3A_1768 : vector<16xi32>
        %mul3A_1770 = arith.muli %min3A_1762, %sub3A_1769 : vector<16xi32>
        %shift_right_arithmetic3A_1771 = arith.constant 1 : i32
        %shift_right_arithmetic3A_1772 = vector.broadcast %shift_right_arithmetic3A_1771 : i32 to vector<16xi32>
        %shift_right_arithmetic3A_1773 = arith.shrsi %mul3A_1770, %shift_right_arithmetic3A_1772 : vector<16xi32>
        %sub3A_1774 = arith.subi %mul3A_1766, %shift_right_arithmetic3A_1773 : vector<16xi32>
        %sub3A_1775 = arith.subi %max3A_1763, %min3A_1762 : vector<16xi32>
        %add3A_1776 = arith.addi %sub3A_1774, %sub3A_1775 : vector<16xi32>
        %lt3A_1777 = arith.cmpf olt, %get3A_1761, %get3A_1752 : vector<16xf32>
        %eq3A_1778 = arith.cmpf oeq, %get3A_1761, %get3A_1752 : vector<16xf32>
        %lt3A_1779 = arith.cmpi slt, %add3A_1776, %get3A_1755 : vector<16xi32>
        %and3A_1780 = arith.andi %eq3A_1778, %lt3A_1779 : vector<16xi1>
        %or3A_1781 = arith.ori %lt3A_1777, %and3A_1780 : vector<16xi1>
        %lt3A_1782 = arith.constant 0x7F800000 : f32
        %lt3A_1783 = vector.broadcast %lt3A_1782 : f32 to vector<16xf32>
        %lt3A_1784 = arith.cmpf olt, %get3A_1752, %lt3A_1783 : vector<16xf32>
        %and3A_1785 = arith.andi %or3A_1781, %lt3A_1784 : vector<16xi1>
        %select_n3A_1786 = arith.select %and3A_1785, %get3A_1761, %get3A_1752 : vector<16xi1>, vector<16xf32>
        %select_n3A_1787 = arith.select %and3A_1785, %add3A_1776, %get3A_1755 : vector<16xi1>, vector<16xi32>
        %select_n3A_1788 = arith.select %and3A_1785, %select_n3A_1251, %get3A_1758 : vector<16xi1>, vector<16xi32>
        %eq3A_1789 = arith.cmpi eq, %add3A_1749, %select_n3A_1251 : vector<16xi32>
        %jit3A_1790 = arith.constant 0x7F800000 : f32
        %broadcast_in_dim3A_1791 = vector.broadcast %jit3A_1790 : f32 to vector<16xf32>
        %select_n3A_1792 = arith.select %eq3A_1789, %broadcast_in_dim3A_1791, %select_n3A_1786 : vector<16xi1>, vector<16xf32>
        %swap3A_1793 = arith.constant 128 : index
        %swap3A_1794 = tpu.vector_load %arg5[%swap3A_1793] {strides = array<i32>} : memref<512xf32, #tpu.memory_space<vmem>>, vector<16xf32>,
        %swap3A_1795 = vector.shape_cast %swap3A_1794 : vector<16xf32> to vector<16xf32>
        %swap3A_1796 = vector.shape_cast %select_n3A_1792 : vector<16xf32> to vector<16xf32>
        tpu.vector_store %arg5[%swap3A_1793], %swap3A_1796 {strides = array<i32>} : memref<512xf32, #tpu.memory_space<vmem>>, vector<16xf32>,
        %swap3A_1797 = arith.constant 128 : index
        %swap3A_1798 = tpu.vector_load %arg6[%swap3A_1797] {strides = array<i32>} : memref<512xi32, #tpu.memory_space<vmem>>, vector<16xi32>,
        %swap3A_1799 = vector.shape_cast %swap3A_1798 : vector<16xi32> to vector<16xi32>
        %swap3A_1800 = vector.shape_cast %select_n3A_1787 : vector<16xi32> to vector<16xi32>
        tpu.vector_store %arg6[%swap3A_1797], %swap3A_1800 {strides = array<i32>} : memref<512xi32, #tpu.memory_space<vmem>>, vector<16xi32>,
        %swap3A_1801 = arith.constant 128 : index
        %swap3A_1802 = tpu.vector_load %arg7[%swap3A_1801] {strides = array<i32>} : memref<512xi32, #tpu.memory_space<vmem>>, vector<16xi32>,
        %swap3A_1803 = vector.shape_cast %swap3A_1802 : vector<16xi32> to vector<16xi32>
        %swap3A_1804 = vector.shape_cast %select_n3A_1788 : vector<16xi32> to vector<16xi32>
        tpu.vector_store %arg7[%swap3A_1801], %swap3A_1804 {strides = array<i32>} : memref<512xi32, #tpu.memory_space<vmem>>, vector<16xi32>,
        %iota3A_1805 = tpu.iota {dimensions = array<i32: 0>} : vector<16xi32>
        %add3A_1806 = arith.constant 144 : i32
        %add3A_1807 = vector.broadcast %add3A_1806 : i32 to vector<16xi32>
        %add3A_1808 = arith.addi %iota3A_1805, %add3A_1807 : vector<16xi32>
        %get3A_1809 = arith.constant 144 : index
        %get3A_1810 = tpu.vector_load %arg5[%get3A_1809] {strides = array<i32>} : memref<512xf32, #tpu.memory_space<vmem>>, vector<16xf32>,
        %get3A_1811 = vector.shape_cast %get3A_1810 : vector<16xf32> to vector<16xf32>
        %get3A_1812 = arith.constant 144 : index
        %get3A_1813 = tpu.vector_load %arg6[%get3A_1812] {strides = array<i32>} : memref<512xi32, #tpu.memory_space<vmem>>, vector<16xi32>,
        %get3A_1814 = vector.shape_cast %get3A_1813 : vector<16xi32> to vector<16xi32>
        %get3A_1815 = arith.constant 144 : index
        %get3A_1816 = tpu.vector_load %arg7[%get3A_1815] {strides = array<i32>} : memref<512xi32, #tpu.memory_space<vmem>>, vector<16xi32>,
        %get3A_1817 = vector.shape_cast %get3A_1816 : vector<16xi32> to vector<16xi32>
        %get3A_1818 = arith.constant 144 : index
        %get3A_1819 = tpu.vector_load %arg8[%get3A_1818] {strides = array<i32>} : memref<1024xf32, #tpu.memory_space<vmem>>, vector<16xf32>,
        %get3A_1820 = vector.shape_cast %get3A_1819 : vector<16xf32> to vector<16xf32>
        %min3A_1821 = arith.minsi %add3A_1808, %select_n3A_1251 : vector<16xi32>
        %max3A_1822 = arith.maxsi %add3A_1808, %select_n3A_1251 : vector<16xi32>
        %mul3A_1823 = arith.constant 512 : i32
        %mul3A_1824 = vector.broadcast %mul3A_1823 : i32 to vector<16xi32>
        %mul3A_1825 = arith.muli %min3A_1821, %mul3A_1824 : vector<16xi32>
        %sub3A_1826 = arith.constant 1 : i32
        %sub3A_1827 = vector.broadcast %sub3A_1826 : i32 to vector<16xi32>
        %sub3A_1828 = arith.subi %min3A_1821, %sub3A_1827 : vector<16xi32>
        %mul3A_1829 = arith.muli %min3A_1821, %sub3A_1828 : vector<16xi32>
        %shift_right_arithmetic3A_1830 = arith.constant 1 : i32
        %shift_right_arithmetic3A_1831 = vector.broadcast %shift_right_arithmetic3A_1830 : i32 to vector<16xi32>
        %shift_right_arithmetic3A_1832 = arith.shrsi %mul3A_1829, %shift_right_arithmetic3A_1831 : vector<16xi32>
        %sub3A_1833 = arith.subi %mul3A_1825, %shift_right_arithmetic3A_1832 : vector<16xi32>
        %sub3A_1834 = arith.subi %max3A_1822, %min3A_1821 : vector<16xi32>
        %add3A_1835 = arith.addi %sub3A_1833, %sub3A_1834 : vector<16xi32>
        %lt3A_1836 = arith.cmpf olt, %get3A_1820, %get3A_1811 : vector<16xf32>
        %eq3A_1837 = arith.cmpf oeq, %get3A_1820, %get3A_1811 : vector<16xf32>
        %lt3A_1838 = arith.cmpi slt, %add3A_1835, %get3A_1814 : vector<16xi32>
        %and3A_1839 = arith.andi %eq3A_1837, %lt3A_1838 : vector<16xi1>
        %or3A_1840 = arith.ori %lt3A_1836, %and3A_1839 : vector<16xi1>
        %lt3A_1841 = arith.constant 0x7F800000 : f32
        %lt3A_1842 = vector.broadcast %lt3A_1841 : f32 to vector<16xf32>
        %lt3A_1843 = arith.cmpf olt, %get3A_1811, %lt3A_1842 : vector<16xf32>
        %and3A_1844 = arith.andi %or3A_1840, %lt3A_1843 : vector<16xi1>
        %select_n3A_1845 = arith.select %and3A_1844, %get3A_1820, %get3A_1811 : vector<16xi1>, vector<16xf32>
        %select_n3A_1846 = arith.select %and3A_1844, %add3A_1835, %get3A_1814 : vector<16xi1>, vector<16xi32>
        %select_n3A_1847 = arith.select %and3A_1844, %select_n3A_1251, %get3A_1817 : vector<16xi1>, vector<16xi32>
        %eq3A_1848 = arith.cmpi eq, %add3A_1808, %select_n3A_1251 : vector<16xi32>
        %jit3A_1849 = arith.constant 0x7F800000 : f32
        %broadcast_in_dim3A_1850 = vector.broadcast %jit3A_1849 : f32 to vector<16xf32>
        %select_n3A_1851 = arith.select %eq3A_1848, %broadcast_in_dim3A_1850, %select_n3A_1845 : vector<16xi1>, vector<16xf32>
        %swap3A_1852 = arith.constant 144 : index
        %swap3A_1853 = tpu.vector_load %arg5[%swap3A_1852] {strides = array<i32>} : memref<512xf32, #tpu.memory_space<vmem>>, vector<16xf32>,
        %swap3A_1854 = vector.shape_cast %swap3A_1853 : vector<16xf32> to vector<16xf32>
        %swap3A_1855 = vector.shape_cast %select_n3A_1851 : vector<16xf32> to vector<16xf32>
        tpu.vector_store %arg5[%swap3A_1852], %swap3A_1855 {strides = array<i32>} : memref<512xf32, #tpu.memory_space<vmem>>, vector<16xf32>,
        %swap3A_1856 = arith.constant 144 : index
        %swap3A_1857 = tpu.vector_load %arg6[%swap3A_1856] {strides = array<i32>} : memref<512xi32, #tpu.memory_space<vmem>>, vector<16xi32>,
        %swap3A_1858 = vector.shape_cast %swap3A_1857 : vector<16xi32> to vector<16xi32>
        %swap3A_1859 = vector.shape_cast %select_n3A_1846 : vector<16xi32> to vector<16xi32>
        tpu.vector_store %arg6[%swap3A_1856], %swap3A_1859 {strides = array<i32>} : memref<512xi32, #tpu.memory_space<vmem>>, vector<16xi32>,
        %swap3A_1860 = arith.constant 144 : index
        %swap3A_1861 = tpu.vector_load %arg7[%swap3A_1860] {strides = array<i32>} : memref<512xi32, #tpu.memory_space<vmem>>, vector<16xi32>,
        %swap3A_1862 = vector.shape_cast %swap3A_1861 : vector<16xi32> to vector<16xi32>
        %swap3A_1863 = vector.shape_cast %select_n3A_1847 : vector<16xi32> to vector<16xi32>
        tpu.vector_store %arg7[%swap3A_1860], %swap3A_1863 {strides = array<i32>} : memref<512xi32, #tpu.memory_space<vmem>>, vector<16xi32>,
        %iota3A_1864 = tpu.iota {dimensions = array<i32: 0>} : vector<16xi32>
        %add3A_1865 = arith.constant 160 : i32
        %add3A_1866 = vector.broadcast %add3A_1865 : i32 to vector<16xi32>
        %add3A_1867 = arith.addi %iota3A_1864, %add3A_1866 : vector<16xi32>
        %get3A_1868 = arith.constant 160 : index
        %get3A_1869 = tpu.vector_load %arg5[%get3A_1868] {strides = array<i32>} : memref<512xf32, #tpu.memory_space<vmem>>, vector<16xf32>,
        %get3A_1870 = vector.shape_cast %get3A_1869 : vector<16xf32> to vector<16xf32>
        %get3A_1871 = arith.constant 160 : index
        %get3A_1872 = tpu.vector_load %arg6[%get3A_1871] {strides = array<i32>} : memref<512xi32, #tpu.memory_space<vmem>>, vector<16xi32>,
        %get3A_1873 = vector.shape_cast %get3A_1872 : vector<16xi32> to vector<16xi32>
        %get3A_1874 = arith.constant 160 : index
        %get3A_1875 = tpu.vector_load %arg7[%get3A_1874] {strides = array<i32>} : memref<512xi32, #tpu.memory_space<vmem>>, vector<16xi32>,
        %get3A_1876 = vector.shape_cast %get3A_1875 : vector<16xi32> to vector<16xi32>
        %get3A_1877 = arith.constant 160 : index
        %get3A_1878 = tpu.vector_load %arg8[%get3A_1877] {strides = array<i32>} : memref<1024xf32, #tpu.memory_space<vmem>>, vector<16xf32>,
        %get3A_1879 = vector.shape_cast %get3A_1878 : vector<16xf32> to vector<16xf32>
        %min3A_1880 = arith.minsi %add3A_1867, %select_n3A_1251 : vector<16xi32>
        %max3A_1881 = arith.maxsi %add3A_1867, %select_n3A_1251 : vector<16xi32>
        %mul3A_1882 = arith.constant 512 : i32
        %mul3A_1883 = vector.broadcast %mul3A_1882 : i32 to vector<16xi32>
        %mul3A_1884 = arith.muli %min3A_1880, %mul3A_1883 : vector<16xi32>
        %sub3A_1885 = arith.constant 1 : i32
        %sub3A_1886 = vector.broadcast %sub3A_1885 : i32 to vector<16xi32>
        %sub3A_1887 = arith.subi %min3A_1880, %sub3A_1886 : vector<16xi32>
        %mul3A_1888 = arith.muli %min3A_1880, %sub3A_1887 : vector<16xi32>
        %shift_right_arithmetic3A_1889 = arith.constant 1 : i32
        %shift_right_arithmetic3A_1890 = vector.broadcast %shift_right_arithmetic3A_1889 : i32 to vector<16xi32>
        %shift_right_arithmetic3A_1891 = arith.shrsi %mul3A_1888, %shift_right_arithmetic3A_1890 : vector<16xi32>
        %sub3A_1892 = arith.subi %mul3A_1884, %shift_right_arithmetic3A_1891 : vector<16xi32>
        %sub3A_1893 = arith.subi %max3A_1881, %min3A_1880 : vector<16xi32>
        %add3A_1894 = arith.addi %sub3A_1892, %sub3A_1893 : vector<16xi32>
        %lt3A_1895 = arith.cmpf olt, %get3A_1879, %get3A_1870 : vector<16xf32>
        %eq3A_1896 = arith.cmpf oeq, %get3A_1879, %get3A_1870 : vector<16xf32>
        %lt3A_1897 = arith.cmpi slt, %add3A_1894, %get3A_1873 : vector<16xi32>
        %and3A_1898 = arith.andi %eq3A_1896, %lt3A_1897 : vector<16xi1>
        %or3A_1899 = arith.ori %lt3A_1895, %and3A_1898 : vector<16xi1>
        %lt3A_1900 = arith.constant 0x7F800000 : f32
        %lt3A_1901 = vector.broadcast %lt3A_1900 : f32 to vector<16xf32>
        %lt3A_1902 = arith.cmpf olt, %get3A_1870, %lt3A_1901 : vector<16xf32>
        %and3A_1903 = arith.andi %or3A_1899, %lt3A_1902 : vector<16xi1>
        %select_n3A_1904 = arith.select %and3A_1903, %get3A_1879, %get3A_1870 : vector<16xi1>, vector<16xf32>
        %select_n3A_1905 = arith.select %and3A_1903, %add3A_1894, %get3A_1873 : vector<16xi1>, vector<16xi32>
        %select_n3A_1906 = arith.select %and3A_1903, %select_n3A_1251, %get3A_1876 : vector<16xi1>, vector<16xi32>
        %eq3A_1907 = arith.cmpi eq, %add3A_1867, %select_n3A_1251 : vector<16xi32>
        %jit3A_1908 = arith.constant 0x7F800000 : f32
        %broadcast_in_dim3A_1909 = vector.broadcast %jit3A_1908 : f32 to vector<16xf32>
        %select_n3A_1910 = arith.select %eq3A_1907, %broadcast_in_dim3A_1909, %select_n3A_1904 : vector<16xi1>, vector<16xf32>
        %swap3A_1911 = arith.constant 160 : index
        %swap3A_1912 = tpu.vector_load %arg5[%swap3A_1911] {strides = array<i32>} : memref<512xf32, #tpu.memory_space<vmem>>, vector<16xf32>,
        %swap3A_1913 = vector.shape_cast %swap3A_1912 : vector<16xf32> to vector<16xf32>
        %swap3A_1914 = vector.shape_cast %select_n3A_1910 : vector<16xf32> to vector<16xf32>
        tpu.vector_store %arg5[%swap3A_1911], %swap3A_1914 {strides = array<i32>} : memref<512xf32, #tpu.memory_space<vmem>>, vector<16xf32>,
        %swap3A_1915 = arith.constant 160 : index
        %swap3A_1916 = tpu.vector_load %arg6[%swap3A_1915] {strides = array<i32>} : memref<512xi32, #tpu.memory_space<vmem>>, vector<16xi32>,
        %swap3A_1917 = vector.shape_cast %swap3A_1916 : vector<16xi32> to vector<16xi32>
        %swap3A_1918 = vector.shape_cast %select_n3A_1905 : vector<16xi32> to vector<16xi32>
        tpu.vector_store %arg6[%swap3A_1915], %swap3A_1918 {strides = array<i32>} : memref<512xi32, #tpu.memory_space<vmem>>, vector<16xi32>,
        %swap3A_1919 = arith.constant 160 : index
        %swap3A_1920 = tpu.vector_load %arg7[%swap3A_1919] {strides = array<i32>} : memref<512xi32, #tpu.memory_space<vmem>>, vector<16xi32>,
        %swap3A_1921 = vector.shape_cast %swap3A_1920 : vector<16xi32> to vector<16xi32>
        %swap3A_1922 = vector.shape_cast %select_n3A_1906 : vector<16xi32> to vector<16xi32>
        tpu.vector_store %arg7[%swap3A_1919], %swap3A_1922 {strides = array<i32>} : memref<512xi32, #tpu.memory_space<vmem>>, vector<16xi32>,
        %iota3A_1923 = tpu.iota {dimensions = array<i32: 0>} : vector<16xi32>
        %add3A_1924 = arith.constant 176 : i32
        %add3A_1925 = vector.broadcast %add3A_1924 : i32 to vector<16xi32>
        %add3A_1926 = arith.addi %iota3A_1923, %add3A_1925 : vector<16xi32>
        %get3A_1927 = arith.constant 176 : index
        %get3A_1928 = tpu.vector_load %arg5[%get3A_1927] {strides = array<i32>} : memref<512xf32, #tpu.memory_space<vmem>>, vector<16xf32>,
        %get3A_1929 = vector.shape_cast %get3A_1928 : vector<16xf32> to vector<16xf32>
        %get3A_1930 = arith.constant 176 : index
        %get3A_1931 = tpu.vector_load %arg6[%get3A_1930] {strides = array<i32>} : memref<512xi32, #tpu.memory_space<vmem>>, vector<16xi32>,
        %get3A_1932 = vector.shape_cast %get3A_1931 : vector<16xi32> to vector<16xi32>
        %get3A_1933 = arith.constant 176 : index
        %get3A_1934 = tpu.vector_load %arg7[%get3A_1933] {strides = array<i32>} : memref<512xi32, #tpu.memory_space<vmem>>, vector<16xi32>,
        %get3A_1935 = vector.shape_cast %get3A_1934 : vector<16xi32> to vector<16xi32>
        %get3A_1936 = arith.constant 176 : index
        %get3A_1937 = tpu.vector_load %arg8[%get3A_1936] {strides = array<i32>} : memref<1024xf32, #tpu.memory_space<vmem>>, vector<16xf32>,
        %get3A_1938 = vector.shape_cast %get3A_1937 : vector<16xf32> to vector<16xf32>
        %min3A_1939 = arith.minsi %add3A_1926, %select_n3A_1251 : vector<16xi32>
        %max3A_1940 = arith.maxsi %add3A_1926, %select_n3A_1251 : vector<16xi32>
        %mul3A_1941 = arith.constant 512 : i32
        %mul3A_1942 = vector.broadcast %mul3A_1941 : i32 to vector<16xi32>
        %mul3A_1943 = arith.muli %min3A_1939, %mul3A_1942 : vector<16xi32>
        %sub3A_1944 = arith.constant 1 : i32
        %sub3A_1945 = vector.broadcast %sub3A_1944 : i32 to vector<16xi32>
        %sub3A_1946 = arith.subi %min3A_1939, %sub3A_1945 : vector<16xi32>
        %mul3A_1947 = arith.muli %min3A_1939, %sub3A_1946 : vector<16xi32>
        %shift_right_arithmetic3A_1948 = arith.constant 1 : i32
        %shift_right_arithmetic3A_1949 = vector.broadcast %shift_right_arithmetic3A_1948 : i32 to vector<16xi32>
        %shift_right_arithmetic3A_1950 = arith.shrsi %mul3A_1947, %shift_right_arithmetic3A_1949 : vector<16xi32>
        %sub3A_1951 = arith.subi %mul3A_1943, %shift_right_arithmetic3A_1950 : vector<16xi32>
        %sub3A_1952 = arith.subi %max3A_1940, %min3A_1939 : vector<16xi32>
        %add3A_1953 = arith.addi %sub3A_1951, %sub3A_1952 : vector<16xi32>
        %lt3A_1954 = arith.cmpf olt, %get3A_1938, %get3A_1929 : vector<16xf32>
        %eq3A_1955 = arith.cmpf oeq, %get3A_1938, %get3A_1929 : vector<16xf32>
        %lt3A_1956 = arith.cmpi slt, %add3A_1953, %get3A_1932 : vector<16xi32>
        %and3A_1957 = arith.andi %eq3A_1955, %lt3A_1956 : vector<16xi1>
        %or3A_1958 = arith.ori %lt3A_1954, %and3A_1957 : vector<16xi1>
        %lt3A_1959 = arith.constant 0x7F800000 : f32
        %lt3A_1960 = vector.broadcast %lt3A_1959 : f32 to vector<16xf32>
        %lt3A_1961 = arith.cmpf olt, %get3A_1929, %lt3A_1960 : vector<16xf32>
        %and3A_1962 = arith.andi %or3A_1958, %lt3A_1961 : vector<16xi1>
        %select_n3A_1963 = arith.select %and3A_1962, %get3A_1938, %get3A_1929 : vector<16xi1>, vector<16xf32>
        %select_n3A_1964 = arith.select %and3A_1962, %add3A_1953, %get3A_1932 : vector<16xi1>, vector<16xi32>
        %select_n3A_1965 = arith.select %and3A_1962, %select_n3A_1251, %get3A_1935 : vector<16xi1>, vector<16xi32>
        %eq3A_1966 = arith.cmpi eq, %add3A_1926, %select_n3A_1251 : vector<16xi32>
        %jit3A_1967 = arith.constant 0x7F800000 : f32
        %broadcast_in_dim3A_1968 = vector.broadcast %jit3A_1967 : f32 to vector<16xf32>
        %select_n3A_1969 = arith.select %eq3A_1966, %broadcast_in_dim3A_1968, %select_n3A_1963 : vector<16xi1>, vector<16xf32>
        %swap3A_1970 = arith.constant 176 : index
        %swap3A_1971 = tpu.vector_load %arg5[%swap3A_1970] {strides = array<i32>} : memref<512xf32, #tpu.memory_space<vmem>>, vector<16xf32>,
        %swap3A_1972 = vector.shape_cast %swap3A_1971 : vector<16xf32> to vector<16xf32>
        %swap3A_1973 = vector.shape_cast %select_n3A_1969 : vector<16xf32> to vector<16xf32>
        tpu.vector_store %arg5[%swap3A_1970], %swap3A_1973 {strides = array<i32>} : memref<512xf32, #tpu.memory_space<vmem>>, vector<16xf32>,
        %swap3A_1974 = arith.constant 176 : index
        %swap3A_1975 = tpu.vector_load %arg6[%swap3A_1974] {strides = array<i32>} : memref<512xi32, #tpu.memory_space<vmem>>, vector<16xi32>,
        %swap3A_1976 = vector.shape_cast %swap3A_1975 : vector<16xi32> to vector<16xi32>
        %swap3A_1977 = vector.shape_cast %select_n3A_1964 : vector<16xi32> to vector<16xi32>
        tpu.vector_store %arg6[%swap3A_1974], %swap3A_1977 {strides = array<i32>} : memref<512xi32, #tpu.memory_space<vmem>>, vector<16xi32>,
        %swap3A_1978 = arith.constant 176 : index
        %swap3A_1979 = tpu.vector_load %arg7[%swap3A_1978] {strides = array<i32>} : memref<512xi32, #tpu.memory_space<vmem>>, vector<16xi32>,
        %swap3A_1980 = vector.shape_cast %swap3A_1979 : vector<16xi32> to vector<16xi32>
        %swap3A_1981 = vector.shape_cast %select_n3A_1965 : vector<16xi32> to vector<16xi32>
        tpu.vector_store %arg7[%swap3A_1978], %swap3A_1981 {strides = array<i32>} : memref<512xi32, #tpu.memory_space<vmem>>, vector<16xi32>,
        %iota3A_1982 = tpu.iota {dimensions = array<i32: 0>} : vector<16xi32>
        %add3A_1983 = arith.constant 192 : i32
        %add3A_1984 = vector.broadcast %add3A_1983 : i32 to vector<16xi32>
        %add3A_1985 = arith.addi %iota3A_1982, %add3A_1984 : vector<16xi32>
        %get3A_1986 = arith.constant 192 : index
        %get3A_1987 = tpu.vector_load %arg5[%get3A_1986] {strides = array<i32>} : memref<512xf32, #tpu.memory_space<vmem>>, vector<16xf32>,
        %get3A_1988 = vector.shape_cast %get3A_1987 : vector<16xf32> to vector<16xf32>
        %get3A_1989 = arith.constant 192 : index
        %get3A_1990 = tpu.vector_load %arg6[%get3A_1989] {strides = array<i32>} : memref<512xi32, #tpu.memory_space<vmem>>, vector<16xi32>,
        %get3A_1991 = vector.shape_cast %get3A_1990 : vector<16xi32> to vector<16xi32>
        %get3A_1992 = arith.constant 192 : index
        %get3A_1993 = tpu.vector_load %arg7[%get3A_1992] {strides = array<i32>} : memref<512xi32, #tpu.memory_space<vmem>>, vector<16xi32>,
        %get3A_1994 = vector.shape_cast %get3A_1993 : vector<16xi32> to vector<16xi32>
        %get3A_1995 = arith.constant 192 : index
        %get3A_1996 = tpu.vector_load %arg8[%get3A_1995] {strides = array<i32>} : memref<1024xf32, #tpu.memory_space<vmem>>, vector<16xf32>,
        %get3A_1997 = vector.shape_cast %get3A_1996 : vector<16xf32> to vector<16xf32>
        %min3A_1998 = arith.minsi %add3A_1985, %select_n3A_1251 : vector<16xi32>
        %max3A_1999 = arith.maxsi %add3A_1985, %select_n3A_1251 : vector<16xi32>
        %mul3A_2000 = arith.constant 512 : i32
        %mul3A_2001 = vector.broadcast %mul3A_2000 : i32 to vector<16xi32>
        %mul3A_2002 = arith.muli %min3A_1998, %mul3A_2001 : vector<16xi32>
        %sub3A_2003 = arith.constant 1 : i32
        %sub3A_2004 = vector.broadcast %sub3A_2003 : i32 to vector<16xi32>
        %sub3A_2005 = arith.subi %min3A_1998, %sub3A_2004 : vector<16xi32>
        %mul3A_2006 = arith.muli %min3A_1998, %sub3A_2005 : vector<16xi32>
        %shift_right_arithmetic3A_2007 = arith.constant 1 : i32
        %shift_right_arithmetic3A_2008 = vector.broadcast %shift_right_arithmetic3A_2007 : i32 to vector<16xi32>
        %shift_right_arithmetic3A_2009 = arith.shrsi %mul3A_2006, %shift_right_arithmetic3A_2008 : vector<16xi32>
        %sub3A_2010 = arith.subi %mul3A_2002, %shift_right_arithmetic3A_2009 : vector<16xi32>
        %sub3A_2011 = arith.subi %max3A_1999, %min3A_1998 : vector<16xi32>
        %add3A_2012 = arith.addi %sub3A_2010, %sub3A_2011 : vector<16xi32>
        %lt3A_2013 = arith.cmpf olt, %get3A_1997, %get3A_1988 : vector<16xf32>
        %eq3A_2014 = arith.cmpf oeq, %get3A_1997, %get3A_1988 : vector<16xf32>
        %lt3A_2015 = arith.cmpi slt, %add3A_2012, %get3A_1991 : vector<16xi32>
        %and3A_2016 = arith.andi %eq3A_2014, %lt3A_2015 : vector<16xi1>
        %or3A_2017 = arith.ori %lt3A_2013, %and3A_2016 : vector<16xi1>
        %lt3A_2018 = arith.constant 0x7F800000 : f32
        %lt3A_2019 = vector.broadcast %lt3A_2018 : f32 to vector<16xf32>
        %lt3A_2020 = arith.cmpf olt, %get3A_1988, %lt3A_2019 : vector<16xf32>
        %and3A_2021 = arith.andi %or3A_2017, %lt3A_2020 : vector<16xi1>
        %select_n3A_2022 = arith.select %and3A_2021, %get3A_1997, %get3A_1988 : vector<16xi1>, vector<16xf32>
        %select_n3A_2023 = arith.select %and3A_2021, %add3A_2012, %get3A_1991 : vector<16xi1>, vector<16xi32>
        %select_n3A_2024 = arith.select %and3A_2021, %select_n3A_1251, %get3A_1994 : vector<16xi1>, vector<16xi32>
        %eq3A_2025 = arith.cmpi eq, %add3A_1985, %select_n3A_1251 : vector<16xi32>
        %jit3A_2026 = arith.constant 0x7F800000 : f32
        %broadcast_in_dim3A_2027 = vector.broadcast %jit3A_2026 : f32 to vector<16xf32>
        %select_n3A_2028 = arith.select %eq3A_2025, %broadcast_in_dim3A_2027, %select_n3A_2022 : vector<16xi1>, vector<16xf32>
        %swap3A_2029 = arith.constant 192 : index
        %swap3A_2030 = tpu.vector_load %arg5[%swap3A_2029] {strides = array<i32>} : memref<512xf32, #tpu.memory_space<vmem>>, vector<16xf32>,
        %swap3A_2031 = vector.shape_cast %swap3A_2030 : vector<16xf32> to vector<16xf32>
        %swap3A_2032 = vector.shape_cast %select_n3A_2028 : vector<16xf32> to vector<16xf32>
        tpu.vector_store %arg5[%swap3A_2029], %swap3A_2032 {strides = array<i32>} : memref<512xf32, #tpu.memory_space<vmem>>, vector<16xf32>,
        %swap3A_2033 = arith.constant 192 : index
        %swap3A_2034 = tpu.vector_load %arg6[%swap3A_2033] {strides = array<i32>} : memref<512xi32, #tpu.memory_space<vmem>>, vector<16xi32>,
        %swap3A_2035 = vector.shape_cast %swap3A_2034 : vector<16xi32> to vector<16xi32>
        %swap3A_2036 = vector.shape_cast %select_n3A_2023 : vector<16xi32> to vector<16xi32>
        tpu.vector_store %arg6[%swap3A_2033], %swap3A_2036 {strides = array<i32>} : memref<512xi32, #tpu.memory_space<vmem>>, vector<16xi32>,
        %swap3A_2037 = arith.constant 192 : index
        %swap3A_2038 = tpu.vector_load %arg7[%swap3A_2037] {strides = array<i32>} : memref<512xi32, #tpu.memory_space<vmem>>, vector<16xi32>,
        %swap3A_2039 = vector.shape_cast %swap3A_2038 : vector<16xi32> to vector<16xi32>
        %swap3A_2040 = vector.shape_cast %select_n3A_2024 : vector<16xi32> to vector<16xi32>
        tpu.vector_store %arg7[%swap3A_2037], %swap3A_2040 {strides = array<i32>} : memref<512xi32, #tpu.memory_space<vmem>>, vector<16xi32>,
        %iota3A_2041 = tpu.iota {dimensions = array<i32: 0>} : vector<16xi32>
        %add3A_2042 = arith.constant 208 : i32
        %add3A_2043 = vector.broadcast %add3A_2042 : i32 to vector<16xi32>
        %add3A_2044 = arith.addi %iota3A_2041, %add3A_2043 : vector<16xi32>
        %get3A_2045 = arith.constant 208 : index
        %get3A_2046 = tpu.vector_load %arg5[%get3A_2045] {strides = array<i32>} : memref<512xf32, #tpu.memory_space<vmem>>, vector<16xf32>,
        %get3A_2047 = vector.shape_cast %get3A_2046 : vector<16xf32> to vector<16xf32>
        %get3A_2048 = arith.constant 208 : index
        %get3A_2049 = tpu.vector_load %arg6[%get3A_2048] {strides = array<i32>} : memref<512xi32, #tpu.memory_space<vmem>>, vector<16xi32>,
        %get3A_2050 = vector.shape_cast %get3A_2049 : vector<16xi32> to vector<16xi32>
        %get3A_2051 = arith.constant 208 : index
        %get3A_2052 = tpu.vector_load %arg7[%get3A_2051] {strides = array<i32>} : memref<512xi32, #tpu.memory_space<vmem>>, vector<16xi32>,
        %get3A_2053 = vector.shape_cast %get3A_2052 : vector<16xi32> to vector<16xi32>
        %get3A_2054 = arith.constant 208 : index
        %get3A_2055 = tpu.vector_load %arg8[%get3A_2054] {strides = array<i32>} : memref<1024xf32, #tpu.memory_space<vmem>>, vector<16xf32>,
        %get3A_2056 = vector.shape_cast %get3A_2055 : vector<16xf32> to vector<16xf32>
        %min3A_2057 = arith.minsi %add3A_2044, %select_n3A_1251 : vector<16xi32>
        %max3A_2058 = arith.maxsi %add3A_2044, %select_n3A_1251 : vector<16xi32>
        %mul3A_2059 = arith.constant 512 : i32
        %mul3A_2060 = vector.broadcast %mul3A_2059 : i32 to vector<16xi32>
        %mul3A_2061 = arith.muli %min3A_2057, %mul3A_2060 : vector<16xi32>
        %sub3A_2062 = arith.constant 1 : i32
        %sub3A_2063 = vector.broadcast %sub3A_2062 : i32 to vector<16xi32>
        %sub3A_2064 = arith.subi %min3A_2057, %sub3A_2063 : vector<16xi32>
        %mul3A_2065 = arith.muli %min3A_2057, %sub3A_2064 : vector<16xi32>
        %shift_right_arithmetic3A_2066 = arith.constant 1 : i32
        %shift_right_arithmetic3A_2067 = vector.broadcast %shift_right_arithmetic3A_2066 : i32 to vector<16xi32>
        %shift_right_arithmetic3A_2068 = arith.shrsi %mul3A_2065, %shift_right_arithmetic3A_2067 : vector<16xi32>
        %sub3A_2069 = arith.subi %mul3A_2061, %shift_right_arithmetic3A_2068 : vector<16xi32>
        %sub3A_2070 = arith.subi %max3A_2058, %min3A_2057 : vector<16xi32>
        %add3A_2071 = arith.addi %sub3A_2069, %sub3A_2070 : vector<16xi32>
        %lt3A_2072 = arith.cmpf olt, %get3A_2056, %get3A_2047 : vector<16xf32>
        %eq3A_2073 = arith.cmpf oeq, %get3A_2056, %get3A_2047 : vector<16xf32>
        %lt3A_2074 = arith.cmpi slt, %add3A_2071, %get3A_2050 : vector<16xi32>
        %and3A_2075 = arith.andi %eq3A_2073, %lt3A_2074 : vector<16xi1>
        %or3A_2076 = arith.ori %lt3A_2072, %and3A_2075 : vector<16xi1>
        %lt3A_2077 = arith.constant 0x7F800000 : f32
        %lt3A_2078 = vector.broadcast %lt3A_2077 : f32 to vector<16xf32>
        %lt3A_2079 = arith.cmpf olt, %get3A_2047, %lt3A_2078 : vector<16xf32>
        %and3A_2080 = arith.andi %or3A_2076, %lt3A_2079 : vector<16xi1>
        %select_n3A_2081 = arith.select %and3A_2080, %get3A_2056, %get3A_2047 : vector<16xi1>, vector<16xf32>
        %select_n3A_2082 = arith.select %and3A_2080, %add3A_2071, %get3A_2050 : vector<16xi1>, vector<16xi32>
        %select_n3A_2083 = arith.select %and3A_2080, %select_n3A_1251, %get3A_2053 : vector<16xi1>, vector<16xi32>
        %eq3A_2084 = arith.cmpi eq, %add3A_2044, %select_n3A_1251 : vector<16xi32>
        %jit3A_2085 = arith.constant 0x7F800000 : f32
        %broadcast_in_dim3A_2086 = vector.broadcast %jit3A_2085 : f32 to vector<16xf32>
        %select_n3A_2087 = arith.select %eq3A_2084, %broadcast_in_dim3A_2086, %select_n3A_2081 : vector<16xi1>, vector<16xf32>
        %swap3A_2088 = arith.constant 208 : index
        %swap3A_2089 = tpu.vector_load %arg5[%swap3A_2088] {strides = array<i32>} : memref<512xf32, #tpu.memory_space<vmem>>, vector<16xf32>,
        %swap3A_2090 = vector.shape_cast %swap3A_2089 : vector<16xf32> to vector<16xf32>
        %swap3A_2091 = vector.shape_cast %select_n3A_2087 : vector<16xf32> to vector<16xf32>
        tpu.vector_store %arg5[%swap3A_2088], %swap3A_2091 {strides = array<i32>} : memref<512xf32, #tpu.memory_space<vmem>>, vector<16xf32>,
        %swap3A_2092 = arith.constant 208 : index
        %swap3A_2093 = tpu.vector_load %arg6[%swap3A_2092] {strides = array<i32>} : memref<512xi32, #tpu.memory_space<vmem>>, vector<16xi32>,
        %swap3A_2094 = vector.shape_cast %swap3A_2093 : vector<16xi32> to vector<16xi32>
        %swap3A_2095 = vector.shape_cast %select_n3A_2082 : vector<16xi32> to vector<16xi32>
        tpu.vector_store %arg6[%swap3A_2092], %swap3A_2095 {strides = array<i32>} : memref<512xi32, #tpu.memory_space<vmem>>, vector<16xi32>,
        %swap3A_2096 = arith.constant 208 : index
        %swap3A_2097 = tpu.vector_load %arg7[%swap3A_2096] {strides = array<i32>} : memref<512xi32, #tpu.memory_space<vmem>>, vector<16xi32>,
        %swap3A_2098 = vector.shape_cast %swap3A_2097 : vector<16xi32> to vector<16xi32>
        %swap3A_2099 = vector.shape_cast %select_n3A_2083 : vector<16xi32> to vector<16xi32>
        tpu.vector_store %arg7[%swap3A_2096], %swap3A_2099 {strides = array<i32>} : memref<512xi32, #tpu.memory_space<vmem>>, vector<16xi32>,
        %iota3A_2100 = tpu.iota {dimensions = array<i32: 0>} : vector<16xi32>
        %add3A_2101 = arith.constant 224 : i32
        %add3A_2102 = vector.broadcast %add3A_2101 : i32 to vector<16xi32>
        %add3A_2103 = arith.addi %iota3A_2100, %add3A_2102 : vector<16xi32>
        %get3A_2104 = arith.constant 224 : index
        %get3A_2105 = tpu.vector_load %arg5[%get3A_2104] {strides = array<i32>} : memref<512xf32, #tpu.memory_space<vmem>>, vector<16xf32>,
        %get3A_2106 = vector.shape_cast %get3A_2105 : vector<16xf32> to vector<16xf32>
        %get3A_2107 = arith.constant 224 : index
        %get3A_2108 = tpu.vector_load %arg6[%get3A_2107] {strides = array<i32>} : memref<512xi32, #tpu.memory_space<vmem>>, vector<16xi32>,
        %get3A_2109 = vector.shape_cast %get3A_2108 : vector<16xi32> to vector<16xi32>
        %get3A_2110 = arith.constant 224 : index
        %get3A_2111 = tpu.vector_load %arg7[%get3A_2110] {strides = array<i32>} : memref<512xi32, #tpu.memory_space<vmem>>, vector<16xi32>,
        %get3A_2112 = vector.shape_cast %get3A_2111 : vector<16xi32> to vector<16xi32>
        %get3A_2113 = arith.constant 224 : index
        %get3A_2114 = tpu.vector_load %arg8[%get3A_2113] {strides = array<i32>} : memref<1024xf32, #tpu.memory_space<vmem>>, vector<16xf32>,
        %get3A_2115 = vector.shape_cast %get3A_2114 : vector<16xf32> to vector<16xf32>
        %min3A_2116 = arith.minsi %add3A_2103, %select_n3A_1251 : vector<16xi32>
        %max3A_2117 = arith.maxsi %add3A_2103, %select_n3A_1251 : vector<16xi32>
        %mul3A_2118 = arith.constant 512 : i32
        %mul3A_2119 = vector.broadcast %mul3A_2118 : i32 to vector<16xi32>
        %mul3A_2120 = arith.muli %min3A_2116, %mul3A_2119 : vector<16xi32>
        %sub3A_2121 = arith.constant 1 : i32
        %sub3A_2122 = vector.broadcast %sub3A_2121 : i32 to vector<16xi32>
        %sub3A_2123 = arith.subi %min3A_2116, %sub3A_2122 : vector<16xi32>
        %mul3A_2124 = arith.muli %min3A_2116, %sub3A_2123 : vector<16xi32>
        %shift_right_arithmetic3A_2125 = arith.constant 1 : i32
        %shift_right_arithmetic3A_2126 = vector.broadcast %shift_right_arithmetic3A_2125 : i32 to vector<16xi32>
        %shift_right_arithmetic3A_2127 = arith.shrsi %mul3A_2124, %shift_right_arithmetic3A_2126 : vector<16xi32>
        %sub3A_2128 = arith.subi %mul3A_2120, %shift_right_arithmetic3A_2127 : vector<16xi32>
        %sub3A_2129 = arith.subi %max3A_2117, %min3A_2116 : vector<16xi32>
        %add3A_2130 = arith.addi %sub3A_2128, %sub3A_2129 : vector<16xi32>
        %lt3A_2131 = arith.cmpf olt, %get3A_2115, %get3A_2106 : vector<16xf32>
        %eq3A_2132 = arith.cmpf oeq, %get3A_2115, %get3A_2106 : vector<16xf32>
        %lt3A_2133 = arith.cmpi slt, %add3A_2130, %get3A_2109 : vector<16xi32>
        %and3A_2134 = arith.andi %eq3A_2132, %lt3A_2133 : vector<16xi1>
        %or3A_2135 = arith.ori %lt3A_2131, %and3A_2134 : vector<16xi1>
        %lt3A_2136 = arith.constant 0x7F800000 : f32
        %lt3A_2137 = vector.broadcast %lt3A_2136 : f32 to vector<16xf32>
        %lt3A_2138 = arith.cmpf olt, %get3A_2106, %lt3A_2137 : vector<16xf32>
        %and3A_2139 = arith.andi %or3A_2135, %lt3A_2138 : vector<16xi1>
        %select_n3A_2140 = arith.select %and3A_2139, %get3A_2115, %get3A_2106 : vector<16xi1>, vector<16xf32>
        %select_n3A_2141 = arith.select %and3A_2139, %add3A_2130, %get3A_2109 : vector<16xi1>, vector<16xi32>
        %select_n3A_2142 = arith.select %and3A_2139, %select_n3A_1251, %get3A_2112 : vector<16xi1>, vector<16xi32>
        %eq3A_2143 = arith.cmpi eq, %add3A_2103, %select_n3A_1251 : vector<16xi32>
        %jit3A_2144 = arith.constant 0x7F800000 : f32
        %broadcast_in_dim3A_2145 = vector.broadcast %jit3A_2144 : f32 to vector<16xf32>
        %select_n3A_2146 = arith.select %eq3A_2143, %broadcast_in_dim3A_2145, %select_n3A_2140 : vector<16xi1>, vector<16xf32>
        %swap3A_2147 = arith.constant 224 : index
        %swap3A_2148 = tpu.vector_load %arg5[%swap3A_2147] {strides = array<i32>} : memref<512xf32, #tpu.memory_space<vmem>>, vector<16xf32>,
        %swap3A_2149 = vector.shape_cast %swap3A_2148 : vector<16xf32> to vector<16xf32>
        %swap3A_2150 = vector.shape_cast %select_n3A_2146 : vector<16xf32> to vector<16xf32>
        tpu.vector_store %arg5[%swap3A_2147], %swap3A_2150 {strides = array<i32>} : memref<512xf32, #tpu.memory_space<vmem>>, vector<16xf32>,
        %swap3A_2151 = arith.constant 224 : index
        %swap3A_2152 = tpu.vector_load %arg6[%swap3A_2151] {strides = array<i32>} : memref<512xi32, #tpu.memory_space<vmem>>, vector<16xi32>,
        %swap3A_2153 = vector.shape_cast %swap3A_2152 : vector<16xi32> to vector<16xi32>
        %swap3A_2154 = vector.shape_cast %select_n3A_2141 : vector<16xi32> to vector<16xi32>
        tpu.vector_store %arg6[%swap3A_2151], %swap3A_2154 {strides = array<i32>} : memref<512xi32, #tpu.memory_space<vmem>>, vector<16xi32>,
        %swap3A_2155 = arith.constant 224 : index
        %swap3A_2156 = tpu.vector_load %arg7[%swap3A_2155] {strides = array<i32>} : memref<512xi32, #tpu.memory_space<vmem>>, vector<16xi32>,
        %swap3A_2157 = vector.shape_cast %swap3A_2156 : vector<16xi32> to vector<16xi32>
        %swap3A_2158 = vector.shape_cast %select_n3A_2142 : vector<16xi32> to vector<16xi32>
        tpu.vector_store %arg7[%swap3A_2155], %swap3A_2158 {strides = array<i32>} : memref<512xi32, #tpu.memory_space<vmem>>, vector<16xi32>,
        %iota3A_2159 = tpu.iota {dimensions = array<i32: 0>} : vector<16xi32>
        %add3A_2160 = arith.constant 240 : i32
        %add3A_2161 = vector.broadcast %add3A_2160 : i32 to vector<16xi32>
        %add3A_2162 = arith.addi %iota3A_2159, %add3A_2161 : vector<16xi32>
        %get3A_2163 = arith.constant 240 : index
        %get3A_2164 = tpu.vector_load %arg5[%get3A_2163] {strides = array<i32>} : memref<512xf32, #tpu.memory_space<vmem>>, vector<16xf32>,
        %get3A_2165 = vector.shape_cast %get3A_2164 : vector<16xf32> to vector<16xf32>
        %get3A_2166 = arith.constant 240 : index
        %get3A_2167 = tpu.vector_load %arg6[%get3A_2166] {strides = array<i32>} : memref<512xi32, #tpu.memory_space<vmem>>, vector<16xi32>,
        %get3A_2168 = vector.shape_cast %get3A_2167 : vector<16xi32> to vector<16xi32>
        %get3A_2169 = arith.constant 240 : index
        %get3A_2170 = tpu.vector_load %arg7[%get3A_2169] {strides = array<i32>} : memref<512xi32, #tpu.memory_space<vmem>>, vector<16xi32>,
        %get3A_2171 = vector.shape_cast %get3A_2170 : vector<16xi32> to vector<16xi32>
        %get3A_2172 = arith.constant 240 : index
        %get3A_2173 = tpu.vector_load %arg8[%get3A_2172] {strides = array<i32>} : memref<1024xf32, #tpu.memory_space<vmem>>, vector<16xf32>,
        %get3A_2174 = vector.shape_cast %get3A_2173 : vector<16xf32> to vector<16xf32>
        %min3A_2175 = arith.minsi %add3A_2162, %select_n3A_1251 : vector<16xi32>
        %max3A_2176 = arith.maxsi %add3A_2162, %select_n3A_1251 : vector<16xi32>
        %mul3A_2177 = arith.constant 512 : i32
        %mul3A_2178 = vector.broadcast %mul3A_2177 : i32 to vector<16xi32>
        %mul3A_2179 = arith.muli %min3A_2175, %mul3A_2178 : vector<16xi32>
        %sub3A_2180 = arith.constant 1 : i32
        %sub3A_2181 = vector.broadcast %sub3A_2180 : i32 to vector<16xi32>
        %sub3A_2182 = arith.subi %min3A_2175, %sub3A_2181 : vector<16xi32>
        %mul3A_2183 = arith.muli %min3A_2175, %sub3A_2182 : vector<16xi32>
        %shift_right_arithmetic3A_2184 = arith.constant 1 : i32
        %shift_right_arithmetic3A_2185 = vector.broadcast %shift_right_arithmetic3A_2184 : i32 to vector<16xi32>
        %shift_right_arithmetic3A_2186 = arith.shrsi %mul3A_2183, %shift_right_arithmetic3A_2185 : vector<16xi32>
        %sub3A_2187 = arith.subi %mul3A_2179, %shift_right_arithmetic3A_2186 : vector<16xi32>
        %sub3A_2188 = arith.subi %max3A_2176, %min3A_2175 : vector<16xi32>
        %add3A_2189 = arith.addi %sub3A_2187, %sub3A_2188 : vector<16xi32>
        %lt3A_2190 = arith.cmpf olt, %get3A_2174, %get3A_2165 : vector<16xf32>
        %eq3A_2191 = arith.cmpf oeq, %get3A_2174, %get3A_2165 : vector<16xf32>
        %lt3A_2192 = arith.cmpi slt, %add3A_2189, %get3A_2168 : vector<16xi32>
        %and3A_2193 = arith.andi %eq3A_2191, %lt3A_2192 : vector<16xi1>
        %or3A_2194 = arith.ori %lt3A_2190, %and3A_2193 : vector<16xi1>
        %lt3A_2195 = arith.constant 0x7F800000 : f32
        %lt3A_2196 = vector.broadcast %lt3A_2195 : f32 to vector<16xf32>
        %lt3A_2197 = arith.cmpf olt, %get3A_2165, %lt3A_2196 : vector<16xf32>
        %and3A_2198 = arith.andi %or3A_2194, %lt3A_2197 : vector<16xi1>
        %select_n3A_2199 = arith.select %and3A_2198, %get3A_2174, %get3A_2165 : vector<16xi1>, vector<16xf32>
        %select_n3A_2200 = arith.select %and3A_2198, %add3A_2189, %get3A_2168 : vector<16xi1>, vector<16xi32>
        %select_n3A_2201 = arith.select %and3A_2198, %select_n3A_1251, %get3A_2171 : vector<16xi1>, vector<16xi32>
        %eq3A_2202 = arith.cmpi eq, %add3A_2162, %select_n3A_1251 : vector<16xi32>
        %jit3A_2203 = arith.constant 0x7F800000 : f32
        %broadcast_in_dim3A_2204 = vector.broadcast %jit3A_2203 : f32 to vector<16xf32>
        %select_n3A_2205 = arith.select %eq3A_2202, %broadcast_in_dim3A_2204, %select_n3A_2199 : vector<16xi1>, vector<16xf32>
        %swap3A_2206 = arith.constant 240 : index
        %swap3A_2207 = tpu.vector_load %arg5[%swap3A_2206] {strides = array<i32>} : memref<512xf32, #tpu.memory_space<vmem>>, vector<16xf32>,
        %swap3A_2208 = vector.shape_cast %swap3A_2207 : vector<16xf32> to vector<16xf32>
        %swap3A_2209 = vector.shape_cast %select_n3A_2205 : vector<16xf32> to vector<16xf32>
        tpu.vector_store %arg5[%swap3A_2206], %swap3A_2209 {strides = array<i32>} : memref<512xf32, #tpu.memory_space<vmem>>, vector<16xf32>,
        %swap3A_2210 = arith.constant 240 : index
        %swap3A_2211 = tpu.vector_load %arg6[%swap3A_2210] {strides = array<i32>} : memref<512xi32, #tpu.memory_space<vmem>>, vector<16xi32>,
        %swap3A_2212 = vector.shape_cast %swap3A_2211 : vector<16xi32> to vector<16xi32>
        %swap3A_2213 = vector.shape_cast %select_n3A_2200 : vector<16xi32> to vector<16xi32>
        tpu.vector_store %arg6[%swap3A_2210], %swap3A_2213 {strides = array<i32>} : memref<512xi32, #tpu.memory_space<vmem>>, vector<16xi32>,
        %swap3A_2214 = arith.constant 240 : index
        %swap3A_2215 = tpu.vector_load %arg7[%swap3A_2214] {strides = array<i32>} : memref<512xi32, #tpu.memory_space<vmem>>, vector<16xi32>,
        %swap3A_2216 = vector.shape_cast %swap3A_2215 : vector<16xi32> to vector<16xi32>
        %swap3A_2217 = vector.shape_cast %select_n3A_2201 : vector<16xi32> to vector<16xi32>
        tpu.vector_store %arg7[%swap3A_2214], %swap3A_2217 {strides = array<i32>} : memref<512xi32, #tpu.memory_space<vmem>>, vector<16xi32>,
        %iota3A_2218 = tpu.iota {dimensions = array<i32: 0>} : vector<16xi32>
        %add3A_2219 = arith.constant 256 : i32
        %add3A_2220 = vector.broadcast %add3A_2219 : i32 to vector<16xi32>
        %add3A_2221 = arith.addi %iota3A_2218, %add3A_2220 : vector<16xi32>
        %get3A_2222 = arith.constant 256 : index
        %get3A_2223 = tpu.vector_load %arg5[%get3A_2222] {strides = array<i32>} : memref<512xf32, #tpu.memory_space<vmem>>, vector<16xf32>,
        %get3A_2224 = vector.shape_cast %get3A_2223 : vector<16xf32> to vector<16xf32>
        %get3A_2225 = arith.constant 256 : index
        %get3A_2226 = tpu.vector_load %arg6[%get3A_2225] {strides = array<i32>} : memref<512xi32, #tpu.memory_space<vmem>>, vector<16xi32>,
        %get3A_2227 = vector.shape_cast %get3A_2226 : vector<16xi32> to vector<16xi32>
        %get3A_2228 = arith.constant 256 : index
        %get3A_2229 = tpu.vector_load %arg7[%get3A_2228] {strides = array<i32>} : memref<512xi32, #tpu.memory_space<vmem>>, vector<16xi32>,
        %get3A_2230 = vector.shape_cast %get3A_2229 : vector<16xi32> to vector<16xi32>
        %get3A_2231 = arith.constant 256 : index
        %get3A_2232 = tpu.vector_load %arg8[%get3A_2231] {strides = array<i32>} : memref<1024xf32, #tpu.memory_space<vmem>>, vector<16xf32>,
        %get3A_2233 = vector.shape_cast %get3A_2232 : vector<16xf32> to vector<16xf32>
        %min3A_2234 = arith.minsi %add3A_2221, %select_n3A_1251 : vector<16xi32>
        %max3A_2235 = arith.maxsi %add3A_2221, %select_n3A_1251 : vector<16xi32>
        %mul3A_2236 = arith.constant 512 : i32
        %mul3A_2237 = vector.broadcast %mul3A_2236 : i32 to vector<16xi32>
        %mul3A_2238 = arith.muli %min3A_2234, %mul3A_2237 : vector<16xi32>
        %sub3A_2239 = arith.constant 1 : i32
        %sub3A_2240 = vector.broadcast %sub3A_2239 : i32 to vector<16xi32>
        %sub3A_2241 = arith.subi %min3A_2234, %sub3A_2240 : vector<16xi32>
        %mul3A_2242 = arith.muli %min3A_2234, %sub3A_2241 : vector<16xi32>
        %shift_right_arithmetic3A_2243 = arith.constant 1 : i32
        %shift_right_arithmetic3A_2244 = vector.broadcast %shift_right_arithmetic3A_2243 : i32 to vector<16xi32>
        %shift_right_arithmetic3A_2245 = arith.shrsi %mul3A_2242, %shift_right_arithmetic3A_2244 : vector<16xi32>
        %sub3A_2246 = arith.subi %mul3A_2238, %shift_right_arithmetic3A_2245 : vector<16xi32>
        %sub3A_2247 = arith.subi %max3A_2235, %min3A_2234 : vector<16xi32>
        %add3A_2248 = arith.addi %sub3A_2246, %sub3A_2247 : vector<16xi32>
        %lt3A_2249 = arith.cmpf olt, %get3A_2233, %get3A_2224 : vector<16xf32>
        %eq3A_2250 = arith.cmpf oeq, %get3A_2233, %get3A_2224 : vector<16xf32>
        %lt3A_2251 = arith.cmpi slt, %add3A_2248, %get3A_2227 : vector<16xi32>
        %and3A_2252 = arith.andi %eq3A_2250, %lt3A_2251 : vector<16xi1>
        %or3A_2253 = arith.ori %lt3A_2249, %and3A_2252 : vector<16xi1>
        %lt3A_2254 = arith.constant 0x7F800000 : f32
        %lt3A_2255 = vector.broadcast %lt3A_2254 : f32 to vector<16xf32>
        %lt3A_2256 = arith.cmpf olt, %get3A_2224, %lt3A_2255 : vector<16xf32>
        %and3A_2257 = arith.andi %or3A_2253, %lt3A_2256 : vector<16xi1>
        %select_n3A_2258 = arith.select %and3A_2257, %get3A_2233, %get3A_2224 : vector<16xi1>, vector<16xf32>
        %select_n3A_2259 = arith.select %and3A_2257, %add3A_2248, %get3A_2227 : vector<16xi1>, vector<16xi32>
        %select_n3A_2260 = arith.select %and3A_2257, %select_n3A_1251, %get3A_2230 : vector<16xi1>, vector<16xi32>
        %eq3A_2261 = arith.cmpi eq, %add3A_2221, %select_n3A_1251 : vector<16xi32>
        %jit3A_2262 = arith.constant 0x7F800000 : f32
        %broadcast_in_dim3A_2263 = vector.broadcast %jit3A_2262 : f32 to vector<16xf32>
        %select_n3A_2264 = arith.select %eq3A_2261, %broadcast_in_dim3A_2263, %select_n3A_2258 : vector<16xi1>, vector<16xf32>
        %swap3A_2265 = arith.constant 256 : index
        %swap3A_2266 = tpu.vector_load %arg5[%swap3A_2265] {strides = array<i32>} : memref<512xf32, #tpu.memory_space<vmem>>, vector<16xf32>,
        %swap3A_2267 = vector.shape_cast %swap3A_2266 : vector<16xf32> to vector<16xf32>
        %swap3A_2268 = vector.shape_cast %select_n3A_2264 : vector<16xf32> to vector<16xf32>
        tpu.vector_store %arg5[%swap3A_2265], %swap3A_2268 {strides = array<i32>} : memref<512xf32, #tpu.memory_space<vmem>>, vector<16xf32>,
        %swap3A_2269 = arith.constant 256 : index
        %swap3A_2270 = tpu.vector_load %arg6[%swap3A_2269] {strides = array<i32>} : memref<512xi32, #tpu.memory_space<vmem>>, vector<16xi32>,
        %swap3A_2271 = vector.shape_cast %swap3A_2270 : vector<16xi32> to vector<16xi32>
        %swap3A_2272 = vector.shape_cast %select_n3A_2259 : vector<16xi32> to vector<16xi32>
        tpu.vector_store %arg6[%swap3A_2269], %swap3A_2272 {strides = array<i32>} : memref<512xi32, #tpu.memory_space<vmem>>, vector<16xi32>,
        %swap3A_2273 = arith.constant 256 : index
        %swap3A_2274 = tpu.vector_load %arg7[%swap3A_2273] {strides = array<i32>} : memref<512xi32, #tpu.memory_space<vmem>>, vector<16xi32>,
        %swap3A_2275 = vector.shape_cast %swap3A_2274 : vector<16xi32> to vector<16xi32>
        %swap3A_2276 = vector.shape_cast %select_n3A_2260 : vector<16xi32> to vector<16xi32>
        tpu.vector_store %arg7[%swap3A_2273], %swap3A_2276 {strides = array<i32>} : memref<512xi32, #tpu.memory_space<vmem>>, vector<16xi32>,
        %iota3A_2277 = tpu.iota {dimensions = array<i32: 0>} : vector<16xi32>
        %add3A_2278 = arith.constant 272 : i32
        %add3A_2279 = vector.broadcast %add3A_2278 : i32 to vector<16xi32>
        %add3A_2280 = arith.addi %iota3A_2277, %add3A_2279 : vector<16xi32>
        %get3A_2281 = arith.constant 272 : index
        %get3A_2282 = tpu.vector_load %arg5[%get3A_2281] {strides = array<i32>} : memref<512xf32, #tpu.memory_space<vmem>>, vector<16xf32>,
        %get3A_2283 = vector.shape_cast %get3A_2282 : vector<16xf32> to vector<16xf32>
        %get3A_2284 = arith.constant 272 : index
        %get3A_2285 = tpu.vector_load %arg6[%get3A_2284] {strides = array<i32>} : memref<512xi32, #tpu.memory_space<vmem>>, vector<16xi32>,
        %get3A_2286 = vector.shape_cast %get3A_2285 : vector<16xi32> to vector<16xi32>
        %get3A_2287 = arith.constant 272 : index
        %get3A_2288 = tpu.vector_load %arg7[%get3A_2287] {strides = array<i32>} : memref<512xi32, #tpu.memory_space<vmem>>, vector<16xi32>,
        %get3A_2289 = vector.shape_cast %get3A_2288 : vector<16xi32> to vector<16xi32>
        %get3A_2290 = arith.constant 272 : index
        %get3A_2291 = tpu.vector_load %arg8[%get3A_2290] {strides = array<i32>} : memref<1024xf32, #tpu.memory_space<vmem>>, vector<16xf32>,
        %get3A_2292 = vector.shape_cast %get3A_2291 : vector<16xf32> to vector<16xf32>
        %min3A_2293 = arith.minsi %add3A_2280, %select_n3A_1251 : vector<16xi32>
        %max3A_2294 = arith.maxsi %add3A_2280, %select_n3A_1251 : vector<16xi32>
        %mul3A_2295 = arith.constant 512 : i32
        %mul3A_2296 = vector.broadcast %mul3A_2295 : i32 to vector<16xi32>
        %mul3A_2297 = arith.muli %min3A_2293, %mul3A_2296 : vector<16xi32>
        %sub3A_2298 = arith.constant 1 : i32
        %sub3A_2299 = vector.broadcast %sub3A_2298 : i32 to vector<16xi32>
        %sub3A_2300 = arith.subi %min3A_2293, %sub3A_2299 : vector<16xi32>
        %mul3A_2301 = arith.muli %min3A_2293, %sub3A_2300 : vector<16xi32>
        %shift_right_arithmetic3A_2302 = arith.constant 1 : i32
        %shift_right_arithmetic3A_2303 = vector.broadcast %shift_right_arithmetic3A_2302 : i32 to vector<16xi32>
        %shift_right_arithmetic3A_2304 = arith.shrsi %mul3A_2301, %shift_right_arithmetic3A_2303 : vector<16xi32>
        %sub3A_2305 = arith.subi %mul3A_2297, %shift_right_arithmetic3A_2304 : vector<16xi32>
        %sub3A_2306 = arith.subi %max3A_2294, %min3A_2293 : vector<16xi32>
        %add3A_2307 = arith.addi %sub3A_2305, %sub3A_2306 : vector<16xi32>
        %lt3A_2308 = arith.cmpf olt, %get3A_2292, %get3A_2283 : vector<16xf32>
        %eq3A_2309 = arith.cmpf oeq, %get3A_2292, %get3A_2283 : vector<16xf32>
        %lt3A_2310 = arith.cmpi slt, %add3A_2307, %get3A_2286 : vector<16xi32>
        %and3A_2311 = arith.andi %eq3A_2309, %lt3A_2310 : vector<16xi1>
        %or3A_2312 = arith.ori %lt3A_2308, %and3A_2311 : vector<16xi1>
        %lt3A_2313 = arith.constant 0x7F800000 : f32
        %lt3A_2314 = vector.broadcast %lt3A_2313 : f32 to vector<16xf32>
        %lt3A_2315 = arith.cmpf olt, %get3A_2283, %lt3A_2314 : vector<16xf32>
        %and3A_2316 = arith.andi %or3A_2312, %lt3A_2315 : vector<16xi1>
        %select_n3A_2317 = arith.select %and3A_2316, %get3A_2292, %get3A_2283 : vector<16xi1>, vector<16xf32>
        %select_n3A_2318 = arith.select %and3A_2316, %add3A_2307, %get3A_2286 : vector<16xi1>, vector<16xi32>
        %select_n3A_2319 = arith.select %and3A_2316, %select_n3A_1251, %get3A_2289 : vector<16xi1>, vector<16xi32>
        %eq3A_2320 = arith.cmpi eq, %add3A_2280, %select_n3A_1251 : vector<16xi32>
        %jit3A_2321 = arith.constant 0x7F800000 : f32
        %broadcast_in_dim3A_2322 = vector.broadcast %jit3A_2321 : f32 to vector<16xf32>
        %select_n3A_2323 = arith.select %eq3A_2320, %broadcast_in_dim3A_2322, %select_n3A_2317 : vector<16xi1>, vector<16xf32>
        %swap3A_2324 = arith.constant 272 : index
        %swap3A_2325 = tpu.vector_load %arg5[%swap3A_2324] {strides = array<i32>} : memref<512xf32, #tpu.memory_space<vmem>>, vector<16xf32>,
        %swap3A_2326 = vector.shape_cast %swap3A_2325 : vector<16xf32> to vector<16xf32>
        %swap3A_2327 = vector.shape_cast %select_n3A_2323 : vector<16xf32> to vector<16xf32>
        tpu.vector_store %arg5[%swap3A_2324], %swap3A_2327 {strides = array<i32>} : memref<512xf32, #tpu.memory_space<vmem>>, vector<16xf32>,
        %swap3A_2328 = arith.constant 272 : index
        %swap3A_2329 = tpu.vector_load %arg6[%swap3A_2328] {strides = array<i32>} : memref<512xi32, #tpu.memory_space<vmem>>, vector<16xi32>,
        %swap3A_2330 = vector.shape_cast %swap3A_2329 : vector<16xi32> to vector<16xi32>
        %swap3A_2331 = vector.shape_cast %select_n3A_2318 : vector<16xi32> to vector<16xi32>
        tpu.vector_store %arg6[%swap3A_2328], %swap3A_2331 {strides = array<i32>} : memref<512xi32, #tpu.memory_space<vmem>>, vector<16xi32>,
        %swap3A_2332 = arith.constant 272 : index
        %swap3A_2333 = tpu.vector_load %arg7[%swap3A_2332] {strides = array<i32>} : memref<512xi32, #tpu.memory_space<vmem>>, vector<16xi32>,
        %swap3A_2334 = vector.shape_cast %swap3A_2333 : vector<16xi32> to vector<16xi32>
        %swap3A_2335 = vector.shape_cast %select_n3A_2319 : vector<16xi32> to vector<16xi32>
        tpu.vector_store %arg7[%swap3A_2332], %swap3A_2335 {strides = array<i32>} : memref<512xi32, #tpu.memory_space<vmem>>, vector<16xi32>,
        %iota3A_2336 = tpu.iota {dimensions = array<i32: 0>} : vector<16xi32>
        %add3A_2337 = arith.constant 288 : i32
        %add3A_2338 = vector.broadcast %add3A_2337 : i32 to vector<16xi32>
        %add3A_2339 = arith.addi %iota3A_2336, %add3A_2338 : vector<16xi32>
        %get3A_2340 = arith.constant 288 : index
        %get3A_2341 = tpu.vector_load %arg5[%get3A_2340] {strides = array<i32>} : memref<512xf32, #tpu.memory_space<vmem>>, vector<16xf32>,
        %get3A_2342 = vector.shape_cast %get3A_2341 : vector<16xf32> to vector<16xf32>
        %get3A_2343 = arith.constant 288 : index
        %get3A_2344 = tpu.vector_load %arg6[%get3A_2343] {strides = array<i32>} : memref<512xi32, #tpu.memory_space<vmem>>, vector<16xi32>,
        %get3A_2345 = vector.shape_cast %get3A_2344 : vector<16xi32> to vector<16xi32>
        %get3A_2346 = arith.constant 288 : index
        %get3A_2347 = tpu.vector_load %arg7[%get3A_2346] {strides = array<i32>} : memref<512xi32, #tpu.memory_space<vmem>>, vector<16xi32>,
        %get3A_2348 = vector.shape_cast %get3A_2347 : vector<16xi32> to vector<16xi32>
        %get3A_2349 = arith.constant 288 : index
        %get3A_2350 = tpu.vector_load %arg8[%get3A_2349] {strides = array<i32>} : memref<1024xf32, #tpu.memory_space<vmem>>, vector<16xf32>,
        %get3A_2351 = vector.shape_cast %get3A_2350 : vector<16xf32> to vector<16xf32>
        %min3A_2352 = arith.minsi %add3A_2339, %select_n3A_1251 : vector<16xi32>
        %max3A_2353 = arith.maxsi %add3A_2339, %select_n3A_1251 : vector<16xi32>
        %mul3A_2354 = arith.constant 512 : i32
        %mul3A_2355 = vector.broadcast %mul3A_2354 : i32 to vector<16xi32>
        %mul3A_2356 = arith.muli %min3A_2352, %mul3A_2355 : vector<16xi32>
        %sub3A_2357 = arith.constant 1 : i32
        %sub3A_2358 = vector.broadcast %sub3A_2357 : i32 to vector<16xi32>
        %sub3A_2359 = arith.subi %min3A_2352, %sub3A_2358 : vector<16xi32>
        %mul3A_2360 = arith.muli %min3A_2352, %sub3A_2359 : vector<16xi32>
        %shift_right_arithmetic3A_2361 = arith.constant 1 : i32
        %shift_right_arithmetic3A_2362 = vector.broadcast %shift_right_arithmetic3A_2361 : i32 to vector<16xi32>
        %shift_right_arithmetic3A_2363 = arith.shrsi %mul3A_2360, %shift_right_arithmetic3A_2362 : vector<16xi32>
        %sub3A_2364 = arith.subi %mul3A_2356, %shift_right_arithmetic3A_2363 : vector<16xi32>
        %sub3A_2365 = arith.subi %max3A_2353, %min3A_2352 : vector<16xi32>
        %add3A_2366 = arith.addi %sub3A_2364, %sub3A_2365 : vector<16xi32>
        %lt3A_2367 = arith.cmpf olt, %get3A_2351, %get3A_2342 : vector<16xf32>
        %eq3A_2368 = arith.cmpf oeq, %get3A_2351, %get3A_2342 : vector<16xf32>
        %lt3A_2369 = arith.cmpi slt, %add3A_2366, %get3A_2345 : vector<16xi32>
        %and3A_2370 = arith.andi %eq3A_2368, %lt3A_2369 : vector<16xi1>
        %or3A_2371 = arith.ori %lt3A_2367, %and3A_2370 : vector<16xi1>
        %lt3A_2372 = arith.constant 0x7F800000 : f32
        %lt3A_2373 = vector.broadcast %lt3A_2372 : f32 to vector<16xf32>
        %lt3A_2374 = arith.cmpf olt, %get3A_2342, %lt3A_2373 : vector<16xf32>
        %and3A_2375 = arith.andi %or3A_2371, %lt3A_2374 : vector<16xi1>
        %select_n3A_2376 = arith.select %and3A_2375, %get3A_2351, %get3A_2342 : vector<16xi1>, vector<16xf32>
        %select_n3A_2377 = arith.select %and3A_2375, %add3A_2366, %get3A_2345 : vector<16xi1>, vector<16xi32>
        %select_n3A_2378 = arith.select %and3A_2375, %select_n3A_1251, %get3A_2348 : vector<16xi1>, vector<16xi32>
        %eq3A_2379 = arith.cmpi eq, %add3A_2339, %select_n3A_1251 : vector<16xi32>
        %jit3A_2380 = arith.constant 0x7F800000 : f32
        %broadcast_in_dim3A_2381 = vector.broadcast %jit3A_2380 : f32 to vector<16xf32>
        %select_n3A_2382 = arith.select %eq3A_2379, %broadcast_in_dim3A_2381, %select_n3A_2376 : vector<16xi1>, vector<16xf32>
        %swap3A_2383 = arith.constant 288 : index
        %swap3A_2384 = tpu.vector_load %arg5[%swap3A_2383] {strides = array<i32>} : memref<512xf32, #tpu.memory_space<vmem>>, vector<16xf32>,
        %swap3A_2385 = vector.shape_cast %swap3A_2384 : vector<16xf32> to vector<16xf32>
        %swap3A_2386 = vector.shape_cast %select_n3A_2382 : vector<16xf32> to vector<16xf32>
        tpu.vector_store %arg5[%swap3A_2383], %swap3A_2386 {strides = array<i32>} : memref<512xf32, #tpu.memory_space<vmem>>, vector<16xf32>,
        %swap3A_2387 = arith.constant 288 : index
        %swap3A_2388 = tpu.vector_load %arg6[%swap3A_2387] {strides = array<i32>} : memref<512xi32, #tpu.memory_space<vmem>>, vector<16xi32>,
        %swap3A_2389 = vector.shape_cast %swap3A_2388 : vector<16xi32> to vector<16xi32>
        %swap3A_2390 = vector.shape_cast %select_n3A_2377 : vector<16xi32> to vector<16xi32>
        tpu.vector_store %arg6[%swap3A_2387], %swap3A_2390 {strides = array<i32>} : memref<512xi32, #tpu.memory_space<vmem>>, vector<16xi32>,
        %swap3A_2391 = arith.constant 288 : index
        %swap3A_2392 = tpu.vector_load %arg7[%swap3A_2391] {strides = array<i32>} : memref<512xi32, #tpu.memory_space<vmem>>, vector<16xi32>,
        %swap3A_2393 = vector.shape_cast %swap3A_2392 : vector<16xi32> to vector<16xi32>
        %swap3A_2394 = vector.shape_cast %select_n3A_2378 : vector<16xi32> to vector<16xi32>
        tpu.vector_store %arg7[%swap3A_2391], %swap3A_2394 {strides = array<i32>} : memref<512xi32, #tpu.memory_space<vmem>>, vector<16xi32>,
        %iota3A_2395 = tpu.iota {dimensions = array<i32: 0>} : vector<16xi32>
        %add3A_2396 = arith.constant 304 : i32
        %add3A_2397 = vector.broadcast %add3A_2396 : i32 to vector<16xi32>
        %add3A_2398 = arith.addi %iota3A_2395, %add3A_2397 : vector<16xi32>
        %get3A_2399 = arith.constant 304 : index
        %get3A_2400 = tpu.vector_load %arg5[%get3A_2399] {strides = array<i32>} : memref<512xf32, #tpu.memory_space<vmem>>, vector<16xf32>,
        %get3A_2401 = vector.shape_cast %get3A_2400 : vector<16xf32> to vector<16xf32>
        %get3A_2402 = arith.constant 304 : index
        %get3A_2403 = tpu.vector_load %arg6[%get3A_2402] {strides = array<i32>} : memref<512xi32, #tpu.memory_space<vmem>>, vector<16xi32>,
        %get3A_2404 = vector.shape_cast %get3A_2403 : vector<16xi32> to vector<16xi32>
        %get3A_2405 = arith.constant 304 : index
        %get3A_2406 = tpu.vector_load %arg7[%get3A_2405] {strides = array<i32>} : memref<512xi32, #tpu.memory_space<vmem>>, vector<16xi32>,
        %get3A_2407 = vector.shape_cast %get3A_2406 : vector<16xi32> to vector<16xi32>
        %get3A_2408 = arith.constant 304 : index
        %get3A_2409 = tpu.vector_load %arg8[%get3A_2408] {strides = array<i32>} : memref<1024xf32, #tpu.memory_space<vmem>>, vector<16xf32>,
        %get3A_2410 = vector.shape_cast %get3A_2409 : vector<16xf32> to vector<16xf32>
        %min3A_2411 = arith.minsi %add3A_2398, %select_n3A_1251 : vector<16xi32>
        %max3A_2412 = arith.maxsi %add3A_2398, %select_n3A_1251 : vector<16xi32>
        %mul3A_2413 = arith.constant 512 : i32
        %mul3A_2414 = vector.broadcast %mul3A_2413 : i32 to vector<16xi32>
        %mul3A_2415 = arith.muli %min3A_2411, %mul3A_2414 : vector<16xi32>
        %sub3A_2416 = arith.constant 1 : i32
        %sub3A_2417 = vector.broadcast %sub3A_2416 : i32 to vector<16xi32>
        %sub3A_2418 = arith.subi %min3A_2411, %sub3A_2417 : vector<16xi32>
        %mul3A_2419 = arith.muli %min3A_2411, %sub3A_2418 : vector<16xi32>
        %shift_right_arithmetic3A_2420 = arith.constant 1 : i32
        %shift_right_arithmetic3A_2421 = vector.broadcast %shift_right_arithmetic3A_2420 : i32 to vector<16xi32>
        %shift_right_arithmetic3A_2422 = arith.shrsi %mul3A_2419, %shift_right_arithmetic3A_2421 : vector<16xi32>
        %sub3A_2423 = arith.subi %mul3A_2415, %shift_right_arithmetic3A_2422 : vector<16xi32>
        %sub3A_2424 = arith.subi %max3A_2412, %min3A_2411 : vector<16xi32>
        %add3A_2425 = arith.addi %sub3A_2423, %sub3A_2424 : vector<16xi32>
        %lt3A_2426 = arith.cmpf olt, %get3A_2410, %get3A_2401 : vector<16xf32>
        %eq3A_2427 = arith.cmpf oeq, %get3A_2410, %get3A_2401 : vector<16xf32>
        %lt3A_2428 = arith.cmpi slt, %add3A_2425, %get3A_2404 : vector<16xi32>
        %and3A_2429 = arith.andi %eq3A_2427, %lt3A_2428 : vector<16xi1>
        %or3A_2430 = arith.ori %lt3A_2426, %and3A_2429 : vector<16xi1>
        %lt3A_2431 = arith.constant 0x7F800000 : f32
        %lt3A_2432 = vector.broadcast %lt3A_2431 : f32 to vector<16xf32>
        %lt3A_2433 = arith.cmpf olt, %get3A_2401, %lt3A_2432 : vector<16xf32>
        %and3A_2434 = arith.andi %or3A_2430, %lt3A_2433 : vector<16xi1>
        %select_n3A_2435 = arith.select %and3A_2434, %get3A_2410, %get3A_2401 : vector<16xi1>, vector<16xf32>
        %select_n3A_2436 = arith.select %and3A_2434, %add3A_2425, %get3A_2404 : vector<16xi1>, vector<16xi32>
        %select_n3A_2437 = arith.select %and3A_2434, %select_n3A_1251, %get3A_2407 : vector<16xi1>, vector<16xi32>
        %eq3A_2438 = arith.cmpi eq, %add3A_2398, %select_n3A_1251 : vector<16xi32>
        %jit3A_2439 = arith.constant 0x7F800000 : f32
        %broadcast_in_dim3A_2440 = vector.broadcast %jit3A_2439 : f32 to vector<16xf32>
        %select_n3A_2441 = arith.select %eq3A_2438, %broadcast_in_dim3A_2440, %select_n3A_2435 : vector<16xi1>, vector<16xf32>
        %swap3A_2442 = arith.constant 304 : index
        %swap3A_2443 = tpu.vector_load %arg5[%swap3A_2442] {strides = array<i32>} : memref<512xf32, #tpu.memory_space<vmem>>, vector<16xf32>,
        %swap3A_2444 = vector.shape_cast %swap3A_2443 : vector<16xf32> to vector<16xf32>
        %swap3A_2445 = vector.shape_cast %select_n3A_2441 : vector<16xf32> to vector<16xf32>
        tpu.vector_store %arg5[%swap3A_2442], %swap3A_2445 {strides = array<i32>} : memref<512xf32, #tpu.memory_space<vmem>>, vector<16xf32>,
        %swap3A_2446 = arith.constant 304 : index
        %swap3A_2447 = tpu.vector_load %arg6[%swap3A_2446] {strides = array<i32>} : memref<512xi32, #tpu.memory_space<vmem>>, vector<16xi32>,
        %swap3A_2448 = vector.shape_cast %swap3A_2447 : vector<16xi32> to vector<16xi32>
        %swap3A_2449 = vector.shape_cast %select_n3A_2436 : vector<16xi32> to vector<16xi32>
        tpu.vector_store %arg6[%swap3A_2446], %swap3A_2449 {strides = array<i32>} : memref<512xi32, #tpu.memory_space<vmem>>, vector<16xi32>,
        %swap3A_2450 = arith.constant 304 : index
        %swap3A_2451 = tpu.vector_load %arg7[%swap3A_2450] {strides = array<i32>} : memref<512xi32, #tpu.memory_space<vmem>>, vector<16xi32>,
        %swap3A_2452 = vector.shape_cast %swap3A_2451 : vector<16xi32> to vector<16xi32>
        %swap3A_2453 = vector.shape_cast %select_n3A_2437 : vector<16xi32> to vector<16xi32>
        tpu.vector_store %arg7[%swap3A_2450], %swap3A_2453 {strides = array<i32>} : memref<512xi32, #tpu.memory_space<vmem>>, vector<16xi32>,
        %iota3A_2454 = tpu.iota {dimensions = array<i32: 0>} : vector<16xi32>
        %add3A_2455 = arith.constant 320 : i32
        %add3A_2456 = vector.broadcast %add3A_2455 : i32 to vector<16xi32>
        %add3A_2457 = arith.addi %iota3A_2454, %add3A_2456 : vector<16xi32>
        %get3A_2458 = arith.constant 320 : index
        %get3A_2459 = tpu.vector_load %arg5[%get3A_2458] {strides = array<i32>} : memref<512xf32, #tpu.memory_space<vmem>>, vector<16xf32>,
        %get3A_2460 = vector.shape_cast %get3A_2459 : vector<16xf32> to vector<16xf32>
        %get3A_2461 = arith.constant 320 : index
        %get3A_2462 = tpu.vector_load %arg6[%get3A_2461] {strides = array<i32>} : memref<512xi32, #tpu.memory_space<vmem>>, vector<16xi32>,
        %get3A_2463 = vector.shape_cast %get3A_2462 : vector<16xi32> to vector<16xi32>
        %get3A_2464 = arith.constant 320 : index
        %get3A_2465 = tpu.vector_load %arg7[%get3A_2464] {strides = array<i32>} : memref<512xi32, #tpu.memory_space<vmem>>, vector<16xi32>,
        %get3A_2466 = vector.shape_cast %get3A_2465 : vector<16xi32> to vector<16xi32>
        %get3A_2467 = arith.constant 320 : index
        %get3A_2468 = tpu.vector_load %arg8[%get3A_2467] {strides = array<i32>} : memref<1024xf32, #tpu.memory_space<vmem>>, vector<16xf32>,
        %get3A_2469 = vector.shape_cast %get3A_2468 : vector<16xf32> to vector<16xf32>
        %min3A_2470 = arith.minsi %add3A_2457, %select_n3A_1251 : vector<16xi32>
        %max3A_2471 = arith.maxsi %add3A_2457, %select_n3A_1251 : vector<16xi32>
        %mul3A_2472 = arith.constant 512 : i32
        %mul3A_2473 = vector.broadcast %mul3A_2472 : i32 to vector<16xi32>
        %mul3A_2474 = arith.muli %min3A_2470, %mul3A_2473 : vector<16xi32>
        %sub3A_2475 = arith.constant 1 : i32
        %sub3A_2476 = vector.broadcast %sub3A_2475 : i32 to vector<16xi32>
        %sub3A_2477 = arith.subi %min3A_2470, %sub3A_2476 : vector<16xi32>
        %mul3A_2478 = arith.muli %min3A_2470, %sub3A_2477 : vector<16xi32>
        %shift_right_arithmetic3A_2479 = arith.constant 1 : i32
        %shift_right_arithmetic3A_2480 = vector.broadcast %shift_right_arithmetic3A_2479 : i32 to vector<16xi32>
        %shift_right_arithmetic3A_2481 = arith.shrsi %mul3A_2478, %shift_right_arithmetic3A_2480 : vector<16xi32>
        %sub3A_2482 = arith.subi %mul3A_2474, %shift_right_arithmetic3A_2481 : vector<16xi32>
        %sub3A_2483 = arith.subi %max3A_2471, %min3A_2470 : vector<16xi32>
        %add3A_2484 = arith.addi %sub3A_2482, %sub3A_2483 : vector<16xi32>
        %lt3A_2485 = arith.cmpf olt, %get3A_2469, %get3A_2460 : vector<16xf32>
        %eq3A_2486 = arith.cmpf oeq, %get3A_2469, %get3A_2460 : vector<16xf32>
        %lt3A_2487 = arith.cmpi slt, %add3A_2484, %get3A_2463 : vector<16xi32>
        %and3A_2488 = arith.andi %eq3A_2486, %lt3A_2487 : vector<16xi1>
        %or3A_2489 = arith.ori %lt3A_2485, %and3A_2488 : vector<16xi1>
        %lt3A_2490 = arith.constant 0x7F800000 : f32
        %lt3A_2491 = vector.broadcast %lt3A_2490 : f32 to vector<16xf32>
        %lt3A_2492 = arith.cmpf olt, %get3A_2460, %lt3A_2491 : vector<16xf32>
        %and3A_2493 = arith.andi %or3A_2489, %lt3A_2492 : vector<16xi1>
        %select_n3A_2494 = arith.select %and3A_2493, %get3A_2469, %get3A_2460 : vector<16xi1>, vector<16xf32>
        %select_n3A_2495 = arith.select %and3A_2493, %add3A_2484, %get3A_2463 : vector<16xi1>, vector<16xi32>
        %select_n3A_2496 = arith.select %and3A_2493, %select_n3A_1251, %get3A_2466 : vector<16xi1>, vector<16xi32>
        %eq3A_2497 = arith.cmpi eq, %add3A_2457, %select_n3A_1251 : vector<16xi32>
        %jit3A_2498 = arith.constant 0x7F800000 : f32
        %broadcast_in_dim3A_2499 = vector.broadcast %jit3A_2498 : f32 to vector<16xf32>
        %select_n3A_2500 = arith.select %eq3A_2497, %broadcast_in_dim3A_2499, %select_n3A_2494 : vector<16xi1>, vector<16xf32>
        %swap3A_2501 = arith.constant 320 : index
        %swap3A_2502 = tpu.vector_load %arg5[%swap3A_2501] {strides = array<i32>} : memref<512xf32, #tpu.memory_space<vmem>>, vector<16xf32>,
        %swap3A_2503 = vector.shape_cast %swap3A_2502 : vector<16xf32> to vector<16xf32>
        %swap3A_2504 = vector.shape_cast %select_n3A_2500 : vector<16xf32> to vector<16xf32>
        tpu.vector_store %arg5[%swap3A_2501], %swap3A_2504 {strides = array<i32>} : memref<512xf32, #tpu.memory_space<vmem>>, vector<16xf32>,
        %swap3A_2505 = arith.constant 320 : index
        %swap3A_2506 = tpu.vector_load %arg6[%swap3A_2505] {strides = array<i32>} : memref<512xi32, #tpu.memory_space<vmem>>, vector<16xi32>,
        %swap3A_2507 = vector.shape_cast %swap3A_2506 : vector<16xi32> to vector<16xi32>
        %swap3A_2508 = vector.shape_cast %select_n3A_2495 : vector<16xi32> to vector<16xi32>
        tpu.vector_store %arg6[%swap3A_2505], %swap3A_2508 {strides = array<i32>} : memref<512xi32, #tpu.memory_space<vmem>>, vector<16xi32>,
        %swap3A_2509 = arith.constant 320 : index
        %swap3A_2510 = tpu.vector_load %arg7[%swap3A_2509] {strides = array<i32>} : memref<512xi32, #tpu.memory_space<vmem>>, vector<16xi32>,
        %swap3A_2511 = vector.shape_cast %swap3A_2510 : vector<16xi32> to vector<16xi32>
        %swap3A_2512 = vector.shape_cast %select_n3A_2496 : vector<16xi32> to vector<16xi32>
        tpu.vector_store %arg7[%swap3A_2509], %swap3A_2512 {strides = array<i32>} : memref<512xi32, #tpu.memory_space<vmem>>, vector<16xi32>,
        %iota3A_2513 = tpu.iota {dimensions = array<i32: 0>} : vector<16xi32>
        %add3A_2514 = arith.constant 336 : i32
        %add3A_2515 = vector.broadcast %add3A_2514 : i32 to vector<16xi32>
        %add3A_2516 = arith.addi %iota3A_2513, %add3A_2515 : vector<16xi32>
        %get3A_2517 = arith.constant 336 : index
        %get3A_2518 = tpu.vector_load %arg5[%get3A_2517] {strides = array<i32>} : memref<512xf32, #tpu.memory_space<vmem>>, vector<16xf32>,
        %get3A_2519 = vector.shape_cast %get3A_2518 : vector<16xf32> to vector<16xf32>
        %get3A_2520 = arith.constant 336 : index
        %get3A_2521 = tpu.vector_load %arg6[%get3A_2520] {strides = array<i32>} : memref<512xi32, #tpu.memory_space<vmem>>, vector<16xi32>,
        %get3A_2522 = vector.shape_cast %get3A_2521 : vector<16xi32> to vector<16xi32>
        %get3A_2523 = arith.constant 336 : index
        %get3A_2524 = tpu.vector_load %arg7[%get3A_2523] {strides = array<i32>} : memref<512xi32, #tpu.memory_space<vmem>>, vector<16xi32>,
        %get3A_2525 = vector.shape_cast %get3A_2524 : vector<16xi32> to vector<16xi32>
        %get3A_2526 = arith.constant 336 : index
        %get3A_2527 = tpu.vector_load %arg8[%get3A_2526] {strides = array<i32>} : memref<1024xf32, #tpu.memory_space<vmem>>, vector<16xf32>,
        %get3A_2528 = vector.shape_cast %get3A_2527 : vector<16xf32> to vector<16xf32>
        %min3A_2529 = arith.minsi %add3A_2516, %select_n3A_1251 : vector<16xi32>
        %max3A_2530 = arith.maxsi %add3A_2516, %select_n3A_1251 : vector<16xi32>
        %mul3A_2531 = arith.constant 512 : i32
        %mul3A_2532 = vector.broadcast %mul3A_2531 : i32 to vector<16xi32>
        %mul3A_2533 = arith.muli %min3A_2529, %mul3A_2532 : vector<16xi32>
        %sub3A_2534 = arith.constant 1 : i32
        %sub3A_2535 = vector.broadcast %sub3A_2534 : i32 to vector<16xi32>
        %sub3A_2536 = arith.subi %min3A_2529, %sub3A_2535 : vector<16xi32>
        %mul3A_2537 = arith.muli %min3A_2529, %sub3A_2536 : vector<16xi32>
        %shift_right_arithmetic3A_2538 = arith.constant 1 : i32
        %shift_right_arithmetic3A_2539 = vector.broadcast %shift_right_arithmetic3A_2538 : i32 to vector<16xi32>
        %shift_right_arithmetic3A_2540 = arith.shrsi %mul3A_2537, %shift_right_arithmetic3A_2539 : vector<16xi32>
        %sub3A_2541 = arith.subi %mul3A_2533, %shift_right_arithmetic3A_2540 : vector<16xi32>
        %sub3A_2542 = arith.subi %max3A_2530, %min3A_2529 : vector<16xi32>
        %add3A_2543 = arith.addi %sub3A_2541, %sub3A_2542 : vector<16xi32>
        %lt3A_2544 = arith.cmpf olt, %get3A_2528, %get3A_2519 : vector<16xf32>
        %eq3A_2545 = arith.cmpf oeq, %get3A_2528, %get3A_2519 : vector<16xf32>
        %lt3A_2546 = arith.cmpi slt, %add3A_2543, %get3A_2522 : vector<16xi32>
        %and3A_2547 = arith.andi %eq3A_2545, %lt3A_2546 : vector<16xi1>
        %or3A_2548 = arith.ori %lt3A_2544, %and3A_2547 : vector<16xi1>
        %lt3A_2549 = arith.constant 0x7F800000 : f32
        %lt3A_2550 = vector.broadcast %lt3A_2549 : f32 to vector<16xf32>
        %lt3A_2551 = arith.cmpf olt, %get3A_2519, %lt3A_2550 : vector<16xf32>
        %and3A_2552 = arith.andi %or3A_2548, %lt3A_2551 : vector<16xi1>
        %select_n3A_2553 = arith.select %and3A_2552, %get3A_2528, %get3A_2519 : vector<16xi1>, vector<16xf32>
        %select_n3A_2554 = arith.select %and3A_2552, %add3A_2543, %get3A_2522 : vector<16xi1>, vector<16xi32>
        %select_n3A_2555 = arith.select %and3A_2552, %select_n3A_1251, %get3A_2525 : vector<16xi1>, vector<16xi32>
        %eq3A_2556 = arith.cmpi eq, %add3A_2516, %select_n3A_1251 : vector<16xi32>
        %jit3A_2557 = arith.constant 0x7F800000 : f32
        %broadcast_in_dim3A_2558 = vector.broadcast %jit3A_2557 : f32 to vector<16xf32>
        %select_n3A_2559 = arith.select %eq3A_2556, %broadcast_in_dim3A_2558, %select_n3A_2553 : vector<16xi1>, vector<16xf32>
        %swap3A_2560 = arith.constant 336 : index
        %swap3A_2561 = tpu.vector_load %arg5[%swap3A_2560] {strides = array<i32>} : memref<512xf32, #tpu.memory_space<vmem>>, vector<16xf32>,
        %swap3A_2562 = vector.shape_cast %swap3A_2561 : vector<16xf32> to vector<16xf32>
        %swap3A_2563 = vector.shape_cast %select_n3A_2559 : vector<16xf32> to vector<16xf32>
        tpu.vector_store %arg5[%swap3A_2560], %swap3A_2563 {strides = array<i32>} : memref<512xf32, #tpu.memory_space<vmem>>, vector<16xf32>,
        %swap3A_2564 = arith.constant 336 : index
        %swap3A_2565 = tpu.vector_load %arg6[%swap3A_2564] {strides = array<i32>} : memref<512xi32, #tpu.memory_space<vmem>>, vector<16xi32>,
        %swap3A_2566 = vector.shape_cast %swap3A_2565 : vector<16xi32> to vector<16xi32>
        %swap3A_2567 = vector.shape_cast %select_n3A_2554 : vector<16xi32> to vector<16xi32>
        tpu.vector_store %arg6[%swap3A_2564], %swap3A_2567 {strides = array<i32>} : memref<512xi32, #tpu.memory_space<vmem>>, vector<16xi32>,
        %swap3A_2568 = arith.constant 336 : index
        %swap3A_2569 = tpu.vector_load %arg7[%swap3A_2568] {strides = array<i32>} : memref<512xi32, #tpu.memory_space<vmem>>, vector<16xi32>,
        %swap3A_2570 = vector.shape_cast %swap3A_2569 : vector<16xi32> to vector<16xi32>
        %swap3A_2571 = vector.shape_cast %select_n3A_2555 : vector<16xi32> to vector<16xi32>
        tpu.vector_store %arg7[%swap3A_2568], %swap3A_2571 {strides = array<i32>} : memref<512xi32, #tpu.memory_space<vmem>>, vector<16xi32>,
        %iota3A_2572 = tpu.iota {dimensions = array<i32: 0>} : vector<16xi32>
        %add3A_2573 = arith.constant 352 : i32
        %add3A_2574 = vector.broadcast %add3A_2573 : i32 to vector<16xi32>
        %add3A_2575 = arith.addi %iota3A_2572, %add3A_2574 : vector<16xi32>
        %get3A_2576 = arith.constant 352 : index
        %get3A_2577 = tpu.vector_load %arg5[%get3A_2576] {strides = array<i32>} : memref<512xf32, #tpu.memory_space<vmem>>, vector<16xf32>,
        %get3A_2578 = vector.shape_cast %get3A_2577 : vector<16xf32> to vector<16xf32>
        %get3A_2579 = arith.constant 352 : index
        %get3A_2580 = tpu.vector_load %arg6[%get3A_2579] {strides = array<i32>} : memref<512xi32, #tpu.memory_space<vmem>>, vector<16xi32>,
        %get3A_2581 = vector.shape_cast %get3A_2580 : vector<16xi32> to vector<16xi32>
        %get3A_2582 = arith.constant 352 : index
        %get3A_2583 = tpu.vector_load %arg7[%get3A_2582] {strides = array<i32>} : memref<512xi32, #tpu.memory_space<vmem>>, vector<16xi32>,
        %get3A_2584 = vector.shape_cast %get3A_2583 : vector<16xi32> to vector<16xi32>
        %get3A_2585 = arith.constant 352 : index
        %get3A_2586 = tpu.vector_load %arg8[%get3A_2585] {strides = array<i32>} : memref<1024xf32, #tpu.memory_space<vmem>>, vector<16xf32>,
        %get3A_2587 = vector.shape_cast %get3A_2586 : vector<16xf32> to vector<16xf32>
        %min3A_2588 = arith.minsi %add3A_2575, %select_n3A_1251 : vector<16xi32>
        %max3A_2589 = arith.maxsi %add3A_2575, %select_n3A_1251 : vector<16xi32>
        %mul3A_2590 = arith.constant 512 : i32
        %mul3A_2591 = vector.broadcast %mul3A_2590 : i32 to vector<16xi32>
        %mul3A_2592 = arith.muli %min3A_2588, %mul3A_2591 : vector<16xi32>
        %sub3A_2593 = arith.constant 1 : i32
        %sub3A_2594 = vector.broadcast %sub3A_2593 : i32 to vector<16xi32>
        %sub3A_2595 = arith.subi %min3A_2588, %sub3A_2594 : vector<16xi32>
        %mul3A_2596 = arith.muli %min3A_2588, %sub3A_2595 : vector<16xi32>
        %shift_right_arithmetic3A_2597 = arith.constant 1 : i32
        %shift_right_arithmetic3A_2598 = vector.broadcast %shift_right_arithmetic3A_2597 : i32 to vector<16xi32>
        %shift_right_arithmetic3A_2599 = arith.shrsi %mul3A_2596, %shift_right_arithmetic3A_2598 : vector<16xi32>
        %sub3A_2600 = arith.subi %mul3A_2592, %shift_right_arithmetic3A_2599 : vector<16xi32>
        %sub3A_2601 = arith.subi %max3A_2589, %min3A_2588 : vector<16xi32>
        %add3A_2602 = arith.addi %sub3A_2600, %sub3A_2601 : vector<16xi32>
        %lt3A_2603 = arith.cmpf olt, %get3A_2587, %get3A_2578 : vector<16xf32>
        %eq3A_2604 = arith.cmpf oeq, %get3A_2587, %get3A_2578 : vector<16xf32>
        %lt3A_2605 = arith.cmpi slt, %add3A_2602, %get3A_2581 : vector<16xi32>
        %and3A_2606 = arith.andi %eq3A_2604, %lt3A_2605 : vector<16xi1>
        %or3A_2607 = arith.ori %lt3A_2603, %and3A_2606 : vector<16xi1>
        %lt3A_2608 = arith.constant 0x7F800000 : f32
        %lt3A_2609 = vector.broadcast %lt3A_2608 : f32 to vector<16xf32>
        %lt3A_2610 = arith.cmpf olt, %get3A_2578, %lt3A_2609 : vector<16xf32>
        %and3A_2611 = arith.andi %or3A_2607, %lt3A_2610 : vector<16xi1>
        %select_n3A_2612 = arith.select %and3A_2611, %get3A_2587, %get3A_2578 : vector<16xi1>, vector<16xf32>
        %select_n3A_2613 = arith.select %and3A_2611, %add3A_2602, %get3A_2581 : vector<16xi1>, vector<16xi32>
        %select_n3A_2614 = arith.select %and3A_2611, %select_n3A_1251, %get3A_2584 : vector<16xi1>, vector<16xi32>
        %eq3A_2615 = arith.cmpi eq, %add3A_2575, %select_n3A_1251 : vector<16xi32>
        %jit3A_2616 = arith.constant 0x7F800000 : f32
        %broadcast_in_dim3A_2617 = vector.broadcast %jit3A_2616 : f32 to vector<16xf32>
        %select_n3A_2618 = arith.select %eq3A_2615, %broadcast_in_dim3A_2617, %select_n3A_2612 : vector<16xi1>, vector<16xf32>
        %swap3A_2619 = arith.constant 352 : index
        %swap3A_2620 = tpu.vector_load %arg5[%swap3A_2619] {strides = array<i32>} : memref<512xf32, #tpu.memory_space<vmem>>, vector<16xf32>,
        %swap3A_2621 = vector.shape_cast %swap3A_2620 : vector<16xf32> to vector<16xf32>
        %swap3A_2622 = vector.shape_cast %select_n3A_2618 : vector<16xf32> to vector<16xf32>
        tpu.vector_store %arg5[%swap3A_2619], %swap3A_2622 {strides = array<i32>} : memref<512xf32, #tpu.memory_space<vmem>>, vector<16xf32>,
        %swap3A_2623 = arith.constant 352 : index
        %swap3A_2624 = tpu.vector_load %arg6[%swap3A_2623] {strides = array<i32>} : memref<512xi32, #tpu.memory_space<vmem>>, vector<16xi32>,
        %swap3A_2625 = vector.shape_cast %swap3A_2624 : vector<16xi32> to vector<16xi32>
        %swap3A_2626 = vector.shape_cast %select_n3A_2613 : vector<16xi32> to vector<16xi32>
        tpu.vector_store %arg6[%swap3A_2623], %swap3A_2626 {strides = array<i32>} : memref<512xi32, #tpu.memory_space<vmem>>, vector<16xi32>,
        %swap3A_2627 = arith.constant 352 : index
        %swap3A_2628 = tpu.vector_load %arg7[%swap3A_2627] {strides = array<i32>} : memref<512xi32, #tpu.memory_space<vmem>>, vector<16xi32>,
        %swap3A_2629 = vector.shape_cast %swap3A_2628 : vector<16xi32> to vector<16xi32>
        %swap3A_2630 = vector.shape_cast %select_n3A_2614 : vector<16xi32> to vector<16xi32>
        tpu.vector_store %arg7[%swap3A_2627], %swap3A_2630 {strides = array<i32>} : memref<512xi32, #tpu.memory_space<vmem>>, vector<16xi32>,
        %iota3A_2631 = tpu.iota {dimensions = array<i32: 0>} : vector<16xi32>
        %add3A_2632 = arith.constant 368 : i32
        %add3A_2633 = vector.broadcast %add3A_2632 : i32 to vector<16xi32>
        %add3A_2634 = arith.addi %iota3A_2631, %add3A_2633 : vector<16xi32>
        %get3A_2635 = arith.constant 368 : index
        %get3A_2636 = tpu.vector_load %arg5[%get3A_2635] {strides = array<i32>} : memref<512xf32, #tpu.memory_space<vmem>>, vector<16xf32>,
        %get3A_2637 = vector.shape_cast %get3A_2636 : vector<16xf32> to vector<16xf32>
        %get3A_2638 = arith.constant 368 : index
        %get3A_2639 = tpu.vector_load %arg6[%get3A_2638] {strides = array<i32>} : memref<512xi32, #tpu.memory_space<vmem>>, vector<16xi32>,
        %get3A_2640 = vector.shape_cast %get3A_2639 : vector<16xi32> to vector<16xi32>
        %get3A_2641 = arith.constant 368 : index
        %get3A_2642 = tpu.vector_load %arg7[%get3A_2641] {strides = array<i32>} : memref<512xi32, #tpu.memory_space<vmem>>, vector<16xi32>,
        %get3A_2643 = vector.shape_cast %get3A_2642 : vector<16xi32> to vector<16xi32>
        %get3A_2644 = arith.constant 368 : index
        %get3A_2645 = tpu.vector_load %arg8[%get3A_2644] {strides = array<i32>} : memref<1024xf32, #tpu.memory_space<vmem>>, vector<16xf32>,
        %get3A_2646 = vector.shape_cast %get3A_2645 : vector<16xf32> to vector<16xf32>
        %min3A_2647 = arith.minsi %add3A_2634, %select_n3A_1251 : vector<16xi32>
        %max3A_2648 = arith.maxsi %add3A_2634, %select_n3A_1251 : vector<16xi32>
        %mul3A_2649 = arith.constant 512 : i32
        %mul3A_2650 = vector.broadcast %mul3A_2649 : i32 to vector<16xi32>
        %mul3A_2651 = arith.muli %min3A_2647, %mul3A_2650 : vector<16xi32>
        %sub3A_2652 = arith.constant 1 : i32
        %sub3A_2653 = vector.broadcast %sub3A_2652 : i32 to vector<16xi32>
        %sub3A_2654 = arith.subi %min3A_2647, %sub3A_2653 : vector<16xi32>
        %mul3A_2655 = arith.muli %min3A_2647, %sub3A_2654 : vector<16xi32>
        %shift_right_arithmetic3A_2656 = arith.constant 1 : i32
        %shift_right_arithmetic3A_2657 = vector.broadcast %shift_right_arithmetic3A_2656 : i32 to vector<16xi32>
        %shift_right_arithmetic3A_2658 = arith.shrsi %mul3A_2655, %shift_right_arithmetic3A_2657 : vector<16xi32>
        %sub3A_2659 = arith.subi %mul3A_2651, %shift_right_arithmetic3A_2658 : vector<16xi32>
        %sub3A_2660 = arith.subi %max3A_2648, %min3A_2647 : vector<16xi32>
        %add3A_2661 = arith.addi %sub3A_2659, %sub3A_2660 : vector<16xi32>
        %lt3A_2662 = arith.cmpf olt, %get3A_2646, %get3A_2637 : vector<16xf32>
        %eq3A_2663 = arith.cmpf oeq, %get3A_2646, %get3A_2637 : vector<16xf32>
        %lt3A_2664 = arith.cmpi slt, %add3A_2661, %get3A_2640 : vector<16xi32>
        %and3A_2665 = arith.andi %eq3A_2663, %lt3A_2664 : vector<16xi1>
        %or3A_2666 = arith.ori %lt3A_2662, %and3A_2665 : vector<16xi1>
        %lt3A_2667 = arith.constant 0x7F800000 : f32
        %lt3A_2668 = vector.broadcast %lt3A_2667 : f32 to vector<16xf32>
        %lt3A_2669 = arith.cmpf olt, %get3A_2637, %lt3A_2668 : vector<16xf32>
        %and3A_2670 = arith.andi %or3A_2666, %lt3A_2669 : vector<16xi1>
        %select_n3A_2671 = arith.select %and3A_2670, %get3A_2646, %get3A_2637 : vector<16xi1>, vector<16xf32>
        %select_n3A_2672 = arith.select %and3A_2670, %add3A_2661, %get3A_2640 : vector<16xi1>, vector<16xi32>
        %select_n3A_2673 = arith.select %and3A_2670, %select_n3A_1251, %get3A_2643 : vector<16xi1>, vector<16xi32>
        %eq3A_2674 = arith.cmpi eq, %add3A_2634, %select_n3A_1251 : vector<16xi32>
        %jit3A_2675 = arith.constant 0x7F800000 : f32
        %broadcast_in_dim3A_2676 = vector.broadcast %jit3A_2675 : f32 to vector<16xf32>
        %select_n3A_2677 = arith.select %eq3A_2674, %broadcast_in_dim3A_2676, %select_n3A_2671 : vector<16xi1>, vector<16xf32>
        %swap3A_2678 = arith.constant 368 : index
        %swap3A_2679 = tpu.vector_load %arg5[%swap3A_2678] {strides = array<i32>} : memref<512xf32, #tpu.memory_space<vmem>>, vector<16xf32>,
        %swap3A_2680 = vector.shape_cast %swap3A_2679 : vector<16xf32> to vector<16xf32>
        %swap3A_2681 = vector.shape_cast %select_n3A_2677 : vector<16xf32> to vector<16xf32>
        tpu.vector_store %arg5[%swap3A_2678], %swap3A_2681 {strides = array<i32>} : memref<512xf32, #tpu.memory_space<vmem>>, vector<16xf32>,
        %swap3A_2682 = arith.constant 368 : index
        %swap3A_2683 = tpu.vector_load %arg6[%swap3A_2682] {strides = array<i32>} : memref<512xi32, #tpu.memory_space<vmem>>, vector<16xi32>,
        %swap3A_2684 = vector.shape_cast %swap3A_2683 : vector<16xi32> to vector<16xi32>
        %swap3A_2685 = vector.shape_cast %select_n3A_2672 : vector<16xi32> to vector<16xi32>
        tpu.vector_store %arg6[%swap3A_2682], %swap3A_2685 {strides = array<i32>} : memref<512xi32, #tpu.memory_space<vmem>>, vector<16xi32>,
        %swap3A_2686 = arith.constant 368 : index
        %swap3A_2687 = tpu.vector_load %arg7[%swap3A_2686] {strides = array<i32>} : memref<512xi32, #tpu.memory_space<vmem>>, vector<16xi32>,
        %swap3A_2688 = vector.shape_cast %swap3A_2687 : vector<16xi32> to vector<16xi32>
        %swap3A_2689 = vector.shape_cast %select_n3A_2673 : vector<16xi32> to vector<16xi32>
        tpu.vector_store %arg7[%swap3A_2686], %swap3A_2689 {strides = array<i32>} : memref<512xi32, #tpu.memory_space<vmem>>, vector<16xi32>,
        %iota3A_2690 = tpu.iota {dimensions = array<i32: 0>} : vector<16xi32>
        %add3A_2691 = arith.constant 384 : i32
        %add3A_2692 = vector.broadcast %add3A_2691 : i32 to vector<16xi32>
        %add3A_2693 = arith.addi %iota3A_2690, %add3A_2692 : vector<16xi32>
        %get3A_2694 = arith.constant 384 : index
        %get3A_2695 = tpu.vector_load %arg5[%get3A_2694] {strides = array<i32>} : memref<512xf32, #tpu.memory_space<vmem>>, vector<16xf32>,
        %get3A_2696 = vector.shape_cast %get3A_2695 : vector<16xf32> to vector<16xf32>
        %get3A_2697 = arith.constant 384 : index
        %get3A_2698 = tpu.vector_load %arg6[%get3A_2697] {strides = array<i32>} : memref<512xi32, #tpu.memory_space<vmem>>, vector<16xi32>,
        %get3A_2699 = vector.shape_cast %get3A_2698 : vector<16xi32> to vector<16xi32>
        %get3A_2700 = arith.constant 384 : index
        %get3A_2701 = tpu.vector_load %arg7[%get3A_2700] {strides = array<i32>} : memref<512xi32, #tpu.memory_space<vmem>>, vector<16xi32>,
        %get3A_2702 = vector.shape_cast %get3A_2701 : vector<16xi32> to vector<16xi32>
        %get3A_2703 = arith.constant 384 : index
        %get3A_2704 = tpu.vector_load %arg8[%get3A_2703] {strides = array<i32>} : memref<1024xf32, #tpu.memory_space<vmem>>, vector<16xf32>,
        %get3A_2705 = vector.shape_cast %get3A_2704 : vector<16xf32> to vector<16xf32>
        %min3A_2706 = arith.minsi %add3A_2693, %select_n3A_1251 : vector<16xi32>
        %max3A_2707 = arith.maxsi %add3A_2693, %select_n3A_1251 : vector<16xi32>
        %mul3A_2708 = arith.constant 512 : i32
        %mul3A_2709 = vector.broadcast %mul3A_2708 : i32 to vector<16xi32>
        %mul3A_2710 = arith.muli %min3A_2706, %mul3A_2709 : vector<16xi32>
        %sub3A_2711 = arith.constant 1 : i32
        %sub3A_2712 = vector.broadcast %sub3A_2711 : i32 to vector<16xi32>
        %sub3A_2713 = arith.subi %min3A_2706, %sub3A_2712 : vector<16xi32>
        %mul3A_2714 = arith.muli %min3A_2706, %sub3A_2713 : vector<16xi32>
        %shift_right_arithmetic3A_2715 = arith.constant 1 : i32
        %shift_right_arithmetic3A_2716 = vector.broadcast %shift_right_arithmetic3A_2715 : i32 to vector<16xi32>
        %shift_right_arithmetic3A_2717 = arith.shrsi %mul3A_2714, %shift_right_arithmetic3A_2716 : vector<16xi32>
        %sub3A_2718 = arith.subi %mul3A_2710, %shift_right_arithmetic3A_2717 : vector<16xi32>
        %sub3A_2719 = arith.subi %max3A_2707, %min3A_2706 : vector<16xi32>
        %add3A_2720 = arith.addi %sub3A_2718, %sub3A_2719 : vector<16xi32>
        %lt3A_2721 = arith.cmpf olt, %get3A_2705, %get3A_2696 : vector<16xf32>
        %eq3A_2722 = arith.cmpf oeq, %get3A_2705, %get3A_2696 : vector<16xf32>
        %lt3A_2723 = arith.cmpi slt, %add3A_2720, %get3A_2699 : vector<16xi32>
        %and3A_2724 = arith.andi %eq3A_2722, %lt3A_2723 : vector<16xi1>
        %or3A_2725 = arith.ori %lt3A_2721, %and3A_2724 : vector<16xi1>
        %lt3A_2726 = arith.constant 0x7F800000 : f32
        %lt3A_2727 = vector.broadcast %lt3A_2726 : f32 to vector<16xf32>
        %lt3A_2728 = arith.cmpf olt, %get3A_2696, %lt3A_2727 : vector<16xf32>
        %and3A_2729 = arith.andi %or3A_2725, %lt3A_2728 : vector<16xi1>
        %select_n3A_2730 = arith.select %and3A_2729, %get3A_2705, %get3A_2696 : vector<16xi1>, vector<16xf32>
        %select_n3A_2731 = arith.select %and3A_2729, %add3A_2720, %get3A_2699 : vector<16xi1>, vector<16xi32>
        %select_n3A_2732 = arith.select %and3A_2729, %select_n3A_1251, %get3A_2702 : vector<16xi1>, vector<16xi32>
        %eq3A_2733 = arith.cmpi eq, %add3A_2693, %select_n3A_1251 : vector<16xi32>
        %jit3A_2734 = arith.constant 0x7F800000 : f32
        %broadcast_in_dim3A_2735 = vector.broadcast %jit3A_2734 : f32 to vector<16xf32>
        %select_n3A_2736 = arith.select %eq3A_2733, %broadcast_in_dim3A_2735, %select_n3A_2730 : vector<16xi1>, vector<16xf32>
        %swap3A_2737 = arith.constant 384 : index
        %swap3A_2738 = tpu.vector_load %arg5[%swap3A_2737] {strides = array<i32>} : memref<512xf32, #tpu.memory_space<vmem>>, vector<16xf32>,
        %swap3A_2739 = vector.shape_cast %swap3A_2738 : vector<16xf32> to vector<16xf32>
        %swap3A_2740 = vector.shape_cast %select_n3A_2736 : vector<16xf32> to vector<16xf32>
        tpu.vector_store %arg5[%swap3A_2737], %swap3A_2740 {strides = array<i32>} : memref<512xf32, #tpu.memory_space<vmem>>, vector<16xf32>,
        %swap3A_2741 = arith.constant 384 : index
        %swap3A_2742 = tpu.vector_load %arg6[%swap3A_2741] {strides = array<i32>} : memref<512xi32, #tpu.memory_space<vmem>>, vector<16xi32>,
        %swap3A_2743 = vector.shape_cast %swap3A_2742 : vector<16xi32> to vector<16xi32>
        %swap3A_2744 = vector.shape_cast %select_n3A_2731 : vector<16xi32> to vector<16xi32>
        tpu.vector_store %arg6[%swap3A_2741], %swap3A_2744 {strides = array<i32>} : memref<512xi32, #tpu.memory_space<vmem>>, vector<16xi32>,
        %swap3A_2745 = arith.constant 384 : index
        %swap3A_2746 = tpu.vector_load %arg7[%swap3A_2745] {strides = array<i32>} : memref<512xi32, #tpu.memory_space<vmem>>, vector<16xi32>,
        %swap3A_2747 = vector.shape_cast %swap3A_2746 : vector<16xi32> to vector<16xi32>
        %swap3A_2748 = vector.shape_cast %select_n3A_2732 : vector<16xi32> to vector<16xi32>
        tpu.vector_store %arg7[%swap3A_2745], %swap3A_2748 {strides = array<i32>} : memref<512xi32, #tpu.memory_space<vmem>>, vector<16xi32>,
        %iota3A_2749 = tpu.iota {dimensions = array<i32: 0>} : vector<16xi32>
        %add3A_2750 = arith.constant 400 : i32
        %add3A_2751 = vector.broadcast %add3A_2750 : i32 to vector<16xi32>
        %add3A_2752 = arith.addi %iota3A_2749, %add3A_2751 : vector<16xi32>
        %get3A_2753 = arith.constant 400 : index
        %get3A_2754 = tpu.vector_load %arg5[%get3A_2753] {strides = array<i32>} : memref<512xf32, #tpu.memory_space<vmem>>, vector<16xf32>,
        %get3A_2755 = vector.shape_cast %get3A_2754 : vector<16xf32> to vector<16xf32>
        %get3A_2756 = arith.constant 400 : index
        %get3A_2757 = tpu.vector_load %arg6[%get3A_2756] {strides = array<i32>} : memref<512xi32, #tpu.memory_space<vmem>>, vector<16xi32>,
        %get3A_2758 = vector.shape_cast %get3A_2757 : vector<16xi32> to vector<16xi32>
        %get3A_2759 = arith.constant 400 : index
        %get3A_2760 = tpu.vector_load %arg7[%get3A_2759] {strides = array<i32>} : memref<512xi32, #tpu.memory_space<vmem>>, vector<16xi32>,
        %get3A_2761 = vector.shape_cast %get3A_2760 : vector<16xi32> to vector<16xi32>
        %get3A_2762 = arith.constant 400 : index
        %get3A_2763 = tpu.vector_load %arg8[%get3A_2762] {strides = array<i32>} : memref<1024xf32, #tpu.memory_space<vmem>>, vector<16xf32>,
        %get3A_2764 = vector.shape_cast %get3A_2763 : vector<16xf32> to vector<16xf32>
        %min3A_2765 = arith.minsi %add3A_2752, %select_n3A_1251 : vector<16xi32>
        %max3A_2766 = arith.maxsi %add3A_2752, %select_n3A_1251 : vector<16xi32>
        %mul3A_2767 = arith.constant 512 : i32
        %mul3A_2768 = vector.broadcast %mul3A_2767 : i32 to vector<16xi32>
        %mul3A_2769 = arith.muli %min3A_2765, %mul3A_2768 : vector<16xi32>
        %sub3A_2770 = arith.constant 1 : i32
        %sub3A_2771 = vector.broadcast %sub3A_2770 : i32 to vector<16xi32>
        %sub3A_2772 = arith.subi %min3A_2765, %sub3A_2771 : vector<16xi32>
        %mul3A_2773 = arith.muli %min3A_2765, %sub3A_2772 : vector<16xi32>
        %shift_right_arithmetic3A_2774 = arith.constant 1 : i32
        %shift_right_arithmetic3A_2775 = vector.broadcast %shift_right_arithmetic3A_2774 : i32 to vector<16xi32>
        %shift_right_arithmetic3A_2776 = arith.shrsi %mul3A_2773, %shift_right_arithmetic3A_2775 : vector<16xi32>
        %sub3A_2777 = arith.subi %mul3A_2769, %shift_right_arithmetic3A_2776 : vector<16xi32>
        %sub3A_2778 = arith.subi %max3A_2766, %min3A_2765 : vector<16xi32>
        %add3A_2779 = arith.addi %sub3A_2777, %sub3A_2778 : vector<16xi32>
        %lt3A_2780 = arith.cmpf olt, %get3A_2764, %get3A_2755 : vector<16xf32>
        %eq3A_2781 = arith.cmpf oeq, %get3A_2764, %get3A_2755 : vector<16xf32>
        %lt3A_2782 = arith.cmpi slt, %add3A_2779, %get3A_2758 : vector<16xi32>
        %and3A_2783 = arith.andi %eq3A_2781, %lt3A_2782 : vector<16xi1>
        %or3A_2784 = arith.ori %lt3A_2780, %and3A_2783 : vector<16xi1>
        %lt3A_2785 = arith.constant 0x7F800000 : f32
        %lt3A_2786 = vector.broadcast %lt3A_2785 : f32 to vector<16xf32>
        %lt3A_2787 = arith.cmpf olt, %get3A_2755, %lt3A_2786 : vector<16xf32>
        %and3A_2788 = arith.andi %or3A_2784, %lt3A_2787 : vector<16xi1>
        %select_n3A_2789 = arith.select %and3A_2788, %get3A_2764, %get3A_2755 : vector<16xi1>, vector<16xf32>
        %select_n3A_2790 = arith.select %and3A_2788, %add3A_2779, %get3A_2758 : vector<16xi1>, vector<16xi32>
        %select_n3A_2791 = arith.select %and3A_2788, %select_n3A_1251, %get3A_2761 : vector<16xi1>, vector<16xi32>
        %eq3A_2792 = arith.cmpi eq, %add3A_2752, %select_n3A_1251 : vector<16xi32>
        %jit3A_2793 = arith.constant 0x7F800000 : f32
        %broadcast_in_dim3A_2794 = vector.broadcast %jit3A_2793 : f32 to vector<16xf32>
        %select_n3A_2795 = arith.select %eq3A_2792, %broadcast_in_dim3A_2794, %select_n3A_2789 : vector<16xi1>, vector<16xf32>
        %swap3A_2796 = arith.constant 400 : index
        %swap3A_2797 = tpu.vector_load %arg5[%swap3A_2796] {strides = array<i32>} : memref<512xf32, #tpu.memory_space<vmem>>, vector<16xf32>,
        %swap3A_2798 = vector.shape_cast %swap3A_2797 : vector<16xf32> to vector<16xf32>
        %swap3A_2799 = vector.shape_cast %select_n3A_2795 : vector<16xf32> to vector<16xf32>
        tpu.vector_store %arg5[%swap3A_2796], %swap3A_2799 {strides = array<i32>} : memref<512xf32, #tpu.memory_space<vmem>>, vector<16xf32>,
        %swap3A_2800 = arith.constant 400 : index
        %swap3A_2801 = tpu.vector_load %arg6[%swap3A_2800] {strides = array<i32>} : memref<512xi32, #tpu.memory_space<vmem>>, vector<16xi32>,
        %swap3A_2802 = vector.shape_cast %swap3A_2801 : vector<16xi32> to vector<16xi32>
        %swap3A_2803 = vector.shape_cast %select_n3A_2790 : vector<16xi32> to vector<16xi32>
        tpu.vector_store %arg6[%swap3A_2800], %swap3A_2803 {strides = array<i32>} : memref<512xi32, #tpu.memory_space<vmem>>, vector<16xi32>,
        %swap3A_2804 = arith.constant 400 : index
        %swap3A_2805 = tpu.vector_load %arg7[%swap3A_2804] {strides = array<i32>} : memref<512xi32, #tpu.memory_space<vmem>>, vector<16xi32>,
        %swap3A_2806 = vector.shape_cast %swap3A_2805 : vector<16xi32> to vector<16xi32>
        %swap3A_2807 = vector.shape_cast %select_n3A_2791 : vector<16xi32> to vector<16xi32>
        tpu.vector_store %arg7[%swap3A_2804], %swap3A_2807 {strides = array<i32>} : memref<512xi32, #tpu.memory_space<vmem>>, vector<16xi32>,
        %iota3A_2808 = tpu.iota {dimensions = array<i32: 0>} : vector<16xi32>
        %add3A_2809 = arith.constant 416 : i32
        %add3A_2810 = vector.broadcast %add3A_2809 : i32 to vector<16xi32>
        %add3A_2811 = arith.addi %iota3A_2808, %add3A_2810 : vector<16xi32>
        %get3A_2812 = arith.constant 416 : index
        %get3A_2813 = tpu.vector_load %arg5[%get3A_2812] {strides = array<i32>} : memref<512xf32, #tpu.memory_space<vmem>>, vector<16xf32>,
        %get3A_2814 = vector.shape_cast %get3A_2813 : vector<16xf32> to vector<16xf32>
        %get3A_2815 = arith.constant 416 : index
        %get3A_2816 = tpu.vector_load %arg6[%get3A_2815] {strides = array<i32>} : memref<512xi32, #tpu.memory_space<vmem>>, vector<16xi32>,
        %get3A_2817 = vector.shape_cast %get3A_2816 : vector<16xi32> to vector<16xi32>
        %get3A_2818 = arith.constant 416 : index
        %get3A_2819 = tpu.vector_load %arg7[%get3A_2818] {strides = array<i32>} : memref<512xi32, #tpu.memory_space<vmem>>, vector<16xi32>,
        %get3A_2820 = vector.shape_cast %get3A_2819 : vector<16xi32> to vector<16xi32>
        %get3A_2821 = arith.constant 416 : index
        %get3A_2822 = tpu.vector_load %arg8[%get3A_2821] {strides = array<i32>} : memref<1024xf32, #tpu.memory_space<vmem>>, vector<16xf32>,
        %get3A_2823 = vector.shape_cast %get3A_2822 : vector<16xf32> to vector<16xf32>
        %min3A_2824 = arith.minsi %add3A_2811, %select_n3A_1251 : vector<16xi32>
        %max3A_2825 = arith.maxsi %add3A_2811, %select_n3A_1251 : vector<16xi32>
        %mul3A_2826 = arith.constant 512 : i32
        %mul3A_2827 = vector.broadcast %mul3A_2826 : i32 to vector<16xi32>
        %mul3A_2828 = arith.muli %min3A_2824, %mul3A_2827 : vector<16xi32>
        %sub3A_2829 = arith.constant 1 : i32
        %sub3A_2830 = vector.broadcast %sub3A_2829 : i32 to vector<16xi32>
        %sub3A_2831 = arith.subi %min3A_2824, %sub3A_2830 : vector<16xi32>
        %mul3A_2832 = arith.muli %min3A_2824, %sub3A_2831 : vector<16xi32>
        %shift_right_arithmetic3A_2833 = arith.constant 1 : i32
        %shift_right_arithmetic3A_2834 = vector.broadcast %shift_right_arithmetic3A_2833 : i32 to vector<16xi32>
        %shift_right_arithmetic3A_2835 = arith.shrsi %mul3A_2832, %shift_right_arithmetic3A_2834 : vector<16xi32>
        %sub3A_2836 = arith.subi %mul3A_2828, %shift_right_arithmetic3A_2835 : vector<16xi32>
        %sub3A_2837 = arith.subi %max3A_2825, %min3A_2824 : vector<16xi32>
        %add3A_2838 = arith.addi %sub3A_2836, %sub3A_2837 : vector<16xi32>
        %lt3A_2839 = arith.cmpf olt, %get3A_2823, %get3A_2814 : vector<16xf32>
        %eq3A_2840 = arith.cmpf oeq, %get3A_2823, %get3A_2814 : vector<16xf32>
        %lt3A_2841 = arith.cmpi slt, %add3A_2838, %get3A_2817 : vector<16xi32>
        %and3A_2842 = arith.andi %eq3A_2840, %lt3A_2841 : vector<16xi1>
        %or3A_2843 = arith.ori %lt3A_2839, %and3A_2842 : vector<16xi1>
        %lt3A_2844 = arith.constant 0x7F800000 : f32
        %lt3A_2845 = vector.broadcast %lt3A_2844 : f32 to vector<16xf32>
        %lt3A_2846 = arith.cmpf olt, %get3A_2814, %lt3A_2845 : vector<16xf32>
        %and3A_2847 = arith.andi %or3A_2843, %lt3A_2846 : vector<16xi1>
        %select_n3A_2848 = arith.select %and3A_2847, %get3A_2823, %get3A_2814 : vector<16xi1>, vector<16xf32>
        %select_n3A_2849 = arith.select %and3A_2847, %add3A_2838, %get3A_2817 : vector<16xi1>, vector<16xi32>
        %select_n3A_2850 = arith.select %and3A_2847, %select_n3A_1251, %get3A_2820 : vector<16xi1>, vector<16xi32>
        %eq3A_2851 = arith.cmpi eq, %add3A_2811, %select_n3A_1251 : vector<16xi32>
        %jit3A_2852 = arith.constant 0x7F800000 : f32
        %broadcast_in_dim3A_2853 = vector.broadcast %jit3A_2852 : f32 to vector<16xf32>
        %select_n3A_2854 = arith.select %eq3A_2851, %broadcast_in_dim3A_2853, %select_n3A_2848 : vector<16xi1>, vector<16xf32>
        %swap3A_2855 = arith.constant 416 : index
        %swap3A_2856 = tpu.vector_load %arg5[%swap3A_2855] {strides = array<i32>} : memref<512xf32, #tpu.memory_space<vmem>>, vector<16xf32>,
        %swap3A_2857 = vector.shape_cast %swap3A_2856 : vector<16xf32> to vector<16xf32>
        %swap3A_2858 = vector.shape_cast %select_n3A_2854 : vector<16xf32> to vector<16xf32>
        tpu.vector_store %arg5[%swap3A_2855], %swap3A_2858 {strides = array<i32>} : memref<512xf32, #tpu.memory_space<vmem>>, vector<16xf32>,
        %swap3A_2859 = arith.constant 416 : index
        %swap3A_2860 = tpu.vector_load %arg6[%swap3A_2859] {strides = array<i32>} : memref<512xi32, #tpu.memory_space<vmem>>, vector<16xi32>,
        %swap3A_2861 = vector.shape_cast %swap3A_2860 : vector<16xi32> to vector<16xi32>
        %swap3A_2862 = vector.shape_cast %select_n3A_2849 : vector<16xi32> to vector<16xi32>
        tpu.vector_store %arg6[%swap3A_2859], %swap3A_2862 {strides = array<i32>} : memref<512xi32, #tpu.memory_space<vmem>>, vector<16xi32>,
        %swap3A_2863 = arith.constant 416 : index
        %swap3A_2864 = tpu.vector_load %arg7[%swap3A_2863] {strides = array<i32>} : memref<512xi32, #tpu.memory_space<vmem>>, vector<16xi32>,
        %swap3A_2865 = vector.shape_cast %swap3A_2864 : vector<16xi32> to vector<16xi32>
        %swap3A_2866 = vector.shape_cast %select_n3A_2850 : vector<16xi32> to vector<16xi32>
        tpu.vector_store %arg7[%swap3A_2863], %swap3A_2866 {strides = array<i32>} : memref<512xi32, #tpu.memory_space<vmem>>, vector<16xi32>,
        %iota3A_2867 = tpu.iota {dimensions = array<i32: 0>} : vector<16xi32>
        %add3A_2868 = arith.constant 432 : i32
        %add3A_2869 = vector.broadcast %add3A_2868 : i32 to vector<16xi32>
        %add3A_2870 = arith.addi %iota3A_2867, %add3A_2869 : vector<16xi32>
        %get3A_2871 = arith.constant 432 : index
        %get3A_2872 = tpu.vector_load %arg5[%get3A_2871] {strides = array<i32>} : memref<512xf32, #tpu.memory_space<vmem>>, vector<16xf32>,
        %get3A_2873 = vector.shape_cast %get3A_2872 : vector<16xf32> to vector<16xf32>
        %get3A_2874 = arith.constant 432 : index
        %get3A_2875 = tpu.vector_load %arg6[%get3A_2874] {strides = array<i32>} : memref<512xi32, #tpu.memory_space<vmem>>, vector<16xi32>,
        %get3A_2876 = vector.shape_cast %get3A_2875 : vector<16xi32> to vector<16xi32>
        %get3A_2877 = arith.constant 432 : index
        %get3A_2878 = tpu.vector_load %arg7[%get3A_2877] {strides = array<i32>} : memref<512xi32, #tpu.memory_space<vmem>>, vector<16xi32>,
        %get3A_2879 = vector.shape_cast %get3A_2878 : vector<16xi32> to vector<16xi32>
        %get3A_2880 = arith.constant 432 : index
        %get3A_2881 = tpu.vector_load %arg8[%get3A_2880] {strides = array<i32>} : memref<1024xf32, #tpu.memory_space<vmem>>, vector<16xf32>,
        %get3A_2882 = vector.shape_cast %get3A_2881 : vector<16xf32> to vector<16xf32>
        %min3A_2883 = arith.minsi %add3A_2870, %select_n3A_1251 : vector<16xi32>
        %max3A_2884 = arith.maxsi %add3A_2870, %select_n3A_1251 : vector<16xi32>
        %mul3A_2885 = arith.constant 512 : i32
        %mul3A_2886 = vector.broadcast %mul3A_2885 : i32 to vector<16xi32>
        %mul3A_2887 = arith.muli %min3A_2883, %mul3A_2886 : vector<16xi32>
        %sub3A_2888 = arith.constant 1 : i32
        %sub3A_2889 = vector.broadcast %sub3A_2888 : i32 to vector<16xi32>
        %sub3A_2890 = arith.subi %min3A_2883, %sub3A_2889 : vector<16xi32>
        %mul3A_2891 = arith.muli %min3A_2883, %sub3A_2890 : vector<16xi32>
        %shift_right_arithmetic3A_2892 = arith.constant 1 : i32
        %shift_right_arithmetic3A_2893 = vector.broadcast %shift_right_arithmetic3A_2892 : i32 to vector<16xi32>
        %shift_right_arithmetic3A_2894 = arith.shrsi %mul3A_2891, %shift_right_arithmetic3A_2893 : vector<16xi32>
        %sub3A_2895 = arith.subi %mul3A_2887, %shift_right_arithmetic3A_2894 : vector<16xi32>
        %sub3A_2896 = arith.subi %max3A_2884, %min3A_2883 : vector<16xi32>
        %add3A_2897 = arith.addi %sub3A_2895, %sub3A_2896 : vector<16xi32>
        %lt3A_2898 = arith.cmpf olt, %get3A_2882, %get3A_2873 : vector<16xf32>
        %eq3A_2899 = arith.cmpf oeq, %get3A_2882, %get3A_2873 : vector<16xf32>
        %lt3A_2900 = arith.cmpi slt, %add3A_2897, %get3A_2876 : vector<16xi32>
        %and3A_2901 = arith.andi %eq3A_2899, %lt3A_2900 : vector<16xi1>
        %or3A_2902 = arith.ori %lt3A_2898, %and3A_2901 : vector<16xi1>
        %lt3A_2903 = arith.constant 0x7F800000 : f32
        %lt3A_2904 = vector.broadcast %lt3A_2903 : f32 to vector<16xf32>
        %lt3A_2905 = arith.cmpf olt, %get3A_2873, %lt3A_2904 : vector<16xf32>
        %and3A_2906 = arith.andi %or3A_2902, %lt3A_2905 : vector<16xi1>
        %select_n3A_2907 = arith.select %and3A_2906, %get3A_2882, %get3A_2873 : vector<16xi1>, vector<16xf32>
        %select_n3A_2908 = arith.select %and3A_2906, %add3A_2897, %get3A_2876 : vector<16xi1>, vector<16xi32>
        %select_n3A_2909 = arith.select %and3A_2906, %select_n3A_1251, %get3A_2879 : vector<16xi1>, vector<16xi32>
        %eq3A_2910 = arith.cmpi eq, %add3A_2870, %select_n3A_1251 : vector<16xi32>
        %jit3A_2911 = arith.constant 0x7F800000 : f32
        %broadcast_in_dim3A_2912 = vector.broadcast %jit3A_2911 : f32 to vector<16xf32>
        %select_n3A_2913 = arith.select %eq3A_2910, %broadcast_in_dim3A_2912, %select_n3A_2907 : vector<16xi1>, vector<16xf32>
        %swap3A_2914 = arith.constant 432 : index
        %swap3A_2915 = tpu.vector_load %arg5[%swap3A_2914] {strides = array<i32>} : memref<512xf32, #tpu.memory_space<vmem>>, vector<16xf32>,
        %swap3A_2916 = vector.shape_cast %swap3A_2915 : vector<16xf32> to vector<16xf32>
        %swap3A_2917 = vector.shape_cast %select_n3A_2913 : vector<16xf32> to vector<16xf32>
        tpu.vector_store %arg5[%swap3A_2914], %swap3A_2917 {strides = array<i32>} : memref<512xf32, #tpu.memory_space<vmem>>, vector<16xf32>,
        %swap3A_2918 = arith.constant 432 : index
        %swap3A_2919 = tpu.vector_load %arg6[%swap3A_2918] {strides = array<i32>} : memref<512xi32, #tpu.memory_space<vmem>>, vector<16xi32>,
        %swap3A_2920 = vector.shape_cast %swap3A_2919 : vector<16xi32> to vector<16xi32>
        %swap3A_2921 = vector.shape_cast %select_n3A_2908 : vector<16xi32> to vector<16xi32>
        tpu.vector_store %arg6[%swap3A_2918], %swap3A_2921 {strides = array<i32>} : memref<512xi32, #tpu.memory_space<vmem>>, vector<16xi32>,
        %swap3A_2922 = arith.constant 432 : index
        %swap3A_2923 = tpu.vector_load %arg7[%swap3A_2922] {strides = array<i32>} : memref<512xi32, #tpu.memory_space<vmem>>, vector<16xi32>,
        %swap3A_2924 = vector.shape_cast %swap3A_2923 : vector<16xi32> to vector<16xi32>
        %swap3A_2925 = vector.shape_cast %select_n3A_2909 : vector<16xi32> to vector<16xi32>
        tpu.vector_store %arg7[%swap3A_2922], %swap3A_2925 {strides = array<i32>} : memref<512xi32, #tpu.memory_space<vmem>>, vector<16xi32>,
        %iota3A_2926 = tpu.iota {dimensions = array<i32: 0>} : vector<16xi32>
        %add3A_2927 = arith.constant 448 : i32
        %add3A_2928 = vector.broadcast %add3A_2927 : i32 to vector<16xi32>
        %add3A_2929 = arith.addi %iota3A_2926, %add3A_2928 : vector<16xi32>
        %get3A_2930 = arith.constant 448 : index
        %get3A_2931 = tpu.vector_load %arg5[%get3A_2930] {strides = array<i32>} : memref<512xf32, #tpu.memory_space<vmem>>, vector<16xf32>,
        %get3A_2932 = vector.shape_cast %get3A_2931 : vector<16xf32> to vector<16xf32>
        %get3A_2933 = arith.constant 448 : index
        %get3A_2934 = tpu.vector_load %arg6[%get3A_2933] {strides = array<i32>} : memref<512xi32, #tpu.memory_space<vmem>>, vector<16xi32>,
        %get3A_2935 = vector.shape_cast %get3A_2934 : vector<16xi32> to vector<16xi32>
        %get3A_2936 = arith.constant 448 : index
        %get3A_2937 = tpu.vector_load %arg7[%get3A_2936] {strides = array<i32>} : memref<512xi32, #tpu.memory_space<vmem>>, vector<16xi32>,
        %get3A_2938 = vector.shape_cast %get3A_2937 : vector<16xi32> to vector<16xi32>
        %get3A_2939 = arith.constant 448 : index
        %get3A_2940 = tpu.vector_load %arg8[%get3A_2939] {strides = array<i32>} : memref<1024xf32, #tpu.memory_space<vmem>>, vector<16xf32>,
        %get3A_2941 = vector.shape_cast %get3A_2940 : vector<16xf32> to vector<16xf32>
        %min3A_2942 = arith.minsi %add3A_2929, %select_n3A_1251 : vector<16xi32>
        %max3A_2943 = arith.maxsi %add3A_2929, %select_n3A_1251 : vector<16xi32>
        %mul3A_2944 = arith.constant 512 : i32
        %mul3A_2945 = vector.broadcast %mul3A_2944 : i32 to vector<16xi32>
        %mul3A_2946 = arith.muli %min3A_2942, %mul3A_2945 : vector<16xi32>
        %sub3A_2947 = arith.constant 1 : i32
        %sub3A_2948 = vector.broadcast %sub3A_2947 : i32 to vector<16xi32>
        %sub3A_2949 = arith.subi %min3A_2942, %sub3A_2948 : vector<16xi32>
        %mul3A_2950 = arith.muli %min3A_2942, %sub3A_2949 : vector<16xi32>
        %shift_right_arithmetic3A_2951 = arith.constant 1 : i32
        %shift_right_arithmetic3A_2952 = vector.broadcast %shift_right_arithmetic3A_2951 : i32 to vector<16xi32>
        %shift_right_arithmetic3A_2953 = arith.shrsi %mul3A_2950, %shift_right_arithmetic3A_2952 : vector<16xi32>
        %sub3A_2954 = arith.subi %mul3A_2946, %shift_right_arithmetic3A_2953 : vector<16xi32>
        %sub3A_2955 = arith.subi %max3A_2943, %min3A_2942 : vector<16xi32>
        %add3A_2956 = arith.addi %sub3A_2954, %sub3A_2955 : vector<16xi32>
        %lt3A_2957 = arith.cmpf olt, %get3A_2941, %get3A_2932 : vector<16xf32>
        %eq3A_2958 = arith.cmpf oeq, %get3A_2941, %get3A_2932 : vector<16xf32>
        %lt3A_2959 = arith.cmpi slt, %add3A_2956, %get3A_2935 : vector<16xi32>
        %and3A_2960 = arith.andi %eq3A_2958, %lt3A_2959 : vector<16xi1>
        %or3A_2961 = arith.ori %lt3A_2957, %and3A_2960 : vector<16xi1>
        %lt3A_2962 = arith.constant 0x7F800000 : f32
        %lt3A_2963 = vector.broadcast %lt3A_2962 : f32 to vector<16xf32>
        %lt3A_2964 = arith.cmpf olt, %get3A_2932, %lt3A_2963 : vector<16xf32>
        %and3A_2965 = arith.andi %or3A_2961, %lt3A_2964 : vector<16xi1>
        %select_n3A_2966 = arith.select %and3A_2965, %get3A_2941, %get3A_2932 : vector<16xi1>, vector<16xf32>
        %select_n3A_2967 = arith.select %and3A_2965, %add3A_2956, %get3A_2935 : vector<16xi1>, vector<16xi32>
        %select_n3A_2968 = arith.select %and3A_2965, %select_n3A_1251, %get3A_2938 : vector<16xi1>, vector<16xi32>
        %eq3A_2969 = arith.cmpi eq, %add3A_2929, %select_n3A_1251 : vector<16xi32>
        %jit3A_2970 = arith.constant 0x7F800000 : f32
        %broadcast_in_dim3A_2971 = vector.broadcast %jit3A_2970 : f32 to vector<16xf32>
        %select_n3A_2972 = arith.select %eq3A_2969, %broadcast_in_dim3A_2971, %select_n3A_2966 : vector<16xi1>, vector<16xf32>
        %swap3A_2973 = arith.constant 448 : index
        %swap3A_2974 = tpu.vector_load %arg5[%swap3A_2973] {strides = array<i32>} : memref<512xf32, #tpu.memory_space<vmem>>, vector<16xf32>,
        %swap3A_2975 = vector.shape_cast %swap3A_2974 : vector<16xf32> to vector<16xf32>
        %swap3A_2976 = vector.shape_cast %select_n3A_2972 : vector<16xf32> to vector<16xf32>
        tpu.vector_store %arg5[%swap3A_2973], %swap3A_2976 {strides = array<i32>} : memref<512xf32, #tpu.memory_space<vmem>>, vector<16xf32>,
        %swap3A_2977 = arith.constant 448 : index
        %swap3A_2978 = tpu.vector_load %arg6[%swap3A_2977] {strides = array<i32>} : memref<512xi32, #tpu.memory_space<vmem>>, vector<16xi32>,
        %swap3A_2979 = vector.shape_cast %swap3A_2978 : vector<16xi32> to vector<16xi32>
        %swap3A_2980 = vector.shape_cast %select_n3A_2967 : vector<16xi32> to vector<16xi32>
        tpu.vector_store %arg6[%swap3A_2977], %swap3A_2980 {strides = array<i32>} : memref<512xi32, #tpu.memory_space<vmem>>, vector<16xi32>,
        %swap3A_2981 = arith.constant 448 : index
        %swap3A_2982 = tpu.vector_load %arg7[%swap3A_2981] {strides = array<i32>} : memref<512xi32, #tpu.memory_space<vmem>>, vector<16xi32>,
        %swap3A_2983 = vector.shape_cast %swap3A_2982 : vector<16xi32> to vector<16xi32>
        %swap3A_2984 = vector.shape_cast %select_n3A_2968 : vector<16xi32> to vector<16xi32>
        tpu.vector_store %arg7[%swap3A_2981], %swap3A_2984 {strides = array<i32>} : memref<512xi32, #tpu.memory_space<vmem>>, vector<16xi32>,
        %iota3A_2985 = tpu.iota {dimensions = array<i32: 0>} : vector<16xi32>
        %add3A_2986 = arith.constant 464 : i32
        %add3A_2987 = vector.broadcast %add3A_2986 : i32 to vector<16xi32>
        %add3A_2988 = arith.addi %iota3A_2985, %add3A_2987 : vector<16xi32>
        %get3A_2989 = arith.constant 464 : index
        %get3A_2990 = tpu.vector_load %arg5[%get3A_2989] {strides = array<i32>} : memref<512xf32, #tpu.memory_space<vmem>>, vector<16xf32>,
        %get3A_2991 = vector.shape_cast %get3A_2990 : vector<16xf32> to vector<16xf32>
        %get3A_2992 = arith.constant 464 : index
        %get3A_2993 = tpu.vector_load %arg6[%get3A_2992] {strides = array<i32>} : memref<512xi32, #tpu.memory_space<vmem>>, vector<16xi32>,
        %get3A_2994 = vector.shape_cast %get3A_2993 : vector<16xi32> to vector<16xi32>
        %get3A_2995 = arith.constant 464 : index
        %get3A_2996 = tpu.vector_load %arg7[%get3A_2995] {strides = array<i32>} : memref<512xi32, #tpu.memory_space<vmem>>, vector<16xi32>,
        %get3A_2997 = vector.shape_cast %get3A_2996 : vector<16xi32> to vector<16xi32>
        %get3A_2998 = arith.constant 464 : index
        %get3A_2999 = tpu.vector_load %arg8[%get3A_2998] {strides = array<i32>} : memref<1024xf32, #tpu.memory_space<vmem>>, vector<16xf32>,
        %get3A_3000 = vector.shape_cast %get3A_2999 : vector<16xf32> to vector<16xf32>
        %min3A_3001 = arith.minsi %add3A_2988, %select_n3A_1251 : vector<16xi32>
        %max3A_3002 = arith.maxsi %add3A_2988, %select_n3A_1251 : vector<16xi32>
        %mul3A_3003 = arith.constant 512 : i32
        %mul3A_3004 = vector.broadcast %mul3A_3003 : i32 to vector<16xi32>
        %mul3A_3005 = arith.muli %min3A_3001, %mul3A_3004 : vector<16xi32>
        %sub3A_3006 = arith.constant 1 : i32
        %sub3A_3007 = vector.broadcast %sub3A_3006 : i32 to vector<16xi32>
        %sub3A_3008 = arith.subi %min3A_3001, %sub3A_3007 : vector<16xi32>
        %mul3A_3009 = arith.muli %min3A_3001, %sub3A_3008 : vector<16xi32>
        %shift_right_arithmetic3A_3010 = arith.constant 1 : i32
        %shift_right_arithmetic3A_3011 = vector.broadcast %shift_right_arithmetic3A_3010 : i32 to vector<16xi32>
        %shift_right_arithmetic3A_3012 = arith.shrsi %mul3A_3009, %shift_right_arithmetic3A_3011 : vector<16xi32>
        %sub3A_3013 = arith.subi %mul3A_3005, %shift_right_arithmetic3A_3012 : vector<16xi32>
        %sub3A_3014 = arith.subi %max3A_3002, %min3A_3001 : vector<16xi32>
        %add3A_3015 = arith.addi %sub3A_3013, %sub3A_3014 : vector<16xi32>
        %lt3A_3016 = arith.cmpf olt, %get3A_3000, %get3A_2991 : vector<16xf32>
        %eq3A_3017 = arith.cmpf oeq, %get3A_3000, %get3A_2991 : vector<16xf32>
        %lt3A_3018 = arith.cmpi slt, %add3A_3015, %get3A_2994 : vector<16xi32>
        %and3A_3019 = arith.andi %eq3A_3017, %lt3A_3018 : vector<16xi1>
        %or3A_3020 = arith.ori %lt3A_3016, %and3A_3019 : vector<16xi1>
        %lt3A_3021 = arith.constant 0x7F800000 : f32
        %lt3A_3022 = vector.broadcast %lt3A_3021 : f32 to vector<16xf32>
        %lt3A_3023 = arith.cmpf olt, %get3A_2991, %lt3A_3022 : vector<16xf32>
        %and3A_3024 = arith.andi %or3A_3020, %lt3A_3023 : vector<16xi1>
        %select_n3A_3025 = arith.select %and3A_3024, %get3A_3000, %get3A_2991 : vector<16xi1>, vector<16xf32>
        %select_n3A_3026 = arith.select %and3A_3024, %add3A_3015, %get3A_2994 : vector<16xi1>, vector<16xi32>
        %select_n3A_3027 = arith.select %and3A_3024, %select_n3A_1251, %get3A_2997 : vector<16xi1>, vector<16xi32>
        %eq3A_3028 = arith.cmpi eq, %add3A_2988, %select_n3A_1251 : vector<16xi32>
        %jit3A_3029 = arith.constant 0x7F800000 : f32
        %broadcast_in_dim3A_3030 = vector.broadcast %jit3A_3029 : f32 to vector<16xf32>
        %select_n3A_3031 = arith.select %eq3A_3028, %broadcast_in_dim3A_3030, %select_n3A_3025 : vector<16xi1>, vector<16xf32>
        %swap3A_3032 = arith.constant 464 : index
        %swap3A_3033 = tpu.vector_load %arg5[%swap3A_3032] {strides = array<i32>} : memref<512xf32, #tpu.memory_space<vmem>>, vector<16xf32>,
        %swap3A_3034 = vector.shape_cast %swap3A_3033 : vector<16xf32> to vector<16xf32>
        %swap3A_3035 = vector.shape_cast %select_n3A_3031 : vector<16xf32> to vector<16xf32>
        tpu.vector_store %arg5[%swap3A_3032], %swap3A_3035 {strides = array<i32>} : memref<512xf32, #tpu.memory_space<vmem>>, vector<16xf32>,
        %swap3A_3036 = arith.constant 464 : index
        %swap3A_3037 = tpu.vector_load %arg6[%swap3A_3036] {strides = array<i32>} : memref<512xi32, #tpu.memory_space<vmem>>, vector<16xi32>,
        %swap3A_3038 = vector.shape_cast %swap3A_3037 : vector<16xi32> to vector<16xi32>
        %swap3A_3039 = vector.shape_cast %select_n3A_3026 : vector<16xi32> to vector<16xi32>
        tpu.vector_store %arg6[%swap3A_3036], %swap3A_3039 {strides = array<i32>} : memref<512xi32, #tpu.memory_space<vmem>>, vector<16xi32>,
        %swap3A_3040 = arith.constant 464 : index
        %swap3A_3041 = tpu.vector_load %arg7[%swap3A_3040] {strides = array<i32>} : memref<512xi32, #tpu.memory_space<vmem>>, vector<16xi32>,
        %swap3A_3042 = vector.shape_cast %swap3A_3041 : vector<16xi32> to vector<16xi32>
        %swap3A_3043 = vector.shape_cast %select_n3A_3027 : vector<16xi32> to vector<16xi32>
        tpu.vector_store %arg7[%swap3A_3040], %swap3A_3043 {strides = array<i32>} : memref<512xi32, #tpu.memory_space<vmem>>, vector<16xi32>,
        %iota3A_3044 = tpu.iota {dimensions = array<i32: 0>} : vector<16xi32>
        %add3A_3045 = arith.constant 480 : i32
        %add3A_3046 = vector.broadcast %add3A_3045 : i32 to vector<16xi32>
        %add3A_3047 = arith.addi %iota3A_3044, %add3A_3046 : vector<16xi32>
        %get3A_3048 = arith.constant 480 : index
        %get3A_3049 = tpu.vector_load %arg5[%get3A_3048] {strides = array<i32>} : memref<512xf32, #tpu.memory_space<vmem>>, vector<16xf32>,
        %get3A_3050 = vector.shape_cast %get3A_3049 : vector<16xf32> to vector<16xf32>
        %get3A_3051 = arith.constant 480 : index
        %get3A_3052 = tpu.vector_load %arg6[%get3A_3051] {strides = array<i32>} : memref<512xi32, #tpu.memory_space<vmem>>, vector<16xi32>,
        %get3A_3053 = vector.shape_cast %get3A_3052 : vector<16xi32> to vector<16xi32>
        %get3A_3054 = arith.constant 480 : index
        %get3A_3055 = tpu.vector_load %arg7[%get3A_3054] {strides = array<i32>} : memref<512xi32, #tpu.memory_space<vmem>>, vector<16xi32>,
        %get3A_3056 = vector.shape_cast %get3A_3055 : vector<16xi32> to vector<16xi32>
        %get3A_3057 = arith.constant 480 : index
        %get3A_3058 = tpu.vector_load %arg8[%get3A_3057] {strides = array<i32>} : memref<1024xf32, #tpu.memory_space<vmem>>, vector<16xf32>,
        %get3A_3059 = vector.shape_cast %get3A_3058 : vector<16xf32> to vector<16xf32>
        %min3A_3060 = arith.minsi %add3A_3047, %select_n3A_1251 : vector<16xi32>
        %max3A_3061 = arith.maxsi %add3A_3047, %select_n3A_1251 : vector<16xi32>
        %mul3A_3062 = arith.constant 512 : i32
        %mul3A_3063 = vector.broadcast %mul3A_3062 : i32 to vector<16xi32>
        %mul3A_3064 = arith.muli %min3A_3060, %mul3A_3063 : vector<16xi32>
        %sub3A_3065 = arith.constant 1 : i32
        %sub3A_3066 = vector.broadcast %sub3A_3065 : i32 to vector<16xi32>
        %sub3A_3067 = arith.subi %min3A_3060, %sub3A_3066 : vector<16xi32>
        %mul3A_3068 = arith.muli %min3A_3060, %sub3A_3067 : vector<16xi32>
        %shift_right_arithmetic3A_3069 = arith.constant 1 : i32
        %shift_right_arithmetic3A_3070 = vector.broadcast %shift_right_arithmetic3A_3069 : i32 to vector<16xi32>
        %shift_right_arithmetic3A_3071 = arith.shrsi %mul3A_3068, %shift_right_arithmetic3A_3070 : vector<16xi32>
        %sub3A_3072 = arith.subi %mul3A_3064, %shift_right_arithmetic3A_3071 : vector<16xi32>
        %sub3A_3073 = arith.subi %max3A_3061, %min3A_3060 : vector<16xi32>
        %add3A_3074 = arith.addi %sub3A_3072, %sub3A_3073 : vector<16xi32>
        %lt3A_3075 = arith.cmpf olt, %get3A_3059, %get3A_3050 : vector<16xf32>
        %eq3A_3076 = arith.cmpf oeq, %get3A_3059, %get3A_3050 : vector<16xf32>
        %lt3A_3077 = arith.cmpi slt, %add3A_3074, %get3A_3053 : vector<16xi32>
        %and3A_3078 = arith.andi %eq3A_3076, %lt3A_3077 : vector<16xi1>
        %or3A_3079 = arith.ori %lt3A_3075, %and3A_3078 : vector<16xi1>
        %lt3A_3080 = arith.constant 0x7F800000 : f32
        %lt3A_3081 = vector.broadcast %lt3A_3080 : f32 to vector<16xf32>
        %lt3A_3082 = arith.cmpf olt, %get3A_3050, %lt3A_3081 : vector<16xf32>
        %and3A_3083 = arith.andi %or3A_3079, %lt3A_3082 : vector<16xi1>
        %select_n3A_3084 = arith.select %and3A_3083, %get3A_3059, %get3A_3050 : vector<16xi1>, vector<16xf32>
        %select_n3A_3085 = arith.select %and3A_3083, %add3A_3074, %get3A_3053 : vector<16xi1>, vector<16xi32>
        %select_n3A_3086 = arith.select %and3A_3083, %select_n3A_1251, %get3A_3056 : vector<16xi1>, vector<16xi32>
        %eq3A_3087 = arith.cmpi eq, %add3A_3047, %select_n3A_1251 : vector<16xi32>
        %jit3A_3088 = arith.constant 0x7F800000 : f32
        %broadcast_in_dim3A_3089 = vector.broadcast %jit3A_3088 : f32 to vector<16xf32>
        %select_n3A_3090 = arith.select %eq3A_3087, %broadcast_in_dim3A_3089, %select_n3A_3084 : vector<16xi1>, vector<16xf32>
        %swap3A_3091 = arith.constant 480 : index
        %swap3A_3092 = tpu.vector_load %arg5[%swap3A_3091] {strides = array<i32>} : memref<512xf32, #tpu.memory_space<vmem>>, vector<16xf32>,
        %swap3A_3093 = vector.shape_cast %swap3A_3092 : vector<16xf32> to vector<16xf32>
        %swap3A_3094 = vector.shape_cast %select_n3A_3090 : vector<16xf32> to vector<16xf32>
        tpu.vector_store %arg5[%swap3A_3091], %swap3A_3094 {strides = array<i32>} : memref<512xf32, #tpu.memory_space<vmem>>, vector<16xf32>,
        %swap3A_3095 = arith.constant 480 : index
        %swap3A_3096 = tpu.vector_load %arg6[%swap3A_3095] {strides = array<i32>} : memref<512xi32, #tpu.memory_space<vmem>>, vector<16xi32>,
        %swap3A_3097 = vector.shape_cast %swap3A_3096 : vector<16xi32> to vector<16xi32>
        %swap3A_3098 = vector.shape_cast %select_n3A_3085 : vector<16xi32> to vector<16xi32>
        tpu.vector_store %arg6[%swap3A_3095], %swap3A_3098 {strides = array<i32>} : memref<512xi32, #tpu.memory_space<vmem>>, vector<16xi32>,
        %swap3A_3099 = arith.constant 480 : index
        %swap3A_3100 = tpu.vector_load %arg7[%swap3A_3099] {strides = array<i32>} : memref<512xi32, #tpu.memory_space<vmem>>, vector<16xi32>,
        %swap3A_3101 = vector.shape_cast %swap3A_3100 : vector<16xi32> to vector<16xi32>
        %swap3A_3102 = vector.shape_cast %select_n3A_3086 : vector<16xi32> to vector<16xi32>
        tpu.vector_store %arg7[%swap3A_3099], %swap3A_3102 {strides = array<i32>} : memref<512xi32, #tpu.memory_space<vmem>>, vector<16xi32>,
        %iota3A_3103 = tpu.iota {dimensions = array<i32: 0>} : vector<16xi32>
        %add3A_3104 = arith.constant 496 : i32
        %add3A_3105 = vector.broadcast %add3A_3104 : i32 to vector<16xi32>
        %add3A_3106 = arith.addi %iota3A_3103, %add3A_3105 : vector<16xi32>
        %get3A_3107 = arith.constant 496 : index
        %get3A_3108 = tpu.vector_load %arg5[%get3A_3107] {strides = array<i32>} : memref<512xf32, #tpu.memory_space<vmem>>, vector<16xf32>,
        %get3A_3109 = vector.shape_cast %get3A_3108 : vector<16xf32> to vector<16xf32>
        %get3A_3110 = arith.constant 496 : index
        %get3A_3111 = tpu.vector_load %arg6[%get3A_3110] {strides = array<i32>} : memref<512xi32, #tpu.memory_space<vmem>>, vector<16xi32>,
        %get3A_3112 = vector.shape_cast %get3A_3111 : vector<16xi32> to vector<16xi32>
        %get3A_3113 = arith.constant 496 : index
        %get3A_3114 = tpu.vector_load %arg7[%get3A_3113] {strides = array<i32>} : memref<512xi32, #tpu.memory_space<vmem>>, vector<16xi32>,
        %get3A_3115 = vector.shape_cast %get3A_3114 : vector<16xi32> to vector<16xi32>
        %get3A_3116 = arith.constant 496 : index
        %get3A_3117 = tpu.vector_load %arg8[%get3A_3116] {strides = array<i32>} : memref<1024xf32, #tpu.memory_space<vmem>>, vector<16xf32>,
        %get3A_3118 = vector.shape_cast %get3A_3117 : vector<16xf32> to vector<16xf32>
        %min3A_3119 = arith.minsi %add3A_3106, %select_n3A_1251 : vector<16xi32>
        %max3A_3120 = arith.maxsi %add3A_3106, %select_n3A_1251 : vector<16xi32>
        %mul3A_3121 = arith.constant 512 : i32
        %mul3A_3122 = vector.broadcast %mul3A_3121 : i32 to vector<16xi32>
        %mul3A_3123 = arith.muli %min3A_3119, %mul3A_3122 : vector<16xi32>
        %sub3A_3124 = arith.constant 1 : i32
        %sub3A_3125 = vector.broadcast %sub3A_3124 : i32 to vector<16xi32>
        %sub3A_3126 = arith.subi %min3A_3119, %sub3A_3125 : vector<16xi32>
        %mul3A_3127 = arith.muli %min3A_3119, %sub3A_3126 : vector<16xi32>
        %shift_right_arithmetic3A_3128 = arith.constant 1 : i32
        %shift_right_arithmetic3A_3129 = vector.broadcast %shift_right_arithmetic3A_3128 : i32 to vector<16xi32>
        %shift_right_arithmetic3A_3130 = arith.shrsi %mul3A_3127, %shift_right_arithmetic3A_3129 : vector<16xi32>
        %sub3A_3131 = arith.subi %mul3A_3123, %shift_right_arithmetic3A_3130 : vector<16xi32>
        %sub3A_3132 = arith.subi %max3A_3120, %min3A_3119 : vector<16xi32>
        %add3A_3133 = arith.addi %sub3A_3131, %sub3A_3132 : vector<16xi32>
        %lt3A_3134 = arith.cmpf olt, %get3A_3118, %get3A_3109 : vector<16xf32>
        %eq3A_3135 = arith.cmpf oeq, %get3A_3118, %get3A_3109 : vector<16xf32>
        %lt3A_3136 = arith.cmpi slt, %add3A_3133, %get3A_3112 : vector<16xi32>
        %and3A_3137 = arith.andi %eq3A_3135, %lt3A_3136 : vector<16xi1>
        %or3A_3138 = arith.ori %lt3A_3134, %and3A_3137 : vector<16xi1>
        %lt3A_3139 = arith.constant 0x7F800000 : f32
        %lt3A_3140 = vector.broadcast %lt3A_3139 : f32 to vector<16xf32>
        %lt3A_3141 = arith.cmpf olt, %get3A_3109, %lt3A_3140 : vector<16xf32>
        %and3A_3142 = arith.andi %or3A_3138, %lt3A_3141 : vector<16xi1>
        %select_n3A_3143 = arith.select %and3A_3142, %get3A_3118, %get3A_3109 : vector<16xi1>, vector<16xf32>
        %select_n3A_3144 = arith.select %and3A_3142, %add3A_3133, %get3A_3112 : vector<16xi1>, vector<16xi32>
        %select_n3A_3145 = arith.select %and3A_3142, %select_n3A_1251, %get3A_3115 : vector<16xi1>, vector<16xi32>
        %eq3A_3146 = arith.cmpi eq, %add3A_3106, %select_n3A_1251 : vector<16xi32>
        %jit3A_3147 = arith.constant 0x7F800000 : f32
        %broadcast_in_dim3A_3148 = vector.broadcast %jit3A_3147 : f32 to vector<16xf32>
        %select_n3A_3149 = arith.select %eq3A_3146, %broadcast_in_dim3A_3148, %select_n3A_3143 : vector<16xi1>, vector<16xf32>
        %swap3A_3150 = arith.constant 496 : index
        %swap3A_3151 = tpu.vector_load %arg5[%swap3A_3150] {strides = array<i32>} : memref<512xf32, #tpu.memory_space<vmem>>, vector<16xf32>,
        %swap3A_3152 = vector.shape_cast %swap3A_3151 : vector<16xf32> to vector<16xf32>
        %swap3A_3153 = vector.shape_cast %select_n3A_3149 : vector<16xf32> to vector<16xf32>
        tpu.vector_store %arg5[%swap3A_3150], %swap3A_3153 {strides = array<i32>} : memref<512xf32, #tpu.memory_space<vmem>>, vector<16xf32>,
        %swap3A_3154 = arith.constant 496 : index
        %swap3A_3155 = tpu.vector_load %arg6[%swap3A_3154] {strides = array<i32>} : memref<512xi32, #tpu.memory_space<vmem>>, vector<16xi32>,
        %swap3A_3156 = vector.shape_cast %swap3A_3155 : vector<16xi32> to vector<16xi32>
        %swap3A_3157 = vector.shape_cast %select_n3A_3144 : vector<16xi32> to vector<16xi32>
        tpu.vector_store %arg6[%swap3A_3154], %swap3A_3157 {strides = array<i32>} : memref<512xi32, #tpu.memory_space<vmem>>, vector<16xi32>,
        %swap3A_3158 = arith.constant 496 : index
        %swap3A_3159 = tpu.vector_load %arg7[%swap3A_3158] {strides = array<i32>} : memref<512xi32, #tpu.memory_space<vmem>>, vector<16xi32>,
        %swap3A_3160 = vector.shape_cast %swap3A_3159 : vector<16xi32> to vector<16xi32>
        %swap3A_3161 = vector.shape_cast %select_n3A_3145 : vector<16xi32> to vector<16xi32>
        tpu.vector_store %arg7[%swap3A_3158], %swap3A_3161 {strides = array<i32>} : memref<512xi32, #tpu.memory_space<vmem>>, vector<16xi32>,
      }
      %scan3A_467 = arith.constant 511 : i32
      "tpu.region"() ({
        %run_scoped3A_468 = tpu.sem_alloc : memref<!tpu.dma_semaphore, #tpu.memory_space<semaphore_mem>>
        %dma_start3A = arith.constant 0 : i32
        %dma_start3A_469 = tpu.memref_slice %arg3[%arg0, %dma_start3A] : memref<2x16xf32, #tpu.memory_space<hbm>> -> memref<1x16xf32, #tpu.memory_space<hbm>>
        %dma_start3A_470 = tpu.memref_squeeze %dma_start3A_469 : memref<1x16xf32, #tpu.memory_space<hbm>> -> memref<16xf32, #tpu.memory_space<hbm>>
        %dma_start3A_471 = arith.constant 0 : i32
        %dma_start3A_472 = tpu.memref_slice %arg3[%arg0, %dma_start3A_471] : memref<2x16xf32, #tpu.memory_space<hbm>> -> memref<1x16xf32, #tpu.memory_space<hbm>>
        %dma_start3A_473 = tpu.memref_squeeze %dma_start3A_472 : memref<1x16xf32, #tpu.memory_space<hbm>> -> memref<16xf32, #tpu.memory_space<hbm>>
        tpu.enqueue_dma source(%arg9 : memref<16xf32, #tpu.memory_space<vmem>>) target(%dma_start3A_473 : memref<16xf32, #tpu.memory_space<hbm>>) target_semaphore(%run_scoped3A_468 : memref<!tpu.dma_semaphore, #tpu.memory_space<semaphore_mem>>)
        %dma_wait3A = arith.constant 0 : i32
        %dma_wait3A_474 = tpu.memref_slice %arg3[%arg0, %dma_wait3A] : memref<2x16xf32, #tpu.memory_space<hbm>> -> memref<1x16xf32, #tpu.memory_space<hbm>>
        %dma_wait3A_475 = tpu.memref_squeeze %dma_wait3A_474 : memref<1x16xf32, #tpu.memory_space<hbm>> -> memref<16xf32, #tpu.memory_space<hbm>>
        %dma_wait3A_476 = arith.constant 0 : i32
        %dma_wait3A_477 = tpu.memref_slice %arg3[%arg0, %dma_wait3A_476] : memref<2x16xf32, #tpu.memory_space<hbm>> -> memref<1x16xf32, #tpu.memory_space<hbm>>
        %dma_wait3A_478 = tpu.memref_squeeze %dma_wait3A_477 : memref<1x16xf32, #tpu.memory_space<hbm>> -> memref<16xf32, #tpu.memory_space<hbm>>
        tpu.wait_dma2 semaphore(%run_scoped3A_468 : memref<!tpu.dma_semaphore, #tpu.memory_space<semaphore_mem>>) src(%arg9 : memref<16xf32, #tpu.memory_space<vmem>>) dst(%dma_wait3A_478 : memref<16xf32, #tpu.memory_space<hbm>>)
        tpu.yield
      }) : () -> ()
    } else {
    }
    return
  }
}

</mosaic_0001>

<sc_bundles>
// kernel: _toposig_loss.3.cloned.1.call-start
scs
__scs_entry_jumppad:
0x0: {  	(pc) =	sbr.rel $0x88, $3  }
0x1: {  	(tag) =	ssettag $0x0;
	lr =	simm.s32 $0x1  }
0x2: {  	[smem:$0x3FA0] =	sst lr;
	_ =	strace $0xD0000000  }
0x3: {  	_ = 	snop  }
0x4: {  	_ = 	snop  }
0x5: {  	_ = 	snop  }
0x6: {  	_ = 	snop  }
0x7: {  	_ = 	snop  }
__scs_overlays_trampoline_lowered:
0x8: {  	[smem:$0x3FAF] =	sst s0  }
0x9: {  	[smem:$0x3FB0] =	sst s1  }
0xa: {  	[smem:$0x3FB1] =	sst s2  }
0xb: {  	[smem:$0x3FB2] =	sst s3  }
0xc: {  	[smem:$0x3FB3] =	sst s4  }
0xd: {  	[smem:$0x3FB4] =	sst s5  }
0xe: {  	[smem:$0x3FB5] =	sst s6  }
0xf: {  	[smem:$0x3FB6] =	sst s7  }
0x10: {  	[smem:$0x3FB7] =	sst s8  }
0x11: {  	[smem:$0x3FB8] =	sst s9;
	s0 =	simm.s32 @!p0 $0x0  }
0x12: {  	s1 =	sld [smem:$0x3F9E];
	s0 =	simm.s32 @p0 $0x1  }
0x13: {  	[smem:$0x3FB9] =	sst s0;
	s0 =	simm.s32 @!p1 $0x0  }
0x14: {  	s2 =	sld [smem:$0x3F9D];
	s0 =	simm.s32 @p1 $0x1  }
0x15: {  	[smem:$0x3FBA] =	sst s0;
	s0 =	simm.s32 @!p2 $0x0  }
0x16: {  	s3 =	sld [smem:$0x3FDB];
	s0 =	simm.s32 @p2 $0x1  }
0x17: {  	s4 =	simm.s32 $0x1BF5;
	[smem:$0x3FBC] =	sst s0  }
0x18: {  	s0 =	sld [smem:$0x3F9F];
	_ =	swait.ge [sflag:s4], $0x0  }
0x19: {  	s7 =	sld [smem:$0x3FA0]  }
0x1a: {  	s8 =	sadd.s32 $0xFFFFE003, lr  }
0x1b: {  	s9 =	sadd.s32 $0xFFFFFEF7, lr;
	s5 =	simm.s32 $0xFFFFFFFF;
	p2 =	slt.u32 s8, $0xFFFFF086  }
0x1c: {  	p1 =	slt.u32 s9, $0xF7A;
	s5 =	simm.s32 @!p2 $0x0  }
0x1d: {  	s5 =	simm.s32 @p1 $0x1;
	p0 =	seq.s32 s7, s2  }
0x1e: {  	s7 =	smul.u32 @!p0 $0xF7A, s2;
	p2 =	seq.s32 @!p0 s5, $0x0  }
0x1f: {  	s9 =	smul.u32 $0xF7A, s1;
	s8 =	simm.s32 @!p0 $0x1BF5;
	p2 =	por !p2, p0  }
0x20: {  	[sflag:s8] =	ssyncset.s32 @!p0 $0xFFFFF086;
	s6 =	sadd.s32 @!p0 s3, s7;
	s7 =	simm.s32 @!p0 $0x108  }
0x21: {  	s3 =	sadd.s32 s3, s9;
	s6 =	sadd.s32 @!p0 $0x88, s6;
	s7 =	simm.s32 @p2 $0x1082  }
0x22: {  	[simem:s7], [sflag:s8] =	dma.local @!p0 [hbm:s6], $0xF7A  }
0x23: {  	s9 =	sor.u32 $0xD0000000, s2;
	s6 =	simm.s32 $0x108;
	_ =	swait.ge @!p0 [sflag:s8], $0x0  }
0x24: {  	s3 =	sadd.s32 $0x88, s3;
	s6 =	simm.s32 @!p1 $0x1082;
	[sflag:s4] =	ssyncset.s32 $0xFFFFF086  }
0x25: {  	[simem:s6], [sflag:s4] =	dma.local [hbm:s3], $0xF7A  }
0x26: {  	[smem:$0x3FA0] =	sst s1;
	(tag) =	ssettag s2;
	_ =	strace s9  }
0x27: {  	s1 =	sld [smem:$0x3FB0]  }
0x28: {  	s2 =	sld [smem:$0x3FB1]  }
0x29: {  	s4 =	sld [smem:$0x3FB3]  }
0x2a: {  	p0 =	seq.s32 s5, $0x0;
	s5 =	sld [smem:$0x3FB4]  }
0x2b: {  	s6 =	sld [smem:$0x3FB5]  }
0x2c: {  	s7 =	sld [smem:$0x3FB6]  }
0x2d: {  	s3 =	simm.s32 $0x108;
	s8 =	sld [smem:$0x3FB7]  }
0x2e: {  	s3 =	simm.s32 @!p0 $0x1082;
	s9 =	sld [smem:$0x3FB8]  }
0x2f: {  	lr =	sadd.s32 s0, s3;
	s0 =	sld [smem:$0x3FAF]  }
0x30: {  	s3 =	sld [smem:$0x3FB2]  }
0x31: {  	[smem:$0x3FBB] =	sst s10  }
0x32: {  	s10 =	sld [smem:$0x3FB9];
	_ =	sdelay $0x3  }
0x33: {  	p0 =	seq.s32 s10, $0x1;
	s10 =	sld [smem:$0x3FBB];
	_ =	sdelay $0x3  }
0x34: {  	[smem:$0x3FBB] =	sst s10  }
0x35: {  	s10 =	sld [smem:$0x3FBA];
	_ =	sdelay $0x3  }
0x36: {  	p1 =	seq.s32 s10, $0x1;
	s10 =	sld [smem:$0x3FBB];
	_ =	sdelay $0x3  }
0x37: {  	[smem:$0x3FBB] =	sst s10  }
0x38: {  	s10 =	sld [smem:$0x3FBC]  }
0x39: {  	_ = 	snop;
	(pc) =	sbr.ind lr, $3  }
0x3a: {  	_ = 	snop  }
0x3b: {  	_ = 	snop  }
0x3c: {  	p2 =	seq.s32 s10, $0x1;
	s10 =	sld [smem:$0x3FBB]  }
0x3d: {  	_ =	shalt  }
0x3e: {  	_ =	shalt  }
0x3f: {  	_ =	shalt  }
0x40: {  	_ =	shalt  }
0x41: {  	_ =	shalt  }
0x42: {  	_ =	shalt  }
0x43: {  	_ =	shalt  }
0x44: {  	_ =	shalt  }
0x45: {  	_ =	shalt  }
0x46: {  	_ =	shalt  }
0x47: {  	_ =	shalt  }
0x48: {  	_ =	shalt  }
0x49: {  	_ =	shalt  }
0x4a: {  	_ =	shalt  }
0x4b: {  	_ =	shalt  }
0x4c: {  	_ =	shalt  }
0x4d: {  	_ =	shalt  }
0x4e: {  	_ =	shalt  }
0x4f: {  	_ =	shalt  }
0x50: {  	_ =	shalt  }
0x51: {  	_ =	shalt  }
0x52: {  	_ =	shalt  }
0x53: {  	_ =	shalt  }
0x54: {  	_ =	shalt  }
0x55: {  	_ =	shalt  }
0x56: {  	_ =	shalt  }
0x57: {  	_ =	shalt  }
0x58: {  	_ =	shalt  }
0x59: {  	_ =	shalt  }
0x5a: {  	_ =	shalt  }
0x5b: {  	_ =	shalt  }
0x5c: {  	_ =	shalt  }
0x5d: {  	_ =	shalt  }
0x5e: {  	_ =	shalt  }
0x5f: {  	_ =	shalt  }
0x60: {  	_ =	shalt  }
0x61: {  	_ =	shalt  }
0x62: {  	_ =	shalt  }
0x63: {  	_ =	shalt  }
0x64: {  	_ =	shalt  }
0x65: {  	_ =	shalt  }
0x66: {  	_ =	shalt  }
0x67: {  	_ =	shalt  }
0x68: {  	_ =	shalt  }
0x69: {  	_ =	shalt  }
0x6a: {  	_ =	shalt  }
0x6b: {  	_ =	shalt  }
0x6c: {  	_ =	shalt  }
0x6d: {  	_ =	shalt  }
0x6e: {  	_ =	shalt  }
0x6f: {  	_ =	shalt  }
0x70: {  	_ =	shalt  }
0x71: {  	_ =	shalt  }
0x72: {  	_ =	shalt  }
0x73: {  	_ =	shalt  }
0x74: {  	_ =	shalt  }
0x75: {  	_ =	shalt  }
0x76: {  	_ =	shalt  }
0x77: {  	_ =	shalt  }
0x78: {  	_ =	shalt  }
0x79: {  	_ =	shalt  }
0x7a: {  	_ =	shalt  }
0x7b: {  	_ =	shalt  }
0x7c: {  	_ =	shalt  }
0x7d: {  	_ =	shalt  }
0x7e: {  	_ =	shalt  }
0x7f: {  	_ =	shalt  }
0x80: {  	_ =	shalt  }
0x81: {  	_ =	shalt  }
0x82: {  	_ =	shalt  }
0x83: {  	_ =	shalt  }
0x84: {  	_ =	shalt  }
0x85: {  	_ =	shalt  }
0x86: {  	_ =	shalt  }
0x87: {  	_ =	shalt  }
.Lfunc_end0:
.L_simem_size_0:
called_computation_lowered:
.L_overlay_start_0:
0x88: {  	s2 =	sld [smem:$0x3FD9]  }
0x89: {  	s3 =	sld [smem:$0x3FFE];
	_ =	sdelay $0x1  }
0x8a: {  	s1 =	srdreg.scid  }
0x8b: {  	s0 =	sand.u32 $0x1, s1  }
0x8c: {  	s18 =	sshll.u32 s0, $0xA;
	s2 =	sadd.s32 s3, s2  }
0x8d: {  	s2 =	sadd.s32 s2, s18  }
0x8e: {  	[smem:$0x3FC7] =	sst s2  }
0x8f: {  	_ = 	snop  }
0x90: {  	s2 =	sld [smem:$0x3FC9]  }
0x91: {  	s19 =	sld [smem:$0x3FD0];
	(tm) =	ssettm $0x1  }
0x92: {  	s4 =	sld [smem:$0x3FFB];
	_ =	sdelay $0x3  }
0x93: {  	_ =	strace s4  }
0x94: {  	s4 =	sld [smem:$0x3FFC];
	_ =	sdelay $0x3  }
0x95: {  	_ =	strace s4  }
0x96: {  	s4 =	sld [smem:$0x3FFD];
	_ =	sdelay $0x3  }
0x97: {  	_ =	strace s4  }
0x98: {  	_ =	strace $0x8FFFFFFF  }
0x99: {  	s20 =	sld [smem:$0x3FDB];
	_ =	sdelay $0x1  }
0x9a: {  	s5 =	simm.s32 $_scs_section_size  }
0x9b: {  	s6 =	simm.s32 $_size__tile_overlayer_lowered;
	s7 =	simm.s32 $_tile_overlayer_lowered  }
0x9c: {  	s23 =	simm.s32 $0x1BFF;
	s22 =	sshll.u32 s7, $0x1;
	s4 =	sadd.s32 s5, s20  }
0x9d: {  	s8 =	simm.s32 $0x0;
	s21 =	sshll.u32 s6, $0x1;
	s6 =	sadd.s32 s22, s4  }
0x9e: {  	[timem:s8], [sflag:s23] =	dma.local [hbm:s6], s21  }
0x9f: {  	_ =	swait.ge [sflag:s23], s21  }
0xa0: {  	s5 =	ssub.s32 $0x0, s21;
	[sflag:s23] =	ssyncset.done $0x0  }
0xa1: {  	[sflag:s23] =	ssyncadd.s32 s5;
	_ =	sdelay $0x1  }
0xa2: {  	s24 =	simm.s32 $0x1B8B  }
0xa3: {  	_ =	swait.ge [sflag:s24], $0x1  }
0xa4: {  	[sflag:s24] =	ssyncset.done $0x0  }
0xa5: {  	s25 =	simm.s32 $0x1B8E;
	[sflag:s24] =	ssyncadd.s32 $0xFFFFFFFF  }
0xa6: {  	s26 =	simm.s32 $execute0_lowered;
	[smem:$0x3FD2] =	sst s25  }
0xa7: {  	s5 =	sshll.u32 s26, $0x1;
	_ =	strace $0x80000046;
	[dreg:$0x1] =	wrdreg $0xFFFFFFFF  }
0xa8: {  	s28 =	simm.s32 $_size_execute0_lowered;
	s4 =	sadd.s32 s4, s5;
	[dreg:$0x0] =	wrdreg $0x0  }
0xa9: {  	s5 =	sshll.u32 s28, $0x1;
	[dreg:$0x2] =	wrdreg s4  }
0xaa: {  	[dreg:$0x3] =	wrdreg s5  }
0xab: {  	[dreg:$0x4] =	wrdreg $0xC0  }
0xac: {  	_ =	task [dreg:s8], $0x5FFFF  }
0xad: {  	[dreg:$0x1] =	wrdreg $0xFFFFFFFF  }
0xae: {  	[dreg:$0x0] =	wrdreg $0x60  }
0xaf: {  	[dreg:$0x2] =	wrdreg s2  }
0xb0: {  	[dreg:$0x3] =	wrdreg s19  }
0xb1: {  	[dreg:$0x4] =	wrdreg $0x0  }
0xb2: {  	[dreg:$0x5] =	wrdreg $0x9  }
0xb3: {  	_ =	task.clear_ibuf [dreg:s8], $0x6FFFF;
	_ =	strace $0x90000046  }
0xb4: {  	s29 =	simm.s32 $0x9;
	_ =	strace $0x80000048  }
0xb5: {  	_ =	swait.ge [sflag:s29], $0x1  }
0xb6: {  	[sflag:s29] =	ssyncadd.s32 $0xFFFFFFFF  }
0xb7: {  	_ =	strace $0x90000048  }
0xb8: {  	_ =	sfence  }
0xb9: {  	s30 =	sld [smem:$0x0];
	_ =	sdelay $0x2  }
0xba: {  	s31 =	sshll.u32 s1, $0xD;
	s1 =	sshrl.u32 s1, $0x2  }
0xbb: {  	s3 =	sand.u32 $0x4000, s31;
	s1 =	sadd.s32 s1, s30  }
0xbc: {  	s0 =	sor.u32 s3, s0;
	s1 =	sshll.u32 s1, $0x11  }
0xbd: {  	s0 =	sor.u32 s1, s0  }
0xbe: {  	s0 =	sadd.s32 $0x8F2B, s0  }
0xbf: {  	[sflag:s0] =	ssyncadd.remote.s32 $0x1  }
0xc0: {  	_ =	sfence.sel $0xFFFF  }
0xc1: {  	[dreg:$0x0] =	wrdreg $0xFFFFFFFF;
	(pc) =	sbr.abs _section_cstart, $3  }
0xc2: {  	[dreg:$0x1] =	wrdreg $0xFFFFFFFF  }
0xc3: {  	_ =	task.clear_ibuf [dreg:s8], $0x2FFFF;
	_ =	strace $0x9FFFFFFF  }
0xc4: {  	(tm) =	ssettm $0x7FFFFFFF  }
0xc5: {  	_ =	shalt  }
tec
execute0_lowered:
.L_overlay_start_1:
0x0: {  	(tag) =	ssettag $0x1  }
0x1: {  	s5 =	stileid.u32  }
0x2: {  	p0 =	sne.s32 s5, $0x0  }
.Ltmp0:
0x3: {  	s4 =	rddreg [dreg:$0x0];
	(pc) =	sbr.rel @p0 .LBB2_5-.Ltmp0, $4  }
0x4: {  	s3 =	rddreg [dreg:$0x1]  }
0x5: {  	s1 =	rddreg [dreg:$0x2];
	s2 =	simm.s32 $0x0  }
0x6: {  	[smem:$0x7FF] =	sst s2  }
0x7: {  	s0 =	rddreg [dreg:$0x3];
	_ =	strace $0x80000047  }
0x8: {  	v13 =	vlaneseq.u32  }
0x9: {  	v0 =	vor.u32 $0x10, v13  }
0xa: {  	v11 =	vor.u32 $0x20, v13;
	[tilespmem:$0x1FC30] =	vst v0  }
0xb: {  	v32 =	vor.u32 $0x30, v13;
	[tilespmem:$0x1FC40] =	vst v11  }
0xc: {  	v33 =	vor.u32 $0x40, v13;
	[tilespmem:$0x1FC50] =	vst v32  }
0xd: {  	v34 =	vor.u32 $0x50, v13;
	[tilespmem:$0x1FC60] =	vst v33  }
0xe: {  	v35 =	vor.u32 $0x60, v13;
	[tilespmem:$0x1FC70] =	vst v34  }
0xf: {  	v36 =	vor.u32 $0x70, v13;
	[tilespmem:$0x1FC80] =	vst v35  }
0x10: {  	v37 =	vor.u32 $0x80, v13;
	[tilespmem:$0x1FC90] =	vst v36  }
0x11: {  	v38 =	vor.u32 $0x90, v13;
	[tilespmem:$0x1FCA0] =	vst v37  }
0x12: {  	v39 =	vor.u32 $0xA0, v13;
	[tilespmem:$0x1FCB0] =	vst v38  }
0x13: {  	v40 =	vor.u32 $0xB0, v13;
	[tilespmem:$0x1FCC0] =	vst v39  }
0x14: {  	v41 =	vor.u32 $0xC0, v13;
	[tilespmem:$0x1FCD0] =	vst v40  }
0x15: {  	v42 =	vor.u32 $0xD0, v13;
	[tilespmem:$0x1FCE0] =	vst v41  }
0x16: {  	v43 =	vor.u32 $0xE0, v13;
	[tilespmem:$0x1FCF0] =	vst v42  }
0x17: {  	v44 =	vor.u32 $0xF0, v13;
	[tilespmem:$0x1FD00] =	vst v43  }
0x18: {  	v45 =	vor.u32 $0x100, v13;
	[tilespmem:$0x1FD10] =	vst v44  }
0x19: {  	v46 =	vor.u32 $0x110, v13;
	[tilespmem:$0x1FD20] =	vst v45  }
0x1a: {  	v47 =	vor.u32 $0x120, v13;
	[tilespmem:$0x1FD30] =	vst v46  }
0x1b: {  	v48 =	vor.u32 $0x130, v13;
	[tilespmem:$0x1FD40] =	vst v47  }
0x1c: {  	v49 =	vor.u32 $0x140, v13;
	[tilespmem:$0x1FD50] =	vst v48  }
0x1d: {  	v50 =	vor.u32 $0x150, v13;
	[tilespmem:$0x1FD60] =	vst v49  }
0x1e: {  	v51 =	vor.u32 $0x160, v13;
	[tilespmem:$0x1FD70] =	vst v50  }
0x1f: {  	v52 =	vor.u32 $0x170, v13;
	[tilespmem:$0x1FD80] =	vst v51  }
0x20: {  	v53 =	vor.u32 $0x180, v13;
	[tilespmem:$0x1FD90] =	vst v52  }
0x21: {  	v54 =	vor.u32 $0x190, v13;
	[tilespmem:$0x1FDA0] =	vst v53  }
0x22: {  	v55 =	vor.u32 $0x1A0, v13;
	[tilespmem:$0x1FDB0] =	vst v54  }
0x23: {  	v59 =	vimm.s32 $0x40;
	v1 =	vor.u32 $0x1B0, v13;
	[tilespmem:$0x1FDC0] =	vst v55  }
0x24: {  	v60 =	vimm.s32 $0x50;
	v17 =	vor.u32 v59, v13;
	v59 =	vor.u32 $0x1C0, v13;
	[tilespmem:$0x1FDD0] =	vst v1  }
0x25: {  	v61 =	vimm.s32 $0x60;
	v18 =	vor.u32 v60, v13;
	v60 =	vor.u32 $0x1D0, v13;
	[tilespmem:$0x1FDE0] =	vst v59  }
0x26: {  	v63 =	vimm.s32 $0x80;
	v19 =	vor.u32 v61, v13;
	v61 =	vor.u32 $0x1E0, v13;
	[tilespmem:$0x1FDF0] =	vst v60  }
0x27: {  	v56 =	vimm.s32 $0x10;
	v21 =	vor.u32 v63, v13;
	v63 =	vor.u32 $0x1F0, v13;
	[tilespmem:$0x1FE00] =	vst v61  }
0x28: {  	v57 =	vimm.s32 $0x20;
	v14 =	vor.u32 v56, v13;
	[tilespmem:$0x1FE10] =	vst v63  }
0x29: {  	v58 =	vimm.s32 $0x30;
	v15 =	vor.u32 v57, v13;
	[tilespmem:$0x1FE20] =	vst v14  }
0x2a: {  	v62 =	vimm.s32 $0x70;
	v16 =	vor.u32 v58, v13;
	[tilespmem:$0x1FE30] =	vst v15  }
0x2b: {  	v4 =	vimm.s32 $0x90;
	v5 =	vimm.s32 $0xA0;
	v6 =	vimm.s32 $0xB0;
	[tilespmem:$0x1FE40] =	vst v16  }
0x2c: {  	v7 =	vimm.s32 $0xC0;
	v8 =	vimm.s32 $0xD0;
	v9 =	vimm.s32 $0xE0;
	[tilespmem:$0x1FE50] =	vst v17  }
0x2d: {  	v10 =	vimm.s32 $0xF0;
	v2 =	vimm.s32 $0x76543210;
	v3 =	vimm.s32 $0x32107654;
	[tilespmem:$0x1FE60] =	vst v18  }
0x2e: {  	v20 =	vor.u32 v62, v13;
	v22 =	vor.u32 v4, v13;
	v23 =	vor.u32 v5, v13;
	[tilespmem:$0x1FE70] =	vst v19  }
0x2f: {  	v24 =	vor.u32 v6, v13;
	v25 =	vor.u32 v7, v13;
	v26 =	vor.u32 v8, v13;
	[tilespmem:$0x1FE80] =	vst v20  }
0x30: {  	v27 =	vor.u32 v9, v13;
	v28 =	vor.u32 v10, v13;
	v2 =	vunpack.c.l.s4.s8 v2;
	[tilespmem:$0x1FE90] =	vst v21  }
0x31: {  	v4 =	vimm.s32 $0x1C0;
	v3 =	vunpack.c.l.s4.s8 v3;
	v5 =	vimm.s32 $0xEFCDAB89;
	[tilespmem:$0x1FEA0] =	vst v22  }
0x32: {  	v6 =	vimm.s32 $0x67452301;
	v56 =	vimm.s32 $0x1E0;
	v58 =	vimm.s32 $0x1F0;
	[tilespmem:$0x1FEB0] =	vst v23  }
0x33: {  	v11 =	vimm.s32 $0x100;
	v32 =	vimm.s32 $0x110;
	v33 =	vimm.s32 $0x120;
	[tilespmem:$0x1FEC0] =	vst v25  }
0x34: {  	v34 =	vimm.s32 $0x130;
	v36 =	vimm.s32 $0x150;
	v38 =	vimm.s32 $0x170;
	[tilespmem:$0x1FED0] =	vst v26  }
0x35: {  	v39 =	vimm.s32 $0x180;
	v40 =	vimm.s32 $0x190;
	v41 =	vimm.s32 $0xFEDCBA98;
	[tilespmem:$0x1FEE0] =	vst v27  }
0x36: {  	v42 =	vimm.s32 $0x1A0;
	v43 =	vimm.s32 $0x1B0;
	v44 =	vimm.s32 $0xBA98FEDC;
	[tilespmem:$0x1FEF0] =	vst v28  }
0x37: {  	v46 =	vimm.s32 $0xDCFE98BA;
	v48 =	vimm.s32 $0x54761032;
	[tilespmem:$0x1FF00] =	vst v24;
	v54 =	vor.u32 v34, v13  }
0x38: {  	v51 =	vunpack.c.l.s4.s8 v5;
	v52 =	vunpack.c.l.s4.s8 v6;
	v29 =	vor.u32 v11, v13;
	[tilespmem:$0x1FF10] =	vst v54  }
0x39: {  	v55 =	vimm.s32 $0x1D0;
	v30 =	vor.u32 v32, v13;
	v31 =	vor.u32 v33, v13;
	[tilespmem:$0x1FF20] =	vst v29  }
0x3a: {  	v50 =	vor.u32 v36, v13;
	v36 =	vor.u32 v38, v13;
	v33 =	vor.u32 v39, v13;
	[tilespmem:$0x1FF30] =	vst v30  }
0x3b: {  	v62 =	vor.u32 v40, v13;
	v0 =	vunpack.c.l.s4.s8 v41;
	v38 =	vor.u32 v42, v13;
	[tilespmem:$0x1FF40] =	vst v33  }
0x3c: {  	v39 =	vor.u32 v43, v13;
	v2 =	vunpack.c.0.s8.s32 v2;
	v1 =	vunpack.c.l.s4.s8 v44;
	[tilespmem:$0x1FF50] =	vst v31  }
0x3d: {  	v47 =	vunpack.c.0.s8.s32 v3;
	v3 =	vunpack.c.l.s4.s8 v48;
	v40 =	vor.u32 v4, v13;
	[tilespmem:$0x1FF60] =	vst v36  }
0x3e: {  	v34 =	vor.u32 v55, v13;
	v4 =	vunpack.c.0.s8.s32 v51;
	v5 =	vunpack.c.0.s8.s32 v52;
	[tilespmem:$0x1FF70] =	vst v39  }
0x3f: {  	[tilespmem:$0x1FF90] =	vst v40;
	v0 =	vunpack.c.0.s8.s32 v0;
	v45 =	vunpack.c.0.s8.s32 v1;
	v1 =	vunpack.c.l.s4.s8 v46  }
0x40: {  	s5 =	srdreg.scid;
	v41 =	vor.u32 v56, v13;
	v42 =	vor.u32 v58, v13;
	[tilespmem:$0x1FFA0] =	vst v34;
	v57 =	vcombine.low v5, v4  }
0x41: {  	s8 =	simm.s32 $0x1;
	s9 =	simm.s32 $0x80;
	s10 =	simm.s32 $0x400;
	[tilespmem:$0x1FFB0] =	vst v41;
	v53 =	vunpack.c.0.s8.s32 v3;
	v0 =	vand.u32 $0xF, v0;
	v1 =	vunpack.c.0.s8.s32 v1  }
0x42: {  	s11 =	simm.s32 $0x8000;
	s12 =	simm.s32 $0x8600;
	s5 =	sand.u32 $0x1, s5;
	[tilespmem:$0x1FFC0] =	vst v42;
	v32 =	vcombine.low v0, v2;
	v0 =	vcombine.low v47, v45;
	v45 =	vand.u32 $0xF, v57  }
0x43: {  	s13 =	simm.s32 $0x8A00;
	s14 =	simm.s32 $0x0;
	s7 =	ssub.s32 $0x2, s5;
	v1 =	vcombine.low v53, v1;
	[tilespmem:$0x1FFF0] =	vst v45  }
0x44: {  	s6 =	sshll.u32 s5, $0x4;
	s5 =	sshll.u32 s5, $0x10;
	s31 =	sshrl.u32 s7, $0x1;
	v43 =	vand.u32 $0xF, v0;
	[tilespmem:$0x1FF80] =	vst v32  }
0x45: {  	v35 =	vimm.s32 $0x140;
	v37 =	vimm.s32 $0x160;
	s3 =	sadd.s32 s3, s6;
	s4 =	sadd.s32 s4, s5;
	s6 =	ssub.s32 s7, s31;
	v44 =	vand.u32 $0xF, v1;
	[tilespmem:$0x1FFD0] =	vst v43  }
0x46: {  	v49 =	vor.u32 v35, v13;
	v35 =	vor.u32 v37, v13;
	s5 =	simm.s32 $0x1C01;
	s7 =	sshrl.u32 s1, $0x3;
	s6 =	smax.u32 s6, $0x1;
	[tilespmem:$0x1FFE0] =	vst v44  }
.LBB2_2:
0x47: {  	[spmem:s7], [sflag:s5] =	dma.local [hbm:s4], $0x10000  }
0x48: {  	_ =	swait.ge [sflag:s8], $0x10000  }
0x49: {  	[sflag:s8] =	ssyncset.done $0x0  }
0x4a: {  	[sflag:s8] =	ssyncadd.s32 $0xFFFF0000  }
0x4b: {  	[tilespmem:s11], [sflag:$0x1] =	stream.strided.gather [spmem:s1], $0x200, s10, s9, $0x38;
	[tilespmem:$0x8A80] =	vst v63  }
0x4c: {  	_ =	swait.ge [sflag:s8], $0x200  }
0x4d: {  	[sflag:s8] =	ssyncset.done $0x0  }
0x4e: {  	[sflag:s8] =	ssyncadd.s32 $0xFFFFFE00  }
0x4f: {  	v1 =	vimm.s32 $0x0;
	[tilespmem:$0x8200] =	vst v13  }
0x50: {  	[tilespmem:$0x8400] =	vst v1  }
0x51: {  	[tilespmem:$0x8410] =	vst v1  }
0x52: {  	[tilespmem:$0x8420] =	vst v1  }
0x53: {  	[tilespmem:$0x8430] =	vst v1  }
0x54: {  	[tilespmem:$0x8440] =	vst v1  }
0x55: {  	[tilespmem:$0x8450] =	vst v1  }
0x56: {  	[tilespmem:$0x8460] =	vst v1  }
0x57: {  	[tilespmem:$0x8470] =	vst v1  }
0x58: {  	[tilespmem:$0x8480] =	vst v1  }
0x59: {  	[tilespmem:$0x8490] =	vst v1  }
0x5a: {  	[tilespmem:$0x84A0] =	vst v1  }
0x5b: {  	[tilespmem:$0x84B0] =	vst v1  }
0x5c: {  	[tilespmem:$0x84C0] =	vst v1  }
0x5d: {  	[tilespmem:$0x84D0] =	vst v1  }
0x5e: {  	[tilespmem:$0x84E0] =	vst v1  }
0x5f: {  	[tilespmem:$0x84F0] =	vst v1  }
0x60: {  	[tilespmem:$0x8500] =	vst v1  }
0x61: {  	[tilespmem:$0x8510] =	vst v1  }
0x62: {  	[tilespmem:$0x8520] =	vst v1  }
0x63: {  	[tilespmem:$0x8530] =	vst v1  }
0x64: {  	[tilespmem:$0x8540] =	vst v1  }
0x65: {  	[tilespmem:$0x8550] =	vst v1  }
0x66: {  	[tilespmem:$0x8560] =	vst v1  }
0x67: {  	[tilespmem:$0x8570] =	vst v1  }
0x68: {  	[tilespmem:$0x8580] =	vst v1  }
0x69: {  	[tilespmem:$0x8590] =	vst v1  }
0x6a: {  	[tilespmem:$0x85A0] =	vst v1  }
0x6b: {  	v0 =	vld [tilespmem:$0x1FC30];
	[tilespmem:$0x85B0] =	vst v1  }
0x6c: {  	v55 =	vld [tilespmem:$0x1FC40];
	[tilespmem:$0x85C0] =	vst v1  }
0x6d: {  	v56 =	vld [tilespmem:$0x1FC50];
	[tilespmem:$0x85D0] =	vst v1  }
0x6e: {  	v57 =	vld [tilespmem:$0x1FC60];
	[tilespmem:$0x85E0] =	vst v1  }
0x6f: {  	v58 =	vld [tilespmem:$0x1FC70];
	[tilespmem:$0x85F0] =	vst v1  }
0x70: {  	v59 =	vld [tilespmem:$0x1FC80];
	[tilespmem:$0x8210] =	vst v0  }
0x71: {  	v60 =	vld [tilespmem:$0x1FC90];
	[tilespmem:$0x8220] =	vst v55  }
0x72: {  	v61 =	vld [tilespmem:$0x1FCA0];
	[tilespmem:$0x8230] =	vst v56  }
0x73: {  	v63 =	vld [tilespmem:$0x1FCB0];
	[tilespmem:$0x8240] =	vst v57  }
0x74: {  	v4 =	vld [tilespmem:$0x1FCC0];
	[tilespmem:$0x8250] =	vst v58  }
0x75: {  	v5 =	vld [tilespmem:$0x1FCD0];
	[tilespmem:$0x8260] =	vst v59  }
0x76: {  	v6 =	vld [tilespmem:$0x1FCE0];
	[tilespmem:$0x8270] =	vst v60  }
0x77: {  	v7 =	vld [tilespmem:$0x1FCF0];
	[tilespmem:$0x8280] =	vst v61  }
0x78: {  	v8 =	vld [tilespmem:$0x1FD00];
	[tilespmem:$0x8290] =	vst v63  }
0x79: {  	v9 =	vld [tilespmem:$0x1FD10];
	[tilespmem:$0x82A0] =	vst v4  }
0x7a: {  	v10 =	vld [tilespmem:$0x1FD20];
	[tilespmem:$0x82B0] =	vst v5  }
0x7b: {  	v11 =	vld [tilespmem:$0x1FD30];
	[tilespmem:$0x82C0] =	vst v6  }
0x7c: {  	v37 =	vld [tilespmem:$0x1FD40];
	[tilespmem:$0x82D0] =	vst v7  }
0x7d: {  	v46 =	vld [tilespmem:$0x1FD50];
	[tilespmem:$0x82E0] =	vst v8  }
0x7e: {  	v47 =	vld [tilespmem:$0x1FD60];
	[tilespmem:$0x82F0] =	vst v9  }
0x7f: {  	v48 =	vld [tilespmem:$0x1FD70];
	[tilespmem:$0x8300] =	vst v10  }
0x80: {  	v51 =	vld [tilespmem:$0x1FD80];
	[tilespmem:$0x8310] =	vst v11  }
0x81: {  	v52 =	vld [tilespmem:$0x1FD90];
	[tilespmem:$0x8320] =	vst v37  }
0x82: {  	v53 =	vld [tilespmem:$0x1FDA0];
	[tilespmem:$0x8330] =	vst v46  }
0x83: {  	v2 =	vld [tilespmem:$0x1FE00];
	[tilespmem:$0x8340] =	vst v47  }
0x84: {  	[tilespmem:$0x8350] =	vst v48;
	v55 =	vld [tilespmem:$0x1FDB0]  }
0x85: {  	[tilespmem:$0x8360] =	vst v51;
	v56 =	vld [tilespmem:$0x1FDC0]  }
0x86: {  	[tilespmem:$0x8370] =	vst v52;
	v57 =	vld [tilespmem:$0x1FDD0]  }
0x87: {  	[tilespmem:$0x8380] =	vst v53;
	v58 =	vld [tilespmem:$0x1FDE0]  }
0x88: {  	v59 =	vld [tilespmem:$0x1FDF0];
	[tilespmem:$0x83E0] =	vst v2;
	v63 =	vimm.f32 $0.0e+00  }
0x89: {  	v60 =	vld [tilespmem:$0x8000];
	[tilespmem:$0x8A00] =	vst v63  }
0x8a: {  	v61 =	vld [tilespmem:$0x1FE10];
	[tilespmem:$0x8390] =	vst v55  }
0x8b: {  	[tilespmem:$0x83A0] =	vst v56  }
0x8c: {  	[tilespmem:$0x83B0] =	vst v57  }
0x8d: {  	[tilespmem:$0x83C0] =	vst v58  }
0x8e: {  	vm0 =	veq.s32 v13, $0x0;
	[tilespmem:$0x83D0] =	vst v59  }
0x8f: {  	[tilespmem:$0x83F0] =	vst v61;
	v0 =	vsel vm0, $0x7F800000, v60  }
0x90: {  	s15 =	simm.s32 $0x1FF;
	[tilespmem:$0x8000] =	vst v0  }
.LBB2_3:
0x91: {  	v0 =	vld [tilespmem:$0x8000]  }
0x92: {  	v1 =	vld [tilespmem:$0x8200]  }
0x93: {  	v2 =	vld [tilespmem:$0x8010]  }
0x94: {  	v3 =	vld [tilespmem:$0x8210];
	_ =	sdelay $0x2  }
0x95: {  	v4 =	vld [tilespmem:$0x8020]  }
0x96: {  	v5 =	vld [tilespmem:$0x8220]  }
0x97: {  	vm0 =	veq.f32 v2, v0;
	vm1 =	vlt.s32 v3, v1  }
0x98: {  	vm2 =	vlt.f32 v2, v0;
	vm0 =	vmand vm0, vm1  }
0x99: {  	v6 =	vld [tilespmem:$0x8030];
	vm4 =	vmor vm2, vm0  }
0x9a: {  	v10 =	vld [tilespmem:$0x8230];
	v0 =	vsel vm4, v2, v0;
	v1 =	vsel vm4, v3, v1  }
0x9b: {  	vm7 =	veq.f32 v4, v0;
	vm8 =	vlt.s32 v5, v1  }
0x9c: {  	vm9 =	vlt.f32 v4, v0;
	vm0 =	vmand vm7, vm8  }
0x9d: {  	v11 =	vld [tilespmem:$0x8040];
	vm5 =	vmor vm9, vm0  }
0x9e: {  	v37 =	vld [tilespmem:$0x8240];
	v0 =	vsel vm5, v4, v0;
	v1 =	vsel vm5, v5, v1  }
0x9f: {  	vm10 =	veq.f32 v6, v0;
	vm11 =	vlt.s32 v10, v1  }
0xa0: {  	vm12 =	vlt.f32 v6, v0;
	vm0 =	vmand vm10, vm11  }
0xa1: {  	v46 =	vld [tilespmem:$0x8050];
	vm11 =	vmor vm12, vm0  }
0xa2: {  	v47 =	vld [tilespmem:$0x8250];
	v0 =	vsel vm11, v6, v0;
	v1 =	vsel vm11, v10, v1  }
0xa3: {  	vm13 =	veq.f32 v11, v0;
	vm14 =	vlt.s32 v37, v1  }
0xa4: {  	vm15 =	vlt.f32 v11, v0;
	vm0 =	vmand vm13, vm14  }
0xa5: {  	v48 =	vld [tilespmem:$0x8060];
	vm13 =	vmor vm15, vm0  }
0xa6: {  	v51 =	vld [tilespmem:$0x8260];
	v0 =	vsel vm13, v11, v0;
	v1 =	vsel vm13, v37, v1  }
0xa7: {  	vm6 =	veq.f32 v46, v0;
	vm7 =	vlt.s32 v47, v1  }
0xa8: {  	vm8 =	vlt.f32 v46, v0;
	vm0 =	vmand vm6, vm7  }
0xa9: {  	v52 =	vld [tilespmem:$0x8070];
	vm15 =	vmor vm8, vm0  }
0xaa: {  	v53 =	vld [tilespmem:$0x8270];
	v0 =	vsel vm15, v46, v0;
	v1 =	vsel vm15, v47, v1  }
0xab: {  	vm9 =	veq.f32 v48, v0;
	vm10 =	vlt.s32 v51, v1  }
0xac: {  	vm12 =	vlt.f32 v48, v0;
	vm0 =	vmand vm9, vm10  }
0xad: {  	v55 =	vld [tilespmem:$0x8080];
	vm8 =	vmor vm12, vm0  }
0xae: {  	v56 =	vld [tilespmem:$0x8280];
	v0 =	vsel vm8, v48, v0;
	v1 =	vsel vm8, v51, v1  }
0xaf: {  	vm14 =	veq.f32 v52, v0;
	vm6 =	vlt.s32 v53, v1  }
0xb0: {  	vm7 =	vlt.f32 v52, v0;
	vm0 =	vmand vm14, vm6  }
0xb1: {  	v57 =	vld [tilespmem:$0x8090];
	vm12 =	vmor vm7, vm0  }
0xb2: {  	v58 =	vld [tilespmem:$0x8290];
	v0 =	vsel vm12, v52, v0;
	v1 =	vsel vm12, v53, v1  }
0xb3: {  	vm9 =	veq.f32 v55, v0;
	vm10 =	vlt.s32 v56, v1  }
0xb4: {  	vm14 =	vlt.f32 v55, v0;
	vm0 =	vmand vm9, vm10  }
0xb5: {  	v59 =	vld [tilespmem:$0x80A0];
	vm9 =	vmor vm14, vm0  }
0xb6: {  	v60 =	vld [tilespmem:$0x82A0];
	v0 =	vsel vm9, v55, v0;
	v1 =	vsel vm9, v56, v1  }
0xb7: {  	vm6 =	veq.f32 v57, v0;
	vm7 =	vlt.s32 v58, v1  }
0xb8: {  	vm10 =	vlt.f32 v57, v0;
	vm0 =	vmand vm6, vm7  }
0xb9: {  	v61 =	vld [tilespmem:$0x80B0];
	vm10 =	vmor vm10, vm0  }
0xba: {  	v63 =	vld [tilespmem:$0x82B0];
	v0 =	vsel vm10, v57, v0;
	v1 =	vsel vm10, v58, v1  }
0xbb: {  	vm14 =	veq.f32 v59, v0;
	vm6 =	vlt.s32 v60, v1  }
0xbc: {  	vm7 =	vlt.f32 v59, v0;
	vm0 =	vmand vm14, vm6  }
0xbd: {  	v9 =	vld [tilespmem:$0x80C0];
	vm7 =	vmor vm7, vm0  }
0xbe: {  	v10 =	vld [tilespmem:$0x82C0];
	v0 =	vsel vm7, v59, v0;
	v1 =	vsel vm7, v60, v1  }
0xbf: {  	vm0 =	veq.f32 v61, v0;
	vm14 =	vlt.s32 v63, v1  }
0xc0: {  	vm6 =	vlt.f32 v61, v0;
	vm0 =	vmand vm0, vm14  }
0xc1: {  	v11 =	vld [tilespmem:$0x80D0];
	vm6 =	vmor vm6, vm0  }
0xc2: {  	v37 =	vld [tilespmem:$0x82D0];
	v0 =	vsel vm6, v61, v0;
	v1 =	vsel vm6, v63, v1  }
0xc3: {  	vm0 =	veq.f32 v9, v0;
	vm1 =	vlt.s32 v10, v1  }
0xc4: {  	vm14 =	vlt.f32 v9, v0;
	vm0 =	vmand vm0, vm1  }
0xc5: {  	v47 =	vld [tilespmem:$0x80E0];
	vm0 =	vmor vm14, vm0  }
0xc6: {  	v46 =	vimm.s32 $0x0;
	v48 =	vld [tilespmem:$0x82E0];
	v0 =	vsel vm0, v9, v0;
	v1 =	vsel vm0, v10, v1  }
0xc7: {  	v5 =	vsel vm0, $0xFFFFFFFF, v46;
	vm0 =	veq.f32 v11, v0;
	vm1 =	vlt.s32 v37, v1  }
0xc8: {  	vm14 =	vlt.f32 v11, v0;
	vm0 =	vmand vm0, vm1  }
0xc9: {  	v52 =	vld [tilespmem:$0x80F0];
	vm0 =	vmor vm14, vm0  }
0xca: {  	v51 =	vimm.s32 $0x0;
	v53 =	vld [tilespmem:$0x82F0];
	v0 =	vsel vm0, v11, v0;
	v1 =	vsel vm0, v37, v1  }
0xcb: {  	v6 =	vsel vm0, $0xFFFFFFFF, v51;
	vm0 =	veq.f32 v47, v0;
	vm1 =	vlt.s32 v48, v1  }
0xcc: {  	vm14 =	vlt.f32 v47, v0;
	vm0 =	vmand vm0, vm1  }
0xcd: {  	v56 =	vld [tilespmem:$0x8100];
	vm0 =	vmor vm14, vm0  }
0xce: {  	v55 =	vimm.s32 $0x0;
	v57 =	vld [tilespmem:$0x8300];
	v0 =	vsel vm0, v47, v0;
	v1 =	vsel vm0, v48, v1  }
0xcf: {  	v4 =	vsel vm0, $0xFFFFFFFF, v55;
	vm0 =	veq.f32 v52, v0;
	vm14 =	vlt.s32 v53, v1  }
0xd0: {  	vm0 =	vmand vm0, vm14;
	vm14 =	vlt.f32 v52, v0  }
0xd1: {  	v59 =	vld [tilespmem:$0x8110];
	vm0 =	vmor vm14, vm0  }
0xd2: {  	v58 =	vimm.s32 $0x0;
	v60 =	vld [tilespmem:$0x8310];
	v0 =	vsel vm0, v52, v0;
	v1 =	vsel vm0, v53, v1  }
0xd3: {  	[tilespmem:$0x1F8D0] =	vst v5;
	v5 =	vsel vm0, $0xFFFFFFFF, v58;
	vm0 =	veq.f32 v56, v0;
	vm14 =	vlt.s32 v57, v1  }
0xd4: {  	vm0 =	vmand vm0, vm14;
	vm14 =	vlt.f32 v56, v0  }
0xd5: {  	vm0 =	vmor vm14, vm0  }
0xd6: {  	v61 =	vimm.s32 $0x0;
	v0 =	vsel vm0, v56, v0;
	v1 =	vsel vm0, v57, v1  }
0xd7: {  	[tilespmem:$0x1F8E0] =	vst v6;
	v6 =	vsel vm0, $0xFFFFFFFF, v61;
	vm0 =	veq.f32 v59, v0;
	vm14 =	vlt.s32 v60, v1  }
0xd8: {  	v63 =	vld [tilespmem:$0x8120];
	[tilespmem:$0x1F8F0] =	vst v4;
	vm0 =	vmand vm0, vm14;
	vm14 =	vlt.f32 v59, v0  }
0xd9: {  	v9 =	vld [tilespmem:$0x8320];
	v10 =	vimm.s32 $0x0;
	[tilespmem:$0x1F900] =	vst v5;
	vm0 =	vmor vm14, vm0  }
0xda: {  	[tilespmem:$0x1F910] =	vst v6;
	v4 =	vsel vm0, $0xFFFFFFFF, v10  }
0xdb: {  	[tilespmem:$0x1F920] =	vst v4  }
0xdc: {  	v4 =	vld [tilespmem:$0x8130]  }
0xdd: {  	v0 =	vsel vm0, v59, v0;
	v1 =	vsel vm0, v60, v1;
	v11 =	vld [tilespmem:$0x8330]  }
0xde: {  	vm0 =	veq.f32 v63, v0;
	vm14 =	vlt.s32 v9, v1  }
0xdf: {  	vm0 =	vmand vm0, vm14;
	vm14 =	vlt.f32 v63, v0  }
0xe0: {  	v46 =	vld [tilespmem:$0x8140];
	vm0 =	vmor vm14, vm0  }
0xe1: {  	v37 =	vimm.s32 $0x0;
	v47 =	vld [tilespmem:$0x8340];
	v0 =	vsel vm0, v63, v0;
	v1 =	vsel vm0, v9, v1  }
0xe2: {  	v5 =	vsel vm0, $0xFFFFFFFF, v37;
	vm0 =	veq.f32 v4, v0;
	vm14 =	vlt.s32 v11, v1  }
0xe3: {  	vm0 =	vmand vm0, vm14;
	vm14 =	vlt.f32 v4, v0  }
0xe4: {  	v51 =	vld [tilespmem:$0x8150];
	vm0 =	vmor vm14, vm0  }
0xe5: {  	v48 =	vimm.s32 $0x0;
	v52 =	vld [tilespmem:$0x8350];
	v0 =	vsel vm0, v4, v0;
	v1 =	vsel vm0, v11, v1  }
0xe6: {  	v6 =	vsel vm0, $0xFFFFFFFF, v48;
	vm0 =	veq.f32 v46, v0;
	vm14 =	vlt.s32 v47, v1  }
0xe7: {  	vm0 =	vmand vm0, vm14;
	vm14 =	vlt.f32 v46, v0  }
0xe8: {  	v55 =	vld [tilespmem:$0x8160];
	vm0 =	vmor vm14, vm0  }
0xe9: {  	v53 =	vimm.s32 $0x0;
	v56 =	vld [tilespmem:$0x8360];
	v0 =	vsel vm0, v46, v0;
	v1 =	vsel vm0, v47, v1  }
0xea: {  	v4 =	vsel vm0, $0xFFFFFFFF, v53;
	vm0 =	veq.f32 v51, v0;
	vm14 =	vlt.s32 v52, v1  }
0xeb: {  	vm0 =	vmand vm0, vm14;
	vm14 =	vlt.f32 v51, v0  }
0xec: {  	v58 =	vld [tilespmem:$0x8170];
	vm0 =	vmor vm14, vm0  }
0xed: {  	v57 =	vimm.s32 $0x0;
	v59 =	vld [tilespmem:$0x8370];
	v0 =	vsel vm0, v51, v0;
	v1 =	vsel vm0, v52, v1  }
0xee: {  	v61 =	vld [tilespmem:$0x8180];
	[tilespmem:$0x1F930] =	vst v5;
	v5 =	vsel vm0, $0xFFFFFFFF, v57;
	vm0 =	veq.f32 v55, v0;
	vm14 =	vlt.s32 v56, v1  }
0xef: {  	v7 =	vld [tilespmem:$0x8410];
	vm0 =	vmand vm0, vm14;
	vm14 =	vlt.f32 v55, v0  }
0xf0: {  	v47 =	vld [tilespmem:$0x8400];
	vm0 =	vmor vm14, vm0  }
0xf1: {  	v60 =	vimm.s32 $0x0;
	v63 =	vld [tilespmem:$0x8380];
	v0 =	vsel vm0, v55, v0;
	v1 =	vsel vm0, v56, v1  }
0xf2: {  	[tilespmem:$0x1F960] =	vst v6;
	v52 =	vld [tilespmem:$0x8420];
	v6 =	vsel vm0, $0xFFFFFFFF, v60;
	vm0 =	veq.f32 v58, v0;
	vm14 =	vlt.s32 v59, v1  }
0xf3: {  	v10 =	vimm.s32 $0x0;
	v9 =	vld [tilespmem:$0x8430];
	vm0 =	vmand vm0, vm14;
	vm14 =	vlt.f32 v58, v0  }
0xf4: {  	v37 =	vld [tilespmem:$0x8190];
	v11 =	vimm.s32 $0x0;
	v48 =	vimm.s32 $0x0;
	vm0 =	vmor vm14, vm0  }
0xf5: {  	v46 =	vld [tilespmem:$0x8390];
	[tilespmem:$0x1F980] =	vst v5;
	v5 =	vsel vm4, v7, v47;
	v0 =	vsel vm0, v58, v0;
	v1 =	vsel vm0, v59, v1  }
0xf6: {  	[tilespmem:$0x1F970] =	vst v4;
	v56 =	vld [tilespmem:$0x8440];
	v4 =	vsel vm0, $0xFFFFFFFF, v11;
	vm0 =	veq.f32 v61, v0;
	vm14 =	vlt.s32 v63, v1  }
0xf7: {  	v12 =	vld [tilespmem:$0x8450];
	v5 =	vsel vm5, v52, v5;
	vm0 =	vmand vm0, vm14;
	vm14 =	vlt.f32 v61, v0  }
0xf8: {  	v8 =	vld [tilespmem:$0x81A0];
	v57 =	vimm.s32 $0x0;
	v5 =	vsel vm11, v9, v5;
	vm3 =	vmor vm14, vm0  }
0xf9: {  	v51 =	vld [tilespmem:$0x83A0];
	v11 =	vsel vm4, v14, v13;
	v0 =	vsel vm3, v61, v0;
	v1 =	vsel vm3, v63, v1  }
0xfa: {  	v53 =	vld [tilespmem:$0x81B0];
	v58 =	vsel vm5, v15, v11;
	vm0 =	veq.f32 v37, v0;
	vm14 =	vlt.s32 v46, v1  }
0xfb: {  	v47 =	vld [tilespmem:$0x83D0];
	[tilespmem:$0x1F9A0] =	vst v4;
	v4 =	vsel vm13, v56, v5;
	vm0 =	vmand vm0, vm14;
	vm14 =	vlt.f32 v37, v0  }
0xfc: {  	v56 =	vld [tilespmem:$0x1F8D0];
	v4 =	vsel vm15, v12, v4;
	v3 =	vsel vm3, $0xFFFFFFFF, v48;
	vm0 =	vmor vm14, vm0  }
0xfd: {  	v55 =	vld [tilespmem:$0x83B0];
	v61 =	vsel vm11, v16, v58;
	v0 =	vsel vm0, v37, v0;
	v1 =	vsel vm0, v46, v1  }
0xfe: {  	v60 =	vld [tilespmem:$0x83C0];
	v10 =	vsel vm0, $0xFFFFFFFF, v10;
	vm0 =	veq.f32 v8, v0;
	vm14 =	vlt.s32 v51, v1  }
0xff: {  	[tilespmem:$0x1F990] =	vst v6;
	v52 =	vld [tilespmem:$0x83E0];
	v6 =	vsel vm13, v17, v61;
	vm0 =	vmand vm0, vm14;
	vm14 =	vlt.f32 v8, v0  }
0x100: {  	v63 =	vld [tilespmem:$0x8460];
	v6 =	vsel vm15, v18, v6;
	vm15 =	vmmov vm10;
	vm0 =	vmor vm14, vm0  }
0x101: {  	v59 =	vld [tilespmem:$0x81C0];
	vm2 =	vnez.u8 v56;
	v0 =	vsel vm0, v8, v0;
	v1 =	vsel vm0, v51, v1  }
0x102: {  	v9 =	vld [tilespmem:$0x84A0];
	v6 =	vsel vm8, v19, v6;
	vm4 =	veq.f32 v53, v0;
	vm5 =	vlt.s32 v55, v1  }
0x103: {  	v48 =	vld [tilespmem:$0x8470];
	v7 =	vsel vm0, $0xFFFFFFFF, v57;
	vm14 =	vlt.f32 v53, v0;
	vm0 =	vmand vm4, vm5  }
0x104: {  	v58 =	vld [tilespmem:$0x1F8E0];
	v37 =	vimm.s32 $0x0;
	v6 =	vsel vm12, v20, v6;
	vm0 =	vmor vm14, vm0  }
0x105: {  	v46 =	vld [tilespmem:$0x81D0];
	v4 =	vsel vm8, v63, v4;
	v0 =	vsel vm0, v53, v0;
	v1 =	vsel vm0, v55, v1  }
0x106: {  	[tilespmem:$0x1F940] =	vst v10;
	v6 =	vsel vm9, v21, v6;
	v10 =	vld [tilespmem:$0x1F920];
	vm4 =	veq.f32 v59, v0;
	vm5 =	vlt.s32 v60, v1  }
0x107: {  	v5 =	vsel vm0, $0xFFFFFFFF, v37;
	v53 =	vld [tilespmem:$0x8480];
	vm11 =	vlt.f32 v59, v0;
	vm0 =	vmand vm4, vm5  }
0x108: {  	v61 =	vld [tilespmem:$0x1F900];
	v6 =	vsel vm10, v22, v6;
	v4 =	vsel vm12, v48, v4;
	vm14 =	vmor vm11, vm0  }
0x109: {  	v6 =	vsel vm7, v23, v6;
	v51 =	vld [tilespmem:$0x81E0];
	v0 =	vsel vm14, v59, v0;
	v1 =	vsel vm14, v60, v1  }
0x10a: {  	v6 =	vsel vm6, v24, v6;
	v59 =	vld [tilespmem:$0x8490];
	vm13 =	veq.f32 v46, v0;
	vm4 =	vlt.s32 v47, v1  }
0x10b: {  	v6 =	vsel vm2, v25, v6;
	v60 =	vld [tilespmem:$0x1F8F0];
	vm5 =	vlt.f32 v46, v0;
	vm0 =	vmand vm13, vm4  }
0x10c: {  	v4 =	vsel vm9, v53, v4;
	vm9 =	vnez.u8 v10;
	v53 =	vld [tilespmem:$0x1F990];
	vm12 =	vmor vm5, vm0  }
0x10d: {  	v63 =	vld [tilespmem:$0x1F910];
	vm4 =	vnez.u8 v58;
	vm5 =	vmmov vm6;
	v0 =	vsel vm12, v46, v0  }
0x10e: {  	v57 =	vld [tilespmem:$0x83F0];
	[tilespmem:$0x1F9C0] =	vst v5;
	v5 =	vsel vm4, v26, v6;
	v1 =	vsel vm12, v47, v1;
	vm6 =	veq.f32 v51, v0  }
0x10f: {  	v55 =	vld [tilespmem:$0x81F0];
	vm8 =	vlt.s32 v52, v1;
	vm10 =	vlt.f32 v51, v0;
	v4 =	vsel vm15, v59, v4  }
0x110: {  	v11 =	vld [tilespmem:$0x1F930];
	vm0 =	vmand vm6, vm8;
	vm8 =	vnez.u8 v60;
	vm6 =	vnez.u8 v61  }
0x111: {  	[tilespmem:$0x1F9B0] =	vst v3;
	v37 =	vld [tilespmem:$0x1F960];
	v3 =	vsel vm7, v9, v4;
	vm7 =	vnez.u8 v53;
	v5 =	vsel vm8, v27, v5  }
0x112: {  	v47 =	vld [tilespmem:$0x1F970];
	vm13 =	vmor vm10, vm0;
	vm10 =	vnez.u8 v63;
	v5 =	vsel vm6, v28, v5  }
0x113: {  	v48 =	vld [tilespmem:$0x1F980];
	v0 =	vsel vm13, v51, v0;
	v1 =	vsel vm13, v52, v1;
	v5 =	vsel vm10, v29, v5  }
0x114: {  	vm0 =	veq.f32 v55, v0;
	vm11 =	vlt.s32 v57, v1;
	vm1 =	vlt.f32 v55, v0  }
0x115: {  	v56 =	vld [tilespmem:$0x1F9A0];
	v5 =	vsel vm9, v30, v5;
	vm0 =	vmand vm0, vm11;
	vm11 =	vnez.u8 v11  }
0x116: {  	[tilespmem:$0x1F950] =	vst v7;
	v46 =	vld [tilespmem:$0x84B0];
	v5 =	vsel vm11, v31, v5;
	vm15 =	vmor vm1, vm0;
	vm0 =	vnez.u8 v37  }
0x117: {  	v59 =	vld [tilespmem:$0x1F950];
	v5 =	vsel vm0, v54, v5;
	vm0 =	vnez.u8 v47;
	v0 =	vsel vm15, v55, v0  }
0x118: {  	v1 =	vsel vm15, v57, v1;
	v57 =	vld [tilespmem:$0x1F940];
	v5 =	vsel vm0, v49, v5;
	vm0 =	vnez.u8 v48  }
0x119: {  	v60 =	vld [tilespmem:$0x1F9C0];
	v51 =	vperm.xlane v0, v32;
	v52 =	vperm.xlane v1, v32;
	v2 =	vsel vm0, v50, v5  }
0x11a: {  	v2 =	vsel vm7, v35, v2;
	vm7 =	vnez.u8 v56  }
0x11b: {  	vm0 =	veq.f32 v51, v0;
	v2 =	vsel vm7, v36, v2;
	vm7 =	vlt.s32 v52, v1  }
0x11c: {  	v3 =	vsel vm5, v46, v3;
	v55 =	vld [tilespmem:$0x84C0];
	vm0 =	vmand vm0, vm7;
	vm7 =	vlt.f32 v51, v0  }
0x11d: {  	v2 =	vsel vm3, v33, v2;
	vm5 =	vnez.u8 v57;
	vm3 =	vmor vm7, vm0  }
0x11e: {  	v2 =	vsel vm5, v62, v2;
	vm7 =	vnez.u8 v59;
	vm0 =	vnez.u8 v60  }
0x11f: {  	v58 =	vld [tilespmem:$0x84D0];
	v2 =	vsel vm7, v38, v2;
	v0 =	vsel vm3, v51, v0;
	v1 =	vsel vm3, v52, v1  }
0x120: {  	v2 =	vsel vm0, v39, v2;
	v61 =	vperm.xlane v0, v43;
	v7 =	vperm.xlane v1, v43  }
0x121: {  	v63 =	vld [tilespmem:$0x84E0];
	v3 =	vsel vm2, v55, v3;
	v2 =	vsel vm14, v40, v2  }
0x122: {  	v33 =	vld [tilespmem:$0x84F0];
	v2 =	vsel vm12, v34, v2;
	vm0 =	veq.f32 v61, v0;
	vm1 =	vlt.s32 v7, v1  }
0x123: {  	vm0 =	vmand vm0, vm1;
	v2 =	vsel vm13, v41, v2;
	vm1 =	vlt.f32 v61, v0  }
0x124: {  	v3 =	vsel vm4, v58, v3;
	v34 =	vld [tilespmem:$0x8500];
	vm2 =	vmor vm1, vm0;
	v2 =	vsel vm15, v42, v2  }
0x125: {  	v37 =	vperm.xlane v2, v32;
	v0 =	vsel vm2, v61, v0;
	v1 =	vsel vm2, v7, v1  }
0x126: {  	v53 =	vld [tilespmem:$0x1F960];
	v3 =	vsel vm8, v63, v3;
	v39 =	vperm.xlane v0, v44;
	v40 =	vperm.xlane v1, v44  }
0x127: {  	v9 =	vld [tilespmem:$0x1F990];
	v3 =	vsel vm6, v33, v3;
	v2 =	vsel vm3, v37, v2  }
0x128: {  	v46 =	vld [tilespmem:$0x8540];
	v10 =	vperm.xlane v2, v43;
	vm6 =	veq.f32 v39, v0;
	vm8 =	vlt.s32 v40, v1  }
0x129: {  	v48 =	vld [tilespmem:$0x8550];
	v3 =	vsel vm10, v34, v3;
	vm10 =	vlt.f32 v39, v0;
	vm0 =	vmand vm6, vm8  }
0x12a: {  	v56 =	vld [tilespmem:$0x8570];
	vm0 =	vmor vm10, vm0;
	v2 =	vsel vm2, v10, v2  }
0x12b: {  	v36 =	vld [tilespmem:$0x8510];
	v47 =	vperm.xlane v2, v44;
	v0 =	vsel vm0, v39, v0;
	v1 =	vsel vm0, v40, v1  }
0x12c: {  	v55 =	vld [tilespmem:$0x8560];
	v51 =	vperm.xlane v0, v45;
	v52 =	vperm.xlane v1, v45  }
0x12d: {  	v59 =	vld [tilespmem:$0x1F970]  }
0x12e: {  	v41 =	vld [tilespmem:$0x8520];
	v2 =	vsel vm0, v47, v2;
	vm4 =	veq.f32 v51, v0;
	vm6 =	vlt.s32 v52, v1  }
0x12f: {  	v42 =	vld [tilespmem:$0x8530];
	v58 =	vperm.xlane v2, v45;
	vm10 =	vlt.f32 v51, v0;
	vm1 =	vmand vm4, vm6  }
0x130: {  	v61 =	vld [tilespmem:$0x1F980];
	vm10 =	vmor vm10, vm1  }
0x131: {  	v57 =	vld [tilespmem:$0x8580];
	v6 =	vsel vm10, v58, v2  }
0x132: {  	v33 =	vld [tilespmem:$0x1F9A0];
	v3 =	vsel vm9, v36, v3;
	(v2sf) =	vpush v6, $0x0  }
0x133: {  	v36 =	vld [tilespmem:$0x1F9B0];
	v3 =	vsel vm11, v41, v3;
	vm11 =	vnez.u8 v53  }
0x134: {  	v60 =	vld [tilespmem:$0x8590];
	v3 =	vsel vm11, v42, v3;
	vm11 =	vnez.u8 v59  }
0x135: {  	v63 =	vld [tilespmem:$0x85A0];
	v0 =	vsel vm11, v46, v3;
	vm4 =	vnez.u8 v61  }
0x136: {  	v41 =	vld [tilespmem:$0x1F9C0];
	vm6 =	vnez.u8 v9;
	v0 =	vsel vm4, v48, v0  }
0x137: {  	v11 =	vld [tilespmem:$0x85B0];
	vm8 =	vnez.u8 v33;
	v0 =	vsel vm6, v55, v0  }
0x138: {  	v34 =	vld [tilespmem:$0x85C0];
	vm9 =	vnez.u8 v36;
	v0 =	vsel vm8, v56, v0  }
0x139: {  	v37 =	vld [tilespmem:$0x85D0];
	v0 =	vsel vm9, v57, v0  }
0x13a: {  	v39 =	vld [tilespmem:$0x85E0];
	v0 =	vsel vm5, v60, v0  }
0x13b: {  	v40 =	vld [tilespmem:$0x85F0];
	vm11 =	vnez.u8 v41;
	v0 =	vsel vm7, v63, v0  }
0x13c: {  	v0 =	vsel vm11, v11, v0  }
0x13d: {  	v0 =	vsel vm14, v34, v0  }
0x13e: {  	v0 =	vsel vm12, v37, v0  }
0x13f: {  	v0 =	vsel vm13, v39, v0  }
0x140: {  	v0 =	vsel vm15, v40, v0  }
0x141: {  	v42 =	vperm.xlane v0, v32;
	s16 =	spop (v2sf)  }
0x142: {  	s17 =	sshll.u32 s16, $0xA  }
0x143: {  	v0 =	vsel vm3, v42, v0;
	s16 =	sshll.u32 s16, $0x7;
	s17 =	sand.u32 $0xFFFFE000, s17  }
0x144: {  	v1 =	vperm.xlane v0, v43;
	s16 =	sand.u32 $0x380, s16;
	s17 =	sadd.s32 s17, s1  }
0x145: {  	s16 =	sadd.s32 s16, s17  }
0x146: {  	vm6 =	vlt.s32 v6, v14;
	v0 =	vsel vm2, v1, v0;
	[tilespmem:s12], [sflag:$0x1] =	stream.strided.gather [spmem:s16], $0x400, s10, s9, $0x38;
	[tilespmem:$0x8A80] =	vst v63  }
0x147: {  	v51 =	vsub.s32 v13, v6;
	v58 =	vsel vm6, v6, v14;
	v1 =	vperm.xlane v0, v44;
	_ =	swait.ge [sflag:s8], $0x400  }
0x148: {  	v52 =	vsub.s32 v6, v13;
	v12 =	vsub.s32 v6, v14;
	v60 =	vadd.s32 $0xFFFFFFFF, v58;
	[sflag:s8] =	ssyncset.done $0x0  }
0x149: {  	vm4 =	vlt.s32 v6, v16;
	v8 =	vmul.u32 v58, v60;
	v0 =	vsel vm0, v1, v0;
	[sflag:s8] =	ssyncadd.s32 $0xFFFFFC00  }
0x14a: {  	v60 =	vsub.s32 v16, v6;
	vm13 =	vlt.s32 v6, v13;
	v1 =	vperm.xlane v0, v45;
	v45 =	vld [tilespmem:$0x8000]  }
0x14b: {  	v11 =	vimm.s32 $0x0;
	vm14 =	vgt.s32 v6, v13;
	v44 =	vsel vm13, v6, v13;
	v47 =	vld [tilespmem:$0x8200]  }
0x14c: {  	v8 =	vshra.s32 v8, $0x1;
	v55 =	vsel vm14, v52, v51;
	v46 =	vadd.s32 $0xFFFFFFFF, v44;
	v48 =	vld [tilespmem:$0x8600]  }
0x14d: {  	vm14 =	vgt.s32 v6, v14;
	v32 =	vsub.s32 v14, v6;
	v3 =	vmul.u32 v44, v46;
	v59 =	vld [tilespmem:$0x8010]  }
0x14e: {  	v33 =	vsel vm14, v12, v32;
	vm14 =	veq.s32 v6, v14;
	v12 =	vsub.s32 v6, v16;
	v63 =	vld [tilespmem:$0x8610]  }
0x14f: {  	v3 =	vshra.s32 v3, $0x1;
	v0 =	vsel vm10, v1, v0;
	v1 =	vshll.u32 v44, $0x9;
	v40 =	vld [tilespmem:$0x8020]  }
0x150: {  	v14 =	vsub.s32 v23, v6;
	v1 =	vsub.s32 v1, v3;
	(v2sf) =	vpush v0, $0x0;
	v44 =	vld [tilespmem:$0x8620]  }
0x151: {  	v3 =	vshll.u32 v58, $0x9;
	v0 =	vand.u32 $0xF, v0;
	v56 =	vadd.s32 v55, v1;
	v26 =	vld [tilespmem:$0x8060]  }
0x152: {  	v3 =	vsub.s32 v3, v8;
	v55 =	vsel vm4, v6, v16;
	vm15 =	veq.s32 v0, v13;
	v61 =	vld [tilespmem:$0x8210]  }
0x153: {  	v36 =	vadd.s32 v33, v3;
	v3 =	vshll.u32 v55, $0x9;
	vm7 =	veq.f32 v48, v45  }
0x154: {  	vm8 =	vlt.s32 v56, v47;
	vm9 =	vlt.f32 v48, v45;
	vm10 =	vlt.f32 v45, $+Inf  }
0x155: {  	vm11 =	vgt.f32 v45, $+Inf;
	vm6 =	veq.f32 v63, v59;
	vm5 =	veq.f32 v44, v40  }
0x156: {  	vm4 =	vgt.f32 v26, $+Inf;
	vm2 =	vmand vm7, vm8;
	vm13 =	vmor vm11, vm10  }
0x157: {  	v57 =	vld [tilespmem:$0x8400];
	vm7 =	vlt.s32 v36, v61;
	vm8 =	vlt.f32 v63, v59;
	vm10 =	vlt.f32 v59, $+Inf  }
0x158: {  	vm11 =	vgt.f32 v59, $+Inf;
	vm12 =	vmor vm9, vm2;
	vm1 =	vmand vm6, vm7  }
0x159: {  	vm9 =	vlt.s32 v6, v15;
	vm7 =	vlt.f32 v44, v40;
	vm0 =	vmand vm13, vm12  }
0x15a: {  	v39 =	vsel vm9, v6, v15;
	vm1 =	vmor vm8, vm1;
	vm12 =	vmor vm11, vm10  }
0x15b: {  	v37 =	vld [tilespmem:$0x8410];
	vm8 =	vlt.f32 v40, $+Inf;
	vm9 =	vgt.f32 v40, $+Inf;
	vm10 =	vgt.s32 v6, v16  }
0x15c: {  	v2 =	vsel vm0, v48, v45;
	v0 =	vsel vm0, v56, v47;
	v34 =	vsel vm0, v6, v57  }
0x15d: {  	v41 =	vadd.s32 $0xFFFFFFFF, v39;
	vm13 =	vmand vm12, vm1;
	v45 =	vshll.u32 v39, $0x9  }
0x15e: {  	v47 =	vsub.s32 v15, v6;
	v48 =	vsub.s32 v6, v15;
	v57 =	vadd.s32 $0xFFFFFFFF, v55  }
0x15f: {  	v58 =	vld [tilespmem:$0x8230];
	vm1 =	vmor vm9, vm8;
	v5 =	vmul.u32 v39, v41;
	v7 =	vsel vm13, v63, v59;
	s31 =	spop (v2sf)  }
0x160: {  	v56 =	vld [tilespmem:$0x8030];
	[tilespmem:$0x1FAC0] =	vst v0;
	v0 =	vsel vm13, v36, v61;
	v43 =	vsel vm13, v6, v37;
	v8 =	vmul.u32 v55, v57;
	s16 =	sand.u32 $0xFFFFFFF0, s31  }
0x161: {  	v61 =	vsel vm10, v12, v60;
	vm10 =	veq.s32 v6, v15;
	v55 =	vsub.s32 v18, v6;
	v53 =	vld [tilespmem:s16+$0x8800]  }
0x162: {  	v59 =	vld [tilespmem:$0x8630];
	v12 =	vsub.s32 v6, v18;
	v52 =	vsel vm14, $0x7F800000, v7;
	vm14 =	vlt.s32 v6, v17  }
0x163: {  	[tilespmem:$0x1FAD0] =	vst v34;
	v36 =	vld [tilespmem:$0x8040];
	v46 =	vshra.s32 v5, $0x1;
	v8 =	vshra.s32 v8, $0x1;
	v34 =	vsel vm14, v6, v17  }
0x164: {  	v41 =	vld [tilespmem:$0x8640];
	v1 =	vsub.s32 v45, v46;
	v3 =	vsub.s32 v3, v8;
	v37 =	vadd.s32 $0xFFFFFFFF, v34  }
0x165: {  	v42 =	vld [tilespmem:$0x8220];
	v45 =	vsub.s32 v6, v17;
	v63 =	vadd.s32 v61, v3;
	vm8 =	vgt.f32 v56, $+Inf  }
0x166: {  	v5 =	vmul.u32 v34, v37;
	v9 =	vnsel vm15, $0x0, v53;
	vm15 =	veq.s32 v6, v13  }
0x167: {  	vm11 =	veq.f32 v59, v56;
	v2 =	vsel vm15, $0x7F800000, v2;
	vm15 =	vgt.s32 v6, v15  }
0x168: {  	vm12 =	vlt.s32 v63, v58;
	vm13 =	vlt.f32 v59, v56;
	v51 =	vsel vm15, v48, v47  }
0x169: {  	[tilespmem:$0x1FB00] =	vst v43;
	vm14 =	veq.f32 v41, v36;
	v43 =	vshra.s32 v5, $0x1;
	v53 =	vld [tilespmem:$0x8420];
	v1 =	vadd.s32 v51, v1  }
0x16a: {  	v15 =	vsub.s32 v6, v23;
	vm15 =	vlt.f32 v56, $+Inf;
	vm6 =	vlt.s32 v1, v42  }
0x16b: {  	vm9 =	vmor vm8, vm15;
	vm8 =	vgt.f32 v36, $+Inf;
	vm0 =	vmand vm5, vm6  }
0x16c: {  	vm6 =	vlt.f32 v41, v36;
	vm0 =	vmor vm7, vm0;
	vm7 =	vlt.f32 v36, $+Inf  }
0x16d: {  	vm5 =	vgt.s32 v6, v20;
	vm0 =	vmand vm1, vm0;
	vm2 =	vmor vm8, vm7  }
0x16e: {  	[tilespmem:$0x1FAF0] =	vst v0;
	v0 =	vsel vm0, v44, v40;
	v1 =	vsel vm0, v1, v42;
	v32 =	vsel vm0, v6, v53  }
0x16f: {  	v33 =	vld [tilespmem:$0x8430];
	vm0 =	vmand vm11, vm12;
	v42 =	vshll.u32 v34, $0x9;
	v44 =	vsub.s32 v17, v6  }
0x170: {  	vm11 =	vgt.s32 v6, v17;
	vm12 =	vlt.s32 v6, v18;
	vm0 =	vmor vm13, vm0  }
0x171: {  	v0 =	vsel vm10, $0x7F800000, v0;
	v46 =	vsel vm11, v45, v44;
	vm13 =	veq.s32 v6, v16  }
0x172: {  	v48 =	vld [tilespmem:$0x8050];
	v47 =	vsel vm12, v6, v18;
	v45 =	vsub.s32 v20, v6;
	vm0 =	vmand vm9, vm0  }
0x173: {  	[tilespmem:$0x1FAB0] =	vst v2;
	v53 =	vld [tilespmem:$0x8650];
	v51 =	vadd.s32 $0xFFFFFFFF, v47;
	v3 =	vshll.u32 v47, $0x9;
	vm9 =	vgt.s32 v6, v18  }
0x174: {  	v39 =	vld [tilespmem:$0x8240];
	[tilespmem:$0x1FB20] =	vst v1;
	v40 =	vsel vm0, v59, v56;
	v1 =	vsel vm0, v63, v58;
	v2 =	vsel vm0, v6, v33  }
0x175: {  	[tilespmem:$0x1FB10] =	vst v0;
	v7 =	vmul.u32 v47, v51;
	v56 =	vsel vm9, v12, v55;
	vm9 =	veq.s32 v6, v17  }
0x176: {  	[tilespmem:$0x1FB60] =	vst v2;
	v2 =	vsub.s32 v42, v43;
	v0 =	vsel vm13, $0x7F800000, v40;
	vm13 =	vlt.s32 v6, v19  }
0x177: {  	v28 =	vld [tilespmem:$0x8660];
	v40 =	vsub.s32 v6, v19;
	v2 =	vadd.s32 v46, v2;
	v7 =	vshra.s32 v7, $0x1  }
0x178: {  	[tilespmem:$0x1FAE0] =	vst v52;
	v52 =	vld [tilespmem:$0x8250];
	vm10 =	veq.f32 v53, v48;
	vm12 =	vlt.f32 v53, v48;
	v61 =	vsel vm13, v6, v19  }
0x179: {  	v46 =	vsub.s32 v6, v20;
	vm15 =	vlt.s32 v2, v39;
	v3 =	vsub.s32 v3, v7  }
0x17a: {  	v63 =	vadd.s32 $0xFFFFFFFF, v61;
	v47 =	vsel vm5, v46, v45;
	vm0 =	vmand vm14, vm15  }
0x17b: {  	v58 =	vadd.s32 v56, v3;
	vm14 =	vlt.f32 v48, $+Inf;
	vm15 =	vgt.f32 v48, $+Inf  }
0x17c: {  	v59 =	vld [tilespmem:$0x8440];
	v7 =	vmul.u32 v61, v63;
	v63 =	vsub.s32 v21, v6;
	vm0 =	vmor vm6, vm0  }
0x17d: {  	vm11 =	vlt.s32 v58, v52;
	vm8 =	vmor vm15, vm14;
	vm14 =	vlt.f32 v28, v26  }
0x17e: {  	vm15 =	vlt.f32 v26, $+Inf;
	vm6 =	vlt.s32 v6, v21;
	vm0 =	vmand vm2, vm0  }
0x17f: {  	v45 =	vld [tilespmem:$0x1FF00];
	vm1 =	vmand vm11, vm10;
	v37 =	vshra.s32 v7, $0x1;
	vm10 =	vgt.s32 v6, v19  }
0x180: {  	v46 =	vld [tilespmem:$0x1FF00];
	vm11 =	vlt.s32 v6, v20;
	v51 =	vsel vm6, v6, v21;
	v57 =	vsel vm0, v41, v36  }
0x181: {  	v2 =	vsel vm0, v2, v39;
	vm1 =	vmor vm12, vm1;
	v3 =	vsel vm0, v6, v59  }
0x182: {  	v60 =	vld [tilespmem:$0x8450];
	v36 =	vshll.u32 v61, $0x9;
	v39 =	vsub.s32 v19, v6;
	v42 =	vsel vm11, v6, v20  }
0x183: {  	vm12 =	veq.f32 v28, v26;
	v7 =	vshll.u32 v51, $0x9;
	vm1 =	vmand vm8, vm1  }
0x184: {  	[tilespmem:$0x1FB40] =	vst v0;
	v0 =	vsel vm9, $0x7F800000, v57;
	v41 =	vsel vm10, v40, v39;
	v43 =	vadd.s32 $0xFFFFFFFF, v42  }
0x185: {  	[tilespmem:$0x1FB30] =	vst v32;
	v32 =	vld [tilespmem:$0x8260];
	v40 =	vimm.s32 $0x0;
	v18 =	vsub.s32 v45, v6;
	v19 =	vsub.s32 v6, v46  }
0x186: {  	v25 =	vld [tilespmem:$0x8670];
	[tilespmem:$0x1FB70] =	vst v0;
	v33 =	vsel vm1, v53, v48;
	v34 =	vsel vm1, v58, v52;
	v0 =	vsub.s32 v36, v37  }
0x187: {  	v29 =	vld [tilespmem:$0x8290];
	[tilespmem:$0x1FB90] =	vst v2;
	v2 =	vsel vm1, v6, v60;
	vm1 =	vmor vm4, vm15;
	v48 =	vimm.s32 $0x0  }
0x188: {  	[tilespmem:$0x1FBA0] =	vst v3;
	v3 =	vld [tilespmem:$0x8070];
	v52 =	vadd.s32 $0xFFFFFFFF, v51;
	v36 =	vsub.s32 v22, v6;
	v37 =	vsub.s32 v6, v22  }
0x189: {  	v24 =	vld [tilespmem:$0x8690];
	[tilespmem:$0x1FB50] =	vst v1;
	v1 =	vadd.s32 v41, v0;
	v0 =	vshll.u32 v42, $0x9;
	v8 =	vmul.u32 v51, v52  }
0x18a: {  	v10 =	vld [tilespmem:$0x82A0];
	[tilespmem:$0x1FBC0] =	vst v2;
	v2 =	vsub.s32 v6, v21;
	v51 =	vimm.s32 $0x0;
	vm13 =	vlt.s32 v1, v32  }
0x18b: {  	v44 =	vld [tilespmem:$0x8270];
	[tilespmem:$0x1F9F0] =	vst v1;
	v1 =	vmul.u32 v42, v43;
	v43 =	vimm.s32 $0x0;
	vm0 =	vmand vm13, vm12  }
0x18c: {  	v55 =	vld [tilespmem:$0x1FEC0];
	v8 =	vshra.s32 v8, $0x1;
	vm12 =	vgt.s32 v6, v21;
	vm13 =	vlt.s32 v6, v22  }
0x18d: {  	v61 =	vld [tilespmem:$0x8680];
	vm0 =	vmor vm14, vm0;
	v1 =	vshra.s32 v1, $0x1;
	vm7 =	veq.f32 v25, v3  }
0x18e: {  	v59 =	vld [tilespmem:$0x1FED0];
	vm9 =	vlt.f32 v25, v3;
	vm10 =	vlt.f32 v3, $+Inf;
	vm11 =	vgt.f32 v3, $+Inf  }
0x18f: {  	[tilespmem:$0x1FA00] =	vst v32;
	v57 =	vld [tilespmem:$0x1FEC0];
	v7 =	vsub.s32 v7, v8;
	v5 =	vsel vm12, v2, v63;
	v32 =	vsel vm13, v6, v22  }
0x190: {  	v42 =	vld [tilespmem:$0x1FF00];
	vm12 =	vgt.s32 v6, v22;
	vm13 =	vlt.s32 v6, v23;
	v0 =	vsub.s32 v0, v1  }
0x191: {  	v53 =	vld [tilespmem:$0x8280];
	vm0 =	vmand vm1, vm0;
	vm2 =	vmor vm11, vm10;
	v56 =	vadd.s32 v5, v7  }
0x192: {  	v46 =	vld [tilespmem:$0x1FEF0];
	[tilespmem:$0x1FA90] =	vst v33;
	v33 =	vadd.s32 $0xFFFFFFFF, v32;
	v8 =	vshll.u32 v32, $0x9;
	v39 =	vsel vm12, v37, v36  }
0x193: {  	v1 =	vld [tilespmem:$0x8080];
	v12 =	vsel vm13, v6, v23;
	v4 =	vsel vm0, $0xFFFFFFFF, v48;
	v0 =	vadd.s32 v47, v0  }
0x194: {  	[tilespmem:$0x1FBB0] =	vst v34;
	v7 =	vld [tilespmem:$0x1FED0];
	v34 =	vmul.u32 v32, v33;
	v41 =	vadd.s32 $0xFFFFFFFF, v12;
	vm8 =	vlt.s32 v0, v44  }
0x195: {  	v37 =	vld [tilespmem:$0x1FEE0];
	v13 =	vmul.u32 v12, v41;
	v12 =	vshll.u32 v12, $0x9;
	vm12 =	vlt.s32 v6, v42  }
0x196: {  	[tilespmem:$0x1F9D0] =	vst v9;
	v58 =	vld [tilespmem:$0x1FED0];
	vm1 =	vmand vm8, vm7;
	vm8 =	vlt.s32 v56, v53;
	v9 =	vshra.s32 v34, $0x1  }
0x197: {  	v63 =	vld [tilespmem:$0x8090];
	vm1 =	vmor vm9, vm1;
	v8 =	vsub.s32 v8, v9;
	v13 =	vshra.s32 v13, $0x1  }
0x198: {  	v60 =	vld [tilespmem:$0x1FEE0];
	vm14 =	vmand vm2, vm1;
	vm15 =	veq.f32 v61, v1;
	vm9 =	vlt.f32 v61, v1  }
0x199: {  	[tilespmem:$0x1FA30] =	vst v44;
	v44 =	vld [tilespmem:$0x1FF00];
	vm10 =	vlt.f32 v1, $+Inf;
	vm11 =	vgt.f32 v1, $+Inf;
	v27 =	vadd.s32 v39, v8  }
0x19a: {  	v52 =	vld [tilespmem:$0x1FEC0];
	v12 =	vsub.s32 v12, v13;
	v31 =	vsub.s32 v6, v7;
	v39 =	vsub.s32 v6, v37  }
0x19b: {  	v48 =	vld [tilespmem:$0x1FEC0];
	v2 =	vsel vm14, $0xFFFFFFFF, v11;
	vm2 =	vmand vm8, vm15;
	vm3 =	vmor vm11, vm10  }
0x19c: {  	[tilespmem:$0x1FA50] =	vst v53;
	v53 =	vld [tilespmem:$0x1FEC0];
	vm15 =	veq.f32 v24, v63;
	vm8 =	vlt.f32 v24, v63;
	vm10 =	vgt.f32 v63, $+Inf  }
0x19d: {  	v9 =	vld [tilespmem:$0x80A0];
	vm11 =	vgt.s32 v6, v23;
	v23 =	vsub.s32 v6, v55;
	vm2 =	vmor vm9, vm2  }
0x19e: {  	v47 =	vld [tilespmem:$0x1FF00];
	vm9 =	vlt.f32 v63, $+Inf;
	v13 =	vsel vm11, v15, v14;
	v16 =	vsel vm12, v6, v44  }
0x19f: {  	v32 =	vld [tilespmem:$0x1FEF0];
	vm14 =	vmand vm3, vm2;
	vm2 =	vlt.s32 v27, v29;
	vm4 =	vmor vm10, vm9  }
0x1a0: {  	[tilespmem:$0x1F9E0] =	vst v4;
	v11 =	vld [tilespmem:$0x86A0];
	v12 =	vadd.s32 v13, v12;
	v15 =	vadd.s32 $0xFFFFFFFF, v16;
	vm9 =	vlt.s32 v6, v48  }
0x1a1: {  	[tilespmem:$0x1FA20] =	vst v0;
	v4 =	vld [tilespmem:$0x1FEE0];
	v22 =	vsub.s32 v53, v6;
	v0 =	vsel vm14, $0xFFFFFFFF, v40;
	vm3 =	vmand vm2, vm15  }
0x1a2: {  	v42 =	vld [tilespmem:$0x1FF20];
	vm15 =	vlt.s32 v12, v10;
	v17 =	vmul.u32 v16, v15;
	vm1 =	vlt.f32 v9, $+Inf  }
0x1a3: {  	v34 =	vld [tilespmem:$0x1FEF0];
	vm2 =	vgt.f32 v9, $+Inf;
	v16 =	vshll.u32 v16, $0x9;
	v20 =	vsel vm9, v6, v52  }
0x1a4: {  	v13 =	vld [tilespmem:$0x80B0];
	vm3 =	vmor vm8, vm3;
	vm5 =	vmor vm2, vm1;
	vm1 =	vlt.s32 v6, v58  }
0x1a5: {  	v14 =	vld [tilespmem:$0x82B0];
	vm13 =	vmand vm4, vm3;
	vm14 =	veq.f32 v11, v9;
	vm0 =	vlt.f32 v11, v9  }
0x1a6: {  	v15 =	vld [tilespmem:$0x86B0];
	v17 =	vshra.s32 v17, $0x1;
	vm3 =	vgt.s32 v6, v47;
	v47 =	vsub.s32 v6, v46  }
0x1a7: {  	v40 =	vld [tilespmem:$0x1FEE0];
	[tilespmem:$0x1FA40] =	vst v0;
	v0 =	vsel vm13, $0xFFFFFFFF, v43;
	vm4 =	vmand vm15, vm14;
	v16 =	vsub.s32 v16, v17  }
0x1a8: {  	v52 =	vld [tilespmem:$0x1FF20];
	v17 =	vsel vm3, v19, v18;
	v19 =	vadd.s32 $0xFFFFFFFF, v20;
	vm4 =	vmor vm0, vm4  }
0x1a9: {  	v8 =	vld [tilespmem:$0x1FED0];
	v16 =	vadd.s32 v17, v16;
	v21 =	vmul.u32 v20, v19;
	vm14 =	vlt.f32 v13, $+Inf  }
0x1aa: {  	v48 =	vld [tilespmem:$0x1FEF0];
	vm15 =	vgt.f32 v13, $+Inf;
	v20 =	vshll.u32 v20, $0x9;
	vm0 =	vgt.s32 v6, v57  }
0x1ab: {  	v58 =	vld [tilespmem:$0x1FF20];
	vm10 =	vmand vm5, vm4;
	vm11 =	veq.f32 v15, v13;
	vm12 =	vlt.s32 v16, v14  }
0x1ac: {  	v46 =	vld [tilespmem:$0x1FF30];
	vm13 =	vlt.f32 v15, v13;
	vm6 =	vmor vm15, vm14;
	vm4 =	vlt.s32 v6, v60  }
0x1ad: {  	v18 =	vld [tilespmem:$0x82C0];
	vm14 =	vgt.s32 v6, v40;
	vm15 =	vlt.s32 v6, v42;
	v53 =	vsub.s32 v52, v6  }
0x1ae: {  	[tilespmem:$0x1FA60] =	vst v0;
	v17 =	vld [tilespmem:$0x80C0];
	v0 =	vsel vm10, $0xFFFFFFFF, v51;
	vm5 =	vmand vm12, vm11;
	v21 =	vshra.s32 v21, $0x1  }
0x1af: {  	v19 =	vld [tilespmem:$0x86C0];
	vm12 =	vgt.s32 v6, v8;
	vm5 =	vmor vm13, vm5;
	v20 =	vsub.s32 v20, v21  }
0x1b0: {  	v21 =	vsel vm0, v23, v22;
	v22 =	vsel vm1, v6, v59;
	v23 =	vsel vm4, v6, v4  }
0x1b1: {  	v7 =	vld [tilespmem:$0x1FF50];
	vm13 =	vlt.s32 v6, v32;
	vm0 =	vgt.s32 v6, v48;
	v59 =	vsub.s32 v6, v58  }
0x1b2: {  	v60 =	vld [tilespmem:$0x1FF20];
	[tilespmem:$0x1FA70] =	vst v0;
	vm4 =	vgt.s32 v6, v46;
	v0 =	vsub.s32 v54, v6;
	v20 =	vadd.s32 v21, v20  }
0x1b3: {  	v51 =	vld [tilespmem:$0x1FF30];
	v21 =	vadd.s32 $0xFFFFFFFF, v22;
	v30 =	vadd.s32 $0xFFFFFFFF, v23;
	v36 =	vsel vm13, v6, v34  }
0x1b4: {  	v5 =	vld [tilespmem:$0x1FED0];
	vm2 =	veq.f32 v19, v17;
	vm3 =	vlt.s32 v20, v18;
	v21 =	vmul.u32 v22, v21  }
0x1b5: {  	v55 =	vld [tilespmem:$0x1FF30];
	vm7 =	vlt.f32 v19, v17;
	v22 =	vshll.u32 v22, $0x9;
	v30 =	vmul.u32 v23, v30  }
0x1b6: {  	v33 =	vld [tilespmem:$0x1FEE0];
	v23 =	vshll.u32 v23, $0x9;
	v41 =	vadd.s32 $0xFFFFFFFF, v36;
	vm8 =	vmand vm3, vm2  }
0x1b7: {  	vm2 =	vgt.s32 v6, v60;
	vm3 =	vlt.s32 v6, v7;
	v21 =	vshra.s32 v21, $0x1  }
0x1b8: {  	v30 =	vshra.s32 v30, $0x1;
	vm1 =	vlt.s32 v6, v51;
	vm7 =	vmor vm7, vm8  }
0x1b9: {  	v21 =	vsub.s32 v22, v21;
	v22 =	vsub.s32 v5, v6;
	v23 =	vsub.s32 v23, v30  }
0x1ba: {  	v57 =	vsel vm1, v6, v55;
	vm1 =	vgt.f32 v17, $+Inf;
	v22 =	vsel vm12, v31, v22  }
0x1bb: {  	[tilespmem:$0x1FA10] =	vst v2;
	v43 =	vld [tilespmem:$0x1FF20];
	v31 =	vsub.s32 v33, v6;
	v2 =	vadd.s32 $0xFFFFFFFF, v57;
	v33 =	vsel vm2, v59, v53  }
0x1bc: {  	v44 =	vld [tilespmem:$0x1FEF0];
	vm12 =	vlt.s32 v6, v54;
	v30 =	vsel vm14, v39, v31;
	v31 =	vmul.u32 v36, v41  }
0x1bd: {  	v34 =	vld [tilespmem:$0x80D0];
	v22 =	vadd.s32 v22, v21;
	v4 =	vmul.u32 v57, v2;
	v37 =	vsel vm12, v6, v54  }
0x1be: {  	v53 =	vld [tilespmem:$0x1FF50];
	v2 =	vsub.s32 v6, v54;
	vm14 =	vgt.s32 v6, v54;
	v21 =	vadd.s32 v30, v23  }
0x1bf: {  	v59 =	vld [tilespmem:$0x1FF50];
	v23 =	vshll.u32 v36, $0x9;
	v51 =	vadd.s32 $0xFFFFFFFF, v37;
	v30 =	vshra.s32 v31, $0x1  }
0x1c0: {  	v39 =	vld [tilespmem:$0x1FF50];
	v31 =	vsel vm15, v6, v43;
	v8 =	vshra.s32 v4, $0x1;
	v52 =	vmul.u32 v37, v51  }
0x1c1: {  	v41 =	vld [tilespmem:$0x1FF30];
	v37 =	vshll.u32 v37, $0x9;
	v4 =	vsel vm14, v2, v0;
	vm15 =	vgt.s32 v6, v49  }
0x1c2: {  	v5 =	vmovc v35;
	v35 =	vld [tilespmem:$0x82D0];
	vm14 =	vmand vm6, vm5;
	vm6 =	vgt.f32 v34, $+Inf;
	v45 =	vadd.s32 $0xFFFFFFFF, v31  }
0x1c3: {  	v23 =	vsub.s32 v23, v30;
	v30 =	vsub.s32 v44, v6;
	v32 =	vmul.u32 v31, v45  }
0x1c4: {  	v30 =	vsel vm0, v47, v30;
	v31 =	vshll.u32 v31, $0x9;
	v55 =	vsub.s32 v53, v6  }
0x1c5: {  	v43 =	vld [tilespmem:$0x1FF30];
	vm13 =	vgt.s32 v6, v59;
	v60 =	vshra.s32 v52, $0x1;
	vm0 =	vlt.f32 v17, $+Inf  }
0x1c6: {  	v59 =	vimm.s32 $0x0;
	v40 =	vsel vm3, v6, v39;
	v42 =	vsub.s32 v41, v6  }
0x1c7: {  	v39 =	vld [tilespmem:$0x86D0];
	vm3 =	vlt.s32 v22, v35;
	vm9 =	vmor vm1, vm0;
	v32 =	vshra.s32 v32, $0x1  }
0x1c8: {  	v7 =	vmovc v38;
	v38 =	vld [tilespmem:$0x82E0];
	v0 =	vsel vm14, $0xFFFFFFFF, v59;
	v45 =	vadd.s32 $0xFFFFFFFF, v40;
	v32 =	vsub.s32 v31, v32  }
0x1c9: {  	v31 =	vadd.s32 v30, v23;
	v23 =	vshll.u32 v57, $0x9;
	v36 =	vmul.u32 v40, v45;
	v57 =	vld [tilespmem:$0x1FF50]  }
0x1ca: {  	v41 =	vld [tilespmem:$0x86E0];
	v44 =	vsub.s32 v6, v43;
	v30 =	vadd.s32 v33, v32;
	v23 =	vsub.s32 v23, v8  }
0x1cb: {  	v47 =	vsel vm4, v44, v42;
	v33 =	vshll.u32 v40, $0x9;
	v40 =	vld [tilespmem:$0x80E0];
	v48 =	vshra.s32 v36, $0x1  }
0x1cc: {  	v32 =	vadd.s32 v47, v23;
	v23 =	vsub.s32 v33, v48;
	vm2 =	veq.f32 v39, v34  }
0x1cd: {  	v43 =	vld [tilespmem:$0x80F0];
	vm4 =	vlt.f32 v39, v34;
	vm10 =	vmand vm3, vm2;
	vm2 =	vlt.f32 v34, $+Inf  }
0x1ce: {  	v44 =	vld [tilespmem:$0x86F0];
	v58 =	vsub.s32 v6, v57;
	v57 =	vsub.s32 v49, v6;
	vm5 =	vmor vm4, vm10  }
0x1cf: {  	v42 =	vld [tilespmem:$0x82F0];
	vm4 =	vlt.s32 v21, v38;
	v36 =	vsel vm13, v58, v55;
	v58 =	vsub.s32 v6, v49  }
0x1d0: {  	v45 =	vld [tilespmem:$0x8100];
	vm3 =	veq.f32 v41, v40;
	vm0 =	vlt.f32 v41, v40;
	vm1 =	vlt.f32 v40, $+Inf  }
0x1d1: {  	v47 =	vld [tilespmem:$0x8700];
	v33 =	vadd.s32 v36, v23;
	v23 =	vsub.s32 v37, v60;
	v37 =	vsel vm15, v58, v57  }
0x1d2: {  	v46 =	vld [tilespmem:$0x8300];
	vm15 =	vmand vm9, vm7;
	v60 =	vimm.s32 $0x0;
	vm9 =	vmand vm4, vm3  }
0x1d3: {  	v48 =	vld [tilespmem:$0x8110];
	vm7 =	vmor vm6, vm2;
	vm2 =	vgt.f32 v40, $+Inf;
	vm3 =	veq.f32 v44, v43  }
0x1d4: {  	[tilespmem:$0x1FAA0] =	vst v0;
	vm4 =	vlt.s32 v31, v42;
	vm6 =	vlt.f32 v44, v43;
	v0 =	vsel vm15, $0xFFFFFFFF, v60  }
0x1d5: {  	vm9 =	vmor vm0, vm9;
	vm10 =	vmor vm2, vm1;
	vm12 =	vmand vm4, vm3  }
0x1d6: {  	v54 =	vld [tilespmem:$0x8720];
	vm11 =	vmand vm7, vm5;
	vm7 =	vlt.f32 v43, $+Inf;
	vm0 =	veq.f32 v47, v45  }
0x1d7: {  	v51 =	vld [tilespmem:$0x8120];
	vm1 =	vlt.s32 v30, v46;
	vm2 =	vgt.f32 v43, $+Inf;
	vm3 =	vlt.f32 v47, v45  }
0x1d8: {  	v52 =	vld [tilespmem:$0x8320];
	vm8 =	vlt.f32 v48, $+Inf;
	v60 =	vadd.s32 v4, v23;
	vm10 =	vmand vm10, vm9  }
0x1d9: {  	v8 =	vmovc v49;
	v49 =	vld [tilespmem:$0x8310];
	vm5 =	vmor vm6, vm12;
	vm9 =	vmand vm1, vm0;
	vm7 =	vmor vm2, vm7  }
0x1da: {  	v59 =	vld [tilespmem:$0x8730];
	vm0 =	vlt.s32 v6, v8;
	vm1 =	vlt.f32 v45, $+Inf;
	vm2 =	vgt.f32 v45, $+Inf  }
0x1db: {  	v57 =	vld [tilespmem:$0x8130];
	vm9 =	vmor vm3, vm9;
	v53 =	vsel vm0, v6, v8;
	vm13 =	vmor vm2, vm1  }
0x1dc: {  	[tilespmem:$0x1FA80] =	vst v0;
	vm0 =	vgt.f32 v48, $+Inf;
	vm14 =	vmand vm7, vm5;
	vm7 =	vlt.f32 v54, v51;
	v0 =	vmovc v50;
	v50 =	vld [tilespmem:$0x8710]  }
0x1dd: {  	vm1 =	veq.f32 v54, v51;
	vm2 =	vlt.s32 v33, v52;
	v55 =	vadd.s32 $0xFFFFFFFF, v53  }
0x1de: {  	vm4 =	vlt.s32 v32, v49;
	vm15 =	vmor vm0, vm8;
	v55 =	vmul.u32 v53, v55  }
0x1df: {  	v58 =	vld [tilespmem:$0x8330];
	vm13 =	vmand vm13, vm9;
	vm9 =	vmand vm2, vm1;
	vm0 =	vgt.f32 v51, $+Inf  }
0x1e0: {  	v2 =	vld [tilespmem:$0x1F9E0];
	v53 =	vshll.u32 v53, $0x9;
	vm7 =	vmor vm7, vm9;
	v55 =	vshra.s32 v55, $0x1  }
0x1e1: {  	v4 =	vld [tilespmem:$0x1F9D0];
	vm2 =	veq.f32 v59, v57;
	v23 =	vsub.s32 v53, v55;
	vm3 =	veq.f32 v50, v48  }
0x1e2: {  	vm6 =	vlt.f32 v50, v48;
	v37 =	vadd.s32 v37, v23;
	v23 =	vld [tilespmem:$0x8A00];
	vm12 =	vmand vm4, vm3  }
0x1e3: {  	vm3 =	vlt.f32 v51, $+Inf;
	vm4 =	vgt.f32 v57, $+Inf;
	vm12 =	vmor vm6, vm12  }
0x1e4: {  	vm1 =	vmor vm0, vm3;
	vm3 =	vlt.s32 v60, v58;
	vm6 =	vmand vm15, vm12  }
0x1e5: {  	vm15 =	vlt.f32 v59, v57;
	vm9 =	vmand vm3, vm2;
	vm12 =	vlt.f32 v57, $+Inf  }
0x1e6: {  	vm9 =	vmor vm15, vm9;
	vm2 =	vmor vm4, vm12  }
0x1e7: {  	vm9 =	vmand vm2, vm9;
	v4 =	vadd.f32 v4, v23;
	vm2 =	vnez.u8 v2;
	v23 =	vld [tilespmem:$0x1F9F0]  }
0x1e8: {  	v2 =	vsel vm2, v28, v26;
	v26 =	vld [tilespmem:$0x1FA00];
	_ =	sdelay $0x4  }
0x1e9: {  	v23 =	vsel vm2, v23, v26;
	v26 =	vld [tilespmem:$0x1FA10];
	_ =	sdelay $0x4  }
0x1ea: {  	vm15 =	vnez.u8 v26;
	v26 =	vld [tilespmem:$0x1FA30]  }
0x1eb: {  	v25 =	vsel vm15, v25, v3;
	v3 =	vld [tilespmem:$0x1FA20];
	_ =	sdelay $0x4  }
0x1ec: {  	v28 =	vsel vm15, v3, v26;
	v3 =	vld [tilespmem:$0x1FA40];
	_ =	sdelay $0x4  }
0x1ed: {  	vm3 =	vnez.u8 v3  }
0x1ee: {  	v61 =	vsel vm3, v61, v1;
	v1 =	vld [tilespmem:$0x1FA50]  }
0x1ef: {  	v36 =	vld [tilespmem:$0x8340]  }
0x1f0: {  	v53 =	vld [tilespmem:$0x8140]  }
0x1f1: {  	v55 =	vld [tilespmem:$0x8740];
	_ =	sdelay $0x1  }
0x1f2: {  	v26 =	vsel vm3, v56, v1;
	v56 =	vld [tilespmem:$0x1FA60];
	_ =	sdelay $0x2  }
0x1f3: {  	vm8 =	vmand vm1, vm7;
	vm7 =	vlt.s32 v37, v36;
	vm5 =	veq.f32 v55, v53  }
0x1f4: {  	vm4 =	vlt.f32 v55, v53;
	vm0 =	vmand vm7, vm5  }
0x1f5: {  	vm0 =	vmor vm4, vm0;
	vm4 =	vnez.u8 v56  }
0x1f6: {  	v56 =	vsel vm4, v24, v63;
	v63 =	vld [tilespmem:$0x1FA70];
	_ =	sdelay $0x3  }
0x1f7: {  	vm5 =	vlt.f32 v53, $+Inf;
	vm7 =	vgt.f32 v53, $+Inf;
	v3 =	vsel vm13, v30, v46;
	v30 =	vld [tilespmem:$0x8480]  }
0x1f8: {  	vm1 =	vmor vm7, vm5;
	vm5 =	vnez.u8 v63;
	v63 =	vld [tilespmem:$0x1FA80]  }
0x1f9: {  	v9 =	vsel vm5, v11, v9;
	v11 =	vsel vm5, v12, v10;
	v10 =	vld [tilespmem:$0x1FAA0]  }
0x1fa: {  	v46 =	vsel vm6, v32, v49;
	v49 =	vsel vm9, v59, v57;
	v59 =	vld [tilespmem:$0x1FA90]  }
0x1fb: {  	v57 =	vsel vm9, v60, v58;
	v60 =	vld [tilespmem:$0x1FE70]  }
0x1fc: {  	[tilespmem:$0x1FC20] =	vst v57;
	v57 =	vld [tilespmem:$0x8500]  }
0x1fd: {  	v24 =	vsel vm4, v27, v29;
	v29 =	vld [tilespmem:$0x8470];
	vm7 =	vnez.u8 v63  }
0x1fe: {  	[tilespmem:$0x8290] =	vst v24;
	v24 =	vld [tilespmem:$0x8790];
	v63 =	vsub.s32 v6, v0;
	vm12 =	vnez.u8 v10;
	v12 =	vsel vm7, v19, v17  }
0x1ff: {  	v19 =	vsel vm13, v47, v45;
	v47 =	vsel vm6, v50, v48;
	v45 =	vsel vm8, v33, v52;
	v33 =	vld [tilespmem:$0x84A0]  }
0x200: {  	v48 =	vsel vm8, v54, v51;
	v10 =	vsel vm12, v15, v13;
	v15 =	vsel vm10, v21, v38;
	v38 =	vld [tilespmem:$0x1FF60]  }
0x201: {  	v1 =	vsel vm12, v16, v14;
	v13 =	vsel vm11, v39, v34;
	v14 =	vsel vm10, v41, v40;
	v40 =	vld [tilespmem:$0x1FF60]  }
0x202: {  	vm12 =	vmand vm1, vm0;
	vm0 =	vlt.s32 v6, v0;
	v39 =	vsel vm11, v22, v35;
	v21 =	vld [tilespmem:$0x8460];
	[tilespmem:$0x1FBD0] =	vst v1  }
0x203: {  	v41 =	vsub.s32 v0, v6;
	v34 =	vsub.s32 v5, v6;
	v1 =	vsel vm7, v20, v18;
	[tilespmem:$0x1FBF0] =	vst v39;
	v39 =	vld [tilespmem:$0x1FF60]  }
0x204: {  	v16 =	vsel vm0, v6, v0;
	vm0 =	vgt.s32 v6, v0;
	[tilespmem:$0x1FC00] =	vst v15;
	v15 =	vsel vm14, v31, v42;
	v31 =	vld [tilespmem:$0x8490]  }
0x205: {  	v18 =	vsel vm14, v44, v43;
	v17 =	vsel vm0, v63, v41;
	v41 =	vld [tilespmem:$0x1FE60];
	v43 =	vadd.s32 $0xFFFFFFFF, v16  }
0x206: {  	v35 =	vsub.s32 v6, v5;
	vm0 =	vgt.s32 v6, v5;
	v63 =	vld [tilespmem:$0x84C0];
	v54 =	vmul.u32 v16, v43  }
0x207: {  	v50 =	vsel vm12, v55, v53;
	v20 =	vsel vm0, v35, v34;
	v35 =	vld [tilespmem:$0x84B0];
	v16 =	vshll.u32 v16, $0x9  }
0x208: {  	[tilespmem:$0x1FBE0] =	vst v1;
	v1 =	vsub.s32 v38, v6;
	vm0 =	vgt.s32 v6, v40;
	v32 =	vshra.s32 v54, $0x1;
	v54 =	vld [tilespmem:$0x84E0]  }
0x209: {  	[tilespmem:$0x1FC10] =	vst v15;
	v53 =	vsel vm2, v6, v21;
	v38 =	vsel vm5, v6, v33;
	v33 =	vld [tilespmem:$0x8350];
	v15 =	vsub.s32 v6, v39  }
0x20a: {  	v40 =	vsel vm4, v6, v31;
	v31 =	vld [tilespmem:$0x8150];
	v15 =	vsel vm0, v15, v1;
	vm0 =	vlt.s32 v6, v5  }
0x20b: {  	v16 =	vsub.s32 v16, v32;
	[tilespmem:$0x8460] =	vst v53;
	v53 =	vld [tilespmem:$0x1FF40];
	v22 =	vsel vm0, v6, v5  }
0x20c: {  	v42 =	vimm.s32 $0x0;
	v52 =	vadd.s32 v17, v16;
	v17 =	vld [tilespmem:$0x84D0];
	v58 =	vadd.s32 $0xFFFFFFFF, v22  }
0x20d: {  	v1 =	vsel vm6, $0xFFFFFFFF, v42;
	vm6 =	veq.s32 v6, v60;
	v60 =	vld [tilespmem:$0x1FF00];
	v34 =	vmul.u32 v22, v58  }
0x20e: {  	v42 =	vsel vm3, v6, v30;
	v30 =	vsel vm7, v6, v63;
	v63 =	vld [tilespmem:$0x1FED0]  }
0x20f: {  	v27 =	vsel vm6, $0x7F800000, v2;
	v2 =	vld [tilespmem:$0x8760];
	v16 =	vshll.u32 v22, $0x9;
	v22 =	vshra.s32 v34, $0x1  }
0x210: {  	v21 =	vsub.s32 v16, v22;
	v22 =	vld [tilespmem:$0x1FE80]  }
0x211: {  	vm0 =	veq.s32 v6, v41;
	[tilespmem:$0x8480] =	vst v42;
	v42 =	vld [tilespmem:$0x8180]  }
0x212: {  	v51 =	vsel vm0, $0x7F800000, v59;
	v59 =	vld [tilespmem:$0x1FAA0]  }
0x213: {  	v58 =	vld [tilespmem:$0x8360]  }
0x214: {  	[tilespmem:$0x8050] =	vst v51;
	v51 =	vld [tilespmem:$0x1FF40]  }
0x215: {  	vm6 =	veq.s32 v6, v22;
	v22 =	vld [tilespmem:$0x1FE90]  }
0x216: {  	vm5 =	veq.s32 v6, v60;
	v60 =	vld [tilespmem:$0x1FAC0]  }
0x217: {  	vm7 =	veq.s32 v6, v63;
	v63 =	vld [tilespmem:$0x1FAE0]  }
0x218: {  	v39 =	vsel vm5, $0x7F800000, v10;
	v10 =	vld [tilespmem:$0x8160]  }
0x219: {  	v32 =	vsel vm7, $0x7F800000, v13;
	v13 =	vld [tilespmem:$0x8510]  }
0x21a: {  	v16 =	vsel vm15, v6, v29;
	vm15 =	veq.s32 v6, v22;
	v22 =	vld [tilespmem:$0x1FEA0]  }
0x21b: {  	v20 =	vadd.s32 v20, v21;
	v21 =	vld [tilespmem:$0x84F0]  }
0x21c: {  	vm4 =	vnez.u8 v59;
	v59 =	vld [tilespmem:$0x1FEF0]  }
0x21d: {  	[tilespmem:$0x8200] =	vst v60;
	v60 =	vld [tilespmem:$0x1FB20]  }
0x21e: {  	v44 =	vsel vm15, $0x7F800000, v61;
	v61 =	vld [tilespmem:$0x1FEC0]  }
0x21f: {  	v55 =	vsel vm6, $0x7F800000, v25;
	vm6 =	veq.s32 v6, v22;
	v22 =	vld [tilespmem:$0x1FEB0]  }
0x220: {  	[tilespmem:$0x8010] =	vst v63;
	v63 =	vld [tilespmem:$0x1FB30]  }
0x221: {  	v25 =	vsel vm10, v6, v54;
	v54 =	vld [tilespmem:$0x1FAB0]  }
0x222: {  	[tilespmem:$0x8220] =	vst v60;
	v60 =	vld [tilespmem:$0x8550]  }
0x223: {  	v43 =	vsel vm6, $0x7F800000, v56;
	v56 =	vld [tilespmem:$0x8750]  }
0x224: {  	vm6 =	veq.s32 v6, v61;
	v61 =	vld [tilespmem:$0x1FAD0];
	vm15 =	veq.s32 v6, v22  }
0x225: {  	v41 =	vsel vm15, $0x7F800000, v9;
	v9 =	vld [tilespmem:$0x1FEE0]  }
0x226: {  	vm5 =	vlt.f32 v31, $+Inf;
	[tilespmem:$0x8000] =	vst v54;
	v54 =	vld [tilespmem:$0x1FB00]  }
0x227: {  	v34 =	vsel vm4, v6, v35;
	vm7 =	veq.f32 v2, v10;
	[tilespmem:$0x8420] =	vst v63;
	v63 =	vld [tilespmem:$0x1FB50];
	v35 =	vsel vm6, $0x7F800000, v12  }
0x228: {  	vm6 =	vgt.f32 v31, $+Inf;
	v22 =	vsel vm11, v6, v17;
	vm11 =	veq.s32 v6, v59;
	v59 =	vld [tilespmem:$0x1FF60]  }
0x229: {  	vm1 =	vmor vm6, vm5;
	vm5 =	vgt.f32 v10, $+Inf;
	v17 =	vsel vm14, v6, v21;
	[tilespmem:$0x8400] =	vst v61;
	v61 =	vld [tilespmem:$0x1FF60]  }
0x22a: {  	v29 =	vsel vm11, $0x7F800000, v18;
	vm14 =	veq.f32 v56, v31;
	vm10 =	veq.s32 v6, v9;
	v9 =	vld [tilespmem:$0x1FAF0]  }
0x22b: {  	[tilespmem:$0x8410] =	vst v54;
	v54 =	vld [tilespmem:$0x8530];
	vm15 =	vlt.s32 v52, v33;
	vm4 =	vlt.f32 v56, v31;
	vm11 =	vlt.f32 v2, v10  }
0x22c: {  	[tilespmem:$0x1FB80] =	vst v1;
	vm0 =	vmand vm15, vm14;
	v1 =	vsel vm10, $0x7F800000, v14;
	v14 =	vsel vm13, v6, v57;
	v57 =	vld [tilespmem:$0x1FB10]  }
0x22d: {  	v18 =	vld [tilespmem:$0x8520];
	vm15 =	vlt.f32 v10, $+Inf;
	vm14 =	vlt.s32 v6, v59;
	vm10 =	vlt.s32 v20, v58  }
0x22e: {  	vm0 =	vmor vm4, vm0;
	v59 =	vld [tilespmem:$0x8540];
	v21 =	vsel vm14, v6, v61;
	vm2 =	vmand vm10, vm7  }
0x22f: {  	vm13 =	vmor vm11, vm2;
	vm2 =	vmor vm5, vm15;
	[tilespmem:$0x8210] =	vst v9;
	v9 =	vsel vm12, v37, v36;
	v36 =	vld [tilespmem:$0x1FB40]  }
0x230: {  	vm1 =	vmand vm1, vm0;
	v12 =	vadd.s32 $0xFFFFFFFF, v21;
	vm0 =	vmand vm2, vm13;
	v37 =	vld [tilespmem:$0x1FF20]  }
0x231: {  	[tilespmem:$0x8020] =	vst v57;
	v57 =	vsel vm1, v56, v31;
	v56 =	vmul.u32 v21, v12;
	v12 =	vsel vm1, v52, v33;
	v33 =	vld [tilespmem:$0x1FB60]  }
0x232: {  	v31 =	vsel vm0, v2, v10;
	v10 =	vsel vm0, v20, v58;
	v58 =	vld [tilespmem:$0x1FF30]  }
0x233: {  	v2 =	vld [tilespmem:$0x8170]  }
0x234: {  	v20 =	vshra.s32 v56, $0x1;
	v56 =	vld [tilespmem:$0x1FB80]  }
0x235: {  	vm4 =	vgt.s32 v6, v62;
	[tilespmem:$0x8030] =	vst v36;
	vm6 =	veq.s32 v6, v37;
	v37 =	vld [tilespmem:$0x1FB70]  }
0x236: {  	vm14 =	veq.s32 v6, v8;
	vm5 =	vgt.s32 v6, v7;
	v36 =	vsel vm6, $0x7F800000, v19;
	[tilespmem:$0x8430] =	vst v33;
	v33 =	vld [tilespmem:$0x1FF50]  }
0x237: {  	[tilespmem:$0x8A00] =	vst v4;
	v19 =	vshll.u32 v21, $0x9;
	vm10 =	veq.s32 v6, v58;
	v58 =	vld [tilespmem:$0x8770];
	v21 =	vsel vm14, $0x7F800000, v50;
	v50 =	vmovc v0  }
0x238: {  	[tilespmem:$0x8260] =	vst v23;
	v20 =	vsub.s32 v19, v20;
	v19 =	vsel vm9, v6, v54;
	v54 =	vld [tilespmem:$0x1FF10];
	vm15 =	veq.s32 v6, v50  }
0x239: {  	[tilespmem:$0x8490] =	vst v40;
	v61 =	vld [tilespmem:$0x1FB90];
	vm9 =	vlt.f32 v2, $+Inf;
	vm7 =	vnez.u8 v56;
	v56 =	vsel vm8, v6, v18  }
0x23a: {  	v40 =	vld [tilespmem:$0x8190];
	[tilespmem:$0x8230] =	vst v63;
	v18 =	vsel vm12, v6, v59;
	v63 =	vsel vm7, v6, v13;
	v13 =	vsel vm1, v6, v60  }
0x23b: {  	v52 =	vld [tilespmem:$0x8370];
	[tilespmem:$0x8040] =	vst v37;
	v37 =	vsel vm10, $0x7F800000, v47;
	vm10 =	vgt.f32 v2, $+Inf;
	vm11 =	veq.s32 v6, v33  }
0x23c: {  	[tilespmem:$0x8270] =	vst v28;
	v59 =	vld [tilespmem:$0x1FBB0];
	vm6 =	veq.f32 v58, v2;
	vm8 =	vlt.f32 v58, v2;
	vm12 =	vmor vm10, vm9  }
0x23d: {  	[tilespmem:$0x8280] =	vst v26;
	v47 =	vld [tilespmem:$0x1FBA0];
	vm9 =	vlt.f32 v42, $+Inf;
	vm10 =	vgt.f32 v42, $+Inf;
	vm13 =	veq.s32 v6, v54  }
0x23e: {  	[tilespmem:$0x8240] =	vst v61;
	v33 =	vsel vm11, $0x7F800000, v48;
	v48 =	vld [tilespmem:$0x1FBC0];
	vm11 =	vlt.s32 v6, v51;
	v61 =	vsel vm13, $0x7F800000, v49  }
0x23f: {  	[tilespmem:$0x82A0] =	vst v11;
	v49 =	vmovc v8;
	v8 =	vadd.s32 v15, v20;
	v15 =	vld [tilespmem:$0x8560];
	v20 =	vsel vm15, $0x7F800000, v57;
	v0 =	vsel vm11, v6, v53  }
0x240: {  	v26 =	vld [tilespmem:$0x8780];
	[tilespmem:$0x8060] =	vst v27;
	vm13 =	vlt.s32 v6, v62;
	vm15 =	vlt.s32 v6, v7;
	vm11 =	veq.f32 v24, v40  }
0x241: {  	[tilespmem:$0x84E0] =	vst v25;
	v51 =	vld [tilespmem:$0x1FF40];
	vm7 =	vlt.s32 v8, v52;
	v57 =	vadd.s32 $0xFFFFFFFF, v0;
	v28 =	vsel vm13, v6, v62  }
0x242: {  	v25 =	vld [tilespmem:$0x8570];
	[tilespmem:$0x8250] =	vst v59;
	vm2 =	vmand vm7, vm6;
	v59 =	vmul.u32 v0, v57;
	v0 =	vshll.u32 v0, $0x9  }
0x243: {  	v60 =	vld [tilespmem:$0x1FF40];
	v57 =	vsub.s32 v62, v6;
	vm1 =	vmor vm8, vm2;
	[tilespmem:$0x8450] =	vst v48;
	v48 =	vadd.s32 $0xFFFFFFFF, v28  }
0x244: {  	[tilespmem:$0x8440] =	vst v47;
	v15 =	vsel vm0, v6, v15;
	vm0 =	vmand vm12, vm1;
	v47 =	vmul.u32 v28, v48;
	v48 =	vld [tilespmem:$0x1FBE0]  }
0x245: {  	[tilespmem:$0x8470] =	vst v16;
	vm6 =	veq.f32 v26, v42;
	vm8 =	vlt.f32 v26, v42;
	v16 =	vsel vm0, v8, v52;
	v52 =	vld [tilespmem:$0x1FF40]  }
0x246: {  	[tilespmem:$0x8090] =	vst v43;
	v43 =	vld [tilespmem:$0x81A0];
	vm2 =	vmor vm10, vm9;
	v27 =	vsub.s32 v6, v51;
	v51 =	vsub.s32 v7, v6  }
0x247: {  	[tilespmem:$0x8070] =	vst v55;
	v23 =	vsel vm0, v58, v2;
	v2 =	vshra.s32 v59, $0x1;
	v55 =	vshra.s32 v47, $0x1;
	v47 =	vld [tilespmem:$0x87A0]  }
0x248: {  	[tilespmem:$0x8320] =	vst v45;
	v8 =	vsub.s32 v60, v6;
	v58 =	vsub.s32 v6, v62;
	v59 =	vsel vm15, v6, v7  }
0x249: {  	[tilespmem:$0x80B0] =	vst v39;
	vm15 =	vlt.f32 v40, $+Inf;
	v25 =	vsel vm0, v6, v25;
	v0 =	vsub.s32 v0, v2;
	v2 =	vld [tilespmem:$0x8390]  }
0x24a: {  	v60 =	vsel vm4, v58, v57;
	v4 =	vadd.s32 $0xFFFFFFFF, v59;
	[tilespmem:$0x82C0] =	vst v48;
	v48 =	vld [tilespmem:$0x1FFA0];
	vm14 =	vgt.s32 v6, v52  }
0x24b: {  	[tilespmem:$0x84B0] =	vst v34;
	v52 =	vsub.s32 v6, v7;
	v53 =	vsel vm14, v27, v8;
	v27 =	vshll.u32 v28, $0x9;
	v28 =	vld [tilespmem:$0x8380]  }
0x24c: {  	[tilespmem:$0x8080] =	vst v44;
	v58 =	vld [tilespmem:$0x83A0];
	v8 =	vmul.u32 v59, v4;
	vm14 =	vlt.f32 v24, v40;
	vm9 =	veq.f32 v47, v43  }
0x24d: {  	v45 =	vld [tilespmem:$0x1FFF0];
	[tilespmem:$0x80C0] =	vst v35;
	v27 =	vsub.s32 v27, v55;
	v0 =	vadd.s32 v53, v0;
	v53 =	vsel vm5, v52, v51  }
0x24e: {  	v39 =	vld [tilespmem:$0x1FF70];
	[tilespmem:$0x80A0] =	vst v41;
	v55 =	vshll.u32 v59, $0x9;
	v27 =	vadd.s32 v60, v27;
	v41 =	vshra.s32 v8, $0x1  }
0x24f: {  	v44 =	vld [tilespmem:$0x1FFE0];
	[tilespmem:$0x8150] =	vst v20;
	v57 =	vsub.s32 v55, v41;
	vm12 =	vlt.s32 v27, v2;
	v20 =	vsub.s32 v6, v48  }
0x250: {  	[tilespmem:$0x84D0] =	vst v22;
	v41 =	vld [tilespmem:$0x1FFB0];
	v60 =	vadd.s32 v53, v57;
	vm13 =	vmand vm12, vm11;
	vm7 =	vlt.s32 v0, v28  }
0x251: {  	[tilespmem:$0x84F0] =	vst v17;
	v17 =	vld [tilespmem:$0x8590];
	vm12 =	vlt.f32 v47, v43;
	vm10 =	vlt.s32 v60, v58;
	vm1 =	vmand vm7, vm6  }
0x252: {  	[tilespmem:$0x8100] =	vst v36;
	v36 =	vld [tilespmem:$0x1FF60];
	vm11 =	vmand vm10, vm9;
	vm1 =	vmor vm8, vm1;
	vm8 =	vgt.f32 v40, $+Inf  }
0x253: {  	[tilespmem:$0x8120] =	vst v33;
	v33 =	vld [tilespmem:$0x1FF40];
	vm1 =	vmand vm2, vm1;
	vm2 =	vmor vm14, vm13;
	vm3 =	vmor vm8, vm15  }
0x254: {  	[tilespmem:$0x8500] =	vst v14;
	v59 =	vld [tilespmem:$0x1FBD0];
	vm13 =	vlt.f32 v43, $+Inf;
	vm14 =	vgt.f32 v43, $+Inf;
	vm15 =	vlt.s32 v6, v39  }
0x255: {  	v14 =	vld [tilespmem:$0x83B0];
	[tilespmem:$0x8370] =	vst v16;
	vm8 =	vgt.s32 v6, v39;
	v16 =	vsub.s32 v41, v6;
	vm2 =	vmand vm3, vm2  }
0x256: {  	v35 =	vmovc v5;
	[tilespmem:$0x8340] =	vst v9;
	v9 =	vld [tilespmem:$0x1FFA0];
	vm3 =	vmor vm12, vm11;
	v22 =	vsel vm1, v26, v42;
	v5 =	vsel vm1, v0, v28  }
0x257: {  	[tilespmem:$0x8350] =	vst v12;
	v12 =	vld [tilespmem:$0x85B0];
	vm4 =	vmor vm14, vm13;
	v26 =	vsub.s32 v39, v6;
	vm11 =	veq.s32 v6, v35  }
0x258: {  	[tilespmem:$0x8110] =	vst v37;
	v37 =	vld [tilespmem:$0x1FFA0];
	vm12 =	veq.s32 v6, v36;
	vm13 =	veq.s32 v6, v33;
	vm14 =	veq.s32 v6, v62  }
0x259: {  	[tilespmem:$0x82B0] =	vst v59;
	v59 =	vld [tilespmem:$0x8580];
	v53 =	vsel vm2, v24, v40;
	vm3 =	vmand vm4, vm3;
	v34 =	vsel vm2, v27, v2  }
0x25a: {  	[tilespmem:$0x8550] =	vst v13;
	v13 =	vld [tilespmem:$0x81D0];
	v24 =	vsel vm15, v6, v39;
	v27 =	vsub.s32 v6, v39;
	v31 =	vsel vm11, $0x7F800000, v31  }
0x25b: {  	[tilespmem:$0x80D0] =	vst v32;
	v40 =	vld [tilespmem:$0x1FF90];
	v23 =	vsel vm12, $0x7F800000, v23;
	v22 =	vsel vm13, $0x7F800000, v22;
	v17 =	vsel vm2, v6, v17  }
0x25c: {  	[tilespmem:$0x8510] =	vst v63;
	v63 =	vld [tilespmem:$0x83F0];
	vm13 =	vlt.s32 v6, v9;
	v55 =	vsel vm3, v47, v43;
	v32 =	vsel vm3, v60, v58  }
0x25d: {  	[tilespmem:$0x80E0] =	vst v1;
	v51 =	vld [tilespmem:$0x1FBF0];
	v57 =	vadd.s32 $0xFFFFFFFF, v24;
	v26 =	vsel vm8, v27, v26;
	v1 =	vsel vm13, v6, v37  }
0x25e: {  	[tilespmem:$0x8540] =	vst v18;
	v28 =	vld [tilespmem:$0x85A0];
	v4 =	vsel vm1, v6, v59;
	v11 =	vmul.u32 v24, v57;
	v18 =	vadd.s32 $0xFFFFFFFF, v1  }
0x25f: {  	v52 =	vld [tilespmem:$0x1FC00];
	v0 =	vsel vm14, $0x7F800000, v53;
	v24 =	vshll.u32 v24, $0x9;
	v18 =	vmul.u32 v1, v18  }
0x260: {  	[tilespmem:$0x80F0] =	vst v29;
	v47 =	vld [tilespmem:$0x1FFA0];
	v11 =	vshra.s32 v11, $0x1;
	vm9 =	vlt.s32 v6, v40;
	v29 =	vsub.s32 v40, v6  }
0x261: {  	[tilespmem:$0x84C0] =	vst v30;
	v30 =	vsub.s32 v6, v40;
	vm10 =	vgt.s32 v6, v40;
	v11 =	vsub.s32 v24, v11;
	v24 =	vld [tilespmem:$0x87B0]  }
0x262: {  	[tilespmem:$0x8300] =	vst v3;
	v1 =	vshll.u32 v1, $0x9;
	v27 =	vsel vm9, v6, v40;
	v60 =	vsel vm10, v30, v29;
	v29 =	vld [tilespmem:$0x81B0]  }
0x263: {  	[tilespmem:$0x8530] =	vst v19;
	v28 =	vsel vm3, v6, v28;
	v11 =	vadd.s32 v26, v11;
	v26 =	vld [tilespmem:$0x81C0];
	v30 =	vadd.s32 $0xFFFFFFFF, v27  }
0x264: {  	[tilespmem:$0x8570] =	vst v25;
	v25 =	vld [tilespmem:$0x1FEC0];
	v18 =	vshra.s32 v18, $0x1;
	vm13 =	veq.s32 v6, v40;
	v30 =	vmul.u32 v27, v30  }
0x265: {  	[tilespmem:$0x82D0] =	vst v51;
	v51 =	vld [tilespmem:$0x1FFA0];
	v19 =	vsub.s32 v47, v6;
	v1 =	vsub.s32 v1, v18;
	v18 =	vsub.s32 v6, v41  }
0x266: {  	[tilespmem:$0x8310] =	vst v46;
	v8 =	vld [tilespmem:$0x1FC20];
	vm4 =	vlt.s32 v11, v14;
	v27 =	vshll.u32 v27, $0x9;
	v30 =	vshra.s32 v30, $0x1  }
0x267: {  	[tilespmem:$0x82E0] =	vst v52;
	v52 =	vld [tilespmem:$0x83D0];
	v27 =	vsub.s32 v27, v30;
	vm15 =	veq.f32 v24, v29;
	vm5 =	vlt.f32 v24, v29  }
0x268: {  	[tilespmem:$0x84A0] =	vst v38;
	v42 =	vld [tilespmem:$0x1FFC0];
	vm6 =	vlt.f32 v29, $+Inf;
	vm7 =	vgt.f32 v29, $+Inf;
	vm11 =	vlt.f32 v26, $+Inf  }
0x269: {  	[tilespmem:$0x8360] =	vst v10;
	v43 =	vld [tilespmem:$0x1FFD0];
	vm12 =	vgt.f32 v26, $+Inf;
	v3 =	vadd.s32 v60, v27;
	vm0 =	vmand vm4, vm15  }
0x26a: {  	[tilespmem:$0x8140] =	vst v21;
	v58 =	vld [tilespmem:$0x1FC10];
	vm1 =	vmor vm7, vm6;
	vm14 =	vmor vm12, vm11;
	vm15 =	vgt.s32 v6, v51  }
0x26b: {  	[tilespmem:$0x8160] =	vst v31;
	v31 =	vld [tilespmem:$0x1FF50];
	vm4 =	vlt.s32 v6, v41;
	vm6 =	vgt.s32 v6, v41;
	vm11 =	vgt.f32 v13, $+Inf  }
0x26c: {  	v38 =	vmovc v7;
	[tilespmem:$0x8520] =	vst v56;
	v30 =	vld [tilespmem:$0x83C0];
	vm12 =	veq.s32 v6, v39;
	vm0 =	vmor vm5, vm0;
	v19 =	vsel vm15, v20, v19  }
0x26d: {  	[tilespmem:$0x8130] =	vst v61;
	v27 =	vld [tilespmem:$0x87C0];
	v21 =	vsel vm4, v6, v41;
	vm5 =	veq.s32 v6, v38;
	v16 =	vsel vm6, v18, v16  }
0x26e: {  	[tilespmem:$0x8560] =	vst v15;
	v20 =	vld [tilespmem:$0x87D0];
	vm1 =	vmand vm1, vm0;
	v15 =	vadd.s32 $0xFFFFFFFF, v21;
	v2 =	vsel vm5, $0x7F800000, v55  }
0x26f: {  	[tilespmem:$0x8170] =	vst v23;
	v23 =	vld [tilespmem:$0x1FEB0];
	v1 =	vadd.s32 v19, v1;
	v46 =	vsel vm1, v24, v29;
	v11 =	vsel vm1, v11, v14  }
0x270: {  	[tilespmem:$0x8180] =	vst v22;
	v22 =	vld [tilespmem:$0x1FEA0];
	v15 =	vmul.u32 v21, v15;
	v12 =	vsel vm1, v6, v12;
	v21 =	vshll.u32 v21, $0x9  }
0x271: {  	v18 =	vld [tilespmem:$0x81E0];
	vm9 =	vlt.s32 v3, v30;
	v55 =	vsel vm12, $0x7F800000, v46;
	[tilespmem:$0x85B0] =	vst v12;
	v12 =	vsub.s32 v42, v6  }
0x272: {  	[tilespmem:$0x8330] =	vst v8;
	v19 =	vld [tilespmem:$0x83E0];
	vm8 =	veq.f32 v27, v26;
	vm10 =	vlt.f32 v27, v26;
	v15 =	vshra.s32 v15, $0x1  }
0x273: {  	[tilespmem:$0x8390] =	vst v34;
	v34 =	vld [tilespmem:$0x1FFA0];
	vm2 =	vmand vm9, vm8;
	vm7 =	veq.f32 v20, v13;
	vm8 =	vlt.s32 v1, v52  }
0x274: {  	[tilespmem:$0x8590] =	vst v17;
	v17 =	vld [tilespmem:$0x1FE50];
	vm9 =	vlt.f32 v20, v13;
	v53 =	vsub.s32 v21, v15;
	vm0 =	vmor vm10, vm2  }
0x275: {  	[tilespmem:$0x82F0] =	vst v58;
	v58 =	vld [tilespmem:$0x85C0];
	vm1 =	vmand vm8, vm7;
	vm10 =	vlt.f32 v13, $+Inf;
	v8 =	vadd.s32 v16, v53  }
0x276: {  	[tilespmem:$0x8380] =	vst v5;
	v37 =	vld [tilespmem:$0x87F0];
	vm0 =	vmand vm14, vm0;
	vm1 =	vmor vm9, vm1;
	vm2 =	vmor vm11, vm10  }
0x277: {  	[tilespmem:$0x8580] =	vst v4;
	v60 =	vld [tilespmem:$0x85D0];
	vm14 =	vlt.s32 v6, v42;
	vm8 =	vlt.s32 v8, v19;
	vm10 =	vlt.f32 v18, $+Inf  }
0x278: {  	[tilespmem:$0x83A0] =	vst v32;
	v15 =	vld [tilespmem:$0x87E0];
	vm11 =	vgt.f32 v18, $+Inf;
	v14 =	vsel vm0, v27, v26;
	v3 =	vsel vm0, v3, v30  }
0x279: {  	v32 =	vld [tilespmem:$0x1FF80];
	[tilespmem:$0x85A0] =	vst v28;
	vm1 =	vmand vm2, vm1;
	v59 =	vsel vm14, v6, v42;
	vm12 =	vmor vm11, vm10  }
0x27a: {  	v28 =	vld [tilespmem:$0x1FEF0];
	[tilespmem:$0x81A0] =	vst v2;
	v2 =	vsel vm0, v6, v58;
	vm14 =	veq.s32 v6, v34;
	v56 =	vsel vm13, $0x7F800000, v14  }
0x27b: {  	[tilespmem:$0x8190] =	vst v0;
	v29 =	vld [tilespmem:$0x1FF20];
	v57 =	vsel vm1, v20, v13;
	v13 =	vadd.s32 $0xFFFFFFFF, v59;
	v61 =	vsel vm1, v1, v52  }
0x27c: {  	[tilespmem:$0x83B0] =	vst v11;
	v14 =	vld [tilespmem:$0x81F0];
	v9 =	vshll.u32 v59, $0x9;
	vm13 =	vgt.s32 v6, v42;
	v51 =	vsel vm1, v6, v60  }
0x27d: {  	v24 =	vld [tilespmem:$0x1FF00];
	[tilespmem:$0x81B0] =	vst v55;
	vm15 =	veq.f32 v15, v18;
	vm9 =	vlt.f32 v15, v18;
	v13 =	vmul.u32 v59, v13  }
0x27e: {  	v55 =	vld [tilespmem:$0x85E0];
	[tilespmem:$0x83C0] =	vst v3;
	v52 =	vsel vm14, $0x7F800000, v57;
	vm3 =	vmand vm8, vm15;
	vm15 =	veq.s32 v6, v41  }
0x27f: {  	v21 =	vld [tilespmem:$0x1FE90];
	[tilespmem:$0x85C0] =	vst v2;
	vm2 =	vmor vm9, vm3;
	v46 =	vshra.s32 v13, $0x1;
	v13 =	vsub.s32 v6, v42  }
0x280: {  	v16 =	vld [tilespmem:$0x1FE40];
	[tilespmem:$0x81C0] =	vst v56;
	vm2 =	vmand vm12, vm2;
	v9 =	vsub.s32 v9, v46;
	v48 =	vsel vm13, v13, v12  }
0x281: {  	v27 =	vld [tilespmem:$0x1FEE0];
	[tilespmem:$0x83D0] =	vst v61;
	v47 =	vsel vm2, v15, v18;
	v53 =	vadd.s32 v48, v9;
	vm8 =	vlt.f32 v37, v14  }
0x282: {  	[tilespmem:$0x85D0] =	vst v51;
	v57 =	vld [tilespmem:$0x85F0];
	vm9 =	veq.f32 v37, v14;
	vm11 =	vlt.f32 v14, $+Inf;
	vm10 =	vlt.s32 v53, v63  }
0x283: {  	v26 =	vld [tilespmem:$0x1FED0];
	[tilespmem:$0x81D0] =	vst v52;
	vm12 =	vgt.f32 v14, $+Inf;
	v58 =	vsel vm2, v8, v19;
	vm3 =	vmand vm10, vm9  }
0x284: {  	p1 =	sne.s32 s15, $0x1;
	v30 =	vld [tilespmem:$0x1FF30];
	v59 =	vsel vm2, v6, v55;
	vm14 =	vmor vm12, vm11;
	[tilespmem:$0x83E0] =	vst v58;
	vm13 =	vmor vm8, vm3  }
.Ltmp1:
0x285: {  	v20 =	vld [tilespmem:$0x1FE80];
	v56 =	vsel vm15, $0x7F800000, v47;
	[tilespmem:$0x85E0] =	vst v59;
	vm0 =	vmand vm14, vm13;
	(pc) =	sbr.rel @p1 .LBB2_3-.Ltmp1, $4  }
0x286: {  	v18 =	vld [tilespmem:$0x1FE60];
	[tilespmem:$0x81E0] =	vst v56;
	v1 =	vsel vm0, v53, v63  }
0x287: {  	v15 =	vld [tilespmem:$0x1FE30];
	vm15 =	veq.s32 v6, v42;
	v60 =	vsel vm0, v37, v14;
	v63 =	vsel vm0, v6, v57;
	[tilespmem:$0x83F0] =	vst v1  }
0x288: {  	v19 =	vld [tilespmem:$0x1FE70];
	v61 =	vsel vm15, $0x7F800000, v60;
	[tilespmem:$0x85F0] =	vst v63  }
0x289: {  	s15 =	sadd.s32 $0xFFFFFFFF, s15;
	v13 =	vlaneseq.u32;
	v14 =	vld [tilespmem:$0x1FE20];
	[tilespmem:$0x81F0] =	vst v61  }
0x28a: {  	s14 =	sadd.s32 $0x1, s14  }
0x28b: {  	p1 =	sne.s32 s14, s6  }
.Ltmp2:
0x28c: {  	_ = 	snop;
	(pc) =	sbr.rel @p1 .LBB2_2-.Ltmp2, $4  }
0x28d: {  	[hbm4b:s3+s2] =	stream.linear.scatter [tilespmem:s13], [sflag:$0x1], $0x80, $0x38;
	[tilespmem:$0x8A80] =	vst v63  }
0x28e: {  	_ =	swait.ge [sflag:s8], $0x80  }
0x28f: {  	[sflag:s8] =	ssyncset.done $0x0  }
0x290: {  	[sflag:s8] =	ssyncadd.s32 $0xFFFFFF80  }
.LBB2_5:
0x291: {  	_ =	sfence.sel $0x180000  }
0x292: {  	[bflag:$0x0] =	sbarrier.arrive $0xFFFF  }
0x293: {  	_ =	strace $0x90000047  }
0x294: {  	s0 =	sadd.s32 @!p0 $0x100000, s0;
	[bflag:$0x2] =	sbarrier.arrive $0xFFFF  }
0x295: {  	[sflag:s0] =	ssyncadd.tile.s32 @!p0 $0x1;
	_ =	shalt  }
.Lfunc_end2:
_tile_overlayer_lowered:
.L_overlay_start_2:
0x296: {  	(tag) =	ssettag $0x2  }
0x297: {  	s0 =	rddreg [dreg:$0x0];
	s2 =	stileid.u32  }
0x298: {  	s1 =	rddreg [dreg:$0x1];
	p0 =	sne.s32 s2, $0x0  }
0x299: {  	s3 =	rddreg [dreg:$0x2];
	[bflag:$0x3] =	sbarrier.arrive $0xFFFF;
	s2 =	simm.s32 @!p0 $0x1C01  }
0x29a: {  	[timem:s3], [sflag:s2] =	dma.local @!p0 [hbm:s0], s1  }
0x29b: {  	s0 =	simm.s32 @!p0 $0x1  }
0x29c: {  	_ =	swait.ge @!p0 [sflag:s0], s1  }
0x29d: {  	s1 =	ssub.s32 @!p0 $0x0, s1;
	[sflag:s0] =	ssyncset.done @!p0 $0x0  }
0x29e: {  	[sflag:s0] =	ssyncadd.s32 @!p0 s1  }
0x29f: {  	[bflag:$0x3] =	sbarrier.arrive $0xFFFF  }
0x2a0: {  	_ =	shalt  }

</sc_bundles>
